<compile_context>
chip_gen: v7x
topology: tpu7x:2x2x1
jax: 0.10.2.dev20260603
libtpu: 0.0.44.dev20260713+nightly
codegen_flags: <defaults>
</compile_context>

<pallas_src>
import functools

import jax
import jax.numpy as jnp
from jax import lax
from jax.experimental import pallas as pl
from jax.experimental.pallas import tpu as pltpu
from jax.experimental.pallas import tpu_sc as plsc

N = 10000
NPAD = 10112
E = 320000
SROW = 500
EROWS = E // SROW
NTILES = 32
BLK_EDGE = EROWS // NTILES
BLK_COL = EROWS // 16
ROWS_PER_SUB = NPAD // 16
ZROWS = 128

_mesh = plsc.VectorSubcoreMesh(core_axis_name="c", subcore_axis_name="s")


def _zero_rows(ref, nrows, width, dtype=jnp.float32):
    lanes = 32 if dtype == jnp.bfloat16 else 16
    def body(i, _):
        for k in range(width // lanes):
            ref[i, pl.ds(k * lanes, lanes)] = jnp.zeros((lanes,), dtype)
        return 0
    lax.fori_loop(0, nrows, body, 0)


def _zero_acc_slice(zwin, acc, s):
    base = s * ROWS_PER_SUB
    nfull = ROWS_PER_SUB // ZROWS
    rem = ROWS_PER_SUB - nfull * ZROWS
    for k in range(nfull):
        pltpu.sync_copy(zwin, acc.at[pl.ds(base + k * ZROWS, ZROWS)])
    if rem:
        pltpu.sync_copy(zwin.at[pl.ds(0, rem)],
                        acc.at[pl.ds(base + nfull * ZROWS, rem)])


def _copy_acc_out(acc, out_hbm, c, s):
    base = s * ROWS_PER_SUB
    pltpu.sync_copy(acc.at[pl.ds(base, ROWS_PER_SUB)],
                    out_hbm.at[c, pl.ds(base, ROWS_PER_SUB)])


def _agg_pipeline(table, src_v, dst_v, rows, acc, sg, ss, nblocks):
    NB = 4
    assert nblocks % NB == 0

    def wait_gather(buf, sem):
        pltpu.make_async_copy(table.at[src_v.at[0]], buf, sem).wait()

    def wait_scatter(buf, sem):
        pltpu.make_async_copy(buf, acc.at[dst_v.at[0]], sem).wait()

    for j in range(NB - 1):
        pltpu.async_copy(table.at[src_v.at[j]], rows[j], sg[j])

    def body(i, _):
        for j in range(NB):
            k = NB * i + j
            jn = (j + NB - 1) % NB
            wait_gather(rows[j], sg[j])
            pltpu.async_copy(rows[j], acc.at[dst_v.at[k]], ss[j], add=True)

            @pl.when(k >= 1)
            def _():
                wait_scatter(rows[jn], ss[jn])

            @pl.when(k + NB - 1 < nblocks)
            def _():
                pltpu.async_copy(table.at[src_v.at[k + NB - 1]],
                                 rows[jn], sg[jn])
        return 0
    lax.fori_loop(0, nblocks // NB, body, 0)
    wait_scatter(rows[(nblocks - 1) % NB], ss[(nblocks - 1) % NB])


@functools.partial(
    pl.kernel,
    mesh=_mesh,
    compiler_params=pltpu.CompilerParams(use_tc_tiling_on_sc=False),
    out_type=jax.ShapeDtypeStruct((2, NPAD, 16), jnp.float32),
    scratch_types=[
        pltpu.VMEM((BLK_EDGE, SROW), jnp.int32),
        pltpu.VMEM((SROW, 16), jnp.float32),
        pltpu.VMEM((ZROWS, 16), jnp.float32),
        pltpu.VMEM_SHARED((NPAD, 16), jnp.float32),
        pltpu.SemaphoreType.DMA,
    ],
)
def _deg_call(ei_hbm, out_hbm, dst_v, ones_v, zwin_v, acc, sdeg):
    c = lax.axis_index("c")
    s = lax.axis_index("s")
    wid = c * 16 + s

    def fill(i, _):
        ones_v[i, :] = jnp.ones((16,), jnp.float32)
        return 0
    lax.fori_loop(0, SROW, fill, 0)
    _zero_rows(zwin_v, ZROWS, 16)
    _zero_acc_slice(zwin_v, acc, s)
    plsc.subcore_barrier()

    pltpu.sync_copy(ei_hbm.at[1, pl.ds(wid * BLK_EDGE, BLK_EDGE)], dst_v)

    def body(j, _):
        pltpu.async_copy(ones_v, acc.at[dst_v.at[j]], sdeg, add=True)
        return 0
    lax.fori_loop(0, BLK_EDGE, body, 0)

    def drain(j, _):
        pltpu.make_async_copy(ones_v, acc.at[dst_v.at[0]], sdeg).wait()
        return 0
    lax.fori_loop(0, BLK_EDGE, drain, 0)

    plsc.subcore_barrier()
    _copy_acc_out(acc, out_hbm, c, s)


@functools.partial(
    pl.kernel,
    mesh=_mesh,
    compiler_params=pltpu.CompilerParams(use_tc_tiling_on_sc=False),
    out_type=jax.ShapeDtypeStruct((2, NPAD, 32), jnp.bfloat16),
    scratch_types=[
        pltpu.VMEM((BLK_EDGE, SROW), jnp.int32),
        pltpu.VMEM((BLK_EDGE, SROW), jnp.int32),
        pltpu.VMEM((4, SROW, 32), jnp.bfloat16),
        pltpu.VMEM_SHARED((NPAD, 32), jnp.bfloat16),
        pltpu.VMEM_SHARED((NPAD, 32), jnp.bfloat16),
        pltpu.SemaphoreType.DMA,
        pltpu.SemaphoreType.DMA,
        pltpu.SemaphoreType.DMA,
        pltpu.SemaphoreType.DMA,
        pltpu.SemaphoreType.DMA,
        pltpu.SemaphoreType.DMA,
        pltpu.SemaphoreType.DMA,
        pltpu.SemaphoreType.DMA,
    ],
)
def _agg64(hs_hbm, ei_hbm, out_hbm,
           src_v, dst_v, rows4, acc, table,
           sg0, sg1, sg2, sg3, ss0, ss1, ss2, ss3):
    c = lax.axis_index("c")
    s = lax.axis_index("s")

    pltpu.sync_copy(hs_hbm.at[c, pl.ds(s * ROWS_PER_SUB, ROWS_PER_SUB)],
                    table.at[pl.ds(s * ROWS_PER_SUB, ROWS_PER_SUB)])
    _zero_rows(rows4.at[0, pl.ds(0, ZROWS)], ZROWS, 32, jnp.bfloat16)
    _zero_acc_slice(rows4.at[0, pl.ds(0, ZROWS)], acc, s)
    plsc.subcore_barrier()

    for phase in range(2):
        base = s * BLK_COL + phase * BLK_EDGE
        pltpu.sync_copy(ei_hbm.at[0, pl.ds(base, BLK_EDGE)], src_v)
        pltpu.sync_copy(ei_hbm.at[1, pl.ds(base, BLK_EDGE)], dst_v)
        _agg_pipeline(table, src_v, dst_v,
                      [rows4.at[0], rows4.at[1], rows4.at[2], rows4.at[3]],
                      acc, [sg0, sg1, sg2, sg3], [ss0, ss1, ss2, ss3],
                      BLK_EDGE)

    plsc.subcore_barrier()
    _copy_acc_out(acc, out_hbm, c, s)


@functools.partial(
    pl.kernel,
    mesh=_mesh,
    compiler_params=pltpu.CompilerParams(use_tc_tiling_on_sc=False),
    out_type=jax.ShapeDtypeStruct((2, NPAD, 16), jnp.float32),
    scratch_types=[
        pltpu.VMEM((BLK_EDGE, SROW), jnp.int32),
        pltpu.VMEM((BLK_EDGE, SROW), jnp.int32),
        pltpu.VMEM((4, SROW, 16), jnp.float32),
        pltpu.VMEM_SHARED((NPAD, 16), jnp.float32),
        pltpu.VMEM_SHARED((NPAD, 16), jnp.float32),
        pltpu.SemaphoreType.DMA,
        pltpu.SemaphoreType.DMA,
        pltpu.SemaphoreType.DMA,
        pltpu.SemaphoreType.DMA,
        pltpu.SemaphoreType.DMA,
        pltpu.SemaphoreType.DMA,
        pltpu.SemaphoreType.DMA,
        pltpu.SemaphoreType.DMA,
    ],
)
def _agg16(hs_hbm, ei_hbm, out_hbm,
           src_v, dst_v, rows4, acc, table,
           sg0, sg1, sg2, sg3, ss0, ss1, ss2, ss3):
    c = lax.axis_index("c")
    s = lax.axis_index("s")
    wid = c * 16 + s

    pltpu.sync_copy(hs_hbm.at[pl.ds(s * ROWS_PER_SUB, ROWS_PER_SUB)],
                    table.at[pl.ds(s * ROWS_PER_SUB, ROWS_PER_SUB)])
    _zero_rows(rows4.at[0, pl.ds(0, ZROWS)], ZROWS, 16)
    _zero_acc_slice(rows4.at[0, pl.ds(0, ZROWS)], acc, s)
    plsc.subcore_barrier()

    pltpu.sync_copy(ei_hbm.at[0, pl.ds(wid * BLK_EDGE, BLK_EDGE)], src_v)
    pltpu.sync_copy(ei_hbm.at[1, pl.ds(wid * BLK_EDGE, BLK_EDGE)], dst_v)

    _agg_pipeline(table, src_v, dst_v,
                  [rows4.at[0], rows4.at[1], rows4.at[2], rows4.at[3]], acc,
                  [sg0, sg1, sg2, sg3], [ss0, ss1, ss2, ss3], BLK_EDGE)

    plsc.subcore_barrier()
    _copy_acc_out(acc, out_hbm, c, s)



def _tc0_body(x_ref, w1_ref, h1_ref):
    h1_ref[...] = jnp.dot(x_ref[...], w1_ref[...],
                          preferred_element_type=jnp.float32)


def _tc1_body(degp_ref, h1_ref, hs1_ref, dis_ref):
    deg = degp_ref[0, :, 0:1] + degp_ref[1, :, 0:1] + 1.0
    dis = lax.rsqrt(deg)
    hs1 = (h1_ref[...] * dis[:N]).astype(jnp.bfloat16)
    hs1_ref[0, pl.ds(0, N)] = hs1[:, :32]
    hs1_ref[1, pl.ds(0, N)] = hs1[:, 32:]
    zt = jnp.zeros((NPAD - N, 32), jnp.bfloat16)
    hs1_ref[0, pl.ds(N, NPAD - N)] = zt
    hs1_ref[1, pl.ds(N, NPAD - N)] = zt
    dis_ref[...] = dis


def _tc2_body(p_ref, hs1_ref, dis_ref, w2_ref, b1_ref, hs2_ref):
    dis = dis_ref[...]
    agg = jnp.concatenate(
        [p_ref[0].astype(jnp.float32) + hs1_ref[0].astype(jnp.float32),
         p_ref[1].astype(jnp.float32) + hs1_ref[1].astype(jnp.float32)],
        axis=1)
    out1 = dis * agg + b1_ref[...]
    r = jnp.maximum(out1, 0.0)
    h2 = jnp.dot(r, w2_ref[...], preferred_element_type=jnp.float32)
    hs2_ref[...] = h2 * dis


def _tc3_body(q_ref, hs2_ref, dis_ref, b2_ref, out_ref):
    dis = dis_ref[...]
    agg = q_ref[0] + q_ref[1] + hs2_ref[...]
    out_ref[...] = dis * agg + b2_ref[...]


_tc0 = pl.pallas_call(
    _tc0_body,
    out_shape=jax.ShapeDtypeStruct((N, 64), jnp.float32),
)

_tc1 = pl.pallas_call(
    _tc1_body,
    out_shape=[jax.ShapeDtypeStruct((2, NPAD, 32), jnp.bfloat16),
               jax.ShapeDtypeStruct((NPAD, 1), jnp.float32)],
)

_tc2 = pl.pallas_call(
    _tc2_body,
    out_shape=jax.ShapeDtypeStruct((NPAD, 16), jnp.float32),
)

_tc3 = pl.pallas_call(
    _tc3_body,
    out_shape=jax.ShapeDtypeStruct((NPAD, 16), jnp.float32),
)


def kernel(x, edge_index, W1, b1, W2, b2):
    ei3 = edge_index.reshape(2, EROWS, SROW)

    h1 = _tc0(x, W1)
    degp = _deg_call(ei3)
    hs1s, dis = _tc1(degp, h1)
    p = _agg64(hs1s, ei3)
    hs2 = _tc2(p, hs1s, dis, W2, b1.reshape(1, 64))
    q = _agg16(hs2, ei3)
    out = _tc3(q, hs2, dis, b2.reshape(1, 16))
    return out[:N]

# --- scband reference (transcript-rebuilt; emitter-appended) ---
"""Pipeline reference for scband-gnn-50861002719894 (READ-ONLY COPY).

The authoritative reference and input builder live on the scoring server;
editing this copy changes nothing except your own understanding.
"""

import jax, jax.numpy as jnp
import numpy as np

N_NODES = 10000


def glorot(key, shape):
    lim = np.sqrt(6.0 / (shape[0] + shape[1]))
    return jax.random.uniform(key, shape, dtype=jnp.float32, minval=-lim, maxval=lim)


def setup_inputs(seed: int = 0) -> dict:
    key = jax.random.key(seed)
    k1, k2, k3, k4 = jax.random.split(key, 4)
    x = jax.random.normal(k1, (N_NODES, 128), dtype=jnp.float32)
    edge_index = jax.random.randint(k2, (2, 320000), 0, N_NODES, dtype=jnp.int64 if jax.config.read('jax_enable_x64') else jnp.int32).astype(jnp.int32)
    W1 = glorot(k3, (128, 64))
    b1 = jnp.zeros((64,), dtype=jnp.float32)
    W2 = glorot(k4, (64, 16))
    b2 = jnp.zeros((16,), dtype=jnp.float32)
    return {"x": x, "edge_index": edge_index, "W1": W1, "b1": b1, "W2": W2, "b2": b2}


def gcn_conv(x, edge_index, W, b):
    n = x.shape[0]
    src = edge_index[0]
    dst = edge_index[1]
    # add self loops (GCNConv default add_self_loops=True)
    loop = jnp.arange(n, dtype=src.dtype)
    src = jnp.concatenate([src, loop])
    dst = jnp.concatenate([dst, loop])
    # symmetric normalization: deg computed on destination after self loops
    deg = jnp.zeros((n,), dtype=jnp.float32).at[dst].add(1.0)
    deg_inv_sqrt = jnp.where(deg > 0, 1.0 / jnp.sqrt(deg), 0.0)
    norm = deg_inv_sqrt[src] * deg_inv_sqrt[dst]
    h = x @ W
    msg = h[src] * norm[:, None]
    out = jax.ops.segment_sum(msg, dst, num_segments=n)
    return out + b


def reference(x, edge_index, W1, b1, W2, b2):
    h = gcn_conv(x, edge_index, W1, b1)
    h = jax.nn.relu(h)
    out = gcn_conv(h, edge_index, W2, b2)
    return out

if __name__ == "__main__":
    import jax
    _d = setup_inputs()
    print(jax.jit(kernel)(*tuple(_d.values())))

</pallas_src>

<mosaic_0001>
#map = affine_map<(d0, d1) -> (0, 0, 0)>
module attributes {stable_mosaic.version = 14 : i64} {
  func.func @_deg_call(%arg0: i32, %arg1: i32, %arg2: memref<2x640x500xi32, #tpu.memory_space<hbm>>, %arg3: memref<2x10112x16xf32, #tpu.memory_space<hbm>>, %arg4: memref<20x500xi32, #tpu.memory_space<vmem>>, %arg5: memref<500x16xf32, #tpu.memory_space<vmem>>, %arg6: memref<128x16xf32, #tpu.memory_space<vmem>>, %arg7: memref<10112x16xf32, #tpu.memory_space<vmem_shared>>, %arg8: memref<!tpu.dma_semaphore, #tpu.memory_space<semaphore_mem>>) attributes {dimension_semantics = [#tpu.dimension_semantics<core_parallel>, #tpu.dimension_semantics<subcore_parallel>], iteration_bounds = array<i64: 2, 16>, scalar_prefetch = 0 : i64, scratch_operands = 5 : i64, tpu.core_type = #tpu.core_type<sc_vector_subcore>, window_params = [{transform_indices = #map}, {transform_indices = #map}]} {
    %mul3A = arith.constant 16 : i32
    %mul3A_0 = arith.muli %arg0, %mul3A : i32
    %add3A = arith.addi %mul3A_0, %arg1 : i32
    %scan3A = arith.constant 0 : i32
    %scan3A_1 = arith.constant 0 : i32
    %scan3A_2 = arith.constant 500 : i32
    %scan3A_3 = arith.addi %scan3A_1, %scan3A_2 : i32
    %scan3A_4 = arith.constant 1 : i32
    %scan3A_5 = scf.for %scan3A_45 = %scan3A_1 to %scan3A_3 step %scan3A_4 iter_args(%scan3A_46 = %scan3A) -> (i32)  : i32 {
      %broadcast_in_dim3A = arith.constant 1.000000e+00 : f32
      %broadcast_in_dim3A_47 = vector.broadcast %broadcast_in_dim3A : f32 to vector<16xf32>
      %swap3A = arith.index_cast %scan3A_45 : i32 to index
      %swap3A_48 = arith.constant 0 : index
      %swap3A_49 = tpu.vector_load %arg5[%swap3A, %swap3A_48] {strides = array<i32>} : memref<500x16xf32, #tpu.memory_space<vmem>>, vector<1x16xf32>,
      %swap3A_50 = vector.shape_cast %swap3A_49 : vector<1x16xf32> to vector<16xf32>
      %swap3A_51 = vector.shape_cast %broadcast_in_dim3A_47 : vector<16xf32> to vector<1x16xf32>
      tpu.vector_store %arg5[%swap3A, %swap3A_48], %swap3A_51 {strides = array<i32>} : memref<500x16xf32, #tpu.memory_space<vmem>>, vector<1x16xf32>,
      %scan3A_52 = arith.constant 0 : i32
      scf.yield %scan3A_52 : i32
    }
    %scan3A_6 = arith.constant 500 : i32
    %scan3A_7 = arith.constant 0 : i32
    %scan3A_8 = arith.constant 0 : i32
    %scan3A_9 = arith.constant 128 : i32
    %scan3A_10 = arith.addi %scan3A_8, %scan3A_9 : i32
    %scan3A_11 = arith.constant 1 : i32
    %scan3A_12 = scf.for %scan3A_45 = %scan3A_8 to %scan3A_10 step %scan3A_11 iter_args(%scan3A_46 = %scan3A_7) -> (i32)  : i32 {
      %broadcast_in_dim3A = arith.constant 0.000000e+00 : f32
      %broadcast_in_dim3A_47 = vector.broadcast %broadcast_in_dim3A : f32 to vector<16xf32>
      %swap3A = arith.index_cast %scan3A_45 : i32 to index
      %swap3A_48 = arith.constant 0 : index
      %swap3A_49 = tpu.vector_load %arg6[%swap3A, %swap3A_48] {strides = array<i32>} : memref<128x16xf32, #tpu.memory_space<vmem>>, vector<1x16xf32>,
      %swap3A_50 = vector.shape_cast %swap3A_49 : vector<1x16xf32> to vector<16xf32>
      %swap3A_51 = vector.shape_cast %broadcast_in_dim3A_47 : vector<16xf32> to vector<1x16xf32>
      tpu.vector_store %arg6[%swap3A, %swap3A_48], %swap3A_51 {strides = array<i32>} : memref<128x16xf32, #tpu.memory_space<vmem>>, vector<1x16xf32>,
      %scan3A_52 = arith.constant 0 : i32
      scf.yield %scan3A_52 : i32
    }
    %scan3A_13 = arith.constant 128 : i32
    %mul3A_14 = arith.constant 632 : i32
    %mul3A_15 = arith.muli %arg1, %mul3A_14 : i32
    %add3A_16 = arith.constant 0 : i32
    %add3A_17 = arith.addi %mul3A_15, %add3A_16 : i32
    "tpu.region"() ({
      %run_scoped3A_45 = tpu.sem_alloc : memref<!tpu.dma_semaphore, #tpu.memory_space<semaphore_mem>>
      %dma_start3A = arith.constant 0 : i32
      %dma_start3A_46 = tpu.memref_slice %arg7[%add3A_17, %dma_start3A] : memref<10112x16xf32, #tpu.memory_space<vmem_shared>> -> memref<128x16xf32, #tpu.memory_space<vmem_shared>>
      %dma_start3A_47 = arith.constant 0 : i32
      %dma_start3A_48 = tpu.memref_slice %arg7[%add3A_17, %dma_start3A_47] : memref<10112x16xf32, #tpu.memory_space<vmem_shared>> -> memref<128x16xf32, #tpu.memory_space<vmem_shared>>
      tpu.enqueue_dma source(%arg6 : memref<128x16xf32, #tpu.memory_space<vmem>>) target(%dma_start3A_48 : memref<128x16xf32, #tpu.memory_space<vmem_shared>>) target_semaphore(%run_scoped3A_45 : memref<!tpu.dma_semaphore, #tpu.memory_space<semaphore_mem>>)
      %dma_wait3A = arith.constant 0 : i32
      %dma_wait3A_49 = tpu.memref_slice %arg7[%add3A_17, %dma_wait3A] : memref<10112x16xf32, #tpu.memory_space<vmem_shared>> -> memref<128x16xf32, #tpu.memory_space<vmem_shared>>
      %dma_wait3A_50 = arith.constant 0 : i32
      %dma_wait3A_51 = tpu.memref_slice %arg7[%add3A_17, %dma_wait3A_50] : memref<10112x16xf32, #tpu.memory_space<vmem_shared>> -> memref<128x16xf32, #tpu.memory_space<vmem_shared>>
      tpu.wait_dma2 semaphore(%run_scoped3A_45 : memref<!tpu.dma_semaphore, #tpu.memory_space<semaphore_mem>>) src(%arg6 : memref<128x16xf32, #tpu.memory_space<vmem>>) dst(%dma_wait3A_51 : memref<128x16xf32, #tpu.memory_space<vmem_shared>>)
      tpu.yield
    }) : () -> ()
    %add3A_18 = arith.constant 128 : i32
    %add3A_19 = arith.addi %mul3A_15, %add3A_18 : i32
    "tpu.region"() ({
      %run_scoped3A_45 = tpu.sem_alloc : memref<!tpu.dma_semaphore, #tpu.memory_space<semaphore_mem>>
      %dma_start3A = arith.constant 0 : i32
      %dma_start3A_46 = tpu.memref_slice %arg7[%add3A_19, %dma_start3A] : memref<10112x16xf32, #tpu.memory_space<vmem_shared>> -> memref<128x16xf32, #tpu.memory_space<vmem_shared>>
      %dma_start3A_47 = arith.constant 0 : i32
      %dma_start3A_48 = tpu.memref_slice %arg7[%add3A_19, %dma_start3A_47] : memref<10112x16xf32, #tpu.memory_space<vmem_shared>> -> memref<128x16xf32, #tpu.memory_space<vmem_shared>>
      tpu.enqueue_dma source(%arg6 : memref<128x16xf32, #tpu.memory_space<vmem>>) target(%dma_start3A_48 : memref<128x16xf32, #tpu.memory_space<vmem_shared>>) target_semaphore(%run_scoped3A_45 : memref<!tpu.dma_semaphore, #tpu.memory_space<semaphore_mem>>)
      %dma_wait3A = arith.constant 0 : i32
      %dma_wait3A_49 = tpu.memref_slice %arg7[%add3A_19, %dma_wait3A] : memref<10112x16xf32, #tpu.memory_space<vmem_shared>> -> memref<128x16xf32, #tpu.memory_space<vmem_shared>>
      %dma_wait3A_50 = arith.constant 0 : i32
      %dma_wait3A_51 = tpu.memref_slice %arg7[%add3A_19, %dma_wait3A_50] : memref<10112x16xf32, #tpu.memory_space<vmem_shared>> -> memref<128x16xf32, #tpu.memory_space<vmem_shared>>
      tpu.wait_dma2 semaphore(%run_scoped3A_45 : memref<!tpu.dma_semaphore, #tpu.memory_space<semaphore_mem>>) src(%arg6 : memref<128x16xf32, #tpu.memory_space<vmem>>) dst(%dma_wait3A_51 : memref<128x16xf32, #tpu.memory_space<vmem_shared>>)
      tpu.yield
    }) : () -> ()
    %add3A_20 = arith.constant 256 : i32
    %add3A_21 = arith.addi %mul3A_15, %add3A_20 : i32
    "tpu.region"() ({
      %run_scoped3A_45 = tpu.sem_alloc : memref<!tpu.dma_semaphore, #tpu.memory_space<semaphore_mem>>
      %dma_start3A = arith.constant 0 : i32
      %dma_start3A_46 = tpu.memref_slice %arg7[%add3A_21, %dma_start3A] : memref<10112x16xf32, #tpu.memory_space<vmem_shared>> -> memref<128x16xf32, #tpu.memory_space<vmem_shared>>
      %dma_start3A_47 = arith.constant 0 : i32
      %dma_start3A_48 = tpu.memref_slice %arg7[%add3A_21, %dma_start3A_47] : memref<10112x16xf32, #tpu.memory_space<vmem_shared>> -> memref<128x16xf32, #tpu.memory_space<vmem_shared>>
      tpu.enqueue_dma source(%arg6 : memref<128x16xf32, #tpu.memory_space<vmem>>) target(%dma_start3A_48 : memref<128x16xf32, #tpu.memory_space<vmem_shared>>) target_semaphore(%run_scoped3A_45 : memref<!tpu.dma_semaphore, #tpu.memory_space<semaphore_mem>>)
      %dma_wait3A = arith.constant 0 : i32
      %dma_wait3A_49 = tpu.memref_slice %arg7[%add3A_21, %dma_wait3A] : memref<10112x16xf32, #tpu.memory_space<vmem_shared>> -> memref<128x16xf32, #tpu.memory_space<vmem_shared>>
      %dma_wait3A_50 = arith.constant 0 : i32
      %dma_wait3A_51 = tpu.memref_slice %arg7[%add3A_21, %dma_wait3A_50] : memref<10112x16xf32, #tpu.memory_space<vmem_shared>> -> memref<128x16xf32, #tpu.memory_space<vmem_shared>>
      tpu.wait_dma2 semaphore(%run_scoped3A_45 : memref<!tpu.dma_semaphore, #tpu.memory_space<semaphore_mem>>) src(%arg6 : memref<128x16xf32, #tpu.memory_space<vmem>>) dst(%dma_wait3A_51 : memref<128x16xf32, #tpu.memory_space<vmem_shared>>)
      tpu.yield
    }) : () -> ()
    %add3A_22 = arith.constant 384 : i32
    %add3A_23 = arith.addi %mul3A_15, %add3A_22 : i32
    "tpu.region"() ({
      %run_scoped3A_45 = tpu.sem_alloc : memref<!tpu.dma_semaphore, #tpu.memory_space<semaphore_mem>>
      %dma_start3A = arith.constant 0 : i32
      %dma_start3A_46 = tpu.memref_slice %arg7[%add3A_23, %dma_start3A] : memref<10112x16xf32, #tpu.memory_space<vmem_shared>> -> memref<128x16xf32, #tpu.memory_space<vmem_shared>>
      %dma_start3A_47 = arith.constant 0 : i32
      %dma_start3A_48 = tpu.memref_slice %arg7[%add3A_23, %dma_start3A_47] : memref<10112x16xf32, #tpu.memory_space<vmem_shared>> -> memref<128x16xf32, #tpu.memory_space<vmem_shared>>
      tpu.enqueue_dma source(%arg6 : memref<128x16xf32, #tpu.memory_space<vmem>>) target(%dma_start3A_48 : memref<128x16xf32, #tpu.memory_space<vmem_shared>>) target_semaphore(%run_scoped3A_45 : memref<!tpu.dma_semaphore, #tpu.memory_space<semaphore_mem>>)
      %dma_wait3A = arith.constant 0 : i32
      %dma_wait3A_49 = tpu.memref_slice %arg7[%add3A_23, %dma_wait3A] : memref<10112x16xf32, #tpu.memory_space<vmem_shared>> -> memref<128x16xf32, #tpu.memory_space<vmem_shared>>
      %dma_wait3A_50 = arith.constant 0 : i32
      %dma_wait3A_51 = tpu.memref_slice %arg7[%add3A_23, %dma_wait3A_50] : memref<10112x16xf32, #tpu.memory_space<vmem_shared>> -> memref<128x16xf32, #tpu.memory_space<vmem_shared>>
      tpu.wait_dma2 semaphore(%run_scoped3A_45 : memref<!tpu.dma_semaphore, #tpu.memory_space<semaphore_mem>>) src(%arg6 : memref<128x16xf32, #tpu.memory_space<vmem>>) dst(%dma_wait3A_51 : memref<128x16xf32, #tpu.memory_space<vmem_shared>>)
      tpu.yield
    }) : () -> ()
    %add3A_24 = arith.constant 512 : i32
    %add3A_25 = arith.addi %mul3A_15, %add3A_24 : i32
    "tpu.region"() ({
      %run_scoped3A_45 = tpu.sem_alloc : memref<!tpu.dma_semaphore, #tpu.memory_space<semaphore_mem>>
      %dma_start3A = arith.constant 0 : i32
      %dma_start3A_46 = arith.constant 0 : i32
      %dma_start3A_47 = tpu.memref_slice %arg6[%dma_start3A, %dma_start3A_46] : memref<128x16xf32, #tpu.memory_space<vmem>> -> memref<120x16xf32, #tpu.memory_space<vmem>>
      %dma_start3A_48 = arith.constant 0 : i32
      %dma_start3A_49 = tpu.memref_slice %arg7[%add3A_25, %dma_start3A_48] : memref<10112x16xf32, #tpu.memory_space<vmem_shared>> -> memref<120x16xf32, #tpu.memory_space<vmem_shared>>
      %dma_start3A_50 = arith.constant 0 : i32
      %dma_start3A_51 = tpu.memref_slice %arg7[%add3A_25, %dma_start3A_50] : memref<10112x16xf32, #tpu.memory_space<vmem_shared>> -> memref<120x16xf32, #tpu.memory_space<vmem_shared>>
      %dma_start3A_52 = arith.constant 0 : i32
      %dma_start3A_53 = arith.constant 0 : i32
      %dma_start3A_54 = tpu.memref_slice %arg6[%dma_start3A_52, %dma_start3A_53] : memref<128x16xf32, #tpu.memory_space<vmem>> -> memref<120x16xf32, #tpu.memory_space<vmem>>
      tpu.enqueue_dma source(%dma_start3A_54 : memref<120x16xf32, #tpu.memory_space<vmem>>) target(%dma_start3A_51 : memref<120x16xf32, #tpu.memory_space<vmem_shared>>) target_semaphore(%run_scoped3A_45 : memref<!tpu.dma_semaphore, #tpu.memory_space<semaphore_mem>>)
      %dma_wait3A = arith.constant 0 : i32
      %dma_wait3A_55 = arith.constant 0 : i32
      %dma_wait3A_56 = tpu.memref_slice %arg6[%dma_wait3A, %dma_wait3A_55] : memref<128x16xf32, #tpu.memory_space<vmem>> -> memref<120x16xf32, #tpu.memory_space<vmem>>
      %dma_wait3A_57 = arith.constant 0 : i32
      %dma_wait3A_58 = tpu.memref_slice %arg7[%add3A_25, %dma_wait3A_57] : memref<10112x16xf32, #tpu.memory_space<vmem_shared>> -> memref<120x16xf32, #tpu.memory_space<vmem_shared>>
      %dma_wait3A_59 = arith.constant 0 : i32
      %dma_wait3A_60 = tpu.memref_slice %arg7[%add3A_25, %dma_wait3A_59] : memref<10112x16xf32, #tpu.memory_space<vmem_shared>> -> memref<120x16xf32, #tpu.memory_space<vmem_shared>>
      %dma_wait3A_61 = arith.constant 0 : i32
      %dma_wait3A_62 = arith.constant 0 : i32
      %dma_wait3A_63 = tpu.memref_slice %arg6[%dma_wait3A_61, %dma_wait3A_62] : memref<128x16xf32, #tpu.memory_space<vmem>> -> memref<120x16xf32, #tpu.memory_space<vmem>>
      tpu.wait_dma2 semaphore(%run_scoped3A_45 : memref<!tpu.dma_semaphore, #tpu.memory_space<semaphore_mem>>) src(%dma_wait3A_63 : memref<120x16xf32, #tpu.memory_space<vmem>>) dst(%dma_wait3A_60 : memref<120x16xf32, #tpu.memory_space<vmem_shared>>)
      tpu.yield
    }) : () -> ()
    %barrier3A = arith.constant 0 : index
    tpu.barrier barrier_id(%barrier3A)
    %mul3A_26 = arith.constant 20 : i32
    %mul3A_27 = arith.muli %add3A, %mul3A_26 : i32
    %run_scoped3A = arith.constant 1 : i32
    "tpu.region"() ({
      %run_scoped3A_45 = tpu.sem_alloc : memref<!tpu.dma_semaphore, #tpu.memory_space<semaphore_mem>>
      %dma_start3A = arith.constant 0 : i32
      %dma_start3A_46 = tpu.memref_slice %arg2[%run_scoped3A, %mul3A_27, %dma_start3A] : memref<2x640x500xi32, #tpu.memory_space<hbm>> -> memref<1x20x500xi32, #tpu.memory_space<hbm>>
      %dma_start3A_47 = tpu.memref_squeeze %dma_start3A_46 : memref<1x20x500xi32, #tpu.memory_space<hbm>> -> memref<20x500xi32, #tpu.memory_space<hbm>>
      %dma_start3A_48 = arith.constant 0 : i32
      %dma_start3A_49 = tpu.memref_slice %arg2[%run_scoped3A, %mul3A_27, %dma_start3A_48] : memref<2x640x500xi32, #tpu.memory_space<hbm>> -> memref<1x20x500xi32, #tpu.memory_space<hbm>>
      %dma_start3A_50 = tpu.memref_squeeze %dma_start3A_49 : memref<1x20x500xi32, #tpu.memory_space<hbm>> -> memref<20x500xi32, #tpu.memory_space<hbm>>
      tpu.enqueue_dma source(%dma_start3A_50 : memref<20x500xi32, #tpu.memory_space<hbm>>) target(%arg4 : memref<20x500xi32, #tpu.memory_space<vmem>>) target_semaphore(%run_scoped3A_45 : memref<!tpu.dma_semaphore, #tpu.memory_space<semaphore_mem>>)
      %dma_wait3A = arith.constant 0 : i32
      %dma_wait3A_51 = tpu.memref_slice %arg2[%run_scoped3A, %mul3A_27, %dma_wait3A] : memref<2x640x500xi32, #tpu.memory_space<hbm>> -> memref<1x20x500xi32, #tpu.memory_space<hbm>>
      %dma_wait3A_52 = tpu.memref_squeeze %dma_wait3A_51 : memref<1x20x500xi32, #tpu.memory_space<hbm>> -> memref<20x500xi32, #tpu.memory_space<hbm>>
      %dma_wait3A_53 = arith.constant 0 : i32
      %dma_wait3A_54 = tpu.memref_slice %arg2[%run_scoped3A, %mul3A_27, %dma_wait3A_53] : memref<2x640x500xi32, #tpu.memory_space<hbm>> -> memref<1x20x500xi32, #tpu.memory_space<hbm>>
      %dma_wait3A_55 = tpu.memref_squeeze %dma_wait3A_54 : memref<1x20x500xi32, #tpu.memory_space<hbm>> -> memref<20x500xi32, #tpu.memory_space<hbm>>
      tpu.wait_dma2 semaphore(%run_scoped3A_45 : memref<!tpu.dma_semaphore, #tpu.memory_space<semaphore_mem>>) src(%dma_wait3A_55 : memref<20x500xi32, #tpu.memory_space<hbm>>) dst(%arg4 : memref<20x500xi32, #tpu.memory_space<vmem>>)
      tpu.yield
    }) : () -> ()
    %scan3A_28 = arith.constant 0 : i32
    %scan3A_29 = arith.constant 0 : i32
    %scan3A_30 = arith.constant 20 : i32
    %scan3A_31 = arith.addi %scan3A_29, %scan3A_30 : i32
    %scan3A_32 = arith.constant 1 : i32
    %scan3A_33 = scf.for %scan3A_45 = %scan3A_29 to %scan3A_31 step %scan3A_32 iter_args(%scan3A_46 = %scan3A_28) -> (i32)  : i32 {
      %dma_start3A = arith.constant 0 : i32
      %dma_start3A_47 = tpu.memref_slice %arg4[%scan3A_45, %dma_start3A] : memref<20x500xi32, #tpu.memory_space<vmem>> -> memref<1x500xi32, #tpu.memory_space<vmem>>
      %dma_start3A_48 = tpu.memref_squeeze %dma_start3A_47 : memref<1x500xi32, #tpu.memory_space<vmem>> -> memref<500xi32, #tpu.memory_space<vmem>>
      %dma_start3A_49 = arith.constant 0 : i32
      %dma_start3A_50 = arith.constant 0 : i32
      %dma_start3A_51 = tpu.memref_slice %arg7[%dma_start3A_49, %dma_start3A_50] : memref<10112x16xf32, #tpu.memory_space<vmem_shared>> -> memref<10112x16xf32, #tpu.memory_space<vmem_shared>>
      tpu.enqueue_indirect_dma source(%arg5 : memref<500x16xf32, #tpu.memory_space<vmem>>) target(%dma_start3A_51 : memref<10112x16xf32, #tpu.memory_space<vmem_shared>>) offsets(%dma_start3A_48 : memref<500xi32, #tpu.memory_space<vmem>>) semaphore(%arg8 : memref<!tpu.dma_semaphore, #tpu.memory_space<semaphore_mem>>) {add = true}
      %scan3A_52 = arith.constant 0 : i32
      scf.yield %scan3A_52 : i32
    }
    %scan3A_34 = arith.constant 20 : i32
    %scan3A_35 = arith.constant 0 : i32
    %scan3A_36 = arith.constant 0 : i32
    %scan3A_37 = arith.constant 20 : i32
    %scan3A_38 = arith.addi %scan3A_36, %scan3A_37 : i32
    %scan3A_39 = arith.constant 1 : i32
    %scan3A_40 = scf.for %scan3A_45 = %scan3A_36 to %scan3A_38 step %scan3A_39 iter_args(%scan3A_46 = %scan3A_35) -> (i32)  : i32 {
      %dma_wait3A = arith.constant 0 : i32
      %dma_wait3A_47 = arith.constant 0 : i32
      %dma_wait3A_48 = tpu.memref_slice %arg4[%dma_wait3A, %dma_wait3A_47] : memref<20x500xi32, #tpu.memory_space<vmem>> -> memref<1x500xi32, #tpu.memory_space<vmem>>
      %dma_wait3A_49 = tpu.memref_squeeze %dma_wait3A_48 : memref<1x500xi32, #tpu.memory_space<vmem>> -> memref<500xi32, #tpu.memory_space<vmem>>
      %dma_wait3A_50 = arith.constant 0 : i32
      %dma_wait3A_51 = arith.constant 0 : i32
      %dma_wait3A_52 = tpu.memref_slice %arg7[%dma_wait3A_50, %dma_wait3A_51] : memref<10112x16xf32, #tpu.memory_space<vmem_shared>> -> memref<10112x16xf32, #tpu.memory_space<vmem_shared>>
      tpu.wait_indirect_dma semaphore(%arg8 : memref<!tpu.dma_semaphore, #tpu.memory_space<semaphore_mem>>) src(%arg5 : memref<500x16xf32, #tpu.memory_space<vmem>>) dst(%dma_wait3A_52 : memref<10112x16xf32, #tpu.memory_space<vmem_shared>>)
      %scan3A_53 = arith.constant 0 : i32
      scf.yield %scan3A_53 : i32
    }
    %scan3A_41 = arith.constant 20 : i32
    %barrier3A_42 = arith.constant 0 : index
    tpu.barrier barrier_id(%barrier3A_42)
    %mul3A_43 = arith.constant 632 : i32
    %mul3A_44 = arith.muli %arg1, %mul3A_43 : i32
    "tpu.region"() ({
      %run_scoped3A_45 = tpu.sem_alloc : memref<!tpu.dma_semaphore, #tpu.memory_space<semaphore_mem>>
      %dma_start3A = arith.constant 0 : i32
      %dma_start3A_46 = tpu.memref_slice %arg3[%arg0, %mul3A_44, %dma_start3A] : memref<2x10112x16xf32, #tpu.memory_space<hbm>> -> memref<1x632x16xf32, #tpu.memory_space<hbm>>
      %dma_start3A_47 = tpu.memref_squeeze %dma_start3A_46 : memref<1x632x16xf32, #tpu.memory_space<hbm>> -> memref<632x16xf32, #tpu.memory_space<hbm>>
      %dma_start3A_48 = arith.constant 0 : i32
      %dma_start3A_49 = tpu.memref_slice %arg7[%mul3A_44, %dma_start3A_48] : memref<10112x16xf32, #tpu.memory_space<vmem_shared>> -> memref<632x16xf32, #tpu.memory_space<vmem_shared>>
      tpu.enqueue_dma source(%dma_start3A_49 : memref<632x16xf32, #tpu.memory_space<vmem_shared>>) target(%dma_start3A_47 : memref<632x16xf32, #tpu.memory_space<hbm>>) target_semaphore(%run_scoped3A_45 : memref<!tpu.dma_semaphore, #tpu.memory_space<semaphore_mem>>)
      %dma_wait3A = arith.constant 0 : i32
      %dma_wait3A_50 = tpu.memref_slice %arg3[%arg0, %mul3A_44, %dma_wait3A] : memref<2x10112x16xf32, #tpu.memory_space<hbm>> -> memref<1x632x16xf32, #tpu.memory_space<hbm>>
      %dma_wait3A_51 = tpu.memref_squeeze %dma_wait3A_50 : memref<1x632x16xf32, #tpu.memory_space<hbm>> -> memref<632x16xf32, #tpu.memory_space<hbm>>
      %dma_wait3A_52 = arith.constant 0 : i32
      %dma_wait3A_53 = tpu.memref_slice %arg7[%mul3A_44, %dma_wait3A_52] : memref<10112x16xf32, #tpu.memory_space<vmem_shared>> -> memref<632x16xf32, #tpu.memory_space<vmem_shared>>
      tpu.wait_dma2 semaphore(%run_scoped3A_45 : memref<!tpu.dma_semaphore, #tpu.memory_space<semaphore_mem>>) src(%dma_wait3A_53 : memref<632x16xf32, #tpu.memory_space<vmem_shared>>) dst(%dma_wait3A_51 : memref<632x16xf32, #tpu.memory_space<hbm>>)
      tpu.yield
    }) : () -> ()
    return
  }
}

#map = affine_map<(d0, d1) -> (0, 0, 0)>
module attributes {stable_mosaic.version = 14 : i64} {
  func.func @_agg64(%arg0: i32, %arg1: i32, %arg2: memref<2x10112x32xbf16, #tpu.memory_space<hbm>>, %arg3: memref<2x640x500xi32, #tpu.memory_space<hbm>>, %arg4: memref<2x10112x32xbf16, #tpu.memory_space<hbm>>, %arg5: memref<20x500xi32, #tpu.memory_space<vmem>>, %arg6: memref<20x500xi32, #tpu.memory_space<vmem>>, %arg7: memref<4x500x32xbf16, #tpu.memory_space<vmem>>, %arg8: memref<10112x32xbf16, #tpu.memory_space<vmem_shared>>, %arg9: memref<10112x32xbf16, #tpu.memory_space<vmem_shared>>, %arg10: memref<!tpu.dma_semaphore, #tpu.memory_space<semaphore_mem>>, %arg11: memref<!tpu.dma_semaphore, #tpu.memory_space<semaphore_mem>>, %arg12: memref<!tpu.dma_semaphore, #tpu.memory_space<semaphore_mem>>, %arg13: memref<!tpu.dma_semaphore, #tpu.memory_space<semaphore_mem>>, %arg14: memref<!tpu.dma_semaphore, #tpu.memory_space<semaphore_mem>>, %arg15: memref<!tpu.dma_semaphore, #tpu.memory_space<semaphore_mem>>, %arg16: memref<!tpu.dma_semaphore, #tpu.memory_space<semaphore_mem>>, %arg17: memref<!tpu.dma_semaphore, #tpu.memory_space<semaphore_mem>>) attributes {dimension_semantics = [#tpu.dimension_semantics<core_parallel>, #tpu.dimension_semantics<subcore_parallel>], iteration_bounds = array<i64: 2, 16>, scalar_prefetch = 0 : i64, scratch_operands = 13 : i64, tpu.core_type = #tpu.core_type<sc_vector_subcore>, window_params = [{transform_indices = #map}, {transform_indices = #map}, {transform_indices = #map}]} {
    %mul3A = arith.constant 632 : i32
    %mul3A_0 = arith.muli %arg1, %mul3A : i32
    %mul3A_1 = arith.constant 632 : i32
    %mul3A_2 = arith.muli %arg1, %mul3A_1 : i32
    "tpu.region"() ({
      %run_scoped3A_156 = tpu.sem_alloc : memref<!tpu.dma_semaphore, #tpu.memory_space<semaphore_mem>>
      %dma_start3A_157 = arith.constant 0 : i32
      %dma_start3A_158 = tpu.memref_slice %arg9[%mul3A_2, %dma_start3A_157] : memref<10112x32xbf16, #tpu.memory_space<vmem_shared>> -> memref<632x32xbf16, #tpu.memory_space<vmem_shared>>
      %dma_start3A_159 = arith.constant 0 : i32
      %dma_start3A_160 = tpu.memref_slice %arg2[%arg0, %mul3A_0, %dma_start3A_159] : memref<2x10112x32xbf16, #tpu.memory_space<hbm>> -> memref<1x632x32xbf16, #tpu.memory_space<hbm>>
      %dma_start3A_161 = tpu.memref_squeeze %dma_start3A_160 : memref<1x632x32xbf16, #tpu.memory_space<hbm>> -> memref<632x32xbf16, #tpu.memory_space<hbm>>
      tpu.enqueue_dma source(%dma_start3A_161 : memref<632x32xbf16, #tpu.memory_space<hbm>>) target(%dma_start3A_158 : memref<632x32xbf16, #tpu.memory_space<vmem_shared>>) target_semaphore(%run_scoped3A_156 : memref<!tpu.dma_semaphore, #tpu.memory_space<semaphore_mem>>)
      %dma_wait3A_162 = arith.constant 0 : i32
      %dma_wait3A_163 = tpu.memref_slice %arg9[%mul3A_2, %dma_wait3A_162] : memref<10112x32xbf16, #tpu.memory_space<vmem_shared>> -> memref<632x32xbf16, #tpu.memory_space<vmem_shared>>
      %dma_wait3A_164 = arith.constant 0 : i32
      %dma_wait3A_165 = tpu.memref_slice %arg2[%arg0, %mul3A_0, %dma_wait3A_164] : memref<2x10112x32xbf16, #tpu.memory_space<hbm>> -> memref<1x632x32xbf16, #tpu.memory_space<hbm>>
      %dma_wait3A_166 = tpu.memref_squeeze %dma_wait3A_165 : memref<1x632x32xbf16, #tpu.memory_space<hbm>> -> memref<632x32xbf16, #tpu.memory_space<hbm>>
      tpu.wait_dma2 semaphore(%run_scoped3A_156 : memref<!tpu.dma_semaphore, #tpu.memory_space<semaphore_mem>>) src(%dma_wait3A_166 : memref<632x32xbf16, #tpu.memory_space<hbm>>) dst(%dma_wait3A_163 : memref<632x32xbf16, #tpu.memory_space<vmem_shared>>)
      tpu.yield
    }) : () -> ()
    %scan3A = arith.constant 0 : i32
    %scan3A_3 = arith.constant 0 : i32
    %scan3A_4 = arith.constant 0 : i32
    %scan3A_5 = arith.constant 128 : i32
    %scan3A_6 = arith.addi %scan3A_4, %scan3A_5 : i32
    %scan3A_7 = arith.constant 1 : i32
    %scan3A_8 = scf.for %scan3A_156 = %scan3A_4 to %scan3A_6 step %scan3A_7 iter_args(%scan3A_157 = %scan3A_3) -> (i32)  : i32 {
      %broadcast_in_dim3A = arith.constant 0.000000e+00 : bf16
      %broadcast_in_dim3A_158 = vector.broadcast %broadcast_in_dim3A : bf16 to vector<32xbf16>
      %swap3A = arith.constant 0 : i32
      %swap3A_159 = arith.constant 0 : i32
      %swap3A_160 = tpu.memref_slice %arg7[%scan3A, %swap3A, %swap3A_159] : memref<4x500x32xbf16, #tpu.memory_space<vmem>> -> memref<1x128x32xbf16, #tpu.memory_space<vmem>>
      %swap3A_161 = tpu.memref_squeeze %swap3A_160 : memref<1x128x32xbf16, #tpu.memory_space<vmem>> -> memref<128x32xbf16, #tpu.memory_space<vmem>>
      %swap3A_162 = arith.index_cast %scan3A_156 : i32 to index
      %swap3A_163 = arith.constant 0 : index
      %swap3A_164 = tpu.vector_load %swap3A_161[%swap3A_162, %swap3A_163] {strides = array<i32>} : memref<128x32xbf16, #tpu.memory_space<vmem>>, vector<1x32xbf16>,
      %swap3A_165 = vector.shape_cast %swap3A_164 : vector<1x32xbf16> to vector<32xbf16>
      %swap3A_166 = vector.shape_cast %broadcast_in_dim3A_158 : vector<32xbf16> to vector<1x32xbf16>
      tpu.vector_store %swap3A_161[%swap3A_162, %swap3A_163], %swap3A_166 {strides = array<i32>} : memref<128x32xbf16, #tpu.memory_space<vmem>>, vector<1x32xbf16>,
      %scan3A_167 = arith.constant 0 : i32
      scf.yield %scan3A_167 : i32
    }
    %scan3A_9 = arith.constant 128 : i32
    %mul3A_10 = arith.constant 632 : i32
    %mul3A_11 = arith.muli %arg1, %mul3A_10 : i32
    %add3A = arith.constant 0 : i32
    %add3A_12 = arith.addi %mul3A_11, %add3A : i32
    %run_scoped3A = arith.constant 0 : i32
    "tpu.region"() ({
      %run_scoped3A_156 = tpu.sem_alloc : memref<!tpu.dma_semaphore, #tpu.memory_space<semaphore_mem>>
      %dma_start3A_157 = arith.constant 0 : i32
      %dma_start3A_158 = arith.constant 0 : i32
      %dma_start3A_159 = tpu.memref_slice %arg7[%run_scoped3A, %dma_start3A_157, %dma_start3A_158] : memref<4x500x32xbf16, #tpu.memory_space<vmem>> -> memref<1x128x32xbf16, #tpu.memory_space<vmem>>
      %dma_start3A_160 = tpu.memref_squeeze %dma_start3A_159 : memref<1x128x32xbf16, #tpu.memory_space<vmem>> -> memref<128x32xbf16, #tpu.memory_space<vmem>>
      %dma_start3A_161 = arith.constant 0 : i32
      %dma_start3A_162 = tpu.memref_slice %arg8[%add3A_12, %dma_start3A_161] : memref<10112x32xbf16, #tpu.memory_space<vmem_shared>> -> memref<128x32xbf16, #tpu.memory_space<vmem_shared>>
      %dma_start3A_163 = arith.constant 0 : i32
      %dma_start3A_164 = tpu.memref_slice %arg8[%add3A_12, %dma_start3A_163] : memref<10112x32xbf16, #tpu.memory_space<vmem_shared>> -> memref<128x32xbf16, #tpu.memory_space<vmem_shared>>
      %dma_start3A_165 = arith.constant 0 : i32
      %dma_start3A_166 = arith.constant 0 : i32
      %dma_start3A_167 = tpu.memref_slice %arg7[%run_scoped3A, %dma_start3A_165, %dma_start3A_166] : memref<4x500x32xbf16, #tpu.memory_space<vmem>> -> memref<1x128x32xbf16, #tpu.memory_space<vmem>>
      %dma_start3A_168 = tpu.memref_squeeze %dma_start3A_167 : memref<1x128x32xbf16, #tpu.memory_space<vmem>> -> memref<128x32xbf16, #tpu.memory_space<vmem>>
      tpu.enqueue_dma source(%dma_start3A_168 : memref<128x32xbf16, #tpu.memory_space<vmem>>) target(%dma_start3A_164 : memref<128x32xbf16, #tpu.memory_space<vmem_shared>>) target_semaphore(%run_scoped3A_156 : memref<!tpu.dma_semaphore, #tpu.memory_space<semaphore_mem>>)
      %dma_wait3A_169 = arith.constant 0 : i32
      %dma_wait3A_170 = arith.constant 0 : i32
      %dma_wait3A_171 = tpu.memref_slice %arg7[%run_scoped3A, %dma_wait3A_169, %dma_wait3A_170] : memref<4x500x32xbf16, #tpu.memory_space<vmem>> -> memref<1x128x32xbf16, #tpu.memory_space<vmem>>
      %dma_wait3A_172 = tpu.memref_squeeze %dma_wait3A_171 : memref<1x128x32xbf16, #tpu.memory_space<vmem>> -> memref<128x32xbf16, #tpu.memory_space<vmem>>
      %dma_wait3A_173 = arith.constant 0 : i32
      %dma_wait3A_174 = tpu.memref_slice %arg8[%add3A_12, %dma_wait3A_173] : memref<10112x32xbf16, #tpu.memory_space<vmem_shared>> -> memref<128x32xbf16, #tpu.memory_space<vmem_shared>>
      %dma_wait3A_175 = arith.constant 0 : i32
      %dma_wait3A_176 = tpu.memref_slice %arg8[%add3A_12, %dma_wait3A_175] : memref<10112x32xbf16, #tpu.memory_space<vmem_shared>> -> memref<128x32xbf16, #tpu.memory_space<vmem_shared>>
      %dma_wait3A_177 = arith.constant 0 : i32
      %dma_wait3A_178 = arith.constant 0 : i32
      %dma_wait3A_179 = tpu.memref_slice %arg7[%run_scoped3A, %dma_wait3A_177, %dma_wait3A_178] : memref<4x500x32xbf16, #tpu.memory_space<vmem>> -> memref<1x128x32xbf16, #tpu.memory_space<vmem>>
      %dma_wait3A_180 = tpu.memref_squeeze %dma_wait3A_179 : memref<1x128x32xbf16, #tpu.memory_space<vmem>> -> memref<128x32xbf16, #tpu.memory_space<vmem>>
      tpu.wait_dma2 semaphore(%run_scoped3A_156 : memref<!tpu.dma_semaphore, #tpu.memory_space<semaphore_mem>>) src(%dma_wait3A_180 : memref<128x32xbf16, #tpu.memory_space<vmem>>) dst(%dma_wait3A_176 : memref<128x32xbf16, #tpu.memory_space<vmem_shared>>)
      tpu.yield
    }) : () -> ()
    %add3A_13 = arith.constant 128 : i32
    %add3A_14 = arith.addi %mul3A_11, %add3A_13 : i32
    %run_scoped3A_15 = arith.constant 0 : i32
    "tpu.region"() ({
      %run_scoped3A_156 = tpu.sem_alloc : memref<!tpu.dma_semaphore, #tpu.memory_space<semaphore_mem>>
      %dma_start3A_157 = arith.constant 0 : i32
      %dma_start3A_158 = arith.constant 0 : i32
      %dma_start3A_159 = tpu.memref_slice %arg7[%run_scoped3A_15, %dma_start3A_157, %dma_start3A_158] : memref<4x500x32xbf16, #tpu.memory_space<vmem>> -> memref<1x128x32xbf16, #tpu.memory_space<vmem>>
      %dma_start3A_160 = tpu.memref_squeeze %dma_start3A_159 : memref<1x128x32xbf16, #tpu.memory_space<vmem>> -> memref<128x32xbf16, #tpu.memory_space<vmem>>
      %dma_start3A_161 = arith.constant 0 : i32
      %dma_start3A_162 = tpu.memref_slice %arg8[%add3A_14, %dma_start3A_161] : memref<10112x32xbf16, #tpu.memory_space<vmem_shared>> -> memref<128x32xbf16, #tpu.memory_space<vmem_shared>>
      %dma_start3A_163 = arith.constant 0 : i32
      %dma_start3A_164 = tpu.memref_slice %arg8[%add3A_14, %dma_start3A_163] : memref<10112x32xbf16, #tpu.memory_space<vmem_shared>> -> memref<128x32xbf16, #tpu.memory_space<vmem_shared>>
      %dma_start3A_165 = arith.constant 0 : i32
      %dma_start3A_166 = arith.constant 0 : i32
      %dma_start3A_167 = tpu.memref_slice %arg7[%run_scoped3A_15, %dma_start3A_165, %dma_start3A_166] : memref<4x500x32xbf16, #tpu.memory_space<vmem>> -> memref<1x128x32xbf16, #tpu.memory_space<vmem>>
      %dma_start3A_168 = tpu.memref_squeeze %dma_start3A_167 : memref<1x128x32xbf16, #tpu.memory_space<vmem>> -> memref<128x32xbf16, #tpu.memory_space<vmem>>
      tpu.enqueue_dma source(%dma_start3A_168 : memref<128x32xbf16, #tpu.memory_space<vmem>>) target(%dma_start3A_164 : memref<128x32xbf16, #tpu.memory_space<vmem_shared>>) target_semaphore(%run_scoped3A_156 : memref<!tpu.dma_semaphore, #tpu.memory_space<semaphore_mem>>)
      %dma_wait3A_169 = arith.constant 0 : i32
      %dma_wait3A_170 = arith.constant 0 : i32
      %dma_wait3A_171 = tpu.memref_slice %arg7[%run_scoped3A_15, %dma_wait3A_169, %dma_wait3A_170] : memref<4x500x32xbf16, #tpu.memory_space<vmem>> -> memref<1x128x32xbf16, #tpu.memory_space<vmem>>
      %dma_wait3A_172 = tpu.memref_squeeze %dma_wait3A_171 : memref<1x128x32xbf16, #tpu.memory_space<vmem>> -> memref<128x32xbf16, #tpu.memory_space<vmem>>
      %dma_wait3A_173 = arith.constant 0 : i32
      %dma_wait3A_174 = tpu.memref_slice %arg8[%add3A_14, %dma_wait3A_173] : memref<10112x32xbf16, #tpu.memory_space<vmem_shared>> -> memref<128x32xbf16, #tpu.memory_space<vmem_shared>>
      %dma_wait3A_175 = arith.constant 0 : i32
      %dma_wait3A_176 = tpu.memref_slice %arg8[%add3A_14, %dma_wait3A_175] : memref<10112x32xbf16, #tpu.memory_space<vmem_shared>> -> memref<128x32xbf16, #tpu.memory_space<vmem_shared>>
      %dma_wait3A_177 = arith.constant 0 : i32
      %dma_wait3A_178 = arith.constant 0 : i32
      %dma_wait3A_179 = tpu.memref_slice %arg7[%run_scoped3A_15, %dma_wait3A_177, %dma_wait3A_178] : memref<4x500x32xbf16, #tpu.memory_space<vmem>> -> memref<1x128x32xbf16, #tpu.memory_space<vmem>>
      %dma_wait3A_180 = tpu.memref_squeeze %dma_wait3A_179 : memref<1x128x32xbf16, #tpu.memory_space<vmem>> -> memref<128x32xbf16, #tpu.memory_space<vmem>>
      tpu.wait_dma2 semaphore(%run_scoped3A_156 : memref<!tpu.dma_semaphore, #tpu.memory_space<semaphore_mem>>) src(%dma_wait3A_180 : memref<128x32xbf16, #tpu.memory_space<vmem>>) dst(%dma_wait3A_176 : memref<128x32xbf16, #tpu.memory_space<vmem_shared>>)
      tpu.yield
    }) : () -> ()
    %add3A_16 = arith.constant 256 : i32
    %add3A_17 = arith.addi %mul3A_11, %add3A_16 : i32
    %run_scoped3A_18 = arith.constant 0 : i32
    "tpu.region"() ({
      %run_scoped3A_156 = tpu.sem_alloc : memref<!tpu.dma_semaphore, #tpu.memory_space<semaphore_mem>>
      %dma_start3A_157 = arith.constant 0 : i32
      %dma_start3A_158 = arith.constant 0 : i32
      %dma_start3A_159 = tpu.memref_slice %arg7[%run_scoped3A_18, %dma_start3A_157, %dma_start3A_158] : memref<4x500x32xbf16, #tpu.memory_space<vmem>> -> memref<1x128x32xbf16, #tpu.memory_space<vmem>>
      %dma_start3A_160 = tpu.memref_squeeze %dma_start3A_159 : memref<1x128x32xbf16, #tpu.memory_space<vmem>> -> memref<128x32xbf16, #tpu.memory_space<vmem>>
      %dma_start3A_161 = arith.constant 0 : i32
      %dma_start3A_162 = tpu.memref_slice %arg8[%add3A_17, %dma_start3A_161] : memref<10112x32xbf16, #tpu.memory_space<vmem_shared>> -> memref<128x32xbf16, #tpu.memory_space<vmem_shared>>
      %dma_start3A_163 = arith.constant 0 : i32
      %dma_start3A_164 = tpu.memref_slice %arg8[%add3A_17, %dma_start3A_163] : memref<10112x32xbf16, #tpu.memory_space<vmem_shared>> -> memref<128x32xbf16, #tpu.memory_space<vmem_shared>>
      %dma_start3A_165 = arith.constant 0 : i32
      %dma_start3A_166 = arith.constant 0 : i32
      %dma_start3A_167 = tpu.memref_slice %arg7[%run_scoped3A_18, %dma_start3A_165, %dma_start3A_166] : memref<4x500x32xbf16, #tpu.memory_space<vmem>> -> memref<1x128x32xbf16, #tpu.memory_space<vmem>>
      %dma_start3A_168 = tpu.memref_squeeze %dma_start3A_167 : memref<1x128x32xbf16, #tpu.memory_space<vmem>> -> memref<128x32xbf16, #tpu.memory_space<vmem>>
      tpu.enqueue_dma source(%dma_start3A_168 : memref<128x32xbf16, #tpu.memory_space<vmem>>) target(%dma_start3A_164 : memref<128x32xbf16, #tpu.memory_space<vmem_shared>>) target_semaphore(%run_scoped3A_156 : memref<!tpu.dma_semaphore, #tpu.memory_space<semaphore_mem>>)
      %dma_wait3A_169 = arith.constant 0 : i32
      %dma_wait3A_170 = arith.constant 0 : i32
      %dma_wait3A_171 = tpu.memref_slice %arg7[%run_scoped3A_18, %dma_wait3A_169, %dma_wait3A_170] : memref<4x500x32xbf16, #tpu.memory_space<vmem>> -> memref<1x128x32xbf16, #tpu.memory_space<vmem>>
      %dma_wait3A_172 = tpu.memref_squeeze %dma_wait3A_171 : memref<1x128x32xbf16, #tpu.memory_space<vmem>> -> memref<128x32xbf16, #tpu.memory_space<vmem>>
      %dma_wait3A_173 = arith.constant 0 : i32
      %dma_wait3A_174 = tpu.memref_slice %arg8[%add3A_17, %dma_wait3A_173] : memref<10112x32xbf16, #tpu.memory_space<vmem_shared>> -> memref<128x32xbf16, #tpu.memory_space<vmem_shared>>
      %dma_wait3A_175 = arith.constant 0 : i32
      %dma_wait3A_176 = tpu.memref_slice %arg8[%add3A_17, %dma_wait3A_175] : memref<10112x32xbf16, #tpu.memory_space<vmem_shared>> -> memref<128x32xbf16, #tpu.memory_space<vmem_shared>>
      %dma_wait3A_177 = arith.constant 0 : i32
      %dma_wait3A_178 = arith.constant 0 : i32
      %dma_wait3A_179 = tpu.memref_slice %arg7[%run_scoped3A_18, %dma_wait3A_177, %dma_wait3A_178] : memref<4x500x32xbf16, #tpu.memory_space<vmem>> -> memref<1x128x32xbf16, #tpu.memory_space<vmem>>
      %dma_wait3A_180 = tpu.memref_squeeze %dma_wait3A_179 : memref<1x128x32xbf16, #tpu.memory_space<vmem>> -> memref<128x32xbf16, #tpu.memory_space<vmem>>
      tpu.wait_dma2 semaphore(%run_scoped3A_156 : memref<!tpu.dma_semaphore, #tpu.memory_space<semaphore_mem>>) src(%dma_wait3A_180 : memref<128x32xbf16, #tpu.memory_space<vmem>>) dst(%dma_wait3A_176 : memref<128x32xbf16, #tpu.memory_space<vmem_shared>>)
      tpu.yield
    }) : () -> ()
    %add3A_19 = arith.constant 384 : i32
    %add3A_20 = arith.addi %mul3A_11, %add3A_19 : i32
    %run_scoped3A_21 = arith.constant 0 : i32
    "tpu.region"() ({
      %run_scoped3A_156 = tpu.sem_alloc : memref<!tpu.dma_semaphore, #tpu.memory_space<semaphore_mem>>
      %dma_start3A_157 = arith.constant 0 : i32
      %dma_start3A_158 = arith.constant 0 : i32
      %dma_start3A_159 = tpu.memref_slice %arg7[%run_scoped3A_21, %dma_start3A_157, %dma_start3A_158] : memref<4x500x32xbf16, #tpu.memory_space<vmem>> -> memref<1x128x32xbf16, #tpu.memory_space<vmem>>
      %dma_start3A_160 = tpu.memref_squeeze %dma_start3A_159 : memref<1x128x32xbf16, #tpu.memory_space<vmem>> -> memref<128x32xbf16, #tpu.memory_space<vmem>>
      %dma_start3A_161 = arith.constant 0 : i32
      %dma_start3A_162 = tpu.memref_slice %arg8[%add3A_20, %dma_start3A_161] : memref<10112x32xbf16, #tpu.memory_space<vmem_shared>> -> memref<128x32xbf16, #tpu.memory_space<vmem_shared>>
      %dma_start3A_163 = arith.constant 0 : i32
      %dma_start3A_164 = tpu.memref_slice %arg8[%add3A_20, %dma_start3A_163] : memref<10112x32xbf16, #tpu.memory_space<vmem_shared>> -> memref<128x32xbf16, #tpu.memory_space<vmem_shared>>
      %dma_start3A_165 = arith.constant 0 : i32
      %dma_start3A_166 = arith.constant 0 : i32
      %dma_start3A_167 = tpu.memref_slice %arg7[%run_scoped3A_21, %dma_start3A_165, %dma_start3A_166] : memref<4x500x32xbf16, #tpu.memory_space<vmem>> -> memref<1x128x32xbf16, #tpu.memory_space<vmem>>
      %dma_start3A_168 = tpu.memref_squeeze %dma_start3A_167 : memref<1x128x32xbf16, #tpu.memory_space<vmem>> -> memref<128x32xbf16, #tpu.memory_space<vmem>>
      tpu.enqueue_dma source(%dma_start3A_168 : memref<128x32xbf16, #tpu.memory_space<vmem>>) target(%dma_start3A_164 : memref<128x32xbf16, #tpu.memory_space<vmem_shared>>) target_semaphore(%run_scoped3A_156 : memref<!tpu.dma_semaphore, #tpu.memory_space<semaphore_mem>>)
      %dma_wait3A_169 = arith.constant 0 : i32
      %dma_wait3A_170 = arith.constant 0 : i32
      %dma_wait3A_171 = tpu.memref_slice %arg7[%run_scoped3A_21, %dma_wait3A_169, %dma_wait3A_170] : memref<4x500x32xbf16, #tpu.memory_space<vmem>> -> memref<1x128x32xbf16, #tpu.memory_space<vmem>>
      %dma_wait3A_172 = tpu.memref_squeeze %dma_wait3A_171 : memref<1x128x32xbf16, #tpu.memory_space<vmem>> -> memref<128x32xbf16, #tpu.memory_space<vmem>>
      %dma_wait3A_173 = arith.constant 0 : i32
      %dma_wait3A_174 = tpu.memref_slice %arg8[%add3A_20, %dma_wait3A_173] : memref<10112x32xbf16, #tpu.memory_space<vmem_shared>> -> memref<128x32xbf16, #tpu.memory_space<vmem_shared>>
      %dma_wait3A_175 = arith.constant 0 : i32
      %dma_wait3A_176 = tpu.memref_slice %arg8[%add3A_20, %dma_wait3A_175] : memref<10112x32xbf16, #tpu.memory_space<vmem_shared>> -> memref<128x32xbf16, #tpu.memory_space<vmem_shared>>
      %dma_wait3A_177 = arith.constant 0 : i32
      %dma_wait3A_178 = arith.constant 0 : i32
      %dma_wait3A_179 = tpu.memref_slice %arg7[%run_scoped3A_21, %dma_wait3A_177, %dma_wait3A_178] : memref<4x500x32xbf16, #tpu.memory_space<vmem>> -> memref<1x128x32xbf16, #tpu.memory_space<vmem>>
      %dma_wait3A_180 = tpu.memref_squeeze %dma_wait3A_179 : memref<1x128x32xbf16, #tpu.memory_space<vmem>> -> memref<128x32xbf16, #tpu.memory_space<vmem>>
      tpu.wait_dma2 semaphore(%run_scoped3A_156 : memref<!tpu.dma_semaphore, #tpu.memory_space<semaphore_mem>>) src(%dma_wait3A_180 : memref<128x32xbf16, #tpu.memory_space<vmem>>) dst(%dma_wait3A_176 : memref<128x32xbf16, #tpu.memory_space<vmem_shared>>)
      tpu.yield
    }) : () -> ()
    %add3A_22 = arith.constant 512 : i32
    %add3A_23 = arith.addi %mul3A_11, %add3A_22 : i32
    %run_scoped3A_24 = arith.constant 0 : i32
    "tpu.region"() ({
      %run_scoped3A_156 = tpu.sem_alloc : memref<!tpu.dma_semaphore, #tpu.memory_space<semaphore_mem>>
      %dma_start3A_157 = arith.constant 0 : i32
      %dma_start3A_158 = arith.constant 0 : i32
      %dma_start3A_159 = tpu.memref_slice %arg7[%run_scoped3A_24, %dma_start3A_157, %dma_start3A_158] : memref<4x500x32xbf16, #tpu.memory_space<vmem>> -> memref<1x128x32xbf16, #tpu.memory_space<vmem>>
      %dma_start3A_160 = tpu.memref_squeeze %dma_start3A_159 : memref<1x128x32xbf16, #tpu.memory_space<vmem>> -> memref<128x32xbf16, #tpu.memory_space<vmem>>
      %dma_start3A_161 = arith.constant 0 : i32
      %dma_start3A_162 = arith.constant 0 : i32
      %dma_start3A_163 = tpu.memref_slice %dma_start3A_160[%dma_start3A_161, %dma_start3A_162] : memref<128x32xbf16, #tpu.memory_space<vmem>> -> memref<120x32xbf16, #tpu.memory_space<vmem>>
      %dma_start3A_164 = arith.constant 0 : i32
      %dma_start3A_165 = tpu.memref_slice %arg8[%add3A_23, %dma_start3A_164] : memref<10112x32xbf16, #tpu.memory_space<vmem_shared>> -> memref<120x32xbf16, #tpu.memory_space<vmem_shared>>
      %dma_start3A_166 = arith.constant 0 : i32
      %dma_start3A_167 = tpu.memref_slice %arg8[%add3A_23, %dma_start3A_166] : memref<10112x32xbf16, #tpu.memory_space<vmem_shared>> -> memref<120x32xbf16, #tpu.memory_space<vmem_shared>>
      %dma_start3A_168 = arith.constant 0 : i32
      %dma_start3A_169 = arith.constant 0 : i32
      %dma_start3A_170 = tpu.memref_slice %arg7[%run_scoped3A_24, %dma_start3A_168, %dma_start3A_169] : memref<4x500x32xbf16, #tpu.memory_space<vmem>> -> memref<1x128x32xbf16, #tpu.memory_space<vmem>>
      %dma_start3A_171 = tpu.memref_squeeze %dma_start3A_170 : memref<1x128x32xbf16, #tpu.memory_space<vmem>> -> memref<128x32xbf16, #tpu.memory_space<vmem>>
      %dma_start3A_172 = arith.constant 0 : i32
      %dma_start3A_173 = arith.constant 0 : i32
      %dma_start3A_174 = tpu.memref_slice %dma_start3A_171[%dma_start3A_172, %dma_start3A_173] : memref<128x32xbf16, #tpu.memory_space<vmem>> -> memref<120x32xbf16, #tpu.memory_space<vmem>>
      tpu.enqueue_dma source(%dma_start3A_174 : memref<120x32xbf16, #tpu.memory_space<vmem>>) target(%dma_start3A_167 : memref<120x32xbf16, #tpu.memory_space<vmem_shared>>) target_semaphore(%run_scoped3A_156 : memref<!tpu.dma_semaphore, #tpu.memory_space<semaphore_mem>>)
      %dma_wait3A_175 = arith.constant 0 : i32
      %dma_wait3A_176 = arith.constant 0 : i32
      %dma_wait3A_177 = tpu.memref_slice %arg7[%run_scoped3A_24, %dma_wait3A_175, %dma_wait3A_176] : memref<4x500x32xbf16, #tpu.memory_space<vmem>> -> memref<1x128x32xbf16, #tpu.memory_space<vmem>>
      %dma_wait3A_178 = tpu.memref_squeeze %dma_wait3A_177 : memref<1x128x32xbf16, #tpu.memory_space<vmem>> -> memref<128x32xbf16, #tpu.memory_space<vmem>>
      %dma_wait3A_179 = arith.constant 0 : i32
      %dma_wait3A_180 = arith.constant 0 : i32
      %dma_wait3A_181 = tpu.memref_slice %dma_wait3A_178[%dma_wait3A_179, %dma_wait3A_180] : memref<128x32xbf16, #tpu.memory_space<vmem>> -> memref<120x32xbf16, #tpu.memory_space<vmem>>
      %dma_wait3A_182 = arith.constant 0 : i32
      %dma_wait3A_183 = tpu.memref_slice %arg8[%add3A_23, %dma_wait3A_182] : memref<10112x32xbf16, #tpu.memory_space<vmem_shared>> -> memref<120x32xbf16, #tpu.memory_space<vmem_shared>>
      %dma_wait3A_184 = arith.constant 0 : i32
      %dma_wait3A_185 = tpu.memref_slice %arg8[%add3A_23, %dma_wait3A_184] : memref<10112x32xbf16, #tpu.memory_space<vmem_shared>> -> memref<120x32xbf16, #tpu.memory_space<vmem_shared>>
      %dma_wait3A_186 = arith.constant 0 : i32
      %dma_wait3A_187 = arith.constant 0 : i32
      %dma_wait3A_188 = tpu.memref_slice %arg7[%run_scoped3A_24, %dma_wait3A_186, %dma_wait3A_187] : memref<4x500x32xbf16, #tpu.memory_space<vmem>> -> memref<1x128x32xbf16, #tpu.memory_space<vmem>>
      %dma_wait3A_189 = tpu.memref_squeeze %dma_wait3A_188 : memref<1x128x32xbf16, #tpu.memory_space<vmem>> -> memref<128x32xbf16, #tpu.memory_space<vmem>>
      %dma_wait3A_190 = arith.constant 0 : i32
      %dma_wait3A_191 = arith.constant 0 : i32
      %dma_wait3A_192 = tpu.memref_slice %dma_wait3A_189[%dma_wait3A_190, %dma_wait3A_191] : memref<128x32xbf16, #tpu.memory_space<vmem>> -> memref<120x32xbf16, #tpu.memory_space<vmem>>
      tpu.wait_dma2 semaphore(%run_scoped3A_156 : memref<!tpu.dma_semaphore, #tpu.memory_space<semaphore_mem>>) src(%dma_wait3A_192 : memref<120x32xbf16, #tpu.memory_space<vmem>>) dst(%dma_wait3A_185 : memref<120x32xbf16, #tpu.memory_space<vmem_shared>>)
      tpu.yield
    }) : () -> ()
    %barrier3A = arith.constant 0 : index
    tpu.barrier barrier_id(%barrier3A)
    %mul3A_25 = arith.constant 40 : i32
    %mul3A_26 = arith.muli %arg1, %mul3A_25 : i32
    %add3A_27 = arith.constant 0 : i32
    %add3A_28 = arith.addi %mul3A_26, %add3A_27 : i32
    %run_scoped3A_29 = arith.constant 0 : i32
    "tpu.region"() ({
      %run_scoped3A_156 = tpu.sem_alloc : memref<!tpu.dma_semaphore, #tpu.memory_space<semaphore_mem>>
      %dma_start3A_157 = arith.constant 0 : i32
      %dma_start3A_158 = tpu.memref_slice %arg3[%run_scoped3A_29, %add3A_28, %dma_start3A_157] : memref<2x640x500xi32, #tpu.memory_space<hbm>> -> memref<1x20x500xi32, #tpu.memory_space<hbm>>
      %dma_start3A_159 = tpu.memref_squeeze %dma_start3A_158 : memref<1x20x500xi32, #tpu.memory_space<hbm>> -> memref<20x500xi32, #tpu.memory_space<hbm>>
      %dma_start3A_160 = arith.constant 0 : i32
      %dma_start3A_161 = tpu.memref_slice %arg3[%run_scoped3A_29, %add3A_28, %dma_start3A_160] : memref<2x640x500xi32, #tpu.memory_space<hbm>> -> memref<1x20x500xi32, #tpu.memory_space<hbm>>
      %dma_start3A_162 = tpu.memref_squeeze %dma_start3A_161 : memref<1x20x500xi32, #tpu.memory_space<hbm>> -> memref<20x500xi32, #tpu.memory_space<hbm>>
      tpu.enqueue_dma source(%dma_start3A_162 : memref<20x500xi32, #tpu.memory_space<hbm>>) target(%arg5 : memref<20x500xi32, #tpu.memory_space<vmem>>) target_semaphore(%run_scoped3A_156 : memref<!tpu.dma_semaphore, #tpu.memory_space<semaphore_mem>>)
      %dma_wait3A_163 = arith.constant 0 : i32
      %dma_wait3A_164 = tpu.memref_slice %arg3[%run_scoped3A_29, %add3A_28, %dma_wait3A_163] : memref<2x640x500xi32, #tpu.memory_space<hbm>> -> memref<1x20x500xi32, #tpu.memory_space<hbm>>
      %dma_wait3A_165 = tpu.memref_squeeze %dma_wait3A_164 : memref<1x20x500xi32, #tpu.memory_space<hbm>> -> memref<20x500xi32, #tpu.memory_space<hbm>>
      %dma_wait3A_166 = arith.constant 0 : i32
      %dma_wait3A_167 = tpu.memref_slice %arg3[%run_scoped3A_29, %add3A_28, %dma_wait3A_166] : memref<2x640x500xi32, #tpu.memory_space<hbm>> -> memref<1x20x500xi32, #tpu.memory_space<hbm>>
      %dma_wait3A_168 = tpu.memref_squeeze %dma_wait3A_167 : memref<1x20x500xi32, #tpu.memory_space<hbm>> -> memref<20x500xi32, #tpu.memory_space<hbm>>
      tpu.wait_dma2 semaphore(%run_scoped3A_156 : memref<!tpu.dma_semaphore, #tpu.memory_space<semaphore_mem>>) src(%dma_wait3A_168 : memref<20x500xi32, #tpu.memory_space<hbm>>) dst(%arg5 : memref<20x500xi32, #tpu.memory_space<vmem>>)
      tpu.yield
    }) : () -> ()
    %run_scoped3A_30 = arith.constant 1 : i32
    "tpu.region"() ({
      %run_scoped3A_156 = tpu.sem_alloc : memref<!tpu.dma_semaphore, #tpu.memory_space<semaphore_mem>>
      %dma_start3A_157 = arith.constant 0 : i32
      %dma_start3A_158 = tpu.memref_slice %arg3[%run_scoped3A_30, %add3A_28, %dma_start3A_157] : memref<2x640x500xi32, #tpu.memory_space<hbm>> -> memref<1x20x500xi32, #tpu.memory_space<hbm>>
      %dma_start3A_159 = tpu.memref_squeeze %dma_start3A_158 : memref<1x20x500xi32, #tpu.memory_space<hbm>> -> memref<20x500xi32, #tpu.memory_space<hbm>>
      %dma_start3A_160 = arith.constant 0 : i32
      %dma_start3A_161 = tpu.memref_slice %arg3[%run_scoped3A_30, %add3A_28, %dma_start3A_160] : memref<2x640x500xi32, #tpu.memory_space<hbm>> -> memref<1x20x500xi32, #tpu.memory_space<hbm>>
      %dma_start3A_162 = tpu.memref_squeeze %dma_start3A_161 : memref<1x20x500xi32, #tpu.memory_space<hbm>> -> memref<20x500xi32, #tpu.memory_space<hbm>>
      tpu.enqueue_dma source(%dma_start3A_162 : memref<20x500xi32, #tpu.memory_space<hbm>>) target(%arg6 : memref<20x500xi32, #tpu.memory_space<vmem>>) target_semaphore(%run_scoped3A_156 : memref<!tpu.dma_semaphore, #tpu.memory_space<semaphore_mem>>)
      %dma_wait3A_163 = arith.constant 0 : i32
      %dma_wait3A_164 = tpu.memref_slice %arg3[%run_scoped3A_30, %add3A_28, %dma_wait3A_163] : memref<2x640x500xi32, #tpu.memory_space<hbm>> -> memref<1x20x500xi32, #tpu.memory_space<hbm>>
      %dma_wait3A_165 = tpu.memref_squeeze %dma_wait3A_164 : memref<1x20x500xi32, #tpu.memory_space<hbm>> -> memref<20x500xi32, #tpu.memory_space<hbm>>
      %dma_wait3A_166 = arith.constant 0 : i32
      %dma_wait3A_167 = tpu.memref_slice %arg3[%run_scoped3A_30, %add3A_28, %dma_wait3A_166] : memref<2x640x500xi32, #tpu.memory_space<hbm>> -> memref<1x20x500xi32, #tpu.memory_space<hbm>>
      %dma_wait3A_168 = tpu.memref_squeeze %dma_wait3A_167 : memref<1x20x500xi32, #tpu.memory_space<hbm>> -> memref<20x500xi32, #tpu.memory_space<hbm>>
      tpu.wait_dma2 semaphore(%run_scoped3A_156 : memref<!tpu.dma_semaphore, #tpu.memory_space<semaphore_mem>>) src(%dma_wait3A_168 : memref<20x500xi32, #tpu.memory_space<hbm>>) dst(%arg6 : memref<20x500xi32, #tpu.memory_space<vmem>>)
      tpu.yield
    }) : () -> ()
    %dma_start3A = arith.constant 0 : i32
    %dma_start3A_31 = arith.constant 0 : i32
    %dma_start3A_32 = arith.constant 0 : i32
    %dma_start3A_33 = arith.constant 0 : i32
    %dma_start3A_34 = tpu.memref_slice %arg7[%dma_start3A_31, %dma_start3A_32, %dma_start3A_33] : memref<4x500x32xbf16, #tpu.memory_space<vmem>> -> memref<1x500x32xbf16, #tpu.memory_space<vmem>>
    %dma_start3A_35 = tpu.memref_squeeze %dma_start3A_34 : memref<1x500x32xbf16, #tpu.memory_space<vmem>> -> memref<500x32xbf16, #tpu.memory_space<vmem>>
    %dma_start3A_36 = arith.constant 0 : i32
    %dma_start3A_37 = tpu.memref_slice %arg5[%dma_start3A, %dma_start3A_36] : memref<20x500xi32, #tpu.memory_space<vmem>> -> memref<1x500xi32, #tpu.memory_space<vmem>>
    %dma_start3A_38 = tpu.memref_squeeze %dma_start3A_37 : memref<1x500xi32, #tpu.memory_space<vmem>> -> memref<500xi32, #tpu.memory_space<vmem>>
    %dma_start3A_39 = arith.constant 0 : i32
    %dma_start3A_40 = arith.constant 0 : i32
    %dma_start3A_41 = tpu.memref_slice %arg9[%dma_start3A_39, %dma_start3A_40] : memref<10112x32xbf16, #tpu.memory_space<vmem_shared>> -> memref<10112x32xbf16, #tpu.memory_space<vmem_shared>>
    tpu.enqueue_indirect_dma source(%dma_start3A_41 : memref<10112x32xbf16, #tpu.memory_space<vmem_shared>>) target(%dma_start3A_35 : memref<500x32xbf16, #tpu.memory_space<vmem>>) offsets(%dma_start3A_38 : memref<500xi32, #tpu.memory_space<vmem>>) semaphore(%arg10 : memref<!tpu.dma_semaphore, #tpu.memory_space<semaphore_mem>>)
    %dma_start3A_42 = arith.constant 1 : i32
    %dma_start3A_43 = arith.constant 1 : i32
    %dma_start3A_44 = arith.constant 0 : i32
    %dma_start3A_45 = arith.constant 0 : i32
    %dma_start3A_46 = tpu.memref_slice %arg7[%dma_start3A_43, %dma_start3A_44, %dma_start3A_45] : memref<4x500x32xbf16, #tpu.memory_space<vmem>> -> memref<1x500x32xbf16, #tpu.memory_space<vmem>>
    %dma_start3A_47 = tpu.memref_squeeze %dma_start3A_46 : memref<1x500x32xbf16, #tpu.memory_space<vmem>> -> memref<500x32xbf16, #tpu.memory_space<vmem>>
    %dma_start3A_48 = arith.constant 0 : i32
    %dma_start3A_49 = tpu.memref_slice %arg5[%dma_start3A_42, %dma_start3A_48] : memref<20x500xi32, #tpu.memory_space<vmem>> -> memref<1x500xi32, #tpu.memory_space<vmem>>
    %dma_start3A_50 = tpu.memref_squeeze %dma_start3A_49 : memref<1x500xi32, #tpu.memory_space<vmem>> -> memref<500xi32, #tpu.memory_space<vmem>>
    %dma_start3A_51 = arith.constant 0 : i32
    %dma_start3A_52 = arith.constant 0 : i32
    %dma_start3A_53 = tpu.memref_slice %arg9[%dma_start3A_51, %dma_start3A_52] : memref<10112x32xbf16, #tpu.memory_space<vmem_shared>> -> memref<10112x32xbf16, #tpu.memory_space<vmem_shared>>
    tpu.enqueue_indirect_dma source(%dma_start3A_53 : memref<10112x32xbf16, #tpu.memory_space<vmem_shared>>) target(%dma_start3A_47 : memref<500x32xbf16, #tpu.memory_space<vmem>>) offsets(%dma_start3A_50 : memref<500xi32, #tpu.memory_space<vmem>>) semaphore(%arg11 : memref<!tpu.dma_semaphore, #tpu.memory_space<semaphore_mem>>)
    %dma_start3A_54 = arith.constant 2 : i32
    %dma_start3A_55 = arith.constant 2 : i32
    %dma_start3A_56 = arith.constant 0 : i32
    %dma_start3A_57 = arith.constant 0 : i32
    %dma_start3A_58 = tpu.memref_slice %arg7[%dma_start3A_55, %dma_start3A_56, %dma_start3A_57] : memref<4x500x32xbf16, #tpu.memory_space<vmem>> -> memref<1x500x32xbf16, #tpu.memory_space<vmem>>
    %dma_start3A_59 = tpu.memref_squeeze %dma_start3A_58 : memref<1x500x32xbf16, #tpu.memory_space<vmem>> -> memref<500x32xbf16, #tpu.memory_space<vmem>>
    %dma_start3A_60 = arith.constant 0 : i32
    %dma_start3A_61 = tpu.memref_slice %arg5[%dma_start3A_54, %dma_start3A_60] : memref<20x500xi32, #tpu.memory_space<vmem>> -> memref<1x500xi32, #tpu.memory_space<vmem>>
    %dma_start3A_62 = tpu.memref_squeeze %dma_start3A_61 : memref<1x500xi32, #tpu.memory_space<vmem>> -> memref<500xi32, #tpu.memory_space<vmem>>
    %dma_start3A_63 = arith.constant 0 : i32
    %dma_start3A_64 = arith.constant 0 : i32
    %dma_start3A_65 = tpu.memref_slice %arg9[%dma_start3A_63, %dma_start3A_64] : memref<10112x32xbf16, #tpu.memory_space<vmem_shared>> -> memref<10112x32xbf16, #tpu.memory_space<vmem_shared>>
    tpu.enqueue_indirect_dma source(%dma_start3A_65 : memref<10112x32xbf16, #tpu.memory_space<vmem_shared>>) target(%dma_start3A_59 : memref<500x32xbf16, #tpu.memory_space<vmem>>) offsets(%dma_start3A_62 : memref<500xi32, #tpu.memory_space<vmem>>) semaphore(%arg12 : memref<!tpu.dma_semaphore, #tpu.memory_space<semaphore_mem>>)
    %scan3A_66 = arith.constant 0 : i32
    %scan3A_67 = arith.constant 3 : i32
    %scan3A_68 = arith.constant 1 : i32
    %scan3A_69 = arith.constant 2 : i32
    %scan3A_70 = arith.constant 0 : i32
    %scan3A_71 = arith.constant 0 : i32
    %scan3A_72 = arith.constant 5 : i32
    %scan3A_73 = arith.addi %scan3A_71, %scan3A_72 : i32
    %scan3A_74 = arith.constant 1 : i32
    %scan3A_75 = scf.for %scan3A_156 = %scan3A_71 to %scan3A_73 step %scan3A_74 iter_args(%scan3A_157 = %scan3A_70) -> (i32)  : i32 {
      %mul3A_158 = arith.constant 4 : i32
      %mul3A_159 = arith.muli %mul3A_158, %scan3A_156 : i32
      %add3A_160 = arith.constant 0 : i32
      %add3A_161 = arith.addi %mul3A_159, %add3A_160 : i32
      %dma_wait3A_162 = arith.constant 0 : i32
      %dma_wait3A_163 = arith.constant 0 : i32
      %dma_wait3A_164 = arith.constant 0 : i32
      %dma_wait3A_165 = tpu.memref_slice %arg7[%scan3A_66, %dma_wait3A_163, %dma_wait3A_164] : memref<4x500x32xbf16, #tpu.memory_space<vmem>> -> memref<1x500x32xbf16, #tpu.memory_space<vmem>>
      %dma_wait3A_166 = tpu.memref_squeeze %dma_wait3A_165 : memref<1x500x32xbf16, #tpu.memory_space<vmem>> -> memref<500x32xbf16, #tpu.memory_space<vmem>>
      %dma_wait3A_167 = arith.constant 0 : i32
      %dma_wait3A_168 = tpu.memref_slice %arg5[%dma_wait3A_162, %dma_wait3A_167] : memref<20x500xi32, #tpu.memory_space<vmem>> -> memref<1x500xi32, #tpu.memory_space<vmem>>
      %dma_wait3A_169 = tpu.memref_squeeze %dma_wait3A_168 : memref<1x500xi32, #tpu.memory_space<vmem>> -> memref<500xi32, #tpu.memory_space<vmem>>
      %dma_wait3A_170 = arith.constant 0 : i32
      %dma_wait3A_171 = arith.constant 0 : i32
      %dma_wait3A_172 = tpu.memref_slice %arg9[%dma_wait3A_170, %dma_wait3A_171] : memref<10112x32xbf16, #tpu.memory_space<vmem_shared>> -> memref<10112x32xbf16, #tpu.memory_space<vmem_shared>>
      tpu.wait_indirect_dma semaphore(%arg10 : memref<!tpu.dma_semaphore, #tpu.memory_space<semaphore_mem>>) src(%dma_wait3A_172 : memref<10112x32xbf16, #tpu.memory_space<vmem_shared>>) dst(%dma_wait3A_166 : memref<500x32xbf16, #tpu.memory_space<vmem>>)
      %dma_start3A_173 = arith.constant 0 : i32
      %dma_start3A_174 = arith.constant 0 : i32
      %dma_start3A_175 = tpu.memref_slice %arg7[%scan3A_66, %dma_start3A_173, %dma_start3A_174] : memref<4x500x32xbf16, #tpu.memory_space<vmem>> -> memref<1x500x32xbf16, #tpu.memory_space<vmem>>
      %dma_start3A_176 = tpu.memref_squeeze %dma_start3A_175 : memref<1x500x32xbf16, #tpu.memory_space<vmem>> -> memref<500x32xbf16, #tpu.memory_space<vmem>>
      %dma_start3A_177 = arith.constant 0 : i32
      %dma_start3A_178 = tpu.memref_slice %arg6[%add3A_161, %dma_start3A_177] : memref<20x500xi32, #tpu.memory_space<vmem>> -> memref<1x500xi32, #tpu.memory_space<vmem>>
      %dma_start3A_179 = tpu.memref_squeeze %dma_start3A_178 : memref<1x500xi32, #tpu.memory_space<vmem>> -> memref<500xi32, #tpu.memory_space<vmem>>
      %dma_start3A_180 = arith.constant 0 : i32
      %dma_start3A_181 = arith.constant 0 : i32
      %dma_start3A_182 = tpu.memref_slice %arg8[%dma_start3A_180, %dma_start3A_181] : memref<10112x32xbf16, #tpu.memory_space<vmem_shared>> -> memref<10112x32xbf16, #tpu.memory_space<vmem_shared>>
      tpu.enqueue_indirect_dma source(%dma_start3A_176 : memref<500x32xbf16, #tpu.memory_space<vmem>>) target(%dma_start3A_182 : memref<10112x32xbf16, #tpu.memory_space<vmem_shared>>) offsets(%dma_start3A_179 : memref<500xi32, #tpu.memory_space<vmem>>) semaphore(%arg14 : memref<!tpu.dma_semaphore, #tpu.memory_space<semaphore_mem>>) {add = true}
      %ge3A = arith.constant 1 : i32
      %ge3A_183 = arith.cmpi sge, %add3A_161, %ge3A : i32
      %convert_element_type3A = arith.extui %ge3A_183 : i1 to i32
      %cond3A = arith.constant 0 : i32
      %cond3A_184 = arith.cmpi ne, %convert_element_type3A, %cond3A : i32
      scf.if %cond3A_184 {
        %dma_wait3A_310 = arith.constant 0 : i32
        %dma_wait3A_311 = arith.constant 0 : i32
        %dma_wait3A_312 = arith.constant 0 : i32
        %dma_wait3A_313 = tpu.memref_slice %arg7[%scan3A_67, %dma_wait3A_311, %dma_wait3A_312] : memref<4x500x32xbf16, #tpu.memory_space<vmem>> -> memref<1x500x32xbf16, #tpu.memory_space<vmem>>
        %dma_wait3A_314 = tpu.memref_squeeze %dma_wait3A_313 : memref<1x500x32xbf16, #tpu.memory_space<vmem>> -> memref<500x32xbf16, #tpu.memory_space<vmem>>
        %dma_wait3A_315 = arith.constant 0 : i32
        %dma_wait3A_316 = tpu.memref_slice %arg6[%dma_wait3A_310, %dma_wait3A_315] : memref<20x500xi32, #tpu.memory_space<vmem>> -> memref<1x500xi32, #tpu.memory_space<vmem>>
        %dma_wait3A_317 = tpu.memref_squeeze %dma_wait3A_316 : memref<1x500xi32, #tpu.memory_space<vmem>> -> memref<500xi32, #tpu.memory_space<vmem>>
        %dma_wait3A_318 = arith.constant 0 : i32
        %dma_wait3A_319 = arith.constant 0 : i32
        %dma_wait3A_320 = tpu.memref_slice %arg8[%dma_wait3A_318, %dma_wait3A_319] : memref<10112x32xbf16, #tpu.memory_space<vmem_shared>> -> memref<10112x32xbf16, #tpu.memory_space<vmem_shared>>
        tpu.wait_indirect_dma semaphore(%arg17 : memref<!tpu.dma_semaphore, #tpu.memory_space<semaphore_mem>>) src(%dma_wait3A_314 : memref<500x32xbf16, #tpu.memory_space<vmem>>) dst(%dma_wait3A_320 : memref<10112x32xbf16, #tpu.memory_space<vmem_shared>>)
      } else {
      }
      %add3A_185 = arith.constant 4 : i32
      %add3A_186 = arith.addi %add3A_161, %add3A_185 : i32
      %sub3A = arith.constant 1 : i32
      %sub3A_187 = arith.subi %add3A_186, %sub3A : i32
      %lt3A = arith.constant 20 : i32
      %lt3A_188 = arith.cmpi slt, %sub3A_187, %lt3A : i32
      %convert_element_type3A_189 = arith.extui %lt3A_188 : i1 to i32
      %cond3A_190 = arith.constant 0 : i32
      %cond3A_191 = arith.cmpi ne, %convert_element_type3A_189, %cond3A_190 : i32
      scf.if %cond3A_191 {
        %add3A_310 = arith.constant 4 : i32
        %add3A_311 = arith.addi %add3A_161, %add3A_310 : i32
        %sub3A_312 = arith.constant 1 : i32
        %sub3A_313 = arith.subi %add3A_311, %sub3A_312 : i32
        %dma_start3A_314 = arith.constant 0 : i32
        %dma_start3A_315 = arith.constant 0 : i32
        %dma_start3A_316 = tpu.memref_slice %arg7[%scan3A_67, %dma_start3A_314, %dma_start3A_315] : memref<4x500x32xbf16, #tpu.memory_space<vmem>> -> memref<1x500x32xbf16, #tpu.memory_space<vmem>>
        %dma_start3A_317 = tpu.memref_squeeze %dma_start3A_316 : memref<1x500x32xbf16, #tpu.memory_space<vmem>> -> memref<500x32xbf16, #tpu.memory_space<vmem>>
        %dma_start3A_318 = arith.constant 0 : i32
        %dma_start3A_319 = tpu.memref_slice %arg5[%sub3A_313, %dma_start3A_318] : memref<20x500xi32, #tpu.memory_space<vmem>> -> memref<1x500xi32, #tpu.memory_space<vmem>>
        %dma_start3A_320 = tpu.memref_squeeze %dma_start3A_319 : memref<1x500xi32, #tpu.memory_space<vmem>> -> memref<500xi32, #tpu.memory_space<vmem>>
        %dma_start3A_321 = arith.constant 0 : i32
        %dma_start3A_322 = arith.constant 0 : i32
        %dma_start3A_323 = tpu.memref_slice %arg9[%dma_start3A_321, %dma_start3A_322] : memref<10112x32xbf16, #tpu.memory_space<vmem_shared>> -> memref<10112x32xbf16, #tpu.memory_space<vmem_shared>>
        tpu.enqueue_indirect_dma source(%dma_start3A_323 : memref<10112x32xbf16, #tpu.memory_space<vmem_shared>>) target(%dma_start3A_317 : memref<500x32xbf16, #tpu.memory_space<vmem>>) offsets(%dma_start3A_320 : memref<500xi32, #tpu.memory_space<vmem>>) semaphore(%arg13 : memref<!tpu.dma_semaphore, #tpu.memory_space<semaphore_mem>>)
      } else {
      }
      %mul3A_192 = arith.constant 4 : i32
      %mul3A_193 = arith.muli %mul3A_192, %scan3A_156 : i32
      %add3A_194 = arith.constant 1 : i32
      %add3A_195 = arith.addi %mul3A_193, %add3A_194 : i32
      %dma_wait3A_196 = arith.constant 0 : i32
      %dma_wait3A_197 = arith.constant 0 : i32
      %dma_wait3A_198 = arith.constant 0 : i32
      %dma_wait3A_199 = tpu.memref_slice %arg7[%scan3A_68, %dma_wait3A_197, %dma_wait3A_198] : memref<4x500x32xbf16, #tpu.memory_space<vmem>> -> memref<1x500x32xbf16, #tpu.memory_space<vmem>>
      %dma_wait3A_200 = tpu.memref_squeeze %dma_wait3A_199 : memref<1x500x32xbf16, #tpu.memory_space<vmem>> -> memref<500x32xbf16, #tpu.memory_space<vmem>>
      %dma_wait3A_201 = arith.constant 0 : i32
      %dma_wait3A_202 = tpu.memref_slice %arg5[%dma_wait3A_196, %dma_wait3A_201] : memref<20x500xi32, #tpu.memory_space<vmem>> -> memref<1x500xi32, #tpu.memory_space<vmem>>
      %dma_wait3A_203 = tpu.memref_squeeze %dma_wait3A_202 : memref<1x500xi32, #tpu.memory_space<vmem>> -> memref<500xi32, #tpu.memory_space<vmem>>
      %dma_wait3A_204 = arith.constant 0 : i32
      %dma_wait3A_205 = arith.constant 0 : i32
      %dma_wait3A_206 = tpu.memref_slice %arg9[%dma_wait3A_204, %dma_wait3A_205] : memref<10112x32xbf16, #tpu.memory_space<vmem_shared>> -> memref<10112x32xbf16, #tpu.memory_space<vmem_shared>>
      tpu.wait_indirect_dma semaphore(%arg11 : memref<!tpu.dma_semaphore, #tpu.memory_space<semaphore_mem>>) src(%dma_wait3A_206 : memref<10112x32xbf16, #tpu.memory_space<vmem_shared>>) dst(%dma_wait3A_200 : memref<500x32xbf16, #tpu.memory_space<vmem>>)
      %dma_start3A_207 = arith.constant 0 : i32
      %dma_start3A_208 = arith.constant 0 : i32
      %dma_start3A_209 = tpu.memref_slice %arg7[%scan3A_68, %dma_start3A_207, %dma_start3A_208] : memref<4x500x32xbf16, #tpu.memory_space<vmem>> -> memref<1x500x32xbf16, #tpu.memory_space<vmem>>
      %dma_start3A_210 = tpu.memref_squeeze %dma_start3A_209 : memref<1x500x32xbf16, #tpu.memory_space<vmem>> -> memref<500x32xbf16, #tpu.memory_space<vmem>>
      %dma_start3A_211 = arith.constant 0 : i32
      %dma_start3A_212 = tpu.memref_slice %arg6[%add3A_195, %dma_start3A_211] : memref<20x500xi32, #tpu.memory_space<vmem>> -> memref<1x500xi32, #tpu.memory_space<vmem>>
      %dma_start3A_213 = tpu.memref_squeeze %dma_start3A_212 : memref<1x500xi32, #tpu.memory_space<vmem>> -> memref<500xi32, #tpu.memory_space<vmem>>
      %dma_start3A_214 = arith.constant 0 : i32
      %dma_start3A_215 = arith.constant 0 : i32
      %dma_start3A_216 = tpu.memref_slice %arg8[%dma_start3A_214, %dma_start3A_215] : memref<10112x32xbf16, #tpu.memory_space<vmem_shared>> -> memref<10112x32xbf16, #tpu.memory_space<vmem_shared>>
      tpu.enqueue_indirect_dma source(%dma_start3A_210 : memref<500x32xbf16, #tpu.memory_space<vmem>>) target(%dma_start3A_216 : memref<10112x32xbf16, #tpu.memory_space<vmem_shared>>) offsets(%dma_start3A_213 : memref<500xi32, #tpu.memory_space<vmem>>) semaphore(%arg15 : memref<!tpu.dma_semaphore, #tpu.memory_space<semaphore_mem>>) {add = true}
      %ge3A_217 = arith.constant 1 : i32
      %ge3A_218 = arith.cmpi sge, %add3A_195, %ge3A_217 : i32
      %convert_element_type3A_219 = arith.extui %ge3A_218 : i1 to i32
      %cond3A_220 = arith.constant 0 : i32
      %cond3A_221 = arith.cmpi ne, %convert_element_type3A_219, %cond3A_220 : i32
      scf.if %cond3A_221 {
        %dma_wait3A_310 = arith.constant 0 : i32
        %dma_wait3A_311 = arith.constant 0 : i32
        %dma_wait3A_312 = arith.constant 0 : i32
        %dma_wait3A_313 = tpu.memref_slice %arg7[%scan3A_66, %dma_wait3A_311, %dma_wait3A_312] : memref<4x500x32xbf16, #tpu.memory_space<vmem>> -> memref<1x500x32xbf16, #tpu.memory_space<vmem>>
        %dma_wait3A_314 = tpu.memref_squeeze %dma_wait3A_313 : memref<1x500x32xbf16, #tpu.memory_space<vmem>> -> memref<500x32xbf16, #tpu.memory_space<vmem>>
        %dma_wait3A_315 = arith.constant 0 : i32
        %dma_wait3A_316 = tpu.memref_slice %arg6[%dma_wait3A_310, %dma_wait3A_315] : memref<20x500xi32, #tpu.memory_space<vmem>> -> memref<1x500xi32, #tpu.memory_space<vmem>>
        %dma_wait3A_317 = tpu.memref_squeeze %dma_wait3A_316 : memref<1x500xi32, #tpu.memory_space<vmem>> -> memref<500xi32, #tpu.memory_space<vmem>>
        %dma_wait3A_318 = arith.constant 0 : i32
        %dma_wait3A_319 = arith.constant 0 : i32
        %dma_wait3A_320 = tpu.memref_slice %arg8[%dma_wait3A_318, %dma_wait3A_319] : memref<10112x32xbf16, #tpu.memory_space<vmem_shared>> -> memref<10112x32xbf16, #tpu.memory_space<vmem_shared>>
        tpu.wait_indirect_dma semaphore(%arg14 : memref<!tpu.dma_semaphore, #tpu.memory_space<semaphore_mem>>) src(%dma_wait3A_314 : memref<500x32xbf16, #tpu.memory_space<vmem>>) dst(%dma_wait3A_320 : memref<10112x32xbf16, #tpu.memory_space<vmem_shared>>)
      } else {
      }
      %add3A_222 = arith.constant 4 : i32
      %add3A_223 = arith.addi %add3A_195, %add3A_222 : i32
      %sub3A_224 = arith.constant 1 : i32
      %sub3A_225 = arith.subi %add3A_223, %sub3A_224 : i32
      %lt3A_226 = arith.constant 20 : i32
      %lt3A_227 = arith.cmpi slt, %sub3A_225, %lt3A_226 : i32
      %convert_element_type3A_228 = arith.extui %lt3A_227 : i1 to i32
      %cond3A_229 = arith.constant 0 : i32
      %cond3A_230 = arith.cmpi ne, %convert_element_type3A_228, %cond3A_229 : i32
      scf.if %cond3A_230 {
        %add3A_310 = arith.constant 4 : i32
        %add3A_311 = arith.addi %add3A_195, %add3A_310 : i32
        %sub3A_312 = arith.constant 1 : i32
        %sub3A_313 = arith.subi %add3A_311, %sub3A_312 : i32
        %dma_start3A_314 = arith.constant 0 : i32
        %dma_start3A_315 = arith.constant 0 : i32
        %dma_start3A_316 = tpu.memref_slice %arg7[%scan3A_66, %dma_start3A_314, %dma_start3A_315] : memref<4x500x32xbf16, #tpu.memory_space<vmem>> -> memref<1x500x32xbf16, #tpu.memory_space<vmem>>
        %dma_start3A_317 = tpu.memref_squeeze %dma_start3A_316 : memref<1x500x32xbf16, #tpu.memory_space<vmem>> -> memref<500x32xbf16, #tpu.memory_space<vmem>>
        %dma_start3A_318 = arith.constant 0 : i32
        %dma_start3A_319 = tpu.memref_slice %arg5[%sub3A_313, %dma_start3A_318] : memref<20x500xi32, #tpu.memory_space<vmem>> -> memref<1x500xi32, #tpu.memory_space<vmem>>
        %dma_start3A_320 = tpu.memref_squeeze %dma_start3A_319 : memref<1x500xi32, #tpu.memory_space<vmem>> -> memref<500xi32, #tpu.memory_space<vmem>>
        %dma_start3A_321 = arith.constant 0 : i32
        %dma_start3A_322 = arith.constant 0 : i32
        %dma_start3A_323 = tpu.memref_slice %arg9[%dma_start3A_321, %dma_start3A_322] : memref<10112x32xbf16, #tpu.memory_space<vmem_shared>> -> memref<10112x32xbf16, #tpu.memory_space<vmem_shared>>
        tpu.enqueue_indirect_dma source(%dma_start3A_323 : memref<10112x32xbf16, #tpu.memory_space<vmem_shared>>) target(%dma_start3A_317 : memref<500x32xbf16, #tpu.memory_space<vmem>>) offsets(%dma_start3A_320 : memref<500xi32, #tpu.memory_space<vmem>>) semaphore(%arg10 : memref<!tpu.dma_semaphore, #tpu.memory_space<semaphore_mem>>)
      } else {
      }
      %mul3A_231 = arith.constant 4 : i32
      %mul3A_232 = arith.muli %mul3A_231, %scan3A_156 : i32
      %add3A_233 = arith.constant 2 : i32
      %add3A_234 = arith.addi %mul3A_232, %add3A_233 : i32
      %dma_wait3A_235 = arith.constant 0 : i32
      %dma_wait3A_236 = arith.constant 0 : i32
      %dma_wait3A_237 = arith.constant 0 : i32
      %dma_wait3A_238 = tpu.memref_slice %arg7[%scan3A_69, %dma_wait3A_236, %dma_wait3A_237] : memref<4x500x32xbf16, #tpu.memory_space<vmem>> -> memref<1x500x32xbf16, #tpu.memory_space<vmem>>
      %dma_wait3A_239 = tpu.memref_squeeze %dma_wait3A_238 : memref<1x500x32xbf16, #tpu.memory_space<vmem>> -> memref<500x32xbf16, #tpu.memory_space<vmem>>
      %dma_wait3A_240 = arith.constant 0 : i32
      %dma_wait3A_241 = tpu.memref_slice %arg5[%dma_wait3A_235, %dma_wait3A_240] : memref<20x500xi32, #tpu.memory_space<vmem>> -> memref<1x500xi32, #tpu.memory_space<vmem>>
      %dma_wait3A_242 = tpu.memref_squeeze %dma_wait3A_241 : memref<1x500xi32, #tpu.memory_space<vmem>> -> memref<500xi32, #tpu.memory_space<vmem>>
      %dma_wait3A_243 = arith.constant 0 : i32
      %dma_wait3A_244 = arith.constant 0 : i32
      %dma_wait3A_245 = tpu.memref_slice %arg9[%dma_wait3A_243, %dma_wait3A_244] : memref<10112x32xbf16, #tpu.memory_space<vmem_shared>> -> memref<10112x32xbf16, #tpu.memory_space<vmem_shared>>
      tpu.wait_indirect_dma semaphore(%arg12 : memref<!tpu.dma_semaphore, #tpu.memory_space<semaphore_mem>>) src(%dma_wait3A_245 : memref<10112x32xbf16, #tpu.memory_space<vmem_shared>>) dst(%dma_wait3A_239 : memref<500x32xbf16, #tpu.memory_space<vmem>>)
      %dma_start3A_246 = arith.constant 0 : i32
      %dma_start3A_247 = arith.constant 0 : i32
      %dma_start3A_248 = tpu.memref_slice %arg7[%scan3A_69, %dma_start3A_246, %dma_start3A_247] : memref<4x500x32xbf16, #tpu.memory_space<vmem>> -> memref<1x500x32xbf16, #tpu.memory_space<vmem>>
      %dma_start3A_249 = tpu.memref_squeeze %dma_start3A_248 : memref<1x500x32xbf16, #tpu.memory_space<vmem>> -> memref<500x32xbf16, #tpu.memory_space<vmem>>
      %dma_start3A_250 = arith.constant 0 : i32
      %dma_start3A_251 = tpu.memref_slice %arg6[%add3A_234, %dma_start3A_250] : memref<20x500xi32, #tpu.memory_space<vmem>> -> memref<1x500xi32, #tpu.memory_space<vmem>>
      %dma_start3A_252 = tpu.memref_squeeze %dma_start3A_251 : memref<1x500xi32, #tpu.memory_space<vmem>> -> memref<500xi32, #tpu.memory_space<vmem>>
      %dma_start3A_253 = arith.constant 0 : i32
      %dma_start3A_254 = arith.constant 0 : i32
      %dma_start3A_255 = tpu.memref_slice %arg8[%dma_start3A_253, %dma_start3A_254] : memref<10112x32xbf16, #tpu.memory_space<vmem_shared>> -> memref<10112x32xbf16, #tpu.memory_space<vmem_shared>>
      tpu.enqueue_indirect_dma source(%dma_start3A_249 : memref<500x32xbf16, #tpu.memory_space<vmem>>) target(%dma_start3A_255 : memref<10112x32xbf16, #tpu.memory_space<vmem_shared>>) offsets(%dma_start3A_252 : memref<500xi32, #tpu.memory_space<vmem>>) semaphore(%arg16 : memref<!tpu.dma_semaphore, #tpu.memory_space<semaphore_mem>>) {add = true}
      %ge3A_256 = arith.constant 1 : i32
      %ge3A_257 = arith.cmpi sge, %add3A_234, %ge3A_256 : i32
      %convert_element_type3A_258 = arith.extui %ge3A_257 : i1 to i32
      %cond3A_259 = arith.constant 0 : i32
      %cond3A_260 = arith.cmpi ne, %convert_element_type3A_258, %cond3A_259 : i32
      scf.if %cond3A_260 {
        %dma_wait3A_310 = arith.constant 0 : i32
        %dma_wait3A_311 = arith.constant 0 : i32
        %dma_wait3A_312 = arith.constant 0 : i32
        %dma_wait3A_313 = tpu.memref_slice %arg7[%scan3A_68, %dma_wait3A_311, %dma_wait3A_312] : memref<4x500x32xbf16, #tpu.memory_space<vmem>> -> memref<1x500x32xbf16, #tpu.memory_space<vmem>>
        %dma_wait3A_314 = tpu.memref_squeeze %dma_wait3A_313 : memref<1x500x32xbf16, #tpu.memory_space<vmem>> -> memref<500x32xbf16, #tpu.memory_space<vmem>>
        %dma_wait3A_315 = arith.constant 0 : i32
        %dma_wait3A_316 = tpu.memref_slice %arg6[%dma_wait3A_310, %dma_wait3A_315] : memref<20x500xi32, #tpu.memory_space<vmem>> -> memref<1x500xi32, #tpu.memory_space<vmem>>
        %dma_wait3A_317 = tpu.memref_squeeze %dma_wait3A_316 : memref<1x500xi32, #tpu.memory_space<vmem>> -> memref<500xi32, #tpu.memory_space<vmem>>
        %dma_wait3A_318 = arith.constant 0 : i32
        %dma_wait3A_319 = arith.constant 0 : i32
        %dma_wait3A_320 = tpu.memref_slice %arg8[%dma_wait3A_318, %dma_wait3A_319] : memref<10112x32xbf16, #tpu.memory_space<vmem_shared>> -> memref<10112x32xbf16, #tpu.memory_space<vmem_shared>>
        tpu.wait_indirect_dma semaphore(%arg15 : memref<!tpu.dma_semaphore, #tpu.memory_space<semaphore_mem>>) src(%dma_wait3A_314 : memref<500x32xbf16, #tpu.memory_space<vmem>>) dst(%dma_wait3A_320 : memref<10112x32xbf16, #tpu.memory_space<vmem_shared>>)
      } else {
      }
      %add3A_261 = arith.constant 4 : i32
      %add3A_262 = arith.addi %add3A_234, %add3A_261 : i32
      %sub3A_263 = arith.constant 1 : i32
      %sub3A_264 = arith.subi %add3A_262, %sub3A_263 : i32
      %lt3A_265 = arith.constant 20 : i32
      %lt3A_266 = arith.cmpi slt, %sub3A_264, %lt3A_265 : i32
      %convert_element_type3A_267 = arith.extui %lt3A_266 : i1 to i32
      %cond3A_268 = arith.constant 0 : i32
      %cond3A_269 = arith.cmpi ne, %convert_element_type3A_267, %cond3A_268 : i32
      scf.if %cond3A_269 {
        %add3A_310 = arith.constant 4 : i32
        %add3A_311 = arith.addi %add3A_234, %add3A_310 : i32
        %sub3A_312 = arith.constant 1 : i32
        %sub3A_313 = arith.subi %add3A_311, %sub3A_312 : i32
        %dma_start3A_314 = arith.constant 0 : i32
        %dma_start3A_315 = arith.constant 0 : i32
        %dma_start3A_316 = tpu.memref_slice %arg7[%scan3A_68, %dma_start3A_314, %dma_start3A_315] : memref<4x500x32xbf16, #tpu.memory_space<vmem>> -> memref<1x500x32xbf16, #tpu.memory_space<vmem>>
        %dma_start3A_317 = tpu.memref_squeeze %dma_start3A_316 : memref<1x500x32xbf16, #tpu.memory_space<vmem>> -> memref<500x32xbf16, #tpu.memory_space<vmem>>
        %dma_start3A_318 = arith.constant 0 : i32
        %dma_start3A_319 = tpu.memref_slice %arg5[%sub3A_313, %dma_start3A_318] : memref<20x500xi32, #tpu.memory_space<vmem>> -> memref<1x500xi32, #tpu.memory_space<vmem>>
        %dma_start3A_320 = tpu.memref_squeeze %dma_start3A_319 : memref<1x500xi32, #tpu.memory_space<vmem>> -> memref<500xi32, #tpu.memory_space<vmem>>
        %dma_start3A_321 = arith.constant 0 : i32
        %dma_start3A_322 = arith.constant 0 : i32
        %dma_start3A_323 = tpu.memref_slice %arg9[%dma_start3A_321, %dma_start3A_322] : memref<10112x32xbf16, #tpu.memory_space<vmem_shared>> -> memref<10112x32xbf16, #tpu.memory_space<vmem_shared>>
        tpu.enqueue_indirect_dma source(%dma_start3A_323 : memref<10112x32xbf16, #tpu.memory_space<vmem_shared>>) target(%dma_start3A_317 : memref<500x32xbf16, #tpu.memory_space<vmem>>) offsets(%dma_start3A_320 : memref<500xi32, #tpu.memory_space<vmem>>) semaphore(%arg11 : memref<!tpu.dma_semaphore, #tpu.memory_space<semaphore_mem>>)
      } else {
      }
      %mul3A_270 = arith.constant 4 : i32
      %mul3A_271 = arith.muli %mul3A_270, %scan3A_156 : i32
      %add3A_272 = arith.constant 3 : i32
      %add3A_273 = arith.addi %mul3A_271, %add3A_272 : i32
      %dma_wait3A_274 = arith.constant 0 : i32
      %dma_wait3A_275 = arith.constant 0 : i32
      %dma_wait3A_276 = arith.constant 0 : i32
      %dma_wait3A_277 = tpu.memref_slice %arg7[%scan3A_67, %dma_wait3A_275, %dma_wait3A_276] : memref<4x500x32xbf16, #tpu.memory_space<vmem>> -> memref<1x500x32xbf16, #tpu.memory_space<vmem>>
      %dma_wait3A_278 = tpu.memref_squeeze %dma_wait3A_277 : memref<1x500x32xbf16, #tpu.memory_space<vmem>> -> memref<500x32xbf16, #tpu.memory_space<vmem>>
      %dma_wait3A_279 = arith.constant 0 : i32
      %dma_wait3A_280 = tpu.memref_slice %arg5[%dma_wait3A_274, %dma_wait3A_279] : memref<20x500xi32, #tpu.memory_space<vmem>> -> memref<1x500xi32, #tpu.memory_space<vmem>>
      %dma_wait3A_281 = tpu.memref_squeeze %dma_wait3A_280 : memref<1x500xi32, #tpu.memory_space<vmem>> -> memref<500xi32, #tpu.memory_space<vmem>>
      %dma_wait3A_282 = arith.constant 0 : i32
      %dma_wait3A_283 = arith.constant 0 : i32
      %dma_wait3A_284 = tpu.memref_slice %arg9[%dma_wait3A_282, %dma_wait3A_283] : memref<10112x32xbf16, #tpu.memory_space<vmem_shared>> -> memref<10112x32xbf16, #tpu.memory_space<vmem_shared>>
      tpu.wait_indirect_dma semaphore(%arg13 : memref<!tpu.dma_semaphore, #tpu.memory_space<semaphore_mem>>) src(%dma_wait3A_284 : memref<10112x32xbf16, #tpu.memory_space<vmem_shared>>) dst(%dma_wait3A_278 : memref<500x32xbf16, #tpu.memory_space<vmem>>)
      %dma_start3A_285 = arith.constant 0 : i32
      %dma_start3A_286 = arith.constant 0 : i32
      %dma_start3A_287 = tpu.memref_slice %arg7[%scan3A_67, %dma_start3A_285, %dma_start3A_286] : memref<4x500x32xbf16, #tpu.memory_space<vmem>> -> memref<1x500x32xbf16, #tpu.memory_space<vmem>>
      %dma_start3A_288 = tpu.memref_squeeze %dma_start3A_287 : memref<1x500x32xbf16, #tpu.memory_space<vmem>> -> memref<500x32xbf16, #tpu.memory_space<vmem>>
      %dma_start3A_289 = arith.constant 0 : i32
      %dma_start3A_290 = tpu.memref_slice %arg6[%add3A_273, %dma_start3A_289] : memref<20x500xi32, #tpu.memory_space<vmem>> -> memref<1x500xi32, #tpu.memory_space<vmem>>
      %dma_start3A_291 = tpu.memref_squeeze %dma_start3A_290 : memref<1x500xi32, #tpu.memory_space<vmem>> -> memref<500xi32, #tpu.memory_space<vmem>>
      %dma_start3A_292 = arith.constant 0 : i32
      %dma_start3A_293 = arith.constant 0 : i32
      %dma_start3A_294 = tpu.memref_slice %arg8[%dma_start3A_292, %dma_start3A_293] : memref<10112x32xbf16, #tpu.memory_space<vmem_shared>> -> memref<10112x32xbf16, #tpu.memory_space<vmem_shared>>
      tpu.enqueue_indirect_dma source(%dma_start3A_288 : memref<500x32xbf16, #tpu.memory_space<vmem>>) target(%dma_start3A_294 : memref<10112x32xbf16, #tpu.memory_space<vmem_shared>>) offsets(%dma_start3A_291 : memref<500xi32, #tpu.memory_space<vmem>>) semaphore(%arg17 : memref<!tpu.dma_semaphore, #tpu.memory_space<semaphore_mem>>) {add = true}
      %ge3A_295 = arith.constant 1 : i32
      %ge3A_296 = arith.cmpi sge, %add3A_273, %ge3A_295 : i32
      %convert_element_type3A_297 = arith.extui %ge3A_296 : i1 to i32
      %cond3A_298 = arith.constant 0 : i32
      %cond3A_299 = arith.cmpi ne, %convert_element_type3A_297, %cond3A_298 : i32
      scf.if %cond3A_299 {
        %dma_wait3A_310 = arith.constant 0 : i32
        %dma_wait3A_311 = arith.constant 0 : i32
        %dma_wait3A_312 = arith.constant 0 : i32
        %dma_wait3A_313 = tpu.memref_slice %arg7[%scan3A_69, %dma_wait3A_311, %dma_wait3A_312] : memref<4x500x32xbf16, #tpu.memory_space<vmem>> -> memref<1x500x32xbf16, #tpu.memory_space<vmem>>
        %dma_wait3A_314 = tpu.memref_squeeze %dma_wait3A_313 : memref<1x500x32xbf16, #tpu.memory_space<vmem>> -> memref<500x32xbf16, #tpu.memory_space<vmem>>
        %dma_wait3A_315 = arith.constant 0 : i32
        %dma_wait3A_316 = tpu.memref_slice %arg6[%dma_wait3A_310, %dma_wait3A_315] : memref<20x500xi32, #tpu.memory_space<vmem>> -> memref<1x500xi32, #tpu.memory_space<vmem>>
        %dma_wait3A_317 = tpu.memref_squeeze %dma_wait3A_316 : memref<1x500xi32, #tpu.memory_space<vmem>> -> memref<500xi32, #tpu.memory_space<vmem>>
        %dma_wait3A_318 = arith.constant 0 : i32
        %dma_wait3A_319 = arith.constant 0 : i32
        %dma_wait3A_320 = tpu.memref_slice %arg8[%dma_wait3A_318, %dma_wait3A_319] : memref<10112x32xbf16, #tpu.memory_space<vmem_shared>> -> memref<10112x32xbf16, #tpu.memory_space<vmem_shared>>
        tpu.wait_indirect_dma semaphore(%arg16 : memref<!tpu.dma_semaphore, #tpu.memory_space<semaphore_mem>>) src(%dma_wait3A_314 : memref<500x32xbf16, #tpu.memory_space<vmem>>) dst(%dma_wait3A_320 : memref<10112x32xbf16, #tpu.memory_space<vmem_shared>>)
      } else {
      }
      %add3A_300 = arith.constant 4 : i32
      %add3A_301 = arith.addi %add3A_273, %add3A_300 : i32
      %sub3A_302 = arith.constant 1 : i32
      %sub3A_303 = arith.subi %add3A_301, %sub3A_302 : i32
      %lt3A_304 = arith.constant 20 : i32
      %lt3A_305 = arith.cmpi slt, %sub3A_303, %lt3A_304 : i32
      %convert_element_type3A_306 = arith.extui %lt3A_305 : i1 to i32
      %cond3A_307 = arith.constant 0 : i32
      %cond3A_308 = arith.cmpi ne, %convert_element_type3A_306, %cond3A_307 : i32
      scf.if %cond3A_308 {
        %add3A_310 = arith.constant 4 : i32
        %add3A_311 = arith.addi %add3A_273, %add3A_310 : i32
        %sub3A_312 = arith.constant 1 : i32
        %sub3A_313 = arith.subi %add3A_311, %sub3A_312 : i32
        %dma_start3A_314 = arith.constant 0 : i32
        %dma_start3A_315 = arith.constant 0 : i32
        %dma_start3A_316 = tpu.memref_slice %arg7[%scan3A_69, %dma_start3A_314, %dma_start3A_315] : memref<4x500x32xbf16, #tpu.memory_space<vmem>> -> memref<1x500x32xbf16, #tpu.memory_space<vmem>>
        %dma_start3A_317 = tpu.memref_squeeze %dma_start3A_316 : memref<1x500x32xbf16, #tpu.memory_space<vmem>> -> memref<500x32xbf16, #tpu.memory_space<vmem>>
        %dma_start3A_318 = arith.constant 0 : i32
        %dma_start3A_319 = tpu.memref_slice %arg5[%sub3A_313, %dma_start3A_318] : memref<20x500xi32, #tpu.memory_space<vmem>> -> memref<1x500xi32, #tpu.memory_space<vmem>>
        %dma_start3A_320 = tpu.memref_squeeze %dma_start3A_319 : memref<1x500xi32, #tpu.memory_space<vmem>> -> memref<500xi32, #tpu.memory_space<vmem>>
        %dma_start3A_321 = arith.constant 0 : i32
        %dma_start3A_322 = arith.constant 0 : i32
        %dma_start3A_323 = tpu.memref_slice %arg9[%dma_start3A_321, %dma_start3A_322] : memref<10112x32xbf16, #tpu.memory_space<vmem_shared>> -> memref<10112x32xbf16, #tpu.memory_space<vmem_shared>>
        tpu.enqueue_indirect_dma source(%dma_start3A_323 : memref<10112x32xbf16, #tpu.memory_space<vmem_shared>>) target(%dma_start3A_317 : memref<500x32xbf16, #tpu.memory_space<vmem>>) offsets(%dma_start3A_320 : memref<500xi32, #tpu.memory_space<vmem>>) semaphore(%arg12 : memref<!tpu.dma_semaphore, #tpu.memory_space<semaphore_mem>>)
      } else {
      }
      %scan3A_309 = arith.constant 0 : i32
      scf.yield %scan3A_309 : i32
    }
    %scan3A_76 = arith.constant 5 : i32
    %dma_wait3A = arith.constant 3 : i32
    %dma_wait3A_77 = arith.constant 0 : i32
    %dma_wait3A_78 = arith.constant 0 : i32
    %dma_wait3A_79 = arith.constant 0 : i32
    %dma_wait3A_80 = tpu.memref_slice %arg7[%dma_wait3A, %dma_wait3A_78, %dma_wait3A_79] : memref<4x500x32xbf16, #tpu.memory_space<vmem>> -> memref<1x500x32xbf16, #tpu.memory_space<vmem>>
    %dma_wait3A_81 = tpu.memref_squeeze %dma_wait3A_80 : memref<1x500x32xbf16, #tpu.memory_space<vmem>> -> memref<500x32xbf16, #tpu.memory_space<vmem>>
    %dma_wait3A_82 = arith.constant 0 : i32
    %dma_wait3A_83 = tpu.memref_slice %arg6[%dma_wait3A_77, %dma_wait3A_82] : memref<20x500xi32, #tpu.memory_space<vmem>> -> memref<1x500xi32, #tpu.memory_space<vmem>>
    %dma_wait3A_84 = tpu.memref_squeeze %dma_wait3A_83 : memref<1x500xi32, #tpu.memory_space<vmem>> -> memref<500xi32, #tpu.memory_space<vmem>>
    %dma_wait3A_85 = arith.constant 0 : i32
    %dma_wait3A_86 = arith.constant 0 : i32
    %dma_wait3A_87 = tpu.memref_slice %arg8[%dma_wait3A_85, %dma_wait3A_86] : memref<10112x32xbf16, #tpu.memory_space<vmem_shared>> -> memref<10112x32xbf16, #tpu.memory_space<vmem_shared>>
    tpu.wait_indirect_dma semaphore(%arg17 : memref<!tpu.dma_semaphore, #tpu.memory_space<semaphore_mem>>) src(%dma_wait3A_81 : memref<500x32xbf16, #tpu.memory_space<vmem>>) dst(%dma_wait3A_87 : memref<10112x32xbf16, #tpu.memory_space<vmem_shared>>)
    %mul3A_88 = arith.constant 40 : i32
    %mul3A_89 = arith.muli %arg1, %mul3A_88 : i32
    %add3A_90 = arith.constant 20 : i32
    %add3A_91 = arith.addi %mul3A_89, %add3A_90 : i32
    %run_scoped3A_92 = arith.constant 0 : i32
    "tpu.region"() ({
      %run_scoped3A_156 = tpu.sem_alloc : memref<!tpu.dma_semaphore, #tpu.memory_space<semaphore_mem>>
      %dma_start3A_157 = arith.constant 0 : i32
      %dma_start3A_158 = tpu.memref_slice %arg3[%run_scoped3A_92, %add3A_91, %dma_start3A_157] : memref<2x640x500xi32, #tpu.memory_space<hbm>> -> memref<1x20x500xi32, #tpu.memory_space<hbm>>
      %dma_start3A_159 = tpu.memref_squeeze %dma_start3A_158 : memref<1x20x500xi32, #tpu.memory_space<hbm>> -> memref<20x500xi32, #tpu.memory_space<hbm>>
      %dma_start3A_160 = arith.constant 0 : i32
      %dma_start3A_161 = tpu.memref_slice %arg3[%run_scoped3A_92, %add3A_91, %dma_start3A_160] : memref<2x640x500xi32, #tpu.memory_space<hbm>> -> memref<1x20x500xi32, #tpu.memory_space<hbm>>
      %dma_start3A_162 = tpu.memref_squeeze %dma_start3A_161 : memref<1x20x500xi32, #tpu.memory_space<hbm>> -> memref<20x500xi32, #tpu.memory_space<hbm>>
      tpu.enqueue_dma source(%dma_start3A_162 : memref<20x500xi32, #tpu.memory_space<hbm>>) target(%arg5 : memref<20x500xi32, #tpu.memory_space<vmem>>) target_semaphore(%run_scoped3A_156 : memref<!tpu.dma_semaphore, #tpu.memory_space<semaphore_mem>>)
      %dma_wait3A_163 = arith.constant 0 : i32
      %dma_wait3A_164 = tpu.memref_slice %arg3[%run_scoped3A_92, %add3A_91, %dma_wait3A_163] : memref<2x640x500xi32, #tpu.memory_space<hbm>> -> memref<1x20x500xi32, #tpu.memory_space<hbm>>
      %dma_wait3A_165 = tpu.memref_squeeze %dma_wait3A_164 : memref<1x20x500xi32, #tpu.memory_space<hbm>> -> memref<20x500xi32, #tpu.memory_space<hbm>>
      %dma_wait3A_166 = arith.constant 0 : i32
      %dma_wait3A_167 = tpu.memref_slice %arg3[%run_scoped3A_92, %add3A_91, %dma_wait3A_166] : memref<2x640x500xi32, #tpu.memory_space<hbm>> -> memref<1x20x500xi32, #tpu.memory_space<hbm>>
      %dma_wait3A_168 = tpu.memref_squeeze %dma_wait3A_167 : memref<1x20x500xi32, #tpu.memory_space<hbm>> -> memref<20x500xi32, #tpu.memory_space<hbm>>
      tpu.wait_dma2 semaphore(%run_scoped3A_156 : memref<!tpu.dma_semaphore, #tpu.memory_space<semaphore_mem>>) src(%dma_wait3A_168 : memref<20x500xi32, #tpu.memory_space<hbm>>) dst(%arg5 : memref<20x500xi32, #tpu.memory_space<vmem>>)
      tpu.yield
    }) : () -> ()
    %run_scoped3A_93 = arith.constant 1 : i32
    "tpu.region"() ({
      %run_scoped3A_156 = tpu.sem_alloc : memref<!tpu.dma_semaphore, #tpu.memory_space<semaphore_mem>>
      %dma_start3A_157 = arith.constant 0 : i32
      %dma_start3A_158 = tpu.memref_slice %arg3[%run_scoped3A_93, %add3A_91, %dma_start3A_157] : memref<2x640x500xi32, #tpu.memory_space<hbm>> -> memref<1x20x500xi32, #tpu.memory_space<hbm>>
      %dma_start3A_159 = tpu.memref_squeeze %dma_start3A_158 : memref<1x20x500xi32, #tpu.memory_space<hbm>> -> memref<20x500xi32, #tpu.memory_space<hbm>>
      %dma_start3A_160 = arith.constant 0 : i32
      %dma_start3A_161 = tpu.memref_slice %arg3[%run_scoped3A_93, %add3A_91, %dma_start3A_160] : memref<2x640x500xi32, #tpu.memory_space<hbm>> -> memref<1x20x500xi32, #tpu.memory_space<hbm>>
      %dma_start3A_162 = tpu.memref_squeeze %dma_start3A_161 : memref<1x20x500xi32, #tpu.memory_space<hbm>> -> memref<20x500xi32, #tpu.memory_space<hbm>>
      tpu.enqueue_dma source(%dma_start3A_162 : memref<20x500xi32, #tpu.memory_space<hbm>>) target(%arg6 : memref<20x500xi32, #tpu.memory_space<vmem>>) target_semaphore(%run_scoped3A_156 : memref<!tpu.dma_semaphore, #tpu.memory_space<semaphore_mem>>)
      %dma_wait3A_163 = arith.constant 0 : i32
      %dma_wait3A_164 = tpu.memref_slice %arg3[%run_scoped3A_93, %add3A_91, %dma_wait3A_163] : memref<2x640x500xi32, #tpu.memory_space<hbm>> -> memref<1x20x500xi32, #tpu.memory_space<hbm>>
      %dma_wait3A_165 = tpu.memref_squeeze %dma_wait3A_164 : memref<1x20x500xi32, #tpu.memory_space<hbm>> -> memref<20x500xi32, #tpu.memory_space<hbm>>
      %dma_wait3A_166 = arith.constant 0 : i32
      %dma_wait3A_167 = tpu.memref_slice %arg3[%run_scoped3A_93, %add3A_91, %dma_wait3A_166] : memref<2x640x500xi32, #tpu.memory_space<hbm>> -> memref<1x20x500xi32, #tpu.memory_space<hbm>>
      %dma_wait3A_168 = tpu.memref_squeeze %dma_wait3A_167 : memref<1x20x500xi32, #tpu.memory_space<hbm>> -> memref<20x500xi32, #tpu.memory_space<hbm>>
      tpu.wait_dma2 semaphore(%run_scoped3A_156 : memref<!tpu.dma_semaphore, #tpu.memory_space<semaphore_mem>>) src(%dma_wait3A_168 : memref<20x500xi32, #tpu.memory_space<hbm>>) dst(%arg6 : memref<20x500xi32, #tpu.memory_space<vmem>>)
      tpu.yield
    }) : () -> ()
    %dma_start3A_94 = arith.constant 0 : i32
    %dma_start3A_95 = arith.constant 0 : i32
    %dma_start3A_96 = arith.constant 0 : i32
    %dma_start3A_97 = arith.constant 0 : i32
    %dma_start3A_98 = tpu.memref_slice %arg7[%dma_start3A_95, %dma_start3A_96, %dma_start3A_97] : memref<4x500x32xbf16, #tpu.memory_space<vmem>> -> memref<1x500x32xbf16, #tpu.memory_space<vmem>>
    %dma_start3A_99 = tpu.memref_squeeze %dma_start3A_98 : memref<1x500x32xbf16, #tpu.memory_space<vmem>> -> memref<500x32xbf16, #tpu.memory_space<vmem>>
    %dma_start3A_100 = arith.constant 0 : i32
    %dma_start3A_101 = tpu.memref_slice %arg5[%dma_start3A_94, %dma_start3A_100] : memref<20x500xi32, #tpu.memory_space<vmem>> -> memref<1x500xi32, #tpu.memory_space<vmem>>
    %dma_start3A_102 = tpu.memref_squeeze %dma_start3A_101 : memref<1x500xi32, #tpu.memory_space<vmem>> -> memref<500xi32, #tpu.memory_space<vmem>>
    %dma_start3A_103 = arith.constant 0 : i32
    %dma_start3A_104 = arith.constant 0 : i32
    %dma_start3A_105 = tpu.memref_slice %arg9[%dma_start3A_103, %dma_start3A_104] : memref<10112x32xbf16, #tpu.memory_space<vmem_shared>> -> memref<10112x32xbf16, #tpu.memory_space<vmem_shared>>
    tpu.enqueue_indirect_dma source(%dma_start3A_105 : memref<10112x32xbf16, #tpu.memory_space<vmem_shared>>) target(%dma_start3A_99 : memref<500x32xbf16, #tpu.memory_space<vmem>>) offsets(%dma_start3A_102 : memref<500xi32, #tpu.memory_space<vmem>>) semaphore(%arg10 : memref<!tpu.dma_semaphore, #tpu.memory_space<semaphore_mem>>)
    %dma_start3A_106 = arith.constant 1 : i32
    %dma_start3A_107 = arith.constant 1 : i32
    %dma_start3A_108 = arith.constant 0 : i32
    %dma_start3A_109 = arith.constant 0 : i32
    %dma_start3A_110 = tpu.memref_slice %arg7[%dma_start3A_107, %dma_start3A_108, %dma_start3A_109] : memref<4x500x32xbf16, #tpu.memory_space<vmem>> -> memref<1x500x32xbf16, #tpu.memory_space<vmem>>
    %dma_start3A_111 = tpu.memref_squeeze %dma_start3A_110 : memref<1x500x32xbf16, #tpu.memory_space<vmem>> -> memref<500x32xbf16, #tpu.memory_space<vmem>>
    %dma_start3A_112 = arith.constant 0 : i32
    %dma_start3A_113 = tpu.memref_slice %arg5[%dma_start3A_106, %dma_start3A_112] : memref<20x500xi32, #tpu.memory_space<vmem>> -> memref<1x500xi32, #tpu.memory_space<vmem>>
    %dma_start3A_114 = tpu.memref_squeeze %dma_start3A_113 : memref<1x500xi32, #tpu.memory_space<vmem>> -> memref<500xi32, #tpu.memory_space<vmem>>
    %dma_start3A_115 = arith.constant 0 : i32
    %dma_start3A_116 = arith.constant 0 : i32
    %dma_start3A_117 = tpu.memref_slice %arg9[%dma_start3A_115, %dma_start3A_116] : memref<10112x32xbf16, #tpu.memory_space<vmem_shared>> -> memref<10112x32xbf16, #tpu.memory_space<vmem_shared>>
    tpu.enqueue_indirect_dma source(%dma_start3A_117 : memref<10112x32xbf16, #tpu.memory_space<vmem_shared>>) target(%dma_start3A_111 : memref<500x32xbf16, #tpu.memory_space<vmem>>) offsets(%dma_start3A_114 : memref<500xi32, #tpu.memory_space<vmem>>) semaphore(%arg11 : memref<!tpu.dma_semaphore, #tpu.memory_space<semaphore_mem>>)
    %dma_start3A_118 = arith.constant 2 : i32
    %dma_start3A_119 = arith.constant 2 : i32
    %dma_start3A_120 = arith.constant 0 : i32
    %dma_start3A_121 = arith.constant 0 : i32
    %dma_start3A_122 = tpu.memref_slice %arg7[%dma_start3A_119, %dma_start3A_120, %dma_start3A_121] : memref<4x500x32xbf16, #tpu.memory_space<vmem>> -> memref<1x500x32xbf16, #tpu.memory_space<vmem>>
    %dma_start3A_123 = tpu.memref_squeeze %dma_start3A_122 : memref<1x500x32xbf16, #tpu.memory_space<vmem>> -> memref<500x32xbf16, #tpu.memory_space<vmem>>
    %dma_start3A_124 = arith.constant 0 : i32
    %dma_start3A_125 = tpu.memref_slice %arg5[%dma_start3A_118, %dma_start3A_124] : memref<20x500xi32, #tpu.memory_space<vmem>> -> memref<1x500xi32, #tpu.memory_space<vmem>>
    %dma_start3A_126 = tpu.memref_squeeze %dma_start3A_125 : memref<1x500xi32, #tpu.memory_space<vmem>> -> memref<500xi32, #tpu.memory_space<vmem>>
    %dma_start3A_127 = arith.constant 0 : i32
    %dma_start3A_128 = arith.constant 0 : i32
    %dma_start3A_129 = tpu.memref_slice %arg9[%dma_start3A_127, %dma_start3A_128] : memref<10112x32xbf16, #tpu.memory_space<vmem_shared>> -> memref<10112x32xbf16, #tpu.memory_space<vmem_shared>>
    tpu.enqueue_indirect_dma source(%dma_start3A_129 : memref<10112x32xbf16, #tpu.memory_space<vmem_shared>>) target(%dma_start3A_123 : memref<500x32xbf16, #tpu.memory_space<vmem>>) offsets(%dma_start3A_126 : memref<500xi32, #tpu.memory_space<vmem>>) semaphore(%arg12 : memref<!tpu.dma_semaphore, #tpu.memory_space<semaphore_mem>>)
    %scan3A_130 = arith.constant 0 : i32
    %scan3A_131 = arith.constant 3 : i32
    %scan3A_132 = arith.constant 1 : i32
    %scan3A_133 = arith.constant 2 : i32
    %scan3A_134 = arith.constant 0 : i32
    %scan3A_135 = arith.constant 0 : i32
    %scan3A_136 = arith.constant 5 : i32
    %scan3A_137 = arith.addi %scan3A_135, %scan3A_136 : i32
    %scan3A_138 = arith.constant 1 : i32
    %scan3A_139 = scf.for %scan3A_156 = %scan3A_135 to %scan3A_137 step %scan3A_138 iter_args(%scan3A_157 = %scan3A_134) -> (i32)  : i32 {
      %mul3A_158 = arith.constant 4 : i32
      %mul3A_159 = arith.muli %mul3A_158, %scan3A_156 : i32
      %add3A_160 = arith.constant 0 : i32
      %add3A_161 = arith.addi %mul3A_159, %add3A_160 : i32
      %dma_wait3A_162 = arith.constant 0 : i32
      %dma_wait3A_163 = arith.constant 0 : i32
      %dma_wait3A_164 = arith.constant 0 : i32
      %dma_wait3A_165 = tpu.memref_slice %arg7[%scan3A_130, %dma_wait3A_163, %dma_wait3A_164] : memref<4x500x32xbf16, #tpu.memory_space<vmem>> -> memref<1x500x32xbf16, #tpu.memory_space<vmem>>
      %dma_wait3A_166 = tpu.memref_squeeze %dma_wait3A_165 : memref<1x500x32xbf16, #tpu.memory_space<vmem>> -> memref<500x32xbf16, #tpu.memory_space<vmem>>
      %dma_wait3A_167 = arith.constant 0 : i32
      %dma_wait3A_168 = tpu.memref_slice %arg5[%dma_wait3A_162, %dma_wait3A_167] : memref<20x500xi32, #tpu.memory_space<vmem>> -> memref<1x500xi32, #tpu.memory_space<vmem>>
      %dma_wait3A_169 = tpu.memref_squeeze %dma_wait3A_168 : memref<1x500xi32, #tpu.memory_space<vmem>> -> memref<500xi32, #tpu.memory_space<vmem>>
      %dma_wait3A_170 = arith.constant 0 : i32
      %dma_wait3A_171 = arith.constant 0 : i32
      %dma_wait3A_172 = tpu.memref_slice %arg9[%dma_wait3A_170, %dma_wait3A_171] : memref<10112x32xbf16, #tpu.memory_space<vmem_shared>> -> memref<10112x32xbf16, #tpu.memory_space<vmem_shared>>
      tpu.wait_indirect_dma semaphore(%arg10 : memref<!tpu.dma_semaphore, #tpu.memory_space<semaphore_mem>>) src(%dma_wait3A_172 : memref<10112x32xbf16, #tpu.memory_space<vmem_shared>>) dst(%dma_wait3A_166 : memref<500x32xbf16, #tpu.memory_space<vmem>>)
      %dma_start3A_173 = arith.constant 0 : i32
      %dma_start3A_174 = arith.constant 0 : i32
      %dma_start3A_175 = tpu.memref_slice %arg7[%scan3A_130, %dma_start3A_173, %dma_start3A_174] : memref<4x500x32xbf16, #tpu.memory_space<vmem>> -> memref<1x500x32xbf16, #tpu.memory_space<vmem>>
      %dma_start3A_176 = tpu.memref_squeeze %dma_start3A_175 : memref<1x500x32xbf16, #tpu.memory_space<vmem>> -> memref<500x32xbf16, #tpu.memory_space<vmem>>
      %dma_start3A_177 = arith.constant 0 : i32
      %dma_start3A_178 = tpu.memref_slice %arg6[%add3A_161, %dma_start3A_177] : memref<20x500xi32, #tpu.memory_space<vmem>> -> memref<1x500xi32, #tpu.memory_space<vmem>>
      %dma_start3A_179 = tpu.memref_squeeze %dma_start3A_178 : memref<1x500xi32, #tpu.memory_space<vmem>> -> memref<500xi32, #tpu.memory_space<vmem>>
      %dma_start3A_180 = arith.constant 0 : i32
      %dma_start3A_181 = arith.constant 0 : i32
      %dma_start3A_182 = tpu.memref_slice %arg8[%dma_start3A_180, %dma_start3A_181] : memref<10112x32xbf16, #tpu.memory_space<vmem_shared>> -> memref<10112x32xbf16, #tpu.memory_space<vmem_shared>>
      tpu.enqueue_indirect_dma source(%dma_start3A_176 : memref<500x32xbf16, #tpu.memory_space<vmem>>) target(%dma_start3A_182 : memref<10112x32xbf16, #tpu.memory_space<vmem_shared>>) offsets(%dma_start3A_179 : memref<500xi32, #tpu.memory_space<vmem>>) semaphore(%arg14 : memref<!tpu.dma_semaphore, #tpu.memory_space<semaphore_mem>>) {add = true}
      %ge3A = arith.constant 1 : i32
      %ge3A_183 = arith.cmpi sge, %add3A_161, %ge3A : i32
      %convert_element_type3A = arith.extui %ge3A_183 : i1 to i32
      %cond3A = arith.constant 0 : i32
      %cond3A_184 = arith.cmpi ne, %convert_element_type3A, %cond3A : i32
      scf.if %cond3A_184 {
        %dma_wait3A_310 = arith.constant 0 : i32
        %dma_wait3A_311 = arith.constant 0 : i32
        %dma_wait3A_312 = arith.constant 0 : i32
        %dma_wait3A_313 = tpu.memref_slice %arg7[%scan3A_131, %dma_wait3A_311, %dma_wait3A_312] : memref<4x500x32xbf16, #tpu.memory_space<vmem>> -> memref<1x500x32xbf16, #tpu.memory_space<vmem>>
        %dma_wait3A_314 = tpu.memref_squeeze %dma_wait3A_313 : memref<1x500x32xbf16, #tpu.memory_space<vmem>> -> memref<500x32xbf16, #tpu.memory_space<vmem>>
        %dma_wait3A_315 = arith.constant 0 : i32
        %dma_wait3A_316 = tpu.memref_slice %arg6[%dma_wait3A_310, %dma_wait3A_315] : memref<20x500xi32, #tpu.memory_space<vmem>> -> memref<1x500xi32, #tpu.memory_space<vmem>>
        %dma_wait3A_317 = tpu.memref_squeeze %dma_wait3A_316 : memref<1x500xi32, #tpu.memory_space<vmem>> -> memref<500xi32, #tpu.memory_space<vmem>>
        %dma_wait3A_318 = arith.constant 0 : i32
        %dma_wait3A_319 = arith.constant 0 : i32
        %dma_wait3A_320 = tpu.memref_slice %arg8[%dma_wait3A_318, %dma_wait3A_319] : memref<10112x32xbf16, #tpu.memory_space<vmem_shared>> -> memref<10112x32xbf16, #tpu.memory_space<vmem_shared>>
        tpu.wait_indirect_dma semaphore(%arg17 : memref<!tpu.dma_semaphore, #tpu.memory_space<semaphore_mem>>) src(%dma_wait3A_314 : memref<500x32xbf16, #tpu.memory_space<vmem>>) dst(%dma_wait3A_320 : memref<10112x32xbf16, #tpu.memory_space<vmem_shared>>)
      } else {
      }
      %add3A_185 = arith.constant 4 : i32
      %add3A_186 = arith.addi %add3A_161, %add3A_185 : i32
      %sub3A = arith.constant 1 : i32
      %sub3A_187 = arith.subi %add3A_186, %sub3A : i32
      %lt3A = arith.constant 20 : i32
      %lt3A_188 = arith.cmpi slt, %sub3A_187, %lt3A : i32
      %convert_element_type3A_189 = arith.extui %lt3A_188 : i1 to i32
      %cond3A_190 = arith.constant 0 : i32
      %cond3A_191 = arith.cmpi ne, %convert_element_type3A_189, %cond3A_190 : i32
      scf.if %cond3A_191 {
        %add3A_310 = arith.constant 4 : i32
        %add3A_311 = arith.addi %add3A_161, %add3A_310 : i32
        %sub3A_312 = arith.constant 1 : i32
        %sub3A_313 = arith.subi %add3A_311, %sub3A_312 : i32
        %dma_start3A_314 = arith.constant 0 : i32
        %dma_start3A_315 = arith.constant 0 : i32
        %dma_start3A_316 = tpu.memref_slice %arg7[%scan3A_131, %dma_start3A_314, %dma_start3A_315] : memref<4x500x32xbf16, #tpu.memory_space<vmem>> -> memref<1x500x32xbf16, #tpu.memory_space<vmem>>
        %dma_start3A_317 = tpu.memref_squeeze %dma_start3A_316 : memref<1x500x32xbf16, #tpu.memory_space<vmem>> -> memref<500x32xbf16, #tpu.memory_space<vmem>>
        %dma_start3A_318 = arith.constant 0 : i32
        %dma_start3A_319 = tpu.memref_slice %arg5[%sub3A_313, %dma_start3A_318] : memref<20x500xi32, #tpu.memory_space<vmem>> -> memref<1x500xi32, #tpu.memory_space<vmem>>
        %dma_start3A_320 = tpu.memref_squeeze %dma_start3A_319 : memref<1x500xi32, #tpu.memory_space<vmem>> -> memref<500xi32, #tpu.memory_space<vmem>>
        %dma_start3A_321 = arith.constant 0 : i32
        %dma_start3A_322 = arith.constant 0 : i32
        %dma_start3A_323 = tpu.memref_slice %arg9[%dma_start3A_321, %dma_start3A_322] : memref<10112x32xbf16, #tpu.memory_space<vmem_shared>> -> memref<10112x32xbf16, #tpu.memory_space<vmem_shared>>
        tpu.enqueue_indirect_dma source(%dma_start3A_323 : memref<10112x32xbf16, #tpu.memory_space<vmem_shared>>) target(%dma_start3A_317 : memref<500x32xbf16, #tpu.memory_space<vmem>>) offsets(%dma_start3A_320 : memref<500xi32, #tpu.memory_space<vmem>>) semaphore(%arg13 : memref<!tpu.dma_semaphore, #tpu.memory_space<semaphore_mem>>)
      } else {
      }
      %mul3A_192 = arith.constant 4 : i32
      %mul3A_193 = arith.muli %mul3A_192, %scan3A_156 : i32
      %add3A_194 = arith.constant 1 : i32
      %add3A_195 = arith.addi %mul3A_193, %add3A_194 : i32
      %dma_wait3A_196 = arith.constant 0 : i32
      %dma_wait3A_197 = arith.constant 0 : i32
      %dma_wait3A_198 = arith.constant 0 : i32
      %dma_wait3A_199 = tpu.memref_slice %arg7[%scan3A_132, %dma_wait3A_197, %dma_wait3A_198] : memref<4x500x32xbf16, #tpu.memory_space<vmem>> -> memref<1x500x32xbf16, #tpu.memory_space<vmem>>
      %dma_wait3A_200 = tpu.memref_squeeze %dma_wait3A_199 : memref<1x500x32xbf16, #tpu.memory_space<vmem>> -> memref<500x32xbf16, #tpu.memory_space<vmem>>
      %dma_wait3A_201 = arith.constant 0 : i32
      %dma_wait3A_202 = tpu.memref_slice %arg5[%dma_wait3A_196, %dma_wait3A_201] : memref<20x500xi32, #tpu.memory_space<vmem>> -> memref<1x500xi32, #tpu.memory_space<vmem>>
      %dma_wait3A_203 = tpu.memref_squeeze %dma_wait3A_202 : memref<1x500xi32, #tpu.memory_space<vmem>> -> memref<500xi32, #tpu.memory_space<vmem>>
      %dma_wait3A_204 = arith.constant 0 : i32
      %dma_wait3A_205 = arith.constant 0 : i32
      %dma_wait3A_206 = tpu.memref_slice %arg9[%dma_wait3A_204, %dma_wait3A_205] : memref<10112x32xbf16, #tpu.memory_space<vmem_shared>> -> memref<10112x32xbf16, #tpu.memory_space<vmem_shared>>
      tpu.wait_indirect_dma semaphore(%arg11 : memref<!tpu.dma_semaphore, #tpu.memory_space<semaphore_mem>>) src(%dma_wait3A_206 : memref<10112x32xbf16, #tpu.memory_space<vmem_shared>>) dst(%dma_wait3A_200 : memref<500x32xbf16, #tpu.memory_space<vmem>>)
      %dma_start3A_207 = arith.constant 0 : i32
      %dma_start3A_208 = arith.constant 0 : i32
      %dma_start3A_209 = tpu.memref_slice %arg7[%scan3A_132, %dma_start3A_207, %dma_start3A_208] : memref<4x500x32xbf16, #tpu.memory_space<vmem>> -> memref<1x500x32xbf16, #tpu.memory_space<vmem>>
      %dma_start3A_210 = tpu.memref_squeeze %dma_start3A_209 : memref<1x500x32xbf16, #tpu.memory_space<vmem>> -> memref<500x32xbf16, #tpu.memory_space<vmem>>
      %dma_start3A_211 = arith.constant 0 : i32
      %dma_start3A_212 = tpu.memref_slice %arg6[%add3A_195, %dma_start3A_211] : memref<20x500xi32, #tpu.memory_space<vmem>> -> memref<1x500xi32, #tpu.memory_space<vmem>>
      %dma_start3A_213 = tpu.memref_squeeze %dma_start3A_212 : memref<1x500xi32, #tpu.memory_space<vmem>> -> memref<500xi32, #tpu.memory_space<vmem>>
      %dma_start3A_214 = arith.constant 0 : i32
      %dma_start3A_215 = arith.constant 0 : i32
      %dma_start3A_216 = tpu.memref_slice %arg8[%dma_start3A_214, %dma_start3A_215] : memref<10112x32xbf16, #tpu.memory_space<vmem_shared>> -> memref<10112x32xbf16, #tpu.memory_space<vmem_shared>>
      tpu.enqueue_indirect_dma source(%dma_start3A_210 : memref<500x32xbf16, #tpu.memory_space<vmem>>) target(%dma_start3A_216 : memref<10112x32xbf16, #tpu.memory_space<vmem_shared>>) offsets(%dma_start3A_213 : memref<500xi32, #tpu.memory_space<vmem>>) semaphore(%arg15 : memref<!tpu.dma_semaphore, #tpu.memory_space<semaphore_mem>>) {add = true}
      %ge3A_217 = arith.constant 1 : i32
      %ge3A_218 = arith.cmpi sge, %add3A_195, %ge3A_217 : i32
      %convert_element_type3A_219 = arith.extui %ge3A_218 : i1 to i32
      %cond3A_220 = arith.constant 0 : i32
      %cond3A_221 = arith.cmpi ne, %convert_element_type3A_219, %cond3A_220 : i32
      scf.if %cond3A_221 {
        %dma_wait3A_310 = arith.constant 0 : i32
        %dma_wait3A_311 = arith.constant 0 : i32
        %dma_wait3A_312 = arith.constant 0 : i32
        %dma_wait3A_313 = tpu.memref_slice %arg7[%scan3A_130, %dma_wait3A_311, %dma_wait3A_312] : memref<4x500x32xbf16, #tpu.memory_space<vmem>> -> memref<1x500x32xbf16, #tpu.memory_space<vmem>>
        %dma_wait3A_314 = tpu.memref_squeeze %dma_wait3A_313 : memref<1x500x32xbf16, #tpu.memory_space<vmem>> -> memref<500x32xbf16, #tpu.memory_space<vmem>>
        %dma_wait3A_315 = arith.constant 0 : i32
        %dma_wait3A_316 = tpu.memref_slice %arg6[%dma_wait3A_310, %dma_wait3A_315] : memref<20x500xi32, #tpu.memory_space<vmem>> -> memref<1x500xi32, #tpu.memory_space<vmem>>
        %dma_wait3A_317 = tpu.memref_squeeze %dma_wait3A_316 : memref<1x500xi32, #tpu.memory_space<vmem>> -> memref<500xi32, #tpu.memory_space<vmem>>
        %dma_wait3A_318 = arith.constant 0 : i32
        %dma_wait3A_319 = arith.constant 0 : i32
        %dma_wait3A_320 = tpu.memref_slice %arg8[%dma_wait3A_318, %dma_wait3A_319] : memref<10112x32xbf16, #tpu.memory_space<vmem_shared>> -> memref<10112x32xbf16, #tpu.memory_space<vmem_shared>>
        tpu.wait_indirect_dma semaphore(%arg14 : memref<!tpu.dma_semaphore, #tpu.memory_space<semaphore_mem>>) src(%dma_wait3A_314 : memref<500x32xbf16, #tpu.memory_space<vmem>>) dst(%dma_wait3A_320 : memref<10112x32xbf16, #tpu.memory_space<vmem_shared>>)
      } else {
      }
      %add3A_222 = arith.constant 4 : i32
      %add3A_223 = arith.addi %add3A_195, %add3A_222 : i32
      %sub3A_224 = arith.constant 1 : i32
      %sub3A_225 = arith.subi %add3A_223, %sub3A_224 : i32
      %lt3A_226 = arith.constant 20 : i32
      %lt3A_227 = arith.cmpi slt, %sub3A_225, %lt3A_226 : i32
      %convert_element_type3A_228 = arith.extui %lt3A_227 : i1 to i32
      %cond3A_229 = arith.constant 0 : i32
      %cond3A_230 = arith.cmpi ne, %convert_element_type3A_228, %cond3A_229 : i32
      scf.if %cond3A_230 {
        %add3A_310 = arith.constant 4 : i32
        %add3A_311 = arith.addi %add3A_195, %add3A_310 : i32
        %sub3A_312 = arith.constant 1 : i32
        %sub3A_313 = arith.subi %add3A_311, %sub3A_312 : i32
        %dma_start3A_314 = arith.constant 0 : i32
        %dma_start3A_315 = arith.constant 0 : i32
        %dma_start3A_316 = tpu.memref_slice %arg7[%scan3A_130, %dma_start3A_314, %dma_start3A_315] : memref<4x500x32xbf16, #tpu.memory_space<vmem>> -> memref<1x500x32xbf16, #tpu.memory_space<vmem>>
        %dma_start3A_317 = tpu.memref_squeeze %dma_start3A_316 : memref<1x500x32xbf16, #tpu.memory_space<vmem>> -> memref<500x32xbf16, #tpu.memory_space<vmem>>
        %dma_start3A_318 = arith.constant 0 : i32
        %dma_start3A_319 = tpu.memref_slice %arg5[%sub3A_313, %dma_start3A_318] : memref<20x500xi32, #tpu.memory_space<vmem>> -> memref<1x500xi32, #tpu.memory_space<vmem>>
        %dma_start3A_320 = tpu.memref_squeeze %dma_start3A_319 : memref<1x500xi32, #tpu.memory_space<vmem>> -> memref<500xi32, #tpu.memory_space<vmem>>
        %dma_start3A_321 = arith.constant 0 : i32
        %dma_start3A_322 = arith.constant 0 : i32
        %dma_start3A_323 = tpu.memref_slice %arg9[%dma_start3A_321, %dma_start3A_322] : memref<10112x32xbf16, #tpu.memory_space<vmem_shared>> -> memref<10112x32xbf16, #tpu.memory_space<vmem_shared>>
        tpu.enqueue_indirect_dma source(%dma_start3A_323 : memref<10112x32xbf16, #tpu.memory_space<vmem_shared>>) target(%dma_start3A_317 : memref<500x32xbf16, #tpu.memory_space<vmem>>) offsets(%dma_start3A_320 : memref<500xi32, #tpu.memory_space<vmem>>) semaphore(%arg10 : memref<!tpu.dma_semaphore, #tpu.memory_space<semaphore_mem>>)
      } else {
      }
      %mul3A_231 = arith.constant 4 : i32
      %mul3A_232 = arith.muli %mul3A_231, %scan3A_156 : i32
      %add3A_233 = arith.constant 2 : i32
      %add3A_234 = arith.addi %mul3A_232, %add3A_233 : i32
      %dma_wait3A_235 = arith.constant 0 : i32
      %dma_wait3A_236 = arith.constant 0 : i32
      %dma_wait3A_237 = arith.constant 0 : i32
      %dma_wait3A_238 = tpu.memref_slice %arg7[%scan3A_133, %dma_wait3A_236, %dma_wait3A_237] : memref<4x500x32xbf16, #tpu.memory_space<vmem>> -> memref<1x500x32xbf16, #tpu.memory_space<vmem>>
      %dma_wait3A_239 = tpu.memref_squeeze %dma_wait3A_238 : memref<1x500x32xbf16, #tpu.memory_space<vmem>> -> memref<500x32xbf16, #tpu.memory_space<vmem>>
      %dma_wait3A_240 = arith.constant 0 : i32
      %dma_wait3A_241 = tpu.memref_slice %arg5[%dma_wait3A_235, %dma_wait3A_240] : memref<20x500xi32, #tpu.memory_space<vmem>> -> memref<1x500xi32, #tpu.memory_space<vmem>>
      %dma_wait3A_242 = tpu.memref_squeeze %dma_wait3A_241 : memref<1x500xi32, #tpu.memory_space<vmem>> -> memref<500xi32, #tpu.memory_space<vmem>>
      %dma_wait3A_243 = arith.constant 0 : i32
      %dma_wait3A_244 = arith.constant 0 : i32
      %dma_wait3A_245 = tpu.memref_slice %arg9[%dma_wait3A_243, %dma_wait3A_244] : memref<10112x32xbf16, #tpu.memory_space<vmem_shared>> -> memref<10112x32xbf16, #tpu.memory_space<vmem_shared>>
      tpu.wait_indirect_dma semaphore(%arg12 : memref<!tpu.dma_semaphore, #tpu.memory_space<semaphore_mem>>) src(%dma_wait3A_245 : memref<10112x32xbf16, #tpu.memory_space<vmem_shared>>) dst(%dma_wait3A_239 : memref<500x32xbf16, #tpu.memory_space<vmem>>)
      %dma_start3A_246 = arith.constant 0 : i32
      %dma_start3A_247 = arith.constant 0 : i32
      %dma_start3A_248 = tpu.memref_slice %arg7[%scan3A_133, %dma_start3A_246, %dma_start3A_247] : memref<4x500x32xbf16, #tpu.memory_space<vmem>> -> memref<1x500x32xbf16, #tpu.memory_space<vmem>>
      %dma_start3A_249 = tpu.memref_squeeze %dma_start3A_248 : memref<1x500x32xbf16, #tpu.memory_space<vmem>> -> memref<500x32xbf16, #tpu.memory_space<vmem>>
      %dma_start3A_250 = arith.constant 0 : i32
      %dma_start3A_251 = tpu.memref_slice %arg6[%add3A_234, %dma_start3A_250] : memref<20x500xi32, #tpu.memory_space<vmem>> -> memref<1x500xi32, #tpu.memory_space<vmem>>
      %dma_start3A_252 = tpu.memref_squeeze %dma_start3A_251 : memref<1x500xi32, #tpu.memory_space<vmem>> -> memref<500xi32, #tpu.memory_space<vmem>>
      %dma_start3A_253 = arith.constant 0 : i32
      %dma_start3A_254 = arith.constant 0 : i32
      %dma_start3A_255 = tpu.memref_slice %arg8[%dma_start3A_253, %dma_start3A_254] : memref<10112x32xbf16, #tpu.memory_space<vmem_shared>> -> memref<10112x32xbf16, #tpu.memory_space<vmem_shared>>
      tpu.enqueue_indirect_dma source(%dma_start3A_249 : memref<500x32xbf16, #tpu.memory_space<vmem>>) target(%dma_start3A_255 : memref<10112x32xbf16, #tpu.memory_space<vmem_shared>>) offsets(%dma_start3A_252 : memref<500xi32, #tpu.memory_space<vmem>>) semaphore(%arg16 : memref<!tpu.dma_semaphore, #tpu.memory_space<semaphore_mem>>) {add = true}
      %ge3A_256 = arith.constant 1 : i32
      %ge3A_257 = arith.cmpi sge, %add3A_234, %ge3A_256 : i32
      %convert_element_type3A_258 = arith.extui %ge3A_257 : i1 to i32
      %cond3A_259 = arith.constant 0 : i32
      %cond3A_260 = arith.cmpi ne, %convert_element_type3A_258, %cond3A_259 : i32
      scf.if %cond3A_260 {
        %dma_wait3A_310 = arith.constant 0 : i32
        %dma_wait3A_311 = arith.constant 0 : i32
        %dma_wait3A_312 = arith.constant 0 : i32
        %dma_wait3A_313 = tpu.memref_slice %arg7[%scan3A_132, %dma_wait3A_311, %dma_wait3A_312] : memref<4x500x32xbf16, #tpu.memory_space<vmem>> -> memref<1x500x32xbf16, #tpu.memory_space<vmem>>
        %dma_wait3A_314 = tpu.memref_squeeze %dma_wait3A_313 : memref<1x500x32xbf16, #tpu.memory_space<vmem>> -> memref<500x32xbf16, #tpu.memory_space<vmem>>
        %dma_wait3A_315 = arith.constant 0 : i32
        %dma_wait3A_316 = tpu.memref_slice %arg6[%dma_wait3A_310, %dma_wait3A_315] : memref<20x500xi32, #tpu.memory_space<vmem>> -> memref<1x500xi32, #tpu.memory_space<vmem>>
        %dma_wait3A_317 = tpu.memref_squeeze %dma_wait3A_316 : memref<1x500xi32, #tpu.memory_space<vmem>> -> memref<500xi32, #tpu.memory_space<vmem>>
        %dma_wait3A_318 = arith.constant 0 : i32
        %dma_wait3A_319 = arith.constant 0 : i32
        %dma_wait3A_320 = tpu.memref_slice %arg8[%dma_wait3A_318, %dma_wait3A_319] : memref<10112x32xbf16, #tpu.memory_space<vmem_shared>> -> memref<10112x32xbf16, #tpu.memory_space<vmem_shared>>
        tpu.wait_indirect_dma semaphore(%arg15 : memref<!tpu.dma_semaphore, #tpu.memory_space<semaphore_mem>>) src(%dma_wait3A_314 : memref<500x32xbf16, #tpu.memory_space<vmem>>) dst(%dma_wait3A_320 : memref<10112x32xbf16, #tpu.memory_space<vmem_shared>>)
      } else {
      }
      %add3A_261 = arith.constant 4 : i32
      %add3A_262 = arith.addi %add3A_234, %add3A_261 : i32
      %sub3A_263 = arith.constant 1 : i32
      %sub3A_264 = arith.subi %add3A_262, %sub3A_263 : i32
      %lt3A_265 = arith.constant 20 : i32
      %lt3A_266 = arith.cmpi slt, %sub3A_264, %lt3A_265 : i32
      %convert_element_type3A_267 = arith.extui %lt3A_266 : i1 to i32
      %cond3A_268 = arith.constant 0 : i32
      %cond3A_269 = arith.cmpi ne, %convert_element_type3A_267, %cond3A_268 : i32
      scf.if %cond3A_269 {
        %add3A_310 = arith.constant 4 : i32
        %add3A_311 = arith.addi %add3A_234, %add3A_310 : i32
        %sub3A_312 = arith.constant 1 : i32
        %sub3A_313 = arith.subi %add3A_311, %sub3A_312 : i32
        %dma_start3A_314 = arith.constant 0 : i32
        %dma_start3A_315 = arith.constant 0 : i32
        %dma_start3A_316 = tpu.memref_slice %arg7[%scan3A_132, %dma_start3A_314, %dma_start3A_315] : memref<4x500x32xbf16, #tpu.memory_space<vmem>> -> memref<1x500x32xbf16, #tpu.memory_space<vmem>>
        %dma_start3A_317 = tpu.memref_squeeze %dma_start3A_316 : memref<1x500x32xbf16, #tpu.memory_space<vmem>> -> memref<500x32xbf16, #tpu.memory_space<vmem>>
        %dma_start3A_318 = arith.constant 0 : i32
        %dma_start3A_319 = tpu.memref_slice %arg5[%sub3A_313, %dma_start3A_318] : memref<20x500xi32, #tpu.memory_space<vmem>> -> memref<1x500xi32, #tpu.memory_space<vmem>>
        %dma_start3A_320 = tpu.memref_squeeze %dma_start3A_319 : memref<1x500xi32, #tpu.memory_space<vmem>> -> memref<500xi32, #tpu.memory_space<vmem>>
        %dma_start3A_321 = arith.constant 0 : i32
        %dma_start3A_322 = arith.constant 0 : i32
        %dma_start3A_323 = tpu.memref_slice %arg9[%dma_start3A_321, %dma_start3A_322] : memref<10112x32xbf16, #tpu.memory_space<vmem_shared>> -> memref<10112x32xbf16, #tpu.memory_space<vmem_shared>>
        tpu.enqueue_indirect_dma source(%dma_start3A_323 : memref<10112x32xbf16, #tpu.memory_space<vmem_shared>>) target(%dma_start3A_317 : memref<500x32xbf16, #tpu.memory_space<vmem>>) offsets(%dma_start3A_320 : memref<500xi32, #tpu.memory_space<vmem>>) semaphore(%arg11 : memref<!tpu.dma_semaphore, #tpu.memory_space<semaphore_mem>>)
      } else {
      }
      %mul3A_270 = arith.constant 4 : i32
      %mul3A_271 = arith.muli %mul3A_270, %scan3A_156 : i32
      %add3A_272 = arith.constant 3 : i32
      %add3A_273 = arith.addi %mul3A_271, %add3A_272 : i32
      %dma_wait3A_274 = arith.constant 0 : i32
      %dma_wait3A_275 = arith.constant 0 : i32
      %dma_wait3A_276 = arith.constant 0 : i32
      %dma_wait3A_277 = tpu.memref_slice %arg7[%scan3A_131, %dma_wait3A_275, %dma_wait3A_276] : memref<4x500x32xbf16, #tpu.memory_space<vmem>> -> memref<1x500x32xbf16, #tpu.memory_space<vmem>>
      %dma_wait3A_278 = tpu.memref_squeeze %dma_wait3A_277 : memref<1x500x32xbf16, #tpu.memory_space<vmem>> -> memref<500x32xbf16, #tpu.memory_space<vmem>>
      %dma_wait3A_279 = arith.constant 0 : i32
      %dma_wait3A_280 = tpu.memref_slice %arg5[%dma_wait3A_274, %dma_wait3A_279] : memref<20x500xi32, #tpu.memory_space<vmem>> -> memref<1x500xi32, #tpu.memory_space<vmem>>
      %dma_wait3A_281 = tpu.memref_squeeze %dma_wait3A_280 : memref<1x500xi32, #tpu.memory_space<vmem>> -> memref<500xi32, #tpu.memory_space<vmem>>
      %dma_wait3A_282 = arith.constant 0 : i32
      %dma_wait3A_283 = arith.constant 0 : i32
      %dma_wait3A_284 = tpu.memref_slice %arg9[%dma_wait3A_282, %dma_wait3A_283] : memref<10112x32xbf16, #tpu.memory_space<vmem_shared>> -> memref<10112x32xbf16, #tpu.memory_space<vmem_shared>>
      tpu.wait_indirect_dma semaphore(%arg13 : memref<!tpu.dma_semaphore, #tpu.memory_space<semaphore_mem>>) src(%dma_wait3A_284 : memref<10112x32xbf16, #tpu.memory_space<vmem_shared>>) dst(%dma_wait3A_278 : memref<500x32xbf16, #tpu.memory_space<vmem>>)
      %dma_start3A_285 = arith.constant 0 : i32
      %dma_start3A_286 = arith.constant 0 : i32
      %dma_start3A_287 = tpu.memref_slice %arg7[%scan3A_131, %dma_start3A_285, %dma_start3A_286] : memref<4x500x32xbf16, #tpu.memory_space<vmem>> -> memref<1x500x32xbf16, #tpu.memory_space<vmem>>
      %dma_start3A_288 = tpu.memref_squeeze %dma_start3A_287 : memref<1x500x32xbf16, #tpu.memory_space<vmem>> -> memref<500x32xbf16, #tpu.memory_space<vmem>>
      %dma_start3A_289 = arith.constant 0 : i32
      %dma_start3A_290 = tpu.memref_slice %arg6[%add3A_273, %dma_start3A_289] : memref<20x500xi32, #tpu.memory_space<vmem>> -> memref<1x500xi32, #tpu.memory_space<vmem>>
      %dma_start3A_291 = tpu.memref_squeeze %dma_start3A_290 : memref<1x500xi32, #tpu.memory_space<vmem>> -> memref<500xi32, #tpu.memory_space<vmem>>
      %dma_start3A_292 = arith.constant 0 : i32
      %dma_start3A_293 = arith.constant 0 : i32
      %dma_start3A_294 = tpu.memref_slice %arg8[%dma_start3A_292, %dma_start3A_293] : memref<10112x32xbf16, #tpu.memory_space<vmem_shared>> -> memref<10112x32xbf16, #tpu.memory_space<vmem_shared>>
      tpu.enqueue_indirect_dma source(%dma_start3A_288 : memref<500x32xbf16, #tpu.memory_space<vmem>>) target(%dma_start3A_294 : memref<10112x32xbf16, #tpu.memory_space<vmem_shared>>) offsets(%dma_start3A_291 : memref<500xi32, #tpu.memory_space<vmem>>) semaphore(%arg17 : memref<!tpu.dma_semaphore, #tpu.memory_space<semaphore_mem>>) {add = true}
      %ge3A_295 = arith.constant 1 : i32
      %ge3A_296 = arith.cmpi sge, %add3A_273, %ge3A_295 : i32
      %convert_element_type3A_297 = arith.extui %ge3A_296 : i1 to i32
      %cond3A_298 = arith.constant 0 : i32
      %cond3A_299 = arith.cmpi ne, %convert_element_type3A_297, %cond3A_298 : i32
      scf.if %cond3A_299 {
        %dma_wait3A_310 = arith.constant 0 : i32
        %dma_wait3A_311 = arith.constant 0 : i32
        %dma_wait3A_312 = arith.constant 0 : i32
        %dma_wait3A_313 = tpu.memref_slice %arg7[%scan3A_133, %dma_wait3A_311, %dma_wait3A_312] : memref<4x500x32xbf16, #tpu.memory_space<vmem>> -> memref<1x500x32xbf16, #tpu.memory_space<vmem>>
        %dma_wait3A_314 = tpu.memref_squeeze %dma_wait3A_313 : memref<1x500x32xbf16, #tpu.memory_space<vmem>> -> memref<500x32xbf16, #tpu.memory_space<vmem>>
        %dma_wait3A_315 = arith.constant 0 : i32
        %dma_wait3A_316 = tpu.memref_slice %arg6[%dma_wait3A_310, %dma_wait3A_315] : memref<20x500xi32, #tpu.memory_space<vmem>> -> memref<1x500xi32, #tpu.memory_space<vmem>>
        %dma_wait3A_317 = tpu.memref_squeeze %dma_wait3A_316 : memref<1x500xi32, #tpu.memory_space<vmem>> -> memref<500xi32, #tpu.memory_space<vmem>>
        %dma_wait3A_318 = arith.constant 0 : i32
        %dma_wait3A_319 = arith.constant 0 : i32
        %dma_wait3A_320 = tpu.memref_slice %arg8[%dma_wait3A_318, %dma_wait3A_319] : memref<10112x32xbf16, #tpu.memory_space<vmem_shared>> -> memref<10112x32xbf16, #tpu.memory_space<vmem_shared>>
        tpu.wait_indirect_dma semaphore(%arg16 : memref<!tpu.dma_semaphore, #tpu.memory_space<semaphore_mem>>) src(%dma_wait3A_314 : memref<500x32xbf16, #tpu.memory_space<vmem>>) dst(%dma_wait3A_320 : memref<10112x32xbf16, #tpu.memory_space<vmem_shared>>)
      } else {
      }
      %add3A_300 = arith.constant 4 : i32
      %add3A_301 = arith.addi %add3A_273, %add3A_300 : i32
      %sub3A_302 = arith.constant 1 : i32
      %sub3A_303 = arith.subi %add3A_301, %sub3A_302 : i32
      %lt3A_304 = arith.constant 20 : i32
      %lt3A_305 = arith.cmpi slt, %sub3A_303, %lt3A_304 : i32
      %convert_element_type3A_306 = arith.extui %lt3A_305 : i1 to i32
      %cond3A_307 = arith.constant 0 : i32
      %cond3A_308 = arith.cmpi ne, %convert_element_type3A_306, %cond3A_307 : i32
      scf.if %cond3A_308 {
        %add3A_310 = arith.constant 4 : i32
        %add3A_311 = arith.addi %add3A_273, %add3A_310 : i32
        %sub3A_312 = arith.constant 1 : i32
        %sub3A_313 = arith.subi %add3A_311, %sub3A_312 : i32
        %dma_start3A_314 = arith.constant 0 : i32
        %dma_start3A_315 = arith.constant 0 : i32
        %dma_start3A_316 = tpu.memref_slice %arg7[%scan3A_133, %dma_start3A_314, %dma_start3A_315] : memref<4x500x32xbf16, #tpu.memory_space<vmem>> -> memref<1x500x32xbf16, #tpu.memory_space<vmem>>
        %dma_start3A_317 = tpu.memref_squeeze %dma_start3A_316 : memref<1x500x32xbf16, #tpu.memory_space<vmem>> -> memref<500x32xbf16, #tpu.memory_space<vmem>>
        %dma_start3A_318 = arith.constant 0 : i32
        %dma_start3A_319 = tpu.memref_slice %arg5[%sub3A_313, %dma_start3A_318] : memref<20x500xi32, #tpu.memory_space<vmem>> -> memref<1x500xi32, #tpu.memory_space<vmem>>
        %dma_start3A_320 = tpu.memref_squeeze %dma_start3A_319 : memref<1x500xi32, #tpu.memory_space<vmem>> -> memref<500xi32, #tpu.memory_space<vmem>>
        %dma_start3A_321 = arith.constant 0 : i32
        %dma_start3A_322 = arith.constant 0 : i32
        %dma_start3A_323 = tpu.memref_slice %arg9[%dma_start3A_321, %dma_start3A_322] : memref<10112x32xbf16, #tpu.memory_space<vmem_shared>> -> memref<10112x32xbf16, #tpu.memory_space<vmem_shared>>
        tpu.enqueue_indirect_dma source(%dma_start3A_323 : memref<10112x32xbf16, #tpu.memory_space<vmem_shared>>) target(%dma_start3A_317 : memref<500x32xbf16, #tpu.memory_space<vmem>>) offsets(%dma_start3A_320 : memref<500xi32, #tpu.memory_space<vmem>>) semaphore(%arg12 : memref<!tpu.dma_semaphore, #tpu.memory_space<semaphore_mem>>)
      } else {
      }
      %scan3A_309 = arith.constant 0 : i32
      scf.yield %scan3A_309 : i32
    }
    %scan3A_140 = arith.constant 5 : i32
    %dma_wait3A_141 = arith.constant 3 : i32
    %dma_wait3A_142 = arith.constant 0 : i32
    %dma_wait3A_143 = arith.constant 0 : i32
    %dma_wait3A_144 = arith.constant 0 : i32
    %dma_wait3A_145 = tpu.memref_slice %arg7[%dma_wait3A_141, %dma_wait3A_143, %dma_wait3A_144] : memref<4x500x32xbf16, #tpu.memory_space<vmem>> -> memref<1x500x32xbf16, #tpu.memory_space<vmem>>
    %dma_wait3A_146 = tpu.memref_squeeze %dma_wait3A_145 : memref<1x500x32xbf16, #tpu.memory_space<vmem>> -> memref<500x32xbf16, #tpu.memory_space<vmem>>
    %dma_wait3A_147 = arith.constant 0 : i32
    %dma_wait3A_148 = tpu.memref_slice %arg6[%dma_wait3A_142, %dma_wait3A_147] : memref<20x500xi32, #tpu.memory_space<vmem>> -> memref<1x500xi32, #tpu.memory_space<vmem>>
    %dma_wait3A_149 = tpu.memref_squeeze %dma_wait3A_148 : memref<1x500xi32, #tpu.memory_space<vmem>> -> memref<500xi32, #tpu.memory_space<vmem>>
    %dma_wait3A_150 = arith.constant 0 : i32
    %dma_wait3A_151 = arith.constant 0 : i32
    %dma_wait3A_152 = tpu.memref_slice %arg8[%dma_wait3A_150, %dma_wait3A_151] : memref<10112x32xbf16, #tpu.memory_space<vmem_shared>> -> memref<10112x32xbf16, #tpu.memory_space<vmem_shared>>
    tpu.wait_indirect_dma semaphore(%arg17 : memref<!tpu.dma_semaphore, #tpu.memory_space<semaphore_mem>>) src(%dma_wait3A_146 : memref<500x32xbf16, #tpu.memory_space<vmem>>) dst(%dma_wait3A_152 : memref<10112x32xbf16, #tpu.memory_space<vmem_shared>>)
    %barrier3A_153 = arith.constant 0 : index
    tpu.barrier barrier_id(%barrier3A_153)
    %mul3A_154 = arith.constant 632 : i32
    %mul3A_155 = arith.muli %arg1, %mul3A_154 : i32
    "tpu.region"() ({
      %run_scoped3A_156 = tpu.sem_alloc : memref<!tpu.dma_semaphore, #tpu.memory_space<semaphore_mem>>
      %dma_start3A_157 = arith.constant 0 : i32
      %dma_start3A_158 = tpu.memref_slice %arg4[%arg0, %mul3A_155, %dma_start3A_157] : memref<2x10112x32xbf16, #tpu.memory_space<hbm>> -> memref<1x632x32xbf16, #tpu.memory_space<hbm>>
      %dma_start3A_159 = tpu.memref_squeeze %dma_start3A_158 : memref<1x632x32xbf16, #tpu.memory_space<hbm>> -> memref<632x32xbf16, #tpu.memory_space<hbm>>
      %dma_start3A_160 = arith.constant 0 : i32
      %dma_start3A_161 = tpu.memref_slice %arg8[%mul3A_155, %dma_start3A_160] : memref<10112x32xbf16, #tpu.memory_space<vmem_shared>> -> memref<632x32xbf16, #tpu.memory_space<vmem_shared>>
      tpu.enqueue_dma source(%dma_start3A_161 : memref<632x32xbf16, #tpu.memory_space<vmem_shared>>) target(%dma_start3A_159 : memref<632x32xbf16, #tpu.memory_space<hbm>>) target_semaphore(%run_scoped3A_156 : memref<!tpu.dma_semaphore, #tpu.memory_space<semaphore_mem>>)
      %dma_wait3A_162 = arith.constant 0 : i32
      %dma_wait3A_163 = tpu.memref_slice %arg4[%arg0, %mul3A_155, %dma_wait3A_162] : memref<2x10112x32xbf16, #tpu.memory_space<hbm>> -> memref<1x632x32xbf16, #tpu.memory_space<hbm>>
      %dma_wait3A_164 = tpu.memref_squeeze %dma_wait3A_163 : memref<1x632x32xbf16, #tpu.memory_space<hbm>> -> memref<632x32xbf16, #tpu.memory_space<hbm>>
      %dma_wait3A_165 = arith.constant 0 : i32
      %dma_wait3A_166 = tpu.memref_slice %arg8[%mul3A_155, %dma_wait3A_165] : memref<10112x32xbf16, #tpu.memory_space<vmem_shared>> -> memref<632x32xbf16, #tpu.memory_space<vmem_shared>>
      tpu.wait_dma2 semaphore(%run_scoped3A_156 : memref<!tpu.dma_semaphore, #tpu.memory_space<semaphore_mem>>) src(%dma_wait3A_166 : memref<632x32xbf16, #tpu.memory_space<vmem_shared>>) dst(%dma_wait3A_164 : memref<632x32xbf16, #tpu.memory_space<hbm>>)
      tpu.yield
    }) : () -> ()
    return
  }
}

#map = affine_map<(d0, d1) -> (0, 0)>
#map1 = affine_map<(d0, d1) -> (0, 0, 0)>
module attributes {stable_mosaic.version = 14 : i64} {
  func.func @_agg16(%arg0: i32, %arg1: i32, %arg2: memref<10112x16xf32, #tpu.memory_space<hbm>>, %arg3: memref<2x640x500xi32, #tpu.memory_space<hbm>>, %arg4: memref<2x10112x16xf32, #tpu.memory_space<hbm>>, %arg5: memref<20x500xi32, #tpu.memory_space<vmem>>, %arg6: memref<20x500xi32, #tpu.memory_space<vmem>>, %arg7: memref<4x500x16xf32, #tpu.memory_space<vmem>>, %arg8: memref<10112x16xf32, #tpu.memory_space<vmem_shared>>, %arg9: memref<10112x16xf32, #tpu.memory_space<vmem_shared>>, %arg10: memref<!tpu.dma_semaphore, #tpu.memory_space<semaphore_mem>>, %arg11: memref<!tpu.dma_semaphore, #tpu.memory_space<semaphore_mem>>, %arg12: memref<!tpu.dma_semaphore, #tpu.memory_space<semaphore_mem>>, %arg13: memref<!tpu.dma_semaphore, #tpu.memory_space<semaphore_mem>>, %arg14: memref<!tpu.dma_semaphore, #tpu.memory_space<semaphore_mem>>, %arg15: memref<!tpu.dma_semaphore, #tpu.memory_space<semaphore_mem>>, %arg16: memref<!tpu.dma_semaphore, #tpu.memory_space<semaphore_mem>>, %arg17: memref<!tpu.dma_semaphore, #tpu.memory_space<semaphore_mem>>) attributes {dimension_semantics = [#tpu.dimension_semantics<core_parallel>, #tpu.dimension_semantics<subcore_parallel>], iteration_bounds = array<i64: 2, 16>, scalar_prefetch = 0 : i64, scratch_operands = 13 : i64, tpu.core_type = #tpu.core_type<sc_vector_subcore>, window_params = [{transform_indices = #map}, {transform_indices = #map1}, {transform_indices = #map1}]} {
    %mul3A = arith.constant 16 : i32
    %mul3A_0 = arith.muli %arg0, %mul3A : i32
    %add3A = arith.addi %mul3A_0, %arg1 : i32
    %mul3A_1 = arith.constant 632 : i32
    %mul3A_2 = arith.muli %arg1, %mul3A_1 : i32
    %mul3A_3 = arith.constant 632 : i32
    %mul3A_4 = arith.muli %arg1, %mul3A_3 : i32
    "tpu.region"() ({
      %run_scoped3A_94 = tpu.sem_alloc : memref<!tpu.dma_semaphore, #tpu.memory_space<semaphore_mem>>
      %dma_start3A_95 = arith.constant 0 : i32
      %dma_start3A_96 = tpu.memref_slice %arg9[%mul3A_4, %dma_start3A_95] : memref<10112x16xf32, #tpu.memory_space<vmem_shared>> -> memref<632x16xf32, #tpu.memory_space<vmem_shared>>
      %dma_start3A_97 = arith.constant 0 : i32
      %dma_start3A_98 = tpu.memref_slice %arg2[%mul3A_2, %dma_start3A_97] : memref<10112x16xf32, #tpu.memory_space<hbm>> -> memref<632x16xf32, #tpu.memory_space<hbm>>
      tpu.enqueue_dma source(%dma_start3A_98 : memref<632x16xf32, #tpu.memory_space<hbm>>) target(%dma_start3A_96 : memref<632x16xf32, #tpu.memory_space<vmem_shared>>) target_semaphore(%run_scoped3A_94 : memref<!tpu.dma_semaphore, #tpu.memory_space<semaphore_mem>>)
      %dma_wait3A_99 = arith.constant 0 : i32
      %dma_wait3A_100 = tpu.memref_slice %arg9[%mul3A_4, %dma_wait3A_99] : memref<10112x16xf32, #tpu.memory_space<vmem_shared>> -> memref<632x16xf32, #tpu.memory_space<vmem_shared>>
      %dma_wait3A_101 = arith.constant 0 : i32
      %dma_wait3A_102 = tpu.memref_slice %arg2[%mul3A_2, %dma_wait3A_101] : memref<10112x16xf32, #tpu.memory_space<hbm>> -> memref<632x16xf32, #tpu.memory_space<hbm>>
      tpu.wait_dma2 semaphore(%run_scoped3A_94 : memref<!tpu.dma_semaphore, #tpu.memory_space<semaphore_mem>>) src(%dma_wait3A_102 : memref<632x16xf32, #tpu.memory_space<hbm>>) dst(%dma_wait3A_100 : memref<632x16xf32, #tpu.memory_space<vmem_shared>>)
      tpu.yield
    }) : () -> ()
    %scan3A = arith.constant 0 : i32
    %scan3A_5 = arith.constant 0 : i32
    %scan3A_6 = arith.constant 0 : i32
    %scan3A_7 = arith.constant 128 : i32
    %scan3A_8 = arith.addi %scan3A_6, %scan3A_7 : i32
    %scan3A_9 = arith.constant 1 : i32
    %scan3A_10 = scf.for %scan3A_94 = %scan3A_6 to %scan3A_8 step %scan3A_9 iter_args(%scan3A_95 = %scan3A_5) -> (i32)  : i32 {
      %broadcast_in_dim3A = arith.constant 0.000000e+00 : f32
      %broadcast_in_dim3A_96 = vector.broadcast %broadcast_in_dim3A : f32 to vector<16xf32>
      %swap3A = arith.constant 0 : i32
      %swap3A_97 = arith.constant 0 : i32
      %swap3A_98 = tpu.memref_slice %arg7[%scan3A, %swap3A, %swap3A_97] : memref<4x500x16xf32, #tpu.memory_space<vmem>> -> memref<1x128x16xf32, #tpu.memory_space<vmem>>
      %swap3A_99 = tpu.memref_squeeze %swap3A_98 : memref<1x128x16xf32, #tpu.memory_space<vmem>> -> memref<128x16xf32, #tpu.memory_space<vmem>>
      %swap3A_100 = arith.index_cast %scan3A_94 : i32 to index
      %swap3A_101 = arith.constant 0 : index
      %swap3A_102 = tpu.vector_load %swap3A_99[%swap3A_100, %swap3A_101] {strides = array<i32>} : memref<128x16xf32, #tpu.memory_space<vmem>>, vector<1x16xf32>,
      %swap3A_103 = vector.shape_cast %swap3A_102 : vector<1x16xf32> to vector<16xf32>
      %swap3A_104 = vector.shape_cast %broadcast_in_dim3A_96 : vector<16xf32> to vector<1x16xf32>
      tpu.vector_store %swap3A_99[%swap3A_100, %swap3A_101], %swap3A_104 {strides = array<i32>} : memref<128x16xf32, #tpu.memory_space<vmem>>, vector<1x16xf32>,
      %scan3A_105 = arith.constant 0 : i32
      scf.yield %scan3A_105 : i32
    }
    %scan3A_11 = arith.constant 128 : i32
    %mul3A_12 = arith.constant 632 : i32
    %mul3A_13 = arith.muli %arg1, %mul3A_12 : i32
    %add3A_14 = arith.constant 0 : i32
    %add3A_15 = arith.addi %mul3A_13, %add3A_14 : i32
    %run_scoped3A = arith.constant 0 : i32
    "tpu.region"() ({
      %run_scoped3A_94 = tpu.sem_alloc : memref<!tpu.dma_semaphore, #tpu.memory_space<semaphore_mem>>
      %dma_start3A_95 = arith.constant 0 : i32
      %dma_start3A_96 = arith.constant 0 : i32
      %dma_start3A_97 = tpu.memref_slice %arg7[%run_scoped3A, %dma_start3A_95, %dma_start3A_96] : memref<4x500x16xf32, #tpu.memory_space<vmem>> -> memref<1x128x16xf32, #tpu.memory_space<vmem>>
      %dma_start3A_98 = tpu.memref_squeeze %dma_start3A_97 : memref<1x128x16xf32, #tpu.memory_space<vmem>> -> memref<128x16xf32, #tpu.memory_space<vmem>>
      %dma_start3A_99 = arith.constant 0 : i32
      %dma_start3A_100 = tpu.memref_slice %arg8[%add3A_15, %dma_start3A_99] : memref<10112x16xf32, #tpu.memory_space<vmem_shared>> -> memref<128x16xf32, #tpu.memory_space<vmem_shared>>
      %dma_start3A_101 = arith.constant 0 : i32
      %dma_start3A_102 = tpu.memref_slice %arg8[%add3A_15, %dma_start3A_101] : memref<10112x16xf32, #tpu.memory_space<vmem_shared>> -> memref<128x16xf32, #tpu.memory_space<vmem_shared>>
      %dma_start3A_103 = arith.constant 0 : i32
      %dma_start3A_104 = arith.constant 0 : i32
      %dma_start3A_105 = tpu.memref_slice %arg7[%run_scoped3A, %dma_start3A_103, %dma_start3A_104] : memref<4x500x16xf32, #tpu.memory_space<vmem>> -> memref<1x128x16xf32, #tpu.memory_space<vmem>>
      %dma_start3A_106 = tpu.memref_squeeze %dma_start3A_105 : memref<1x128x16xf32, #tpu.memory_space<vmem>> -> memref<128x16xf32, #tpu.memory_space<vmem>>
      tpu.enqueue_dma source(%dma_start3A_106 : memref<128x16xf32, #tpu.memory_space<vmem>>) target(%dma_start3A_102 : memref<128x16xf32, #tpu.memory_space<vmem_shared>>) target_semaphore(%run_scoped3A_94 : memref<!tpu.dma_semaphore, #tpu.memory_space<semaphore_mem>>)
      %dma_wait3A_107 = arith.constant 0 : i32
      %dma_wait3A_108 = arith.constant 0 : i32
      %dma_wait3A_109 = tpu.memref_slice %arg7[%run_scoped3A, %dma_wait3A_107, %dma_wait3A_108] : memref<4x500x16xf32, #tpu.memory_space<vmem>> -> memref<1x128x16xf32, #tpu.memory_space<vmem>>
      %dma_wait3A_110 = tpu.memref_squeeze %dma_wait3A_109 : memref<1x128x16xf32, #tpu.memory_space<vmem>> -> memref<128x16xf32, #tpu.memory_space<vmem>>
      %dma_wait3A_111 = arith.constant 0 : i32
      %dma_wait3A_112 = tpu.memref_slice %arg8[%add3A_15, %dma_wait3A_111] : memref<10112x16xf32, #tpu.memory_space<vmem_shared>> -> memref<128x16xf32, #tpu.memory_space<vmem_shared>>
      %dma_wait3A_113 = arith.constant 0 : i32
      %dma_wait3A_114 = tpu.memref_slice %arg8[%add3A_15, %dma_wait3A_113] : memref<10112x16xf32, #tpu.memory_space<vmem_shared>> -> memref<128x16xf32, #tpu.memory_space<vmem_shared>>
      %dma_wait3A_115 = arith.constant 0 : i32
      %dma_wait3A_116 = arith.constant 0 : i32
      %dma_wait3A_117 = tpu.memref_slice %arg7[%run_scoped3A, %dma_wait3A_115, %dma_wait3A_116] : memref<4x500x16xf32, #tpu.memory_space<vmem>> -> memref<1x128x16xf32, #tpu.memory_space<vmem>>
      %dma_wait3A_118 = tpu.memref_squeeze %dma_wait3A_117 : memref<1x128x16xf32, #tpu.memory_space<vmem>> -> memref<128x16xf32, #tpu.memory_space<vmem>>
      tpu.wait_dma2 semaphore(%run_scoped3A_94 : memref<!tpu.dma_semaphore, #tpu.memory_space<semaphore_mem>>) src(%dma_wait3A_118 : memref<128x16xf32, #tpu.memory_space<vmem>>) dst(%dma_wait3A_114 : memref<128x16xf32, #tpu.memory_space<vmem_shared>>)
      tpu.yield
    }) : () -> ()
    %add3A_16 = arith.constant 128 : i32
    %add3A_17 = arith.addi %mul3A_13, %add3A_16 : i32
    %run_scoped3A_18 = arith.constant 0 : i32
    "tpu.region"() ({
      %run_scoped3A_94 = tpu.sem_alloc : memref<!tpu.dma_semaphore, #tpu.memory_space<semaphore_mem>>
      %dma_start3A_95 = arith.constant 0 : i32
      %dma_start3A_96 = arith.constant 0 : i32
      %dma_start3A_97 = tpu.memref_slice %arg7[%run_scoped3A_18, %dma_start3A_95, %dma_start3A_96] : memref<4x500x16xf32, #tpu.memory_space<vmem>> -> memref<1x128x16xf32, #tpu.memory_space<vmem>>
      %dma_start3A_98 = tpu.memref_squeeze %dma_start3A_97 : memref<1x128x16xf32, #tpu.memory_space<vmem>> -> memref<128x16xf32, #tpu.memory_space<vmem>>
      %dma_start3A_99 = arith.constant 0 : i32
      %dma_start3A_100 = tpu.memref_slice %arg8[%add3A_17, %dma_start3A_99] : memref<10112x16xf32, #tpu.memory_space<vmem_shared>> -> memref<128x16xf32, #tpu.memory_space<vmem_shared>>
      %dma_start3A_101 = arith.constant 0 : i32
      %dma_start3A_102 = tpu.memref_slice %arg8[%add3A_17, %dma_start3A_101] : memref<10112x16xf32, #tpu.memory_space<vmem_shared>> -> memref<128x16xf32, #tpu.memory_space<vmem_shared>>
      %dma_start3A_103 = arith.constant 0 : i32
      %dma_start3A_104 = arith.constant 0 : i32
      %dma_start3A_105 = tpu.memref_slice %arg7[%run_scoped3A_18, %dma_start3A_103, %dma_start3A_104] : memref<4x500x16xf32, #tpu.memory_space<vmem>> -> memref<1x128x16xf32, #tpu.memory_space<vmem>>
      %dma_start3A_106 = tpu.memref_squeeze %dma_start3A_105 : memref<1x128x16xf32, #tpu.memory_space<vmem>> -> memref<128x16xf32, #tpu.memory_space<vmem>>
      tpu.enqueue_dma source(%dma_start3A_106 : memref<128x16xf32, #tpu.memory_space<vmem>>) target(%dma_start3A_102 : memref<128x16xf32, #tpu.memory_space<vmem_shared>>) target_semaphore(%run_scoped3A_94 : memref<!tpu.dma_semaphore, #tpu.memory_space<semaphore_mem>>)
      %dma_wait3A_107 = arith.constant 0 : i32
      %dma_wait3A_108 = arith.constant 0 : i32
      %dma_wait3A_109 = tpu.memref_slice %arg7[%run_scoped3A_18, %dma_wait3A_107, %dma_wait3A_108] : memref<4x500x16xf32, #tpu.memory_space<vmem>> -> memref<1x128x16xf32, #tpu.memory_space<vmem>>
      %dma_wait3A_110 = tpu.memref_squeeze %dma_wait3A_109 : memref<1x128x16xf32, #tpu.memory_space<vmem>> -> memref<128x16xf32, #tpu.memory_space<vmem>>
      %dma_wait3A_111 = arith.constant 0 : i32
      %dma_wait3A_112 = tpu.memref_slice %arg8[%add3A_17, %dma_wait3A_111] : memref<10112x16xf32, #tpu.memory_space<vmem_shared>> -> memref<128x16xf32, #tpu.memory_space<vmem_shared>>
      %dma_wait3A_113 = arith.constant 0 : i32
      %dma_wait3A_114 = tpu.memref_slice %arg8[%add3A_17, %dma_wait3A_113] : memref<10112x16xf32, #tpu.memory_space<vmem_shared>> -> memref<128x16xf32, #tpu.memory_space<vmem_shared>>
      %dma_wait3A_115 = arith.constant 0 : i32
      %dma_wait3A_116 = arith.constant 0 : i32
      %dma_wait3A_117 = tpu.memref_slice %arg7[%run_scoped3A_18, %dma_wait3A_115, %dma_wait3A_116] : memref<4x500x16xf32, #tpu.memory_space<vmem>> -> memref<1x128x16xf32, #tpu.memory_space<vmem>>
      %dma_wait3A_118 = tpu.memref_squeeze %dma_wait3A_117 : memref<1x128x16xf32, #tpu.memory_space<vmem>> -> memref<128x16xf32, #tpu.memory_space<vmem>>
      tpu.wait_dma2 semaphore(%run_scoped3A_94 : memref<!tpu.dma_semaphore, #tpu.memory_space<semaphore_mem>>) src(%dma_wait3A_118 : memref<128x16xf32, #tpu.memory_space<vmem>>) dst(%dma_wait3A_114 : memref<128x16xf32, #tpu.memory_space<vmem_shared>>)
      tpu.yield
    }) : () -> ()
    %add3A_19 = arith.constant 256 : i32
    %add3A_20 = arith.addi %mul3A_13, %add3A_19 : i32
    %run_scoped3A_21 = arith.constant 0 : i32
    "tpu.region"() ({
      %run_scoped3A_94 = tpu.sem_alloc : memref<!tpu.dma_semaphore, #tpu.memory_space<semaphore_mem>>
      %dma_start3A_95 = arith.constant 0 : i32
      %dma_start3A_96 = arith.constant 0 : i32
      %dma_start3A_97 = tpu.memref_slice %arg7[%run_scoped3A_21, %dma_start3A_95, %dma_start3A_96] : memref<4x500x16xf32, #tpu.memory_space<vmem>> -> memref<1x128x16xf32, #tpu.memory_space<vmem>>
      %dma_start3A_98 = tpu.memref_squeeze %dma_start3A_97 : memref<1x128x16xf32, #tpu.memory_space<vmem>> -> memref<128x16xf32, #tpu.memory_space<vmem>>
      %dma_start3A_99 = arith.constant 0 : i32
      %dma_start3A_100 = tpu.memref_slice %arg8[%add3A_20, %dma_start3A_99] : memref<10112x16xf32, #tpu.memory_space<vmem_shared>> -> memref<128x16xf32, #tpu.memory_space<vmem_shared>>
      %dma_start3A_101 = arith.constant 0 : i32
      %dma_start3A_102 = tpu.memref_slice %arg8[%add3A_20, %dma_start3A_101] : memref<10112x16xf32, #tpu.memory_space<vmem_shared>> -> memref<128x16xf32, #tpu.memory_space<vmem_shared>>
      %dma_start3A_103 = arith.constant 0 : i32
      %dma_start3A_104 = arith.constant 0 : i32
      %dma_start3A_105 = tpu.memref_slice %arg7[%run_scoped3A_21, %dma_start3A_103, %dma_start3A_104] : memref<4x500x16xf32, #tpu.memory_space<vmem>> -> memref<1x128x16xf32, #tpu.memory_space<vmem>>
      %dma_start3A_106 = tpu.memref_squeeze %dma_start3A_105 : memref<1x128x16xf32, #tpu.memory_space<vmem>> -> memref<128x16xf32, #tpu.memory_space<vmem>>
      tpu.enqueue_dma source(%dma_start3A_106 : memref<128x16xf32, #tpu.memory_space<vmem>>) target(%dma_start3A_102 : memref<128x16xf32, #tpu.memory_space<vmem_shared>>) target_semaphore(%run_scoped3A_94 : memref<!tpu.dma_semaphore, #tpu.memory_space<semaphore_mem>>)
      %dma_wait3A_107 = arith.constant 0 : i32
      %dma_wait3A_108 = arith.constant 0 : i32
      %dma_wait3A_109 = tpu.memref_slice %arg7[%run_scoped3A_21, %dma_wait3A_107, %dma_wait3A_108] : memref<4x500x16xf32, #tpu.memory_space<vmem>> -> memref<1x128x16xf32, #tpu.memory_space<vmem>>
      %dma_wait3A_110 = tpu.memref_squeeze %dma_wait3A_109 : memref<1x128x16xf32, #tpu.memory_space<vmem>> -> memref<128x16xf32, #tpu.memory_space<vmem>>
      %dma_wait3A_111 = arith.constant 0 : i32
      %dma_wait3A_112 = tpu.memref_slice %arg8[%add3A_20, %dma_wait3A_111] : memref<10112x16xf32, #tpu.memory_space<vmem_shared>> -> memref<128x16xf32, #tpu.memory_space<vmem_shared>>
      %dma_wait3A_113 = arith.constant 0 : i32
      %dma_wait3A_114 = tpu.memref_slice %arg8[%add3A_20, %dma_wait3A_113] : memref<10112x16xf32, #tpu.memory_space<vmem_shared>> -> memref<128x16xf32, #tpu.memory_space<vmem_shared>>
      %dma_wait3A_115 = arith.constant 0 : i32
      %dma_wait3A_116 = arith.constant 0 : i32
      %dma_wait3A_117 = tpu.memref_slice %arg7[%run_scoped3A_21, %dma_wait3A_115, %dma_wait3A_116] : memref<4x500x16xf32, #tpu.memory_space<vmem>> -> memref<1x128x16xf32, #tpu.memory_space<vmem>>
      %dma_wait3A_118 = tpu.memref_squeeze %dma_wait3A_117 : memref<1x128x16xf32, #tpu.memory_space<vmem>> -> memref<128x16xf32, #tpu.memory_space<vmem>>
      tpu.wait_dma2 semaphore(%run_scoped3A_94 : memref<!tpu.dma_semaphore, #tpu.memory_space<semaphore_mem>>) src(%dma_wait3A_118 : memref<128x16xf32, #tpu.memory_space<vmem>>) dst(%dma_wait3A_114 : memref<128x16xf32, #tpu.memory_space<vmem_shared>>)
      tpu.yield
    }) : () -> ()
    %add3A_22 = arith.constant 384 : i32
    %add3A_23 = arith.addi %mul3A_13, %add3A_22 : i32
    %run_scoped3A_24 = arith.constant 0 : i32
    "tpu.region"() ({
      %run_scoped3A_94 = tpu.sem_alloc : memref<!tpu.dma_semaphore, #tpu.memory_space<semaphore_mem>>
      %dma_start3A_95 = arith.constant 0 : i32
      %dma_start3A_96 = arith.constant 0 : i32
      %dma_start3A_97 = tpu.memref_slice %arg7[%run_scoped3A_24, %dma_start3A_95, %dma_start3A_96] : memref<4x500x16xf32, #tpu.memory_space<vmem>> -> memref<1x128x16xf32, #tpu.memory_space<vmem>>
      %dma_start3A_98 = tpu.memref_squeeze %dma_start3A_97 : memref<1x128x16xf32, #tpu.memory_space<vmem>> -> memref<128x16xf32, #tpu.memory_space<vmem>>
      %dma_start3A_99 = arith.constant 0 : i32
      %dma_start3A_100 = tpu.memref_slice %arg8[%add3A_23, %dma_start3A_99] : memref<10112x16xf32, #tpu.memory_space<vmem_shared>> -> memref<128x16xf32, #tpu.memory_space<vmem_shared>>
      %dma_start3A_101 = arith.constant 0 : i32
      %dma_start3A_102 = tpu.memref_slice %arg8[%add3A_23, %dma_start3A_101] : memref<10112x16xf32, #tpu.memory_space<vmem_shared>> -> memref<128x16xf32, #tpu.memory_space<vmem_shared>>
      %dma_start3A_103 = arith.constant 0 : i32
      %dma_start3A_104 = arith.constant 0 : i32
      %dma_start3A_105 = tpu.memref_slice %arg7[%run_scoped3A_24, %dma_start3A_103, %dma_start3A_104] : memref<4x500x16xf32, #tpu.memory_space<vmem>> -> memref<1x128x16xf32, #tpu.memory_space<vmem>>
      %dma_start3A_106 = tpu.memref_squeeze %dma_start3A_105 : memref<1x128x16xf32, #tpu.memory_space<vmem>> -> memref<128x16xf32, #tpu.memory_space<vmem>>
      tpu.enqueue_dma source(%dma_start3A_106 : memref<128x16xf32, #tpu.memory_space<vmem>>) target(%dma_start3A_102 : memref<128x16xf32, #tpu.memory_space<vmem_shared>>) target_semaphore(%run_scoped3A_94 : memref<!tpu.dma_semaphore, #tpu.memory_space<semaphore_mem>>)
      %dma_wait3A_107 = arith.constant 0 : i32
      %dma_wait3A_108 = arith.constant 0 : i32
      %dma_wait3A_109 = tpu.memref_slice %arg7[%run_scoped3A_24, %dma_wait3A_107, %dma_wait3A_108] : memref<4x500x16xf32, #tpu.memory_space<vmem>> -> memref<1x128x16xf32, #tpu.memory_space<vmem>>
      %dma_wait3A_110 = tpu.memref_squeeze %dma_wait3A_109 : memref<1x128x16xf32, #tpu.memory_space<vmem>> -> memref<128x16xf32, #tpu.memory_space<vmem>>
      %dma_wait3A_111 = arith.constant 0 : i32
      %dma_wait3A_112 = tpu.memref_slice %arg8[%add3A_23, %dma_wait3A_111] : memref<10112x16xf32, #tpu.memory_space<vmem_shared>> -> memref<128x16xf32, #tpu.memory_space<vmem_shared>>
      %dma_wait3A_113 = arith.constant 0 : i32
      %dma_wait3A_114 = tpu.memref_slice %arg8[%add3A_23, %dma_wait3A_113] : memref<10112x16xf32, #tpu.memory_space<vmem_shared>> -> memref<128x16xf32, #tpu.memory_space<vmem_shared>>
      %dma_wait3A_115 = arith.constant 0 : i32
      %dma_wait3A_116 = arith.constant 0 : i32
      %dma_wait3A_117 = tpu.memref_slice %arg7[%run_scoped3A_24, %dma_wait3A_115, %dma_wait3A_116] : memref<4x500x16xf32, #tpu.memory_space<vmem>> -> memref<1x128x16xf32, #tpu.memory_space<vmem>>
      %dma_wait3A_118 = tpu.memref_squeeze %dma_wait3A_117 : memref<1x128x16xf32, #tpu.memory_space<vmem>> -> memref<128x16xf32, #tpu.memory_space<vmem>>
      tpu.wait_dma2 semaphore(%run_scoped3A_94 : memref<!tpu.dma_semaphore, #tpu.memory_space<semaphore_mem>>) src(%dma_wait3A_118 : memref<128x16xf32, #tpu.memory_space<vmem>>) dst(%dma_wait3A_114 : memref<128x16xf32, #tpu.memory_space<vmem_shared>>)
      tpu.yield
    }) : () -> ()
    %add3A_25 = arith.constant 512 : i32
    %add3A_26 = arith.addi %mul3A_13, %add3A_25 : i32
    %run_scoped3A_27 = arith.constant 0 : i32
    "tpu.region"() ({
      %run_scoped3A_94 = tpu.sem_alloc : memref<!tpu.dma_semaphore, #tpu.memory_space<semaphore_mem>>
      %dma_start3A_95 = arith.constant 0 : i32
      %dma_start3A_96 = arith.constant 0 : i32
      %dma_start3A_97 = tpu.memref_slice %arg7[%run_scoped3A_27, %dma_start3A_95, %dma_start3A_96] : memref<4x500x16xf32, #tpu.memory_space<vmem>> -> memref<1x128x16xf32, #tpu.memory_space<vmem>>
      %dma_start3A_98 = tpu.memref_squeeze %dma_start3A_97 : memref<1x128x16xf32, #tpu.memory_space<vmem>> -> memref<128x16xf32, #tpu.memory_space<vmem>>
      %dma_start3A_99 = arith.constant 0 : i32
      %dma_start3A_100 = arith.constant 0 : i32
      %dma_start3A_101 = tpu.memref_slice %dma_start3A_98[%dma_start3A_99, %dma_start3A_100] : memref<128x16xf32, #tpu.memory_space<vmem>> -> memref<120x16xf32, #tpu.memory_space<vmem>>
      %dma_start3A_102 = arith.constant 0 : i32
      %dma_start3A_103 = tpu.memref_slice %arg8[%add3A_26, %dma_start3A_102] : memref<10112x16xf32, #tpu.memory_space<vmem_shared>> -> memref<120x16xf32, #tpu.memory_space<vmem_shared>>
      %dma_start3A_104 = arith.constant 0 : i32
      %dma_start3A_105 = tpu.memref_slice %arg8[%add3A_26, %dma_start3A_104] : memref<10112x16xf32, #tpu.memory_space<vmem_shared>> -> memref<120x16xf32, #tpu.memory_space<vmem_shared>>
      %dma_start3A_106 = arith.constant 0 : i32
      %dma_start3A_107 = arith.constant 0 : i32
      %dma_start3A_108 = tpu.memref_slice %arg7[%run_scoped3A_27, %dma_start3A_106, %dma_start3A_107] : memref<4x500x16xf32, #tpu.memory_space<vmem>> -> memref<1x128x16xf32, #tpu.memory_space<vmem>>
      %dma_start3A_109 = tpu.memref_squeeze %dma_start3A_108 : memref<1x128x16xf32, #tpu.memory_space<vmem>> -> memref<128x16xf32, #tpu.memory_space<vmem>>
      %dma_start3A_110 = arith.constant 0 : i32
      %dma_start3A_111 = arith.constant 0 : i32
      %dma_start3A_112 = tpu.memref_slice %dma_start3A_109[%dma_start3A_110, %dma_start3A_111] : memref<128x16xf32, #tpu.memory_space<vmem>> -> memref<120x16xf32, #tpu.memory_space<vmem>>
      tpu.enqueue_dma source(%dma_start3A_112 : memref<120x16xf32, #tpu.memory_space<vmem>>) target(%dma_start3A_105 : memref<120x16xf32, #tpu.memory_space<vmem_shared>>) target_semaphore(%run_scoped3A_94 : memref<!tpu.dma_semaphore, #tpu.memory_space<semaphore_mem>>)
      %dma_wait3A_113 = arith.constant 0 : i32
      %dma_wait3A_114 = arith.constant 0 : i32
      %dma_wait3A_115 = tpu.memref_slice %arg7[%run_scoped3A_27, %dma_wait3A_113, %dma_wait3A_114] : memref<4x500x16xf32, #tpu.memory_space<vmem>> -> memref<1x128x16xf32, #tpu.memory_space<vmem>>
      %dma_wait3A_116 = tpu.memref_squeeze %dma_wait3A_115 : memref<1x128x16xf32, #tpu.memory_space<vmem>> -> memref<128x16xf32, #tpu.memory_space<vmem>>
      %dma_wait3A_117 = arith.constant 0 : i32
      %dma_wait3A_118 = arith.constant 0 : i32
      %dma_wait3A_119 = tpu.memref_slice %dma_wait3A_116[%dma_wait3A_117, %dma_wait3A_118] : memref<128x16xf32, #tpu.memory_space<vmem>> -> memref<120x16xf32, #tpu.memory_space<vmem>>
      %dma_wait3A_120 = arith.constant 0 : i32
      %dma_wait3A_121 = tpu.memref_slice %arg8[%add3A_26, %dma_wait3A_120] : memref<10112x16xf32, #tpu.memory_space<vmem_shared>> -> memref<120x16xf32, #tpu.memory_space<vmem_shared>>
      %dma_wait3A_122 = arith.constant 0 : i32
      %dma_wait3A_123 = tpu.memref_slice %arg8[%add3A_26, %dma_wait3A_122] : memref<10112x16xf32, #tpu.memory_space<vmem_shared>> -> memref<120x16xf32, #tpu.memory_space<vmem_shared>>
      %dma_wait3A_124 = arith.constant 0 : i32
      %dma_wait3A_125 = arith.constant 0 : i32
      %dma_wait3A_126 = tpu.memref_slice %arg7[%run_scoped3A_27, %dma_wait3A_124, %dma_wait3A_125] : memref<4x500x16xf32, #tpu.memory_space<vmem>> -> memref<1x128x16xf32, #tpu.memory_space<vmem>>
      %dma_wait3A_127 = tpu.memref_squeeze %dma_wait3A_126 : memref<1x128x16xf32, #tpu.memory_space<vmem>> -> memref<128x16xf32, #tpu.memory_space<vmem>>
      %dma_wait3A_128 = arith.constant 0 : i32
      %dma_wait3A_129 = arith.constant 0 : i32
      %dma_wait3A_130 = tpu.memref_slice %dma_wait3A_127[%dma_wait3A_128, %dma_wait3A_129] : memref<128x16xf32, #tpu.memory_space<vmem>> -> memref<120x16xf32, #tpu.memory_space<vmem>>
      tpu.wait_dma2 semaphore(%run_scoped3A_94 : memref<!tpu.dma_semaphore, #tpu.memory_space<semaphore_mem>>) src(%dma_wait3A_130 : memref<120x16xf32, #tpu.memory_space<vmem>>) dst(%dma_wait3A_123 : memref<120x16xf32, #tpu.memory_space<vmem_shared>>)
      tpu.yield
    }) : () -> ()
    %barrier3A = arith.constant 0 : index
    tpu.barrier barrier_id(%barrier3A)
    %mul3A_28 = arith.constant 20 : i32
    %mul3A_29 = arith.muli %add3A, %mul3A_28 : i32
    %run_scoped3A_30 = arith.constant 0 : i32
    "tpu.region"() ({
      %run_scoped3A_94 = tpu.sem_alloc : memref<!tpu.dma_semaphore, #tpu.memory_space<semaphore_mem>>
      %dma_start3A_95 = arith.constant 0 : i32
      %dma_start3A_96 = tpu.memref_slice %arg3[%run_scoped3A_30, %mul3A_29, %dma_start3A_95] : memref<2x640x500xi32, #tpu.memory_space<hbm>> -> memref<1x20x500xi32, #tpu.memory_space<hbm>>
      %dma_start3A_97 = tpu.memref_squeeze %dma_start3A_96 : memref<1x20x500xi32, #tpu.memory_space<hbm>> -> memref<20x500xi32, #tpu.memory_space<hbm>>
      %dma_start3A_98 = arith.constant 0 : i32
      %dma_start3A_99 = tpu.memref_slice %arg3[%run_scoped3A_30, %mul3A_29, %dma_start3A_98] : memref<2x640x500xi32, #tpu.memory_space<hbm>> -> memref<1x20x500xi32, #tpu.memory_space<hbm>>
      %dma_start3A_100 = tpu.memref_squeeze %dma_start3A_99 : memref<1x20x500xi32, #tpu.memory_space<hbm>> -> memref<20x500xi32, #tpu.memory_space<hbm>>
      tpu.enqueue_dma source(%dma_start3A_100 : memref<20x500xi32, #tpu.memory_space<hbm>>) target(%arg5 : memref<20x500xi32, #tpu.memory_space<vmem>>) target_semaphore(%run_scoped3A_94 : memref<!tpu.dma_semaphore, #tpu.memory_space<semaphore_mem>>)
      %dma_wait3A_101 = arith.constant 0 : i32
      %dma_wait3A_102 = tpu.memref_slice %arg3[%run_scoped3A_30, %mul3A_29, %dma_wait3A_101] : memref<2x640x500xi32, #tpu.memory_space<hbm>> -> memref<1x20x500xi32, #tpu.memory_space<hbm>>
      %dma_wait3A_103 = tpu.memref_squeeze %dma_wait3A_102 : memref<1x20x500xi32, #tpu.memory_space<hbm>> -> memref<20x500xi32, #tpu.memory_space<hbm>>
      %dma_wait3A_104 = arith.constant 0 : i32
      %dma_wait3A_105 = tpu.memref_slice %arg3[%run_scoped3A_30, %mul3A_29, %dma_wait3A_104] : memref<2x640x500xi32, #tpu.memory_space<hbm>> -> memref<1x20x500xi32, #tpu.memory_space<hbm>>
      %dma_wait3A_106 = tpu.memref_squeeze %dma_wait3A_105 : memref<1x20x500xi32, #tpu.memory_space<hbm>> -> memref<20x500xi32, #tpu.memory_space<hbm>>
      tpu.wait_dma2 semaphore(%run_scoped3A_94 : memref<!tpu.dma_semaphore, #tpu.memory_space<semaphore_mem>>) src(%dma_wait3A_106 : memref<20x500xi32, #tpu.memory_space<hbm>>) dst(%arg5 : memref<20x500xi32, #tpu.memory_space<vmem>>)
      tpu.yield
    }) : () -> ()
    %mul3A_31 = arith.constant 20 : i32
    %mul3A_32 = arith.muli %add3A, %mul3A_31 : i32
    %run_scoped3A_33 = arith.constant 1 : i32
    "tpu.region"() ({
      %run_scoped3A_94 = tpu.sem_alloc : memref<!tpu.dma_semaphore, #tpu.memory_space<semaphore_mem>>
      %dma_start3A_95 = arith.constant 0 : i32
      %dma_start3A_96 = tpu.memref_slice %arg3[%run_scoped3A_33, %mul3A_32, %dma_start3A_95] : memref<2x640x500xi32, #tpu.memory_space<hbm>> -> memref<1x20x500xi32, #tpu.memory_space<hbm>>
      %dma_start3A_97 = tpu.memref_squeeze %dma_start3A_96 : memref<1x20x500xi32, #tpu.memory_space<hbm>> -> memref<20x500xi32, #tpu.memory_space<hbm>>
      %dma_start3A_98 = arith.constant 0 : i32
      %dma_start3A_99 = tpu.memref_slice %arg3[%run_scoped3A_33, %mul3A_32, %dma_start3A_98] : memref<2x640x500xi32, #tpu.memory_space<hbm>> -> memref<1x20x500xi32, #tpu.memory_space<hbm>>
      %dma_start3A_100 = tpu.memref_squeeze %dma_start3A_99 : memref<1x20x500xi32, #tpu.memory_space<hbm>> -> memref<20x500xi32, #tpu.memory_space<hbm>>
      tpu.enqueue_dma source(%dma_start3A_100 : memref<20x500xi32, #tpu.memory_space<hbm>>) target(%arg6 : memref<20x500xi32, #tpu.memory_space<vmem>>) target_semaphore(%run_scoped3A_94 : memref<!tpu.dma_semaphore, #tpu.memory_space<semaphore_mem>>)
      %dma_wait3A_101 = arith.constant 0 : i32
      %dma_wait3A_102 = tpu.memref_slice %arg3[%run_scoped3A_33, %mul3A_32, %dma_wait3A_101] : memref<2x640x500xi32, #tpu.memory_space<hbm>> -> memref<1x20x500xi32, #tpu.memory_space<hbm>>
      %dma_wait3A_103 = tpu.memref_squeeze %dma_wait3A_102 : memref<1x20x500xi32, #tpu.memory_space<hbm>> -> memref<20x500xi32, #tpu.memory_space<hbm>>
      %dma_wait3A_104 = arith.constant 0 : i32
      %dma_wait3A_105 = tpu.memref_slice %arg3[%run_scoped3A_33, %mul3A_32, %dma_wait3A_104] : memref<2x640x500xi32, #tpu.memory_space<hbm>> -> memref<1x20x500xi32, #tpu.memory_space<hbm>>
      %dma_wait3A_106 = tpu.memref_squeeze %dma_wait3A_105 : memref<1x20x500xi32, #tpu.memory_space<hbm>> -> memref<20x500xi32, #tpu.memory_space<hbm>>
      tpu.wait_dma2 semaphore(%run_scoped3A_94 : memref<!tpu.dma_semaphore, #tpu.memory_space<semaphore_mem>>) src(%dma_wait3A_106 : memref<20x500xi32, #tpu.memory_space<hbm>>) dst(%arg6 : memref<20x500xi32, #tpu.memory_space<vmem>>)
      tpu.yield
    }) : () -> ()
    %dma_start3A = arith.constant 0 : i32
    %dma_start3A_34 = arith.constant 0 : i32
    %dma_start3A_35 = arith.constant 0 : i32
    %dma_start3A_36 = arith.constant 0 : i32
    %dma_start3A_37 = tpu.memref_slice %arg7[%dma_start3A_34, %dma_start3A_35, %dma_start3A_36] : memref<4x500x16xf32, #tpu.memory_space<vmem>> -> memref<1x500x16xf32, #tpu.memory_space<vmem>>
    %dma_start3A_38 = tpu.memref_squeeze %dma_start3A_37 : memref<1x500x16xf32, #tpu.memory_space<vmem>> -> memref<500x16xf32, #tpu.memory_space<vmem>>
    %dma_start3A_39 = arith.constant 0 : i32
    %dma_start3A_40 = tpu.memref_slice %arg5[%dma_start3A, %dma_start3A_39] : memref<20x500xi32, #tpu.memory_space<vmem>> -> memref<1x500xi32, #tpu.memory_space<vmem>>
    %dma_start3A_41 = tpu.memref_squeeze %dma_start3A_40 : memref<1x500xi32, #tpu.memory_space<vmem>> -> memref<500xi32, #tpu.memory_space<vmem>>
    %dma_start3A_42 = arith.constant 0 : i32
    %dma_start3A_43 = arith.constant 0 : i32
    %dma_start3A_44 = tpu.memref_slice %arg9[%dma_start3A_42, %dma_start3A_43] : memref<10112x16xf32, #tpu.memory_space<vmem_shared>> -> memref<10112x16xf32, #tpu.memory_space<vmem_shared>>
    tpu.enqueue_indirect_dma source(%dma_start3A_44 : memref<10112x16xf32, #tpu.memory_space<vmem_shared>>) target(%dma_start3A_38 : memref<500x16xf32, #tpu.memory_space<vmem>>) offsets(%dma_start3A_41 : memref<500xi32, #tpu.memory_space<vmem>>) semaphore(%arg10 : memref<!tpu.dma_semaphore, #tpu.memory_space<semaphore_mem>>)
    %dma_start3A_45 = arith.constant 1 : i32
    %dma_start3A_46 = arith.constant 1 : i32
    %dma_start3A_47 = arith.constant 0 : i32
    %dma_start3A_48 = arith.constant 0 : i32
    %dma_start3A_49 = tpu.memref_slice %arg7[%dma_start3A_46, %dma_start3A_47, %dma_start3A_48] : memref<4x500x16xf32, #tpu.memory_space<vmem>> -> memref<1x500x16xf32, #tpu.memory_space<vmem>>
    %dma_start3A_50 = tpu.memref_squeeze %dma_start3A_49 : memref<1x500x16xf32, #tpu.memory_space<vmem>> -> memref<500x16xf32, #tpu.memory_space<vmem>>
    %dma_start3A_51 = arith.constant 0 : i32
    %dma_start3A_52 = tpu.memref_slice %arg5[%dma_start3A_45, %dma_start3A_51] : memref<20x500xi32, #tpu.memory_space<vmem>> -> memref<1x500xi32, #tpu.memory_space<vmem>>
    %dma_start3A_53 = tpu.memref_squeeze %dma_start3A_52 : memref<1x500xi32, #tpu.memory_space<vmem>> -> memref<500xi32, #tpu.memory_space<vmem>>
    %dma_start3A_54 = arith.constant 0 : i32
    %dma_start3A_55 = arith.constant 0 : i32
    %dma_start3A_56 = tpu.memref_slice %arg9[%dma_start3A_54, %dma_start3A_55] : memref<10112x16xf32, #tpu.memory_space<vmem_shared>> -> memref<10112x16xf32, #tpu.memory_space<vmem_shared>>
    tpu.enqueue_indirect_dma source(%dma_start3A_56 : memref<10112x16xf32, #tpu.memory_space<vmem_shared>>) target(%dma_start3A_50 : memref<500x16xf32, #tpu.memory_space<vmem>>) offsets(%dma_start3A_53 : memref<500xi32, #tpu.memory_space<vmem>>) semaphore(%arg11 : memref<!tpu.dma_semaphore, #tpu.memory_space<semaphore_mem>>)
    %dma_start3A_57 = arith.constant 2 : i32
    %dma_start3A_58 = arith.constant 2 : i32
    %dma_start3A_59 = arith.constant 0 : i32
    %dma_start3A_60 = arith.constant 0 : i32
    %dma_start3A_61 = tpu.memref_slice %arg7[%dma_start3A_58, %dma_start3A_59, %dma_start3A_60] : memref<4x500x16xf32, #tpu.memory_space<vmem>> -> memref<1x500x16xf32, #tpu.memory_space<vmem>>
    %dma_start3A_62 = tpu.memref_squeeze %dma_start3A_61 : memref<1x500x16xf32, #tpu.memory_space<vmem>> -> memref<500x16xf32, #tpu.memory_space<vmem>>
    %dma_start3A_63 = arith.constant 0 : i32
    %dma_start3A_64 = tpu.memref_slice %arg5[%dma_start3A_57, %dma_start3A_63] : memref<20x500xi32, #tpu.memory_space<vmem>> -> memref<1x500xi32, #tpu.memory_space<vmem>>
    %dma_start3A_65 = tpu.memref_squeeze %dma_start3A_64 : memref<1x500xi32, #tpu.memory_space<vmem>> -> memref<500xi32, #tpu.memory_space<vmem>>
    %dma_start3A_66 = arith.constant 0 : i32
    %dma_start3A_67 = arith.constant 0 : i32
    %dma_start3A_68 = tpu.memref_slice %arg9[%dma_start3A_66, %dma_start3A_67] : memref<10112x16xf32, #tpu.memory_space<vmem_shared>> -> memref<10112x16xf32, #tpu.memory_space<vmem_shared>>
    tpu.enqueue_indirect_dma source(%dma_start3A_68 : memref<10112x16xf32, #tpu.memory_space<vmem_shared>>) target(%dma_start3A_62 : memref<500x16xf32, #tpu.memory_space<vmem>>) offsets(%dma_start3A_65 : memref<500xi32, #tpu.memory_space<vmem>>) semaphore(%arg12 : memref<!tpu.dma_semaphore, #tpu.memory_space<semaphore_mem>>)
    %scan3A_69 = arith.constant 0 : i32
    %scan3A_70 = arith.constant 3 : i32
    %scan3A_71 = arith.constant 1 : i32
    %scan3A_72 = arith.constant 2 : i32
    %scan3A_73 = arith.constant 0 : i32
    %scan3A_74 = arith.constant 0 : i32
    %scan3A_75 = arith.constant 5 : i32
    %scan3A_76 = arith.addi %scan3A_74, %scan3A_75 : i32
    %scan3A_77 = arith.constant 1 : i32
    %scan3A_78 = scf.for %scan3A_94 = %scan3A_74 to %scan3A_76 step %scan3A_77 iter_args(%scan3A_95 = %scan3A_73) -> (i32)  : i32 {
      %mul3A_96 = arith.constant 4 : i32
      %mul3A_97 = arith.muli %mul3A_96, %scan3A_94 : i32
      %add3A_98 = arith.constant 0 : i32
      %add3A_99 = arith.addi %mul3A_97, %add3A_98 : i32
      %dma_wait3A_100 = arith.constant 0 : i32
      %dma_wait3A_101 = arith.constant 0 : i32
      %dma_wait3A_102 = arith.constant 0 : i32
      %dma_wait3A_103 = tpu.memref_slice %arg7[%scan3A_69, %dma_wait3A_101, %dma_wait3A_102] : memref<4x500x16xf32, #tpu.memory_space<vmem>> -> memref<1x500x16xf32, #tpu.memory_space<vmem>>
      %dma_wait3A_104 = tpu.memref_squeeze %dma_wait3A_103 : memref<1x500x16xf32, #tpu.memory_space<vmem>> -> memref<500x16xf32, #tpu.memory_space<vmem>>
      %dma_wait3A_105 = arith.constant 0 : i32
      %dma_wait3A_106 = tpu.memref_slice %arg5[%dma_wait3A_100, %dma_wait3A_105] : memref<20x500xi32, #tpu.memory_space<vmem>> -> memref<1x500xi32, #tpu.memory_space<vmem>>
      %dma_wait3A_107 = tpu.memref_squeeze %dma_wait3A_106 : memref<1x500xi32, #tpu.memory_space<vmem>> -> memref<500xi32, #tpu.memory_space<vmem>>
      %dma_wait3A_108 = arith.constant 0 : i32
      %dma_wait3A_109 = arith.constant 0 : i32
      %dma_wait3A_110 = tpu.memref_slice %arg9[%dma_wait3A_108, %dma_wait3A_109] : memref<10112x16xf32, #tpu.memory_space<vmem_shared>> -> memref<10112x16xf32, #tpu.memory_space<vmem_shared>>
      tpu.wait_indirect_dma semaphore(%arg10 : memref<!tpu.dma_semaphore, #tpu.memory_space<semaphore_mem>>) src(%dma_wait3A_110 : memref<10112x16xf32, #tpu.memory_space<vmem_shared>>) dst(%dma_wait3A_104 : memref<500x16xf32, #tpu.memory_space<vmem>>)
      %dma_start3A_111 = arith.constant 0 : i32
      %dma_start3A_112 = arith.constant 0 : i32
      %dma_start3A_113 = tpu.memref_slice %arg7[%scan3A_69, %dma_start3A_111, %dma_start3A_112] : memref<4x500x16xf32, #tpu.memory_space<vmem>> -> memref<1x500x16xf32, #tpu.memory_space<vmem>>
      %dma_start3A_114 = tpu.memref_squeeze %dma_start3A_113 : memref<1x500x16xf32, #tpu.memory_space<vmem>> -> memref<500x16xf32, #tpu.memory_space<vmem>>
      %dma_start3A_115 = arith.constant 0 : i32
      %dma_start3A_116 = tpu.memref_slice %arg6[%add3A_99, %dma_start3A_115] : memref<20x500xi32, #tpu.memory_space<vmem>> -> memref<1x500xi32, #tpu.memory_space<vmem>>
      %dma_start3A_117 = tpu.memref_squeeze %dma_start3A_116 : memref<1x500xi32, #tpu.memory_space<vmem>> -> memref<500xi32, #tpu.memory_space<vmem>>
      %dma_start3A_118 = arith.constant 0 : i32
      %dma_start3A_119 = arith.constant 0 : i32
      %dma_start3A_120 = tpu.memref_slice %arg8[%dma_start3A_118, %dma_start3A_119] : memref<10112x16xf32, #tpu.memory_space<vmem_shared>> -> memref<10112x16xf32, #tpu.memory_space<vmem_shared>>
      tpu.enqueue_indirect_dma source(%dma_start3A_114 : memref<500x16xf32, #tpu.memory_space<vmem>>) target(%dma_start3A_120 : memref<10112x16xf32, #tpu.memory_space<vmem_shared>>) offsets(%dma_start3A_117 : memref<500xi32, #tpu.memory_space<vmem>>) semaphore(%arg14 : memref<!tpu.dma_semaphore, #tpu.memory_space<semaphore_mem>>) {add = true}
      %ge3A = arith.constant 1 : i32
      %ge3A_121 = arith.cmpi sge, %add3A_99, %ge3A : i32
      %convert_element_type3A = arith.extui %ge3A_121 : i1 to i32
      %cond3A = arith.constant 0 : i32
      %cond3A_122 = arith.cmpi ne, %convert_element_type3A, %cond3A : i32
      scf.if %cond3A_122 {
        %dma_wait3A_248 = arith.constant 0 : i32
        %dma_wait3A_249 = arith.constant 0 : i32
        %dma_wait3A_250 = arith.constant 0 : i32
        %dma_wait3A_251 = tpu.memref_slice %arg7[%scan3A_70, %dma_wait3A_249, %dma_wait3A_250] : memref<4x500x16xf32, #tpu.memory_space<vmem>> -> memref<1x500x16xf32, #tpu.memory_space<vmem>>
        %dma_wait3A_252 = tpu.memref_squeeze %dma_wait3A_251 : memref<1x500x16xf32, #tpu.memory_space<vmem>> -> memref<500x16xf32, #tpu.memory_space<vmem>>
        %dma_wait3A_253 = arith.constant 0 : i32
        %dma_wait3A_254 = tpu.memref_slice %arg6[%dma_wait3A_248, %dma_wait3A_253] : memref<20x500xi32, #tpu.memory_space<vmem>> -> memref<1x500xi32, #tpu.memory_space<vmem>>
        %dma_wait3A_255 = tpu.memref_squeeze %dma_wait3A_254 : memref<1x500xi32, #tpu.memory_space<vmem>> -> memref<500xi32, #tpu.memory_space<vmem>>
        %dma_wait3A_256 = arith.constant 0 : i32
        %dma_wait3A_257 = arith.constant 0 : i32
        %dma_wait3A_258 = tpu.memref_slice %arg8[%dma_wait3A_256, %dma_wait3A_257] : memref<10112x16xf32, #tpu.memory_space<vmem_shared>> -> memref<10112x16xf32, #tpu.memory_space<vmem_shared>>
        tpu.wait_indirect_dma semaphore(%arg17 : memref<!tpu.dma_semaphore, #tpu.memory_space<semaphore_mem>>) src(%dma_wait3A_252 : memref<500x16xf32, #tpu.memory_space<vmem>>) dst(%dma_wait3A_258 : memref<10112x16xf32, #tpu.memory_space<vmem_shared>>)
      } else {
      }
      %add3A_123 = arith.constant 4 : i32
      %add3A_124 = arith.addi %add3A_99, %add3A_123 : i32
      %sub3A = arith.constant 1 : i32
      %sub3A_125 = arith.subi %add3A_124, %sub3A : i32
      %lt3A = arith.constant 20 : i32
      %lt3A_126 = arith.cmpi slt, %sub3A_125, %lt3A : i32
      %convert_element_type3A_127 = arith.extui %lt3A_126 : i1 to i32
      %cond3A_128 = arith.constant 0 : i32
      %cond3A_129 = arith.cmpi ne, %convert_element_type3A_127, %cond3A_128 : i32
      scf.if %cond3A_129 {
        %add3A_248 = arith.constant 4 : i32
        %add3A_249 = arith.addi %add3A_99, %add3A_248 : i32
        %sub3A_250 = arith.constant 1 : i32
        %sub3A_251 = arith.subi %add3A_249, %sub3A_250 : i32
        %dma_start3A_252 = arith.constant 0 : i32
        %dma_start3A_253 = arith.constant 0 : i32
        %dma_start3A_254 = tpu.memref_slice %arg7[%scan3A_70, %dma_start3A_252, %dma_start3A_253] : memref<4x500x16xf32, #tpu.memory_space<vmem>> -> memref<1x500x16xf32, #tpu.memory_space<vmem>>
        %dma_start3A_255 = tpu.memref_squeeze %dma_start3A_254 : memref<1x500x16xf32, #tpu.memory_space<vmem>> -> memref<500x16xf32, #tpu.memory_space<vmem>>
        %dma_start3A_256 = arith.constant 0 : i32
        %dma_start3A_257 = tpu.memref_slice %arg5[%sub3A_251, %dma_start3A_256] : memref<20x500xi32, #tpu.memory_space<vmem>> -> memref<1x500xi32, #tpu.memory_space<vmem>>
        %dma_start3A_258 = tpu.memref_squeeze %dma_start3A_257 : memref<1x500xi32, #tpu.memory_space<vmem>> -> memref<500xi32, #tpu.memory_space<vmem>>
        %dma_start3A_259 = arith.constant 0 : i32
        %dma_start3A_260 = arith.constant 0 : i32
        %dma_start3A_261 = tpu.memref_slice %arg9[%dma_start3A_259, %dma_start3A_260] : memref<10112x16xf32, #tpu.memory_space<vmem_shared>> -> memref<10112x16xf32, #tpu.memory_space<vmem_shared>>
        tpu.enqueue_indirect_dma source(%dma_start3A_261 : memref<10112x16xf32, #tpu.memory_space<vmem_shared>>) target(%dma_start3A_255 : memref<500x16xf32, #tpu.memory_space<vmem>>) offsets(%dma_start3A_258 : memref<500xi32, #tpu.memory_space<vmem>>) semaphore(%arg13 : memref<!tpu.dma_semaphore, #tpu.memory_space<semaphore_mem>>)
      } else {
      }
      %mul3A_130 = arith.constant 4 : i32
      %mul3A_131 = arith.muli %mul3A_130, %scan3A_94 : i32
      %add3A_132 = arith.constant 1 : i32
      %add3A_133 = arith.addi %mul3A_131, %add3A_132 : i32
      %dma_wait3A_134 = arith.constant 0 : i32
      %dma_wait3A_135 = arith.constant 0 : i32
      %dma_wait3A_136 = arith.constant 0 : i32
      %dma_wait3A_137 = tpu.memref_slice %arg7[%scan3A_71, %dma_wait3A_135, %dma_wait3A_136] : memref<4x500x16xf32, #tpu.memory_space<vmem>> -> memref<1x500x16xf32, #tpu.memory_space<vmem>>
      %dma_wait3A_138 = tpu.memref_squeeze %dma_wait3A_137 : memref<1x500x16xf32, #tpu.memory_space<vmem>> -> memref<500x16xf32, #tpu.memory_space<vmem>>
      %dma_wait3A_139 = arith.constant 0 : i32
      %dma_wait3A_140 = tpu.memref_slice %arg5[%dma_wait3A_134, %dma_wait3A_139] : memref<20x500xi32, #tpu.memory_space<vmem>> -> memref<1x500xi32, #tpu.memory_space<vmem>>
      %dma_wait3A_141 = tpu.memref_squeeze %dma_wait3A_140 : memref<1x500xi32, #tpu.memory_space<vmem>> -> memref<500xi32, #tpu.memory_space<vmem>>
      %dma_wait3A_142 = arith.constant 0 : i32
      %dma_wait3A_143 = arith.constant 0 : i32
      %dma_wait3A_144 = tpu.memref_slice %arg9[%dma_wait3A_142, %dma_wait3A_143] : memref<10112x16xf32, #tpu.memory_space<vmem_shared>> -> memref<10112x16xf32, #tpu.memory_space<vmem_shared>>
      tpu.wait_indirect_dma semaphore(%arg11 : memref<!tpu.dma_semaphore, #tpu.memory_space<semaphore_mem>>) src(%dma_wait3A_144 : memref<10112x16xf32, #tpu.memory_space<vmem_shared>>) dst(%dma_wait3A_138 : memref<500x16xf32, #tpu.memory_space<vmem>>)
      %dma_start3A_145 = arith.constant 0 : i32
      %dma_start3A_146 = arith.constant 0 : i32
      %dma_start3A_147 = tpu.memref_slice %arg7[%scan3A_71, %dma_start3A_145, %dma_start3A_146] : memref<4x500x16xf32, #tpu.memory_space<vmem>> -> memref<1x500x16xf32, #tpu.memory_space<vmem>>
      %dma_start3A_148 = tpu.memref_squeeze %dma_start3A_147 : memref<1x500x16xf32, #tpu.memory_space<vmem>> -> memref<500x16xf32, #tpu.memory_space<vmem>>
      %dma_start3A_149 = arith.constant 0 : i32
      %dma_start3A_150 = tpu.memref_slice %arg6[%add3A_133, %dma_start3A_149] : memref<20x500xi32, #tpu.memory_space<vmem>> -> memref<1x500xi32, #tpu.memory_space<vmem>>
      %dma_start3A_151 = tpu.memref_squeeze %dma_start3A_150 : memref<1x500xi32, #tpu.memory_space<vmem>> -> memref<500xi32, #tpu.memory_space<vmem>>
      %dma_start3A_152 = arith.constant 0 : i32
      %dma_start3A_153 = arith.constant 0 : i32
      %dma_start3A_154 = tpu.memref_slice %arg8[%dma_start3A_152, %dma_start3A_153] : memref<10112x16xf32, #tpu.memory_space<vmem_shared>> -> memref<10112x16xf32, #tpu.memory_space<vmem_shared>>
      tpu.enqueue_indirect_dma source(%dma_start3A_148 : memref<500x16xf32, #tpu.memory_space<vmem>>) target(%dma_start3A_154 : memref<10112x16xf32, #tpu.memory_space<vmem_shared>>) offsets(%dma_start3A_151 : memref<500xi32, #tpu.memory_space<vmem>>) semaphore(%arg15 : memref<!tpu.dma_semaphore, #tpu.memory_space<semaphore_mem>>) {add = true}
      %ge3A_155 = arith.constant 1 : i32
      %ge3A_156 = arith.cmpi sge, %add3A_133, %ge3A_155 : i32
      %convert_element_type3A_157 = arith.extui %ge3A_156 : i1 to i32
      %cond3A_158 = arith.constant 0 : i32
      %cond3A_159 = arith.cmpi ne, %convert_element_type3A_157, %cond3A_158 : i32
      scf.if %cond3A_159 {
        %dma_wait3A_248 = arith.constant 0 : i32
        %dma_wait3A_249 = arith.constant 0 : i32
        %dma_wait3A_250 = arith.constant 0 : i32
        %dma_wait3A_251 = tpu.memref_slice %arg7[%scan3A_69, %dma_wait3A_249, %dma_wait3A_250] : memref<4x500x16xf32, #tpu.memory_space<vmem>> -> memref<1x500x16xf32, #tpu.memory_space<vmem>>
        %dma_wait3A_252 = tpu.memref_squeeze %dma_wait3A_251 : memref<1x500x16xf32, #tpu.memory_space<vmem>> -> memref<500x16xf32, #tpu.memory_space<vmem>>
        %dma_wait3A_253 = arith.constant 0 : i32
        %dma_wait3A_254 = tpu.memref_slice %arg6[%dma_wait3A_248, %dma_wait3A_253] : memref<20x500xi32, #tpu.memory_space<vmem>> -> memref<1x500xi32, #tpu.memory_space<vmem>>
        %dma_wait3A_255 = tpu.memref_squeeze %dma_wait3A_254 : memref<1x500xi32, #tpu.memory_space<vmem>> -> memref<500xi32, #tpu.memory_space<vmem>>
        %dma_wait3A_256 = arith.constant 0 : i32
        %dma_wait3A_257 = arith.constant 0 : i32
        %dma_wait3A_258 = tpu.memref_slice %arg8[%dma_wait3A_256, %dma_wait3A_257] : memref<10112x16xf32, #tpu.memory_space<vmem_shared>> -> memref<10112x16xf32, #tpu.memory_space<vmem_shared>>
        tpu.wait_indirect_dma semaphore(%arg14 : memref<!tpu.dma_semaphore, #tpu.memory_space<semaphore_mem>>) src(%dma_wait3A_252 : memref<500x16xf32, #tpu.memory_space<vmem>>) dst(%dma_wait3A_258 : memref<10112x16xf32, #tpu.memory_space<vmem_shared>>)
      } else {
      }
      %add3A_160 = arith.constant 4 : i32
      %add3A_161 = arith.addi %add3A_133, %add3A_160 : i32
      %sub3A_162 = arith.constant 1 : i32
      %sub3A_163 = arith.subi %add3A_161, %sub3A_162 : i32
      %lt3A_164 = arith.constant 20 : i32
      %lt3A_165 = arith.cmpi slt, %sub3A_163, %lt3A_164 : i32
      %convert_element_type3A_166 = arith.extui %lt3A_165 : i1 to i32
      %cond3A_167 = arith.constant 0 : i32
      %cond3A_168 = arith.cmpi ne, %convert_element_type3A_166, %cond3A_167 : i32
      scf.if %cond3A_168 {
        %add3A_248 = arith.constant 4 : i32
        %add3A_249 = arith.addi %add3A_133, %add3A_248 : i32
        %sub3A_250 = arith.constant 1 : i32
        %sub3A_251 = arith.subi %add3A_249, %sub3A_250 : i32
        %dma_start3A_252 = arith.constant 0 : i32
        %dma_start3A_253 = arith.constant 0 : i32
        %dma_start3A_254 = tpu.memref_slice %arg7[%scan3A_69, %dma_start3A_252, %dma_start3A_253] : memref<4x500x16xf32, #tpu.memory_space<vmem>> -> memref<1x500x16xf32, #tpu.memory_space<vmem>>
        %dma_start3A_255 = tpu.memref_squeeze %dma_start3A_254 : memref<1x500x16xf32, #tpu.memory_space<vmem>> -> memref<500x16xf32, #tpu.memory_space<vmem>>
        %dma_start3A_256 = arith.constant 0 : i32
        %dma_start3A_257 = tpu.memref_slice %arg5[%sub3A_251, %dma_start3A_256] : memref<20x500xi32, #tpu.memory_space<vmem>> -> memref<1x500xi32, #tpu.memory_space<vmem>>
        %dma_start3A_258 = tpu.memref_squeeze %dma_start3A_257 : memref<1x500xi32, #tpu.memory_space<vmem>> -> memref<500xi32, #tpu.memory_space<vmem>>
        %dma_start3A_259 = arith.constant 0 : i32
        %dma_start3A_260 = arith.constant 0 : i32
        %dma_start3A_261 = tpu.memref_slice %arg9[%dma_start3A_259, %dma_start3A_260] : memref<10112x16xf32, #tpu.memory_space<vmem_shared>> -> memref<10112x16xf32, #tpu.memory_space<vmem_shared>>
        tpu.enqueue_indirect_dma source(%dma_start3A_261 : memref<10112x16xf32, #tpu.memory_space<vmem_shared>>) target(%dma_start3A_255 : memref<500x16xf32, #tpu.memory_space<vmem>>) offsets(%dma_start3A_258 : memref<500xi32, #tpu.memory_space<vmem>>) semaphore(%arg10 : memref<!tpu.dma_semaphore, #tpu.memory_space<semaphore_mem>>)
      } else {
      }
      %mul3A_169 = arith.constant 4 : i32
      %mul3A_170 = arith.muli %mul3A_169, %scan3A_94 : i32
      %add3A_171 = arith.constant 2 : i32
      %add3A_172 = arith.addi %mul3A_170, %add3A_171 : i32
      %dma_wait3A_173 = arith.constant 0 : i32
      %dma_wait3A_174 = arith.constant 0 : i32
      %dma_wait3A_175 = arith.constant 0 : i32
      %dma_wait3A_176 = tpu.memref_slice %arg7[%scan3A_72, %dma_wait3A_174, %dma_wait3A_175] : memref<4x500x16xf32, #tpu.memory_space<vmem>> -> memref<1x500x16xf32, #tpu.memory_space<vmem>>
      %dma_wait3A_177 = tpu.memref_squeeze %dma_wait3A_176 : memref<1x500x16xf32, #tpu.memory_space<vmem>> -> memref<500x16xf32, #tpu.memory_space<vmem>>
      %dma_wait3A_178 = arith.constant 0 : i32
      %dma_wait3A_179 = tpu.memref_slice %arg5[%dma_wait3A_173, %dma_wait3A_178] : memref<20x500xi32, #tpu.memory_space<vmem>> -> memref<1x500xi32, #tpu.memory_space<vmem>>
      %dma_wait3A_180 = tpu.memref_squeeze %dma_wait3A_179 : memref<1x500xi32, #tpu.memory_space<vmem>> -> memref<500xi32, #tpu.memory_space<vmem>>
      %dma_wait3A_181 = arith.constant 0 : i32
      %dma_wait3A_182 = arith.constant 0 : i32
      %dma_wait3A_183 = tpu.memref_slice %arg9[%dma_wait3A_181, %dma_wait3A_182] : memref<10112x16xf32, #tpu.memory_space<vmem_shared>> -> memref<10112x16xf32, #tpu.memory_space<vmem_shared>>
      tpu.wait_indirect_dma semaphore(%arg12 : memref<!tpu.dma_semaphore, #tpu.memory_space<semaphore_mem>>) src(%dma_wait3A_183 : memref<10112x16xf32, #tpu.memory_space<vmem_shared>>) dst(%dma_wait3A_177 : memref<500x16xf32, #tpu.memory_space<vmem>>)
      %dma_start3A_184 = arith.constant 0 : i32
      %dma_start3A_185 = arith.constant 0 : i32
      %dma_start3A_186 = tpu.memref_slice %arg7[%scan3A_72, %dma_start3A_184, %dma_start3A_185] : memref<4x500x16xf32, #tpu.memory_space<vmem>> -> memref<1x500x16xf32, #tpu.memory_space<vmem>>
      %dma_start3A_187 = tpu.memref_squeeze %dma_start3A_186 : memref<1x500x16xf32, #tpu.memory_space<vmem>> -> memref<500x16xf32, #tpu.memory_space<vmem>>
      %dma_start3A_188 = arith.constant 0 : i32
      %dma_start3A_189 = tpu.memref_slice %arg6[%add3A_172, %dma_start3A_188] : memref<20x500xi32, #tpu.memory_space<vmem>> -> memref<1x500xi32, #tpu.memory_space<vmem>>
      %dma_start3A_190 = tpu.memref_squeeze %dma_start3A_189 : memref<1x500xi32, #tpu.memory_space<vmem>> -> memref<500xi32, #tpu.memory_space<vmem>>
      %dma_start3A_191 = arith.constant 0 : i32
      %dma_start3A_192 = arith.constant 0 : i32
      %dma_start3A_193 = tpu.memref_slice %arg8[%dma_start3A_191, %dma_start3A_192] : memref<10112x16xf32, #tpu.memory_space<vmem_shared>> -> memref<10112x16xf32, #tpu.memory_space<vmem_shared>>
      tpu.enqueue_indirect_dma source(%dma_start3A_187 : memref<500x16xf32, #tpu.memory_space<vmem>>) target(%dma_start3A_193 : memref<10112x16xf32, #tpu.memory_space<vmem_shared>>) offsets(%dma_start3A_190 : memref<500xi32, #tpu.memory_space<vmem>>) semaphore(%arg16 : memref<!tpu.dma_semaphore, #tpu.memory_space<semaphore_mem>>) {add = true}
      %ge3A_194 = arith.constant 1 : i32
      %ge3A_195 = arith.cmpi sge, %add3A_172, %ge3A_194 : i32
      %convert_element_type3A_196 = arith.extui %ge3A_195 : i1 to i32
      %cond3A_197 = arith.constant 0 : i32
      %cond3A_198 = arith.cmpi ne, %convert_element_type3A_196, %cond3A_197 : i32
      scf.if %cond3A_198 {
        %dma_wait3A_248 = arith.constant 0 : i32
        %dma_wait3A_249 = arith.constant 0 : i32
        %dma_wait3A_250 = arith.constant 0 : i32
        %dma_wait3A_251 = tpu.memref_slice %arg7[%scan3A_71, %dma_wait3A_249, %dma_wait3A_250] : memref<4x500x16xf32, #tpu.memory_space<vmem>> -> memref<1x500x16xf32, #tpu.memory_space<vmem>>
        %dma_wait3A_252 = tpu.memref_squeeze %dma_wait3A_251 : memref<1x500x16xf32, #tpu.memory_space<vmem>> -> memref<500x16xf32, #tpu.memory_space<vmem>>
        %dma_wait3A_253 = arith.constant 0 : i32
        %dma_wait3A_254 = tpu.memref_slice %arg6[%dma_wait3A_248, %dma_wait3A_253] : memref<20x500xi32, #tpu.memory_space<vmem>> -> memref<1x500xi32, #tpu.memory_space<vmem>>
        %dma_wait3A_255 = tpu.memref_squeeze %dma_wait3A_254 : memref<1x500xi32, #tpu.memory_space<vmem>> -> memref<500xi32, #tpu.memory_space<vmem>>
        %dma_wait3A_256 = arith.constant 0 : i32
        %dma_wait3A_257 = arith.constant 0 : i32
        %dma_wait3A_258 = tpu.memref_slice %arg8[%dma_wait3A_256, %dma_wait3A_257] : memref<10112x16xf32, #tpu.memory_space<vmem_shared>> -> memref<10112x16xf32, #tpu.memory_space<vmem_shared>>
        tpu.wait_indirect_dma semaphore(%arg15 : memref<!tpu.dma_semaphore, #tpu.memory_space<semaphore_mem>>) src(%dma_wait3A_252 : memref<500x16xf32, #tpu.memory_space<vmem>>) dst(%dma_wait3A_258 : memref<10112x16xf32, #tpu.memory_space<vmem_shared>>)
      } else {
      }
      %add3A_199 = arith.constant 4 : i32
      %add3A_200 = arith.addi %add3A_172, %add3A_199 : i32
      %sub3A_201 = arith.constant 1 : i32
      %sub3A_202 = arith.subi %add3A_200, %sub3A_201 : i32
      %lt3A_203 = arith.constant 20 : i32
      %lt3A_204 = arith.cmpi slt, %sub3A_202, %lt3A_203 : i32
      %convert_element_type3A_205 = arith.extui %lt3A_204 : i1 to i32
      %cond3A_206 = arith.constant 0 : i32
      %cond3A_207 = arith.cmpi ne, %convert_element_type3A_205, %cond3A_206 : i32
      scf.if %cond3A_207 {
        %add3A_248 = arith.constant 4 : i32
        %add3A_249 = arith.addi %add3A_172, %add3A_248 : i32
        %sub3A_250 = arith.constant 1 : i32
        %sub3A_251 = arith.subi %add3A_249, %sub3A_250 : i32
        %dma_start3A_252 = arith.constant 0 : i32
        %dma_start3A_253 = arith.constant 0 : i32
        %dma_start3A_254 = tpu.memref_slice %arg7[%scan3A_71, %dma_start3A_252, %dma_start3A_253] : memref<4x500x16xf32, #tpu.memory_space<vmem>> -> memref<1x500x16xf32, #tpu.memory_space<vmem>>
        %dma_start3A_255 = tpu.memref_squeeze %dma_start3A_254 : memref<1x500x16xf32, #tpu.memory_space<vmem>> -> memref<500x16xf32, #tpu.memory_space<vmem>>
        %dma_start3A_256 = arith.constant 0 : i32
        %dma_start3A_257 = tpu.memref_slice %arg5[%sub3A_251, %dma_start3A_256] : memref<20x500xi32, #tpu.memory_space<vmem>> -> memref<1x500xi32, #tpu.memory_space<vmem>>
        %dma_start3A_258 = tpu.memref_squeeze %dma_start3A_257 : memref<1x500xi32, #tpu.memory_space<vmem>> -> memref<500xi32, #tpu.memory_space<vmem>>
        %dma_start3A_259 = arith.constant 0 : i32
        %dma_start3A_260 = arith.constant 0 : i32
        %dma_start3A_261 = tpu.memref_slice %arg9[%dma_start3A_259, %dma_start3A_260] : memref<10112x16xf32, #tpu.memory_space<vmem_shared>> -> memref<10112x16xf32, #tpu.memory_space<vmem_shared>>
        tpu.enqueue_indirect_dma source(%dma_start3A_261 : memref<10112x16xf32, #tpu.memory_space<vmem_shared>>) target(%dma_start3A_255 : memref<500x16xf32, #tpu.memory_space<vmem>>) offsets(%dma_start3A_258 : memref<500xi32, #tpu.memory_space<vmem>>) semaphore(%arg11 : memref<!tpu.dma_semaphore, #tpu.memory_space<semaphore_mem>>)
      } else {
      }
      %mul3A_208 = arith.constant 4 : i32
      %mul3A_209 = arith.muli %mul3A_208, %scan3A_94 : i32
      %add3A_210 = arith.constant 3 : i32
      %add3A_211 = arith.addi %mul3A_209, %add3A_210 : i32
      %dma_wait3A_212 = arith.constant 0 : i32
      %dma_wait3A_213 = arith.constant 0 : i32
      %dma_wait3A_214 = arith.constant 0 : i32
      %dma_wait3A_215 = tpu.memref_slice %arg7[%scan3A_70, %dma_wait3A_213, %dma_wait3A_214] : memref<4x500x16xf32, #tpu.memory_space<vmem>> -> memref<1x500x16xf32, #tpu.memory_space<vmem>>
      %dma_wait3A_216 = tpu.memref_squeeze %dma_wait3A_215 : memref<1x500x16xf32, #tpu.memory_space<vmem>> -> memref<500x16xf32, #tpu.memory_space<vmem>>
      %dma_wait3A_217 = arith.constant 0 : i32
      %dma_wait3A_218 = tpu.memref_slice %arg5[%dma_wait3A_212, %dma_wait3A_217] : memref<20x500xi32, #tpu.memory_space<vmem>> -> memref<1x500xi32, #tpu.memory_space<vmem>>
      %dma_wait3A_219 = tpu.memref_squeeze %dma_wait3A_218 : memref<1x500xi32, #tpu.memory_space<vmem>> -> memref<500xi32, #tpu.memory_space<vmem>>
      %dma_wait3A_220 = arith.constant 0 : i32
      %dma_wait3A_221 = arith.constant 0 : i32
      %dma_wait3A_222 = tpu.memref_slice %arg9[%dma_wait3A_220, %dma_wait3A_221] : memref<10112x16xf32, #tpu.memory_space<vmem_shared>> -> memref<10112x16xf32, #tpu.memory_space<vmem_shared>>
      tpu.wait_indirect_dma semaphore(%arg13 : memref<!tpu.dma_semaphore, #tpu.memory_space<semaphore_mem>>) src(%dma_wait3A_222 : memref<10112x16xf32, #tpu.memory_space<vmem_shared>>) dst(%dma_wait3A_216 : memref<500x16xf32, #tpu.memory_space<vmem>>)
      %dma_start3A_223 = arith.constant 0 : i32
      %dma_start3A_224 = arith.constant 0 : i32
      %dma_start3A_225 = tpu.memref_slice %arg7[%scan3A_70, %dma_start3A_223, %dma_start3A_224] : memref<4x500x16xf32, #tpu.memory_space<vmem>> -> memref<1x500x16xf32, #tpu.memory_space<vmem>>
      %dma_start3A_226 = tpu.memref_squeeze %dma_start3A_225 : memref<1x500x16xf32, #tpu.memory_space<vmem>> -> memref<500x16xf32, #tpu.memory_space<vmem>>
      %dma_start3A_227 = arith.constant 0 : i32
      %dma_start3A_228 = tpu.memref_slice %arg6[%add3A_211, %dma_start3A_227] : memref<20x500xi32, #tpu.memory_space<vmem>> -> memref<1x500xi32, #tpu.memory_space<vmem>>
      %dma_start3A_229 = tpu.memref_squeeze %dma_start3A_228 : memref<1x500xi32, #tpu.memory_space<vmem>> -> memref<500xi32, #tpu.memory_space<vmem>>
      %dma_start3A_230 = arith.constant 0 : i32
      %dma_start3A_231 = arith.constant 0 : i32
      %dma_start3A_232 = tpu.memref_slice %arg8[%dma_start3A_230, %dma_start3A_231] : memref<10112x16xf32, #tpu.memory_space<vmem_shared>> -> memref<10112x16xf32, #tpu.memory_space<vmem_shared>>
      tpu.enqueue_indirect_dma source(%dma_start3A_226 : memref<500x16xf32, #tpu.memory_space<vmem>>) target(%dma_start3A_232 : memref<10112x16xf32, #tpu.memory_space<vmem_shared>>) offsets(%dma_start3A_229 : memref<500xi32, #tpu.memory_space<vmem>>) semaphore(%arg17 : memref<!tpu.dma_semaphore, #tpu.memory_space<semaphore_mem>>) {add = true}
      %ge3A_233 = arith.constant 1 : i32
      %ge3A_234 = arith.cmpi sge, %add3A_211, %ge3A_233 : i32
      %convert_element_type3A_235 = arith.extui %ge3A_234 : i1 to i32
      %cond3A_236 = arith.constant 0 : i32
      %cond3A_237 = arith.cmpi ne, %convert_element_type3A_235, %cond3A_236 : i32
      scf.if %cond3A_237 {
        %dma_wait3A_248 = arith.constant 0 : i32
        %dma_wait3A_249 = arith.constant 0 : i32
        %dma_wait3A_250 = arith.constant 0 : i32
        %dma_wait3A_251 = tpu.memref_slice %arg7[%scan3A_72, %dma_wait3A_249, %dma_wait3A_250] : memref<4x500x16xf32, #tpu.memory_space<vmem>> -> memref<1x500x16xf32, #tpu.memory_space<vmem>>
        %dma_wait3A_252 = tpu.memref_squeeze %dma_wait3A_251 : memref<1x500x16xf32, #tpu.memory_space<vmem>> -> memref<500x16xf32, #tpu.memory_space<vmem>>
        %dma_wait3A_253 = arith.constant 0 : i32
        %dma_wait3A_254 = tpu.memref_slice %arg6[%dma_wait3A_248, %dma_wait3A_253] : memref<20x500xi32, #tpu.memory_space<vmem>> -> memref<1x500xi32, #tpu.memory_space<vmem>>
        %dma_wait3A_255 = tpu.memref_squeeze %dma_wait3A_254 : memref<1x500xi32, #tpu.memory_space<vmem>> -> memref<500xi32, #tpu.memory_space<vmem>>
        %dma_wait3A_256 = arith.constant 0 : i32
        %dma_wait3A_257 = arith.constant 0 : i32
        %dma_wait3A_258 = tpu.memref_slice %arg8[%dma_wait3A_256, %dma_wait3A_257] : memref<10112x16xf32, #tpu.memory_space<vmem_shared>> -> memref<10112x16xf32, #tpu.memory_space<vmem_shared>>
        tpu.wait_indirect_dma semaphore(%arg16 : memref<!tpu.dma_semaphore, #tpu.memory_space<semaphore_mem>>) src(%dma_wait3A_252 : memref<500x16xf32, #tpu.memory_space<vmem>>) dst(%dma_wait3A_258 : memref<10112x16xf32, #tpu.memory_space<vmem_shared>>)
      } else {
      }
      %add3A_238 = arith.constant 4 : i32
      %add3A_239 = arith.addi %add3A_211, %add3A_238 : i32
      %sub3A_240 = arith.constant 1 : i32
      %sub3A_241 = arith.subi %add3A_239, %sub3A_240 : i32
      %lt3A_242 = arith.constant 20 : i32
      %lt3A_243 = arith.cmpi slt, %sub3A_241, %lt3A_242 : i32
      %convert_element_type3A_244 = arith.extui %lt3A_243 : i1 to i32
      %cond3A_245 = arith.constant 0 : i32
      %cond3A_246 = arith.cmpi ne, %convert_element_type3A_244, %cond3A_245 : i32
      scf.if %cond3A_246 {
        %add3A_248 = arith.constant 4 : i32
        %add3A_249 = arith.addi %add3A_211, %add3A_248 : i32
        %sub3A_250 = arith.constant 1 : i32
        %sub3A_251 = arith.subi %add3A_249, %sub3A_250 : i32
        %dma_start3A_252 = arith.constant 0 : i32
        %dma_start3A_253 = arith.constant 0 : i32
        %dma_start3A_254 = tpu.memref_slice %arg7[%scan3A_72, %dma_start3A_252, %dma_start3A_253] : memref<4x500x16xf32, #tpu.memory_space<vmem>> -> memref<1x500x16xf32, #tpu.memory_space<vmem>>
        %dma_start3A_255 = tpu.memref_squeeze %dma_start3A_254 : memref<1x500x16xf32, #tpu.memory_space<vmem>> -> memref<500x16xf32, #tpu.memory_space<vmem>>
        %dma_start3A_256 = arith.constant 0 : i32
        %dma_start3A_257 = tpu.memref_slice %arg5[%sub3A_251, %dma_start3A_256] : memref<20x500xi32, #tpu.memory_space<vmem>> -> memref<1x500xi32, #tpu.memory_space<vmem>>
        %dma_start3A_258 = tpu.memref_squeeze %dma_start3A_257 : memref<1x500xi32, #tpu.memory_space<vmem>> -> memref<500xi32, #tpu.memory_space<vmem>>
        %dma_start3A_259 = arith.constant 0 : i32
        %dma_start3A_260 = arith.constant 0 : i32
        %dma_start3A_261 = tpu.memref_slice %arg9[%dma_start3A_259, %dma_start3A_260] : memref<10112x16xf32, #tpu.memory_space<vmem_shared>> -> memref<10112x16xf32, #tpu.memory_space<vmem_shared>>
        tpu.enqueue_indirect_dma source(%dma_start3A_261 : memref<10112x16xf32, #tpu.memory_space<vmem_shared>>) target(%dma_start3A_255 : memref<500x16xf32, #tpu.memory_space<vmem>>) offsets(%dma_start3A_258 : memref<500xi32, #tpu.memory_space<vmem>>) semaphore(%arg12 : memref<!tpu.dma_semaphore, #tpu.memory_space<semaphore_mem>>)
      } else {
      }
      %scan3A_247 = arith.constant 0 : i32
      scf.yield %scan3A_247 : i32
    }
    %scan3A_79 = arith.constant 5 : i32
    %dma_wait3A = arith.constant 3 : i32
    %dma_wait3A_80 = arith.constant 0 : i32
    %dma_wait3A_81 = arith.constant 0 : i32
    %dma_wait3A_82 = arith.constant 0 : i32
    %dma_wait3A_83 = tpu.memref_slice %arg7[%dma_wait3A, %dma_wait3A_81, %dma_wait3A_82] : memref<4x500x16xf32, #tpu.memory_space<vmem>> -> memref<1x500x16xf32, #tpu.memory_space<vmem>>
    %dma_wait3A_84 = tpu.memref_squeeze %dma_wait3A_83 : memref<1x500x16xf32, #tpu.memory_space<vmem>> -> memref<500x16xf32, #tpu.memory_space<vmem>>
    %dma_wait3A_85 = arith.constant 0 : i32
    %dma_wait3A_86 = tpu.memref_slice %arg6[%dma_wait3A_80, %dma_wait3A_85] : memref<20x500xi32, #tpu.memory_space<vmem>> -> memref<1x500xi32, #tpu.memory_space<vmem>>
    %dma_wait3A_87 = tpu.memref_squeeze %dma_wait3A_86 : memref<1x500xi32, #tpu.memory_space<vmem>> -> memref<500xi32, #tpu.memory_space<vmem>>
    %dma_wait3A_88 = arith.constant 0 : i32
    %dma_wait3A_89 = arith.constant 0 : i32
    %dma_wait3A_90 = tpu.memref_slice %arg8[%dma_wait3A_88, %dma_wait3A_89] : memref<10112x16xf32, #tpu.memory_space<vmem_shared>> -> memref<10112x16xf32, #tpu.memory_space<vmem_shared>>
    tpu.wait_indirect_dma semaphore(%arg17 : memref<!tpu.dma_semaphore, #tpu.memory_space<semaphore_mem>>) src(%dma_wait3A_84 : memref<500x16xf32, #tpu.memory_space<vmem>>) dst(%dma_wait3A_90 : memref<10112x16xf32, #tpu.memory_space<vmem_shared>>)
    %barrier3A_91 = arith.constant 0 : index
    tpu.barrier barrier_id(%barrier3A_91)
    %mul3A_92 = arith.constant 632 : i32
    %mul3A_93 = arith.muli %arg1, %mul3A_92 : i32
    "tpu.region"() ({
      %run_scoped3A_94 = tpu.sem_alloc : memref<!tpu.dma_semaphore, #tpu.memory_space<semaphore_mem>>
      %dma_start3A_95 = arith.constant 0 : i32
      %dma_start3A_96 = tpu.memref_slice %arg4[%arg0, %mul3A_93, %dma_start3A_95] : memref<2x10112x16xf32, #tpu.memory_space<hbm>> -> memref<1x632x16xf32, #tpu.memory_space<hbm>>
      %dma_start3A_97 = tpu.memref_squeeze %dma_start3A_96 : memref<1x632x16xf32, #tpu.memory_space<hbm>> -> memref<632x16xf32, #tpu.memory_space<hbm>>
      %dma_start3A_98 = arith.constant 0 : i32
      %dma_start3A_99 = tpu.memref_slice %arg8[%mul3A_93, %dma_start3A_98] : memref<10112x16xf32, #tpu.memory_space<vmem_shared>> -> memref<632x16xf32, #tpu.memory_space<vmem_shared>>
      tpu.enqueue_dma source(%dma_start3A_99 : memref<632x16xf32, #tpu.memory_space<vmem_shared>>) target(%dma_start3A_97 : memref<632x16xf32, #tpu.memory_space<hbm>>) target_semaphore(%run_scoped3A_94 : memref<!tpu.dma_semaphore, #tpu.memory_space<semaphore_mem>>)
      %dma_wait3A_100 = arith.constant 0 : i32
      %dma_wait3A_101 = tpu.memref_slice %arg4[%arg0, %mul3A_93, %dma_wait3A_100] : memref<2x10112x16xf32, #tpu.memory_space<hbm>> -> memref<1x632x16xf32, #tpu.memory_space<hbm>>
      %dma_wait3A_102 = tpu.memref_squeeze %dma_wait3A_101 : memref<1x632x16xf32, #tpu.memory_space<hbm>> -> memref<632x16xf32, #tpu.memory_space<hbm>>
      %dma_wait3A_103 = arith.constant 0 : i32
      %dma_wait3A_104 = tpu.memref_slice %arg8[%mul3A_93, %dma_wait3A_103] : memref<10112x16xf32, #tpu.memory_space<vmem_shared>> -> memref<632x16xf32, #tpu.memory_space<vmem_shared>>
      tpu.wait_dma2 semaphore(%run_scoped3A_94 : memref<!tpu.dma_semaphore, #tpu.memory_space<semaphore_mem>>) src(%dma_wait3A_104 : memref<632x16xf32, #tpu.memory_space<vmem_shared>>) dst(%dma_wait3A_102 : memref<632x16xf32, #tpu.memory_space<hbm>>)
      tpu.yield
    }) : () -> ()
    return
  }
}

module attributes {stable_mosaic.version = 14 : i64} {
  func.func @_tc0_body(%arg0: memref<10000x128xf32, #tpu.memory_space<vmem>>, %arg1: memref<128x64xf32, #tpu.memory_space<vmem>>, %arg2: memref<10000x64xf32, #tpu.memory_space<vmem>>) attributes {dimension_semantics = [], scalar_prefetch = 0 : i64, scratch_operands = 0 : i64, tpu.core_type = #tpu.core_type<tc>} {
    %get3A = arith.constant 0 : index
    %get3A_0 = arith.constant 0 : index
    %get3A_1 = vector.load %arg0[%get3A, %get3A_0] : memref<10000x128xf32, #tpu.memory_space<vmem>>, vector<10000x128xf32>
    %get3A_2 = arith.constant 0 : index
    %get3A_3 = arith.constant 0 : index
    %get3A_4 = vector.load %arg1[%get3A_2, %get3A_3] : memref<128x64xf32, #tpu.memory_space<vmem>>, vector<128x64xf32>
    %dot_general3A = arith.constant dense<0.000000e+00> : vector<10000x64xf32>
    %dot_general3A_5 = tpu.matmul %get3A_1, %get3A_4, %dot_general3A {dimension_numbers = #tpu.dot_dimension_numbers<[1], [0], [0], [1], [0, 0, 1, 1], [], []>, transpose_lhs_hint = false} : vector<10000x128xf32>, vector<128x64xf32>, vector<10000x64xf32> -> vector<10000x64xf32>
    %swap3A = arith.constant 0 : index
    %swap3A_6 = arith.constant 0 : index
    %swap3A_7 = vector.load %arg2[%swap3A, %swap3A_6] : memref<10000x64xf32, #tpu.memory_space<vmem>>, vector<10000x64xf32>
    tpu.vector_store %arg2[%swap3A, %swap3A_6], %dot_general3A_5 {strides = array<i32>} : memref<10000x64xf32, #tpu.memory_space<vmem>>, vector<10000x64xf32>,
    return
  }
}

module attributes {stable_mosaic.version = 14 : i64} {
  func.func @_tc1_body(%arg0: memref<2x10112x16xf32, #tpu.memory_space<vmem>>, %arg1: memref<10000x64xf32, #tpu.memory_space<vmem>>, %arg2: memref<2x10112x32xbf16, #tpu.memory_space<vmem>>, %arg3: memref<10112x1xf32, #tpu.memory_space<vmem>>) attributes {dimension_semantics = [], scalar_prefetch = 0 : i64, scratch_operands = 0 : i64, tpu.core_type = #tpu.core_type<tc>} {
    %get3A = arith.constant 0 : index
    %get3A_0 = arith.constant 0 : index
    %get3A_1 = arith.constant 0 : index
    %get3A_2 = vector.load %arg0[%get3A, %get3A_0, %get3A_1] : memref<2x10112x16xf32, #tpu.memory_space<vmem>>, vector<1x10112x1xf32>
    %get3A_3 = vector.shape_cast %get3A_2 : vector<1x10112x1xf32> to vector<10112x1xf32>
    %get3A_4 = arith.constant 1 : index
    %get3A_5 = arith.constant 0 : index
    %get3A_6 = arith.constant 0 : index
    %get3A_7 = vector.load %arg0[%get3A_4, %get3A_5, %get3A_6] : memref<2x10112x16xf32, #tpu.memory_space<vmem>>, vector<1x10112x1xf32>
    %get3A_8 = vector.shape_cast %get3A_7 : vector<1x10112x1xf32> to vector<10112x1xf32>
    %add3A = arith.addf %get3A_3, %get3A_8 : vector<10112x1xf32>
    %add3A_9 = arith.constant 1.000000e+00 : f32
    %add3A_10 = vector.broadcast %add3A_9 : f32 to vector<10112x1xf32>
    %add3A_11 = arith.addf %add3A, %add3A_10 : vector<10112x1xf32>
    %rsqrt3A = math.rsqrt %add3A_11 : vector<10112x1xf32>
    %get3A_12 = arith.constant 0 : index
    %get3A_13 = arith.constant 0 : index
    %get3A_14 = vector.load %arg1[%get3A_12, %get3A_13] : memref<10000x64xf32, #tpu.memory_space<vmem>>, vector<10000x64xf32>
    %slice3A = vector.extract_strided_slice %rsqrt3A {offsets = [0, 0], sizes = [10000, 1], strides = [1, 1]} : vector<10112x1xf32> to vector<10000x1xf32>
    %mul3A = vector.broadcast %slice3A : vector<10000x1xf32> to vector<10000x64xf32>
    %mul3A_15 = arith.mulf %get3A_14, %mul3A : vector<10000x64xf32>
    %convert_element_type3A = arith.truncf %mul3A_15 : vector<10000x64xf32> to vector<10000x64xbf16>
    %slice3A_16 = vector.extract_strided_slice %convert_element_type3A {offsets = [0, 0], sizes = [10000, 32], strides = [1, 1]} : vector<10000x64xbf16> to vector<10000x32xbf16>
    %swap3A = arith.constant 0 : index
    %swap3A_17 = arith.constant 0 : index
    %swap3A_18 = arith.constant 0 : index
    %swap3A_19 = vector.load %arg2[%swap3A, %swap3A_17, %swap3A_18] : memref<2x10112x32xbf16, #tpu.memory_space<vmem>>, vector<1x10000x32xbf16>
    %swap3A_20 = vector.shape_cast %swap3A_19 : vector<1x10000x32xbf16> to vector<10000x32xbf16>
    %swap3A_21 = vector.shape_cast %slice3A_16 : vector<10000x32xbf16> to vector<1x10000x32xbf16>
    tpu.vector_store %arg2[%swap3A, %swap3A_17, %swap3A_18], %swap3A_21 {strides = array<i32>} : memref<2x10112x32xbf16, #tpu.memory_space<vmem>>, vector<1x10000x32xbf16>,
    %slice3A_22 = vector.extract_strided_slice %convert_element_type3A {offsets = [0, 32], sizes = [10000, 32], strides = [1, 1]} : vector<10000x64xbf16> to vector<10000x32xbf16>
    %swap3A_23 = arith.constant 1 : index
    %swap3A_24 = arith.constant 0 : index
    %swap3A_25 = arith.constant 0 : index
    %swap3A_26 = vector.load %arg2[%swap3A_23, %swap3A_24, %swap3A_25] : memref<2x10112x32xbf16, #tpu.memory_space<vmem>>, vector<1x10000x32xbf16>
    %swap3A_27 = vector.shape_cast %swap3A_26 : vector<1x10000x32xbf16> to vector<10000x32xbf16>
    %swap3A_28 = vector.shape_cast %slice3A_22 : vector<10000x32xbf16> to vector<1x10000x32xbf16>
    tpu.vector_store %arg2[%swap3A_23, %swap3A_24, %swap3A_25], %swap3A_28 {strides = array<i32>} : memref<2x10112x32xbf16, #tpu.memory_space<vmem>>, vector<1x10000x32xbf16>,
    %broadcast_in_dim3A = arith.constant 0.000000e+00 : bf16
    %broadcast_in_dim3A_29 = vector.broadcast %broadcast_in_dim3A : bf16 to vector<112x32xbf16>
    %swap3A_30 = arith.constant 0 : index
    %swap3A_31 = arith.constant 10000 : index
    %swap3A_32 = arith.constant 0 : index
    %swap3A_33 = vector.load %arg2[%swap3A_30, %swap3A_31, %swap3A_32] : memref<2x10112x32xbf16, #tpu.memory_space<vmem>>, vector<1x112x32xbf16>
    %swap3A_34 = vector.shape_cast %swap3A_33 : vector<1x112x32xbf16> to vector<112x32xbf16>
    %swap3A_35 = vector.shape_cast %broadcast_in_dim3A_29 : vector<112x32xbf16> to vector<1x112x32xbf16>
    tpu.vector_store %arg2[%swap3A_30, %swap3A_31, %swap3A_32], %swap3A_35 {strides = array<i32>} : memref<2x10112x32xbf16, #tpu.memory_space<vmem>>, vector<1x112x32xbf16>,
    %swap3A_36 = arith.constant 1 : index
    %swap3A_37 = arith.constant 10000 : index
    %swap3A_38 = arith.constant 0 : index
    %swap3A_39 = vector.load %arg2[%swap3A_36, %swap3A_37, %swap3A_38] : memref<2x10112x32xbf16, #tpu.memory_space<vmem>>, vector<1x112x32xbf16>
    %swap3A_40 = vector.shape_cast %swap3A_39 : vector<1x112x32xbf16> to vector<112x32xbf16>
    %swap3A_41 = vector.shape_cast %broadcast_in_dim3A_29 : vector<112x32xbf16> to vector<1x112x32xbf16>
    tpu.vector_store %arg2[%swap3A_36, %swap3A_37, %swap3A_38], %swap3A_41 {strides = array<i32>} : memref<2x10112x32xbf16, #tpu.memory_space<vmem>>, vector<1x112x32xbf16>,
    %swap3A_42 = arith.constant 0 : index
    %swap3A_43 = arith.constant 0 : index
    %swap3A_44 = vector.load %arg3[%swap3A_42, %swap3A_43] : memref<10112x1xf32, #tpu.memory_space<vmem>>, vector<10112x1xf32>
    tpu.vector_store %arg3[%swap3A_42, %swap3A_43], %rsqrt3A {strides = array<i32>} : memref<10112x1xf32, #tpu.memory_space<vmem>>, vector<10112x1xf32>,
    return
  }
}

module attributes {stable_mosaic.version = 14 : i64} {
  func.func @_tc2_body(%arg0: memref<2x10112x32xbf16, #tpu.memory_space<vmem>>, %arg1: memref<2x10112x32xbf16, #tpu.memory_space<vmem>>, %arg2: memref<10112x1xf32, #tpu.memory_space<vmem>>, %arg3: memref<64x16xf32, #tpu.memory_space<vmem>>, %arg4: memref<1x64xf32, #tpu.memory_space<vmem>>, %arg5: memref<10112x16xf32, #tpu.memory_space<vmem>>) attributes {dimension_semantics = [], scalar_prefetch = 0 : i64, scratch_operands = 0 : i64, tpu.core_type = #tpu.core_type<tc>} {
    %get3A = arith.constant 0 : index
    %get3A_0 = arith.constant 0 : index
    %get3A_1 = vector.load %arg2[%get3A, %get3A_0] : memref<10112x1xf32, #tpu.memory_space<vmem>>, vector<10112x1xf32>
    %get3A_2 = arith.constant 0 : index
    %get3A_3 = arith.constant 0 : index
    %get3A_4 = arith.constant 0 : index
    %get3A_5 = vector.load %arg0[%get3A_2, %get3A_3, %get3A_4] : memref<2x10112x32xbf16, #tpu.memory_space<vmem>>, vector<1x10112x32xbf16>
    %get3A_6 = vector.shape_cast %get3A_5 : vector<1x10112x32xbf16> to vector<10112x32xbf16>
    %convert_element_type3A = arith.extf %get3A_6 : vector<10112x32xbf16> to vector<10112x32xf32>
    %get3A_7 = arith.constant 0 : index
    %get3A_8 = arith.constant 0 : index
    %get3A_9 = arith.constant 0 : index
    %get3A_10 = vector.load %arg1[%get3A_7, %get3A_8, %get3A_9] : memref<2x10112x32xbf16, #tpu.memory_space<vmem>>, vector<1x10112x32xbf16>
    %get3A_11 = vector.shape_cast %get3A_10 : vector<1x10112x32xbf16> to vector<10112x32xbf16>
    %convert_element_type3A_12 = arith.extf %get3A_11 : vector<10112x32xbf16> to vector<10112x32xf32>
    %add3A = arith.addf %convert_element_type3A, %convert_element_type3A_12 : vector<10112x32xf32>
    %get3A_13 = arith.constant 1 : index
    %get3A_14 = arith.constant 0 : index
    %get3A_15 = arith.constant 0 : index
    %get3A_16 = vector.load %arg0[%get3A_13, %get3A_14, %get3A_15] : memref<2x10112x32xbf16, #tpu.memory_space<vmem>>, vector<1x10112x32xbf16>
    %get3A_17 = vector.shape_cast %get3A_16 : vector<1x10112x32xbf16> to vector<10112x32xbf16>
    %convert_element_type3A_18 = arith.extf %get3A_17 : vector<10112x32xbf16> to vector<10112x32xf32>
    %get3A_19 = arith.constant 1 : index
    %get3A_20 = arith.constant 0 : index
    %get3A_21 = arith.constant 0 : index
    %get3A_22 = vector.load %arg1[%get3A_19, %get3A_20, %get3A_21] : memref<2x10112x32xbf16, #tpu.memory_space<vmem>>, vector<1x10112x32xbf16>
    %get3A_23 = vector.shape_cast %get3A_22 : vector<1x10112x32xbf16> to vector<10112x32xbf16>
    %convert_element_type3A_24 = arith.extf %get3A_23 : vector<10112x32xbf16> to vector<10112x32xf32>
    %add3A_25 = arith.addf %convert_element_type3A_18, %convert_element_type3A_24 : vector<10112x32xf32>
    %concatenate3A = tpu.concatenate %add3A, %add3A_25 in 1 : vector<10112x32xf32>, vector<10112x32xf32> -> vector<10112x64xf32>
    %mul3A = vector.broadcast %get3A_1 : vector<10112x1xf32> to vector<10112x64xf32>
    %mul3A_26 = arith.mulf %mul3A, %concatenate3A : vector<10112x64xf32>
    %get3A_27 = arith.constant 0 : index
    %get3A_28 = arith.constant 0 : index
    %get3A_29 = vector.load %arg4[%get3A_27, %get3A_28] : memref<1x64xf32, #tpu.memory_space<vmem>>, vector<1x64xf32>
    %add3A_30 = vector.broadcast %get3A_29 : vector<1x64xf32> to vector<10112x64xf32>
    %add3A_31 = arith.addf %mul3A_26, %add3A_30 : vector<10112x64xf32>
    %max3A = arith.constant 0.000000e+00 : f32
    %max3A_32 = vector.broadcast %max3A : f32 to vector<10112x64xf32>
    %max3A_33 = arith.maximumf %add3A_31, %max3A_32 : vector<10112x64xf32>
    %get3A_34 = arith.constant 0 : index
    %get3A_35 = arith.constant 0 : index
    %get3A_36 = vector.load %arg3[%get3A_34, %get3A_35] : memref<64x16xf32, #tpu.memory_space<vmem>>, vector<64x16xf32>
    %dot_general3A = arith.constant dense<0.000000e+00> : vector<10112x16xf32>
    %dot_general3A_37 = tpu.matmul %max3A_33, %get3A_36, %dot_general3A {dimension_numbers = #tpu.dot_dimension_numbers<[1], [0], [0], [1], [0, 0, 1, 1], [], []>, transpose_lhs_hint = false} : vector<10112x64xf32>, vector<64x16xf32>, vector<10112x16xf32> -> vector<10112x16xf32>
    %mul3A_38 = vector.broadcast %get3A_1 : vector<10112x1xf32> to vector<10112x16xf32>
    %mul3A_39 = arith.mulf %dot_general3A_37, %mul3A_38 : vector<10112x16xf32>
    %swap3A = arith.constant 0 : index
    %swap3A_40 = arith.constant 0 : index
    %swap3A_41 = vector.load %arg5[%swap3A, %swap3A_40] : memref<10112x16xf32, #tpu.memory_space<vmem>>, vector<10112x16xf32>
    tpu.vector_store %arg5[%swap3A, %swap3A_40], %mul3A_39 {strides = array<i32>} : memref<10112x16xf32, #tpu.memory_space<vmem>>, vector<10112x16xf32>,
    return
  }
}

module attributes {stable_mosaic.version = 14 : i64} {
  func.func @_tc3_body(%arg0: memref<2x10112x16xf32, #tpu.memory_space<vmem>>, %arg1: memref<10112x16xf32, #tpu.memory_space<vmem>>, %arg2: memref<10112x1xf32, #tpu.memory_space<vmem>>, %arg3: memref<1x16xf32, #tpu.memory_space<vmem>>, %arg4: memref<10112x16xf32, #tpu.memory_space<vmem>>) attributes {dimension_semantics = [], scalar_prefetch = 0 : i64, scratch_operands = 0 : i64, tpu.core_type = #tpu.core_type<tc>} {
    %get3A = arith.constant 0 : index
    %get3A_0 = arith.constant 0 : index
    %get3A_1 = vector.load %arg2[%get3A, %get3A_0] : memref<10112x1xf32, #tpu.memory_space<vmem>>, vector<10112x1xf32>
    %get3A_2 = arith.constant 0 : index
    %get3A_3 = arith.constant 0 : index
    %get3A_4 = arith.constant 0 : index
    %get3A_5 = vector.load %arg0[%get3A_2, %get3A_3, %get3A_4] : memref<2x10112x16xf32, #tpu.memory_space<vmem>>, vector<1x10112x16xf32>
    %get3A_6 = vector.shape_cast %get3A_5 : vector<1x10112x16xf32> to vector<10112x16xf32>
    %get3A_7 = arith.constant 1 : index
    %get3A_8 = arith.constant 0 : index
    %get3A_9 = arith.constant 0 : index
    %get3A_10 = vector.load %arg0[%get3A_7, %get3A_8, %get3A_9] : memref<2x10112x16xf32, #tpu.memory_space<vmem>>, vector<1x10112x16xf32>
    %get3A_11 = vector.shape_cast %get3A_10 : vector<1x10112x16xf32> to vector<10112x16xf32>
    %add3A = arith.addf %get3A_6, %get3A_11 : vector<10112x16xf32>
    %get3A_12 = arith.constant 0 : index
    %get3A_13 = arith.constant 0 : index
    %get3A_14 = vector.load %arg1[%get3A_12, %get3A_13] : memref<10112x16xf32, #tpu.memory_space<vmem>>, vector<10112x16xf32>
    %add3A_15 = arith.addf %add3A, %get3A_14 : vector<10112x16xf32>
    %mul3A = vector.broadcast %get3A_1 : vector<10112x1xf32> to vector<10112x16xf32>
    %mul3A_16 = arith.mulf %mul3A, %add3A_15 : vector<10112x16xf32>
    %get3A_17 = arith.constant 0 : index
    %get3A_18 = arith.constant 0 : index
    %get3A_19 = vector.load %arg3[%get3A_17, %get3A_18] : memref<1x16xf32, #tpu.memory_space<vmem>>, vector<1x16xf32>
    %add3A_20 = vector.broadcast %get3A_19 : vector<1x16xf32> to vector<10112x16xf32>
    %add3A_21 = arith.addf %mul3A_16, %add3A_20 : vector<10112x16xf32>
    %swap3A = arith.constant 0 : index
    %swap3A_22 = arith.constant 0 : index
    %swap3A_23 = vector.load %arg4[%swap3A, %swap3A_22] : memref<10112x16xf32, #tpu.memory_space<vmem>>, vector<10112x16xf32>
    tpu.vector_store %arg4[%swap3A, %swap3A_22], %add3A_21 {strides = array<i32>} : memref<10112x16xf32, #tpu.memory_space<vmem>>, vector<10112x16xf32>,
    return
  }
}

</mosaic_0001>

<sc_bundles>
// kernel: kernel.12.cloned.1.call-start
scs
__scs_entry_jumppad:
0x0: {  	(pc) =	sbr.rel $0x88, $3  }
0x1: {  	(tag) =	ssettag $0x0;
	lr =	simm.s32 $0x1  }
0x2: {  	[smem:$0x3F9B] =	sst lr;
	_ =	strace $0xD0000000  }
0x3: {  	_ = 	snop  }
0x4: {  	_ = 	snop  }
0x5: {  	_ = 	snop  }
0x6: {  	_ = 	snop  }
0x7: {  	_ = 	snop  }
__scs_overlays_trampoline_lowered:
0x8: {  	[smem:$0x3FAA] =	sst s0  }
0x9: {  	[smem:$0x3FAB] =	sst s1  }
0xa: {  	[smem:$0x3FAC] =	sst s2  }
0xb: {  	[smem:$0x3FAD] =	sst s3  }
0xc: {  	[smem:$0x3FAE] =	sst s4  }
0xd: {  	[smem:$0x3FAF] =	sst s5  }
0xe: {  	[smem:$0x3FB0] =	sst s6  }
0xf: {  	[smem:$0x3FB1] =	sst s7  }
0x10: {  	[smem:$0x3FB2] =	sst s8  }
0x11: {  	[smem:$0x3FB3] =	sst s9;
	s0 =	simm.s32 @!p0 $0x0  }
0x12: {  	s1 =	sld [smem:$0x3F99];
	s0 =	simm.s32 @p0 $0x1  }
0x13: {  	[smem:$0x3FB4] =	sst s0;
	s0 =	simm.s32 @!p1 $0x0  }
0x14: {  	s2 =	sld [smem:$0x3F98];
	s0 =	simm.s32 @p1 $0x1  }
0x15: {  	[smem:$0x3FB5] =	sst s0;
	s0 =	simm.s32 @!p2 $0x0  }
0x16: {  	s3 =	sld [smem:$0x3FDB];
	s0 =	simm.s32 @p2 $0x1  }
0x17: {  	s4 =	simm.s32 $0x1BF5;
	[smem:$0x3FB7] =	sst s0  }
0x18: {  	s0 =	sld [smem:$0x3F9A];
	_ =	swait.ge [sflag:s4], $0x0  }
0x19: {  	s7 =	sld [smem:$0x3F9B]  }
0x1a: {  	s8 =	sadd.s32 $0xFFFFE003, lr  }
0x1b: {  	s9 =	sadd.s32 $0xFFFFFEF7, lr;
	s5 =	simm.s32 $0xFFFFFFFF;
	p2 =	slt.u32 s8, $0xFFFFF086  }
0x1c: {  	p1 =	slt.u32 s9, $0xF7A;
	s5 =	simm.s32 @!p2 $0x0  }
0x1d: {  	s5 =	simm.s32 @p1 $0x1;
	p0 =	seq.s32 s7, s2  }
0x1e: {  	s7 =	smul.u32 @!p0 $0xF7A, s2;
	p2 =	seq.s32 @!p0 s5, $0x0  }
0x1f: {  	s9 =	smul.u32 $0xF7A, s1;
	s8 =	simm.s32 @!p0 $0x1BF5;
	p2 =	por !p2, p0  }
0x20: {  	[sflag:s8] =	ssyncset.s32 @!p0 $0xFFFFF086;
	s6 =	sadd.s32 @!p0 s3, s7;
	s7 =	simm.s32 @!p0 $0x108  }
0x21: {  	s3 =	sadd.s32 s3, s9;
	s6 =	sadd.s32 @!p0 $0x88, s6;
	s7 =	simm.s32 @p2 $0x1082  }
0x22: {  	[simem:s7], [sflag:s8] =	dma.local @!p0 [hbm:s6], $0xF7A  }
0x23: {  	s9 =	sor.u32 $0xD0000000, s2;
	s6 =	simm.s32 $0x108;
	_ =	swait.ge @!p0 [sflag:s8], $0x0  }
0x24: {  	s3 =	sadd.s32 $0x88, s3;
	s6 =	simm.s32 @!p1 $0x1082;
	[sflag:s4] =	ssyncset.s32 $0xFFFFF086  }
0x25: {  	[simem:s6], [sflag:s4] =	dma.local [hbm:s3], $0xF7A  }
0x26: {  	[smem:$0x3F9B] =	sst s1;
	(tag) =	ssettag s2;
	_ =	strace s9  }
0x27: {  	s1 =	sld [smem:$0x3FAB]  }
0x28: {  	s2 =	sld [smem:$0x3FAC]  }
0x29: {  	s4 =	sld [smem:$0x3FAE]  }
0x2a: {  	p0 =	seq.s32 s5, $0x0;
	s5 =	sld [smem:$0x3FAF]  }
0x2b: {  	s6 =	sld [smem:$0x3FB0]  }
0x2c: {  	s7 =	sld [smem:$0x3FB1]  }
0x2d: {  	s3 =	simm.s32 $0x108;
	s8 =	sld [smem:$0x3FB2]  }
0x2e: {  	s3 =	simm.s32 @!p0 $0x1082;
	s9 =	sld [smem:$0x3FB3]  }
0x2f: {  	lr =	sadd.s32 s0, s3;
	s0 =	sld [smem:$0x3FAA]  }
0x30: {  	s3 =	sld [smem:$0x3FAD]  }
0x31: {  	[smem:$0x3FB6] =	sst s10  }
0x32: {  	s10 =	sld [smem:$0x3FB4];
	_ =	sdelay $0x3  }
0x33: {  	p0 =	seq.s32 s10, $0x1;
	s10 =	sld [smem:$0x3FB6];
	_ =	sdelay $0x3  }
0x34: {  	[smem:$0x3FB6] =	sst s10  }
0x35: {  	s10 =	sld [smem:$0x3FB5];
	_ =	sdelay $0x3  }
0x36: {  	p1 =	seq.s32 s10, $0x1;
	s10 =	sld [smem:$0x3FB6];
	_ =	sdelay $0x3  }
0x37: {  	[smem:$0x3FB6] =	sst s10  }
0x38: {  	s10 =	sld [smem:$0x3FB7]  }
0x39: {  	_ = 	snop;
	(pc) =	sbr.ind lr, $3  }
0x3a: {  	_ = 	snop  }
0x3b: {  	_ = 	snop  }
0x3c: {  	p2 =	seq.s32 s10, $0x1;
	s10 =	sld [smem:$0x3FB6]  }
0x3d: {  	_ =	shalt  }
0x3e: {  	_ =	shalt  }
0x3f: {  	_ =	shalt  }
0x40: {  	_ =	shalt  }
0x41: {  	_ =	shalt  }
0x42: {  	_ =	shalt  }
0x43: {  	_ =	shalt  }
0x44: {  	_ =	shalt  }
0x45: {  	_ =	shalt  }
0x46: {  	_ =	shalt  }
0x47: {  	_ =	shalt  }
0x48: {  	_ =	shalt  }
0x49: {  	_ =	shalt  }
0x4a: {  	_ =	shalt  }
0x4b: {  	_ =	shalt  }
0x4c: {  	_ =	shalt  }
0x4d: {  	_ =	shalt  }
0x4e: {  	_ =	shalt  }
0x4f: {  	_ =	shalt  }
0x50: {  	_ =	shalt  }
0x51: {  	_ =	shalt  }
0x52: {  	_ =	shalt  }
0x53: {  	_ =	shalt  }
0x54: {  	_ =	shalt  }
0x55: {  	_ =	shalt  }
0x56: {  	_ =	shalt  }
0x57: {  	_ =	shalt  }
0x58: {  	_ =	shalt  }
0x59: {  	_ =	shalt  }
0x5a: {  	_ =	shalt  }
0x5b: {  	_ =	shalt  }
0x5c: {  	_ =	shalt  }
0x5d: {  	_ =	shalt  }
0x5e: {  	_ =	shalt  }
0x5f: {  	_ =	shalt  }
0x60: {  	_ =	shalt  }
0x61: {  	_ =	shalt  }
0x62: {  	_ =	shalt  }
0x63: {  	_ =	shalt  }
0x64: {  	_ =	shalt  }
0x65: {  	_ =	shalt  }
0x66: {  	_ =	shalt  }
0x67: {  	_ =	shalt  }
0x68: {  	_ =	shalt  }
0x69: {  	_ =	shalt  }
0x6a: {  	_ =	shalt  }
0x6b: {  	_ =	shalt  }
0x6c: {  	_ =	shalt  }
0x6d: {  	_ =	shalt  }
0x6e: {  	_ =	shalt  }
0x6f: {  	_ =	shalt  }
0x70: {  	_ =	shalt  }
0x71: {  	_ =	shalt  }
0x72: {  	_ =	shalt  }
0x73: {  	_ =	shalt  }
0x74: {  	_ =	shalt  }
0x75: {  	_ =	shalt  }
0x76: {  	_ =	shalt  }
0x77: {  	_ =	shalt  }
0x78: {  	_ =	shalt  }
0x79: {  	_ =	shalt  }
0x7a: {  	_ =	shalt  }
0x7b: {  	_ =	shalt  }
0x7c: {  	_ =	shalt  }
0x7d: {  	_ =	shalt  }
0x7e: {  	_ =	shalt  }
0x7f: {  	_ =	shalt  }
0x80: {  	_ =	shalt  }
0x81: {  	_ =	shalt  }
0x82: {  	_ =	shalt  }
0x83: {  	_ =	shalt  }
0x84: {  	_ =	shalt  }
0x85: {  	_ =	shalt  }
0x86: {  	_ =	shalt  }
0x87: {  	_ =	shalt  }
.Lfunc_end0:
.L_simem_size_0:
called_computation.1_lowered:
.L_overlay_start_0:
0x88: {  	s2 =	sld [smem:$0x3FD9]  }
0x89: {  	s3 =	sld [smem:$0x3FFE];
	_ =	sdelay $0x1  }
0x8a: {  	s1 =	srdreg.scid  }
0x8b: {  	s0 =	sand.u32 $0x1, s1  }
0x8c: {  	s16 =	sshll.u32 s0, $0xA;
	s2 =	sadd.s32 s3, s2  }
0x8d: {  	s2 =	sadd.s32 s2, s16  }
0x8e: {  	[smem:$0x3FC2] =	sst s2  }
0x8f: {  	_ = 	snop  }
0x90: {  	(tm) =	ssettm $0x1  }
0x91: {  	s17 =	sld [smem:$0x3FFB];
	_ =	sdelay $0x3  }
0x92: {  	_ =	strace s17  }
0x93: {  	s2 =	sld [smem:$0x3FFC];
	_ =	sdelay $0x3  }
0x94: {  	_ =	strace s2  }
0x95: {  	s2 =	sld [smem:$0x3FFD];
	_ =	sdelay $0x3  }
0x96: {  	_ =	strace s2  }
0x97: {  	_ =	strace $0x8FFFFFFF  }
0x98: {  	s18 =	sld [smem:$0x3FDB];
	_ =	sdelay $0x1  }
0x99: {  	s19 =	simm.s32 $_scs_section_size  }
0x9a: {  	s4 =	simm.s32 $_size__tile_overlayer_lowered;
	s5 =	simm.s32 $_tile_overlayer_lowered  }
0x9b: {  	s22 =	simm.s32 $0x1BFF;
	s21 =	sshll.u32 s5, $0x1;
	s2 =	sadd.s32 s19, s18  }
0x9c: {  	s6 =	simm.s32 $0x0;
	s20 =	sshll.u32 s4, $0x1;
	s4 =	sadd.s32 s21, s2  }
0x9d: {  	[timem:s6], [sflag:s22] =	dma.local [hbm:s4], s20  }
0x9e: {  	_ =	swait.ge [sflag:s22], s20  }
0x9f: {  	s3 =	ssub.s32 $0x0, s20;
	[sflag:s22] =	ssyncset.done $0x0  }
0xa0: {  	[sflag:s22] =	ssyncadd.s32 s3;
	_ =	sdelay $0x1  }
0xa1: {  	s23 =	simm.s32 $0x1B8B  }
0xa2: {  	_ =	swait.ge [sflag:s23], $0x1  }
0xa3: {  	[sflag:s23] =	ssyncset.done $0x0  }
0xa4: {  	s25 =	simm.s32 $0x1B8E;
	s24 =	sld [smem:$0x3FFE];
	[sflag:s23] =	ssyncadd.s32 $0xFFFFFFFF  }
0xa5: {  	s26 =	simm.s32 $execute0_lowered;
	[smem:$0x3FD2] =	sst s25  }
0xa6: {  	s4 =	sshll.u32 s26, $0x1;
	_ =	strace $0x80000049;
	[dreg:$0x1] =	wrdreg $0xFFFFFFFF  }
0xa7: {  	s28 =	simm.s32 $_size_execute0_lowered;
	s2 =	sadd.s32 s2, s4;
	[dreg:$0x0] =	wrdreg $0x0  }
0xa8: {  	s4 =	sshll.u32 s28, $0x1;
	[dreg:$0x2] =	wrdreg s2  }
0xa9: {  	[dreg:$0x3] =	wrdreg s4  }
0xaa: {  	[dreg:$0x4] =	wrdreg $0xC0  }
0xab: {  	_ =	task [dreg:s6], $0x5FFFF  }
0xac: {  	[dreg:$0x1] =	wrdreg $0xFFFFFFFF  }
0xad: {  	[dreg:$0x0] =	wrdreg $0x60  }
0xae: {  	[dreg:$0x2] =	wrdreg s24  }
0xaf: {  	[dreg:$0x3] =	wrdreg $0xF3400  }
0xb0: {  	[dreg:$0x4] =	wrdreg $0xCBC00  }
0xb1: {  	[dreg:$0x5] =	wrdreg $0x9  }
0xb2: {  	_ =	task.clear_ibuf [dreg:s6], $0x6FFFF;
	_ =	strace $0x90000049  }
0xb3: {  	s29 =	simm.s32 $0x9;
	_ =	strace $0x8000004B  }
0xb4: {  	_ =	swait.ge [sflag:s29], $0x1  }
0xb5: {  	[sflag:s29] =	ssyncadd.s32 $0xFFFFFFFF  }
0xb6: {  	_ =	strace $0x9000004B  }
0xb7: {  	_ =	sfence  }
0xb8: {  	s30 =	sld [smem:$0x0];
	_ =	sdelay $0x2  }
0xb9: {  	s31 =	sshll.u32 s1, $0xD;
	s1 =	sshrl.u32 s1, $0x2  }
0xba: {  	s3 =	sand.u32 $0x4000, s31;
	s1 =	sadd.s32 s1, s30  }
0xbb: {  	s0 =	sor.u32 s3, s0;
	s1 =	sshll.u32 s1, $0x11  }
0xbc: {  	s0 =	sor.u32 s1, s0  }
0xbd: {  	s0 =	sadd.s32 $0x8F2B, s0  }
0xbe: {  	[sflag:s0] =	ssyncadd.remote.s32 $0x1  }
0xbf: {  	_ =	sfence.sel $0xFFFF  }
0xc0: {  	[dreg:$0x0] =	wrdreg $0xFFFFFFFF;
	(pc) =	sbr.abs _section_cstart, $3  }
0xc1: {  	[dreg:$0x1] =	wrdreg $0xFFFFFFFF  }
0xc2: {  	_ =	task.clear_ibuf [dreg:s6], $0x2FFFF;
	_ =	strace $0x9FFFFFFF  }
0xc3: {  	(tm) =	ssettm $0x7FFFFFFF  }
tec
execute0_lowered:
.L_overlay_start_1:
0x0: {  	(tag) =	ssettag $0x1  }
0x1: {  	s0 =	rddreg [dreg:$0x0]  }
0x2: {  	s2 =	rddreg [dreg:$0x1]  }
0x3: {  	s3 =	rddreg [dreg:$0x2]  }
0x4: {  	s10 =	stileid.u32;
	s5 =	srdreg.scid  }
0x5: {  	s4 =	simm.s32 $0x0;
	s28 =	simm.s32 $0x1;
	s30 =	simm.s32 $0xAC80  }
0x6: {  	s31 =	simm.s32 $0x2;
	s12 =	simm.s32 $0x4;
	s1 =	smul.u32 $0x4EC0, s10  }
0x7: {  	s14 =	simm.s32 $0x7;
	s29 =	simm.s32 $0x9D8;
	s6 =	smul.u32 $0x4F00, s10  }
0x8: {  	s5 =	sand.u32 $0x1, s5;
	[smem:$0x7FF] =	sst s4;
	s9 =	smul.u32 $0x9E00, s10  }
0x9: {  	s17 =	sshll.u32 s10, $0x6;
	s10 =	simm.s32 $0x6;
	s7 =	smul.u32 $0x4F000, s5  }
0xa: {  	_ =	strace $0x8000004A;
	s5 =	ssub.s32 $0x2, s5;
	s1 =	sshrl.u32 s1, $0x3  }
0xb: {  	s8 =	sshrl.u32 s5, $0x1;
	s15 =	sshrl.u32 s6, $0x1;
	s9 =	sshrl.u32 s9, $0x2  }
0xc: {  	s7 =	sadd.s32 s6, s7;
	s6 =	sor.u32 $0x1C09, s17;
	s9 =	sadd.s32 s9, s3  }
0xd: {  	s1 =	sadd.s32 s1, s0;
	s19 =	sadd.s32 $0x800, s9;
	[dreg:$0x11] =	wrdreg s6  }
0xe: {  	s5 =	ssub.s32 s5, s8;
	s20 =	sadd.s32 $0x1000, s9;
	[dreg:$0x5] =	wrdreg s19  }
0xf: {  	s16 =	sadd.s32 s15, s2;
	s21 =	sadd.s32 $0x1800, s9;
	[dreg:$0x6] =	wrdreg s20  }
0x10: {  	s8 =	simm.s32 $0x3;
	s9 =	sadd.s32 $0x2000, s9;
	[dreg:$0x7] =	wrdreg s21  }
0x11: {  	s17 =	simm.s32 $0x2958;
	s22 =	sadd.s32 $0x1E00, s1;
	[dreg:$0x8] =	wrdreg s9  }
0x12: {  	s7 =	sshrl.u32 s7, $0x4;
	s23 =	sadd.s32 $0xBB80, s1;
	[dreg:$0x9] =	wrdreg s22  }
0x13: {  	s24 =	sadd.s32 $0x22EC, s1;
	s1 =	sadd.s32 $0xC06C, s1;
	[dreg:$0xa] =	wrdreg s23  }
0x14: {  	s25 =	smax.u32 s5, $0x1;
	s26 =	sshrl.u32 s16, $0x3;
	[dreg:$0xb] =	wrdreg s24  }
0x15: {  	s16 =	simm.s32 $0x8;
	s5 =	simm.s32 $0xBD0;
	[dreg:$0xc] =	wrdreg s1  }
0x16: {  	s0 =	sadd.s32 s7, s0;
	s7 =	sadd.s32 s15, s3;
	[dreg:$0xe] =	wrdreg s25  }
0x17: {  	[dreg:$0xf] =	wrdreg s26;
	s19 =	simm.s32 $0x9;
	s20 =	simm.s32 $0x4EC0  }
0x18: {  	s22 =	simm.s32 $0x1F4;
	s24 =	simm.s32 $0x6E00;
	s26 =	simm.s32 $0x8D40  }
0x19: {  	s1 =	simm.s32 $0x5;
	s9 =	simm.s32 $0x0;
	s15 =	simm.s32 $0x3F0  }
0x1a: {  	s23 =	simm.s32 $0x5E8;
	s18 =	sadd.s32 $0x15A00, s0;
	[dreg:$0x10] =	wrdreg s7  }
0x1b: {  	s25 =	simm.s32 $0x7E0;
	s0 =	sadd.s32 $0x1F800, s0;
	[dreg:$0x4] =	wrdreg s18  }
0x1c: {  	v0 =	vimm.bf16 $0.0e+00;
	s7 =	simm.s32 $0x2760;
	[dreg:$0xd] =	wrdreg s0;
	s18 =	simm.s32 $0x2B50  }
.LBB2_1:
0x1d: {  	s11 =	rddreg [dreg:$0x4]  }
0x1e: {  	s13 =	rddreg [dreg:$0xf]  }
0x1f: {  	[spmem:s13], [sflag:s6] =	dma.local [hbm:s11], $0x4F0  }
0x20: {  	_ =	swait.ge [sflag:s19], $0x4F0  }
0x21: {  	[sflag:s19] =	ssyncset.done $0x0  }
0x22: {  	s11 =	simm.s32 $0x40;
	s13 =	simm.s32 $0x0;
	[sflag:s19] =	ssyncadd.s32 $0xFFFFFB10  }
.LBB2_2:
0x23: {  	p0 =	sne.s32 s11, $0x1FC0;
	[tilespmem:s13+$0x4EC0] =	vst v0;
	s13 =	smov.u32 s11;
	s11 =	sadd.s32 $0x40, s11  }
.Ltmp0:
0x24: {  	(pc) =	sbr.rel @p0 .LBB2_2-.Ltmp0, $2  }
0x25: {  	_ =	sdelay $0x2  }
0x26: {  	s13 =	sshra.s32 s13, $0x2  }
0x27: {  	[tilespmem:s13+$0x4EC0] =	vst v0;
	s21 =	rddreg [dreg:$0x10]  }
0x28: {  	[spmem:s21] =	stream.linear.scatter [tilespmem:s20], [sflag:$0x9], $0x800, $0x38;
	[tilespmem:$0x11AC0] =	vst v63  }
0x29: {  	_ =	swait.ge [sflag:s19], $0x800  }
0x2a: {  	[sflag:s19] =	ssyncset.done $0x0  }
0x2b: {  	s11 =	rddreg [dreg:$0x5];
	[sflag:s19] =	ssyncadd.s32 $0xFFFFF800  }
0x2c: {  	[spmem:s11] =	stream.linear.scatter [tilespmem:s20], [sflag:$0x9], $0x800, $0x38;
	[tilespmem:$0x11AC0] =	vst v63  }
0x2d: {  	_ =	swait.ge [sflag:s19], $0x800  }
0x2e: {  	[sflag:s19] =	ssyncset.done $0x0  }
0x2f: {  	s6 =	rddreg [dreg:$0x6];
	[sflag:s19] =	ssyncadd.s32 $0xFFFFF800  }
0x30: {  	[spmem:s6] =	stream.linear.scatter [tilespmem:s20], [sflag:$0x9], $0x800, $0x38;
	[tilespmem:$0x11AC0] =	vst v63  }
0x31: {  	_ =	swait.ge [sflag:s19], $0x800  }
0x32: {  	[sflag:s19] =	ssyncset.done $0x0  }
0x33: {  	s13 =	rddreg [dreg:$0x7];
	[sflag:s19] =	ssyncadd.s32 $0xFFFFF800  }
0x34: {  	[spmem:s13] =	stream.linear.scatter [tilespmem:s20], [sflag:$0x9], $0x800, $0x38;
	[tilespmem:$0x11AC0] =	vst v63  }
0x35: {  	_ =	swait.ge [sflag:s19], $0x800  }
0x36: {  	[sflag:s19] =	ssyncset.done $0x0  }
0x37: {  	s0 =	rddreg [dreg:$0x8];
	[sflag:s19] =	ssyncadd.s32 $0xFFFFF800  }
0x38: {  	[spmem:s0] =	stream.linear.scatter [tilespmem:s20], [sflag:$0x9], $0x780, $0x38;
	[tilespmem:$0x11AC0] =	vst v63  }
0x39: {  	_ =	swait.ge [sflag:s19], $0x780  }
0x3a: {  	[sflag:s19] =	ssyncset.done $0x0  }
0x3b: {  	[sflag:s19] =	ssyncadd.s32 $0xFFFFF880  }
0x3c: {  	[bflag:$0x0] =	sbarrier.arrive $0xFFFF  }
0x3d: {  	s0 =	simm.s32 $0x0;
	s4 =	rddreg [dreg:$0x9]  }
0x3e: {  	[tilespmem:s0], [sflag:$0x9] =	stream.linear.gather [hbm4b:s4+s0], $0x2760, $0x38;
	[tilespmem:$0x11AC0] =	vst v63  }
0x3f: {  	_ =	swait.ge [sflag:s19], $0x2760  }
0x40: {  	[sflag:s19] =	ssyncset.done $0x0  }
0x41: {  	s6 =	rddreg [dreg:$0xa];
	[sflag:s19] =	ssyncadd.s32 $0xFFFFD8A0  }
0x42: {  	[tilespmem:s7], [sflag:$0x9] =	stream.linear.gather [hbm4b:s6+s0], $0x2760, $0x38;
	[tilespmem:$0x11AC0] =	vst v63  }
0x43: {  	_ =	swait.ge [sflag:s19], $0x2760  }
0x44: {  	[sflag:s19] =	ssyncset.done $0x0  }
0x45: {  	[sflag:s19] =	ssyncadd.s32 $0xFFFFD8A0  }
0x46: {  	[tilespmem:s20], [sflag:$0x1] =	stream.indirect.gather [spmem:s2], $0x10, s0, s22, $0xb8;
	[tilespmem:$0x11AC0] =	vst v63  }
0x47: {  	s13 =	simm.s32 $0x1F8  }
0x48: {  	[tilespmem:s24], [sflag:$0x2] =	stream.indirect.gather [spmem:s2], $0x10, s13, s22, $0xb8;
	[tilespmem:$0x11AC0] =	vst v63  }
0x49: {  	_ = 	snop  }
0x4a: {  	[tilespmem:s26], [sflag:$0x3] =	stream.indirect.gather [spmem:s2], $0x10, s15, s22, $0xb8;
	[tilespmem:$0x11AC0] =	vst v63  }
0x4b: {  	_ =	swait.ge [sflag:s28], $0x1F40  }
0x4c: {  	[sflag:s28] =	ssyncset.done $0x0  }
0x4d: {  	[sflag:s28] =	ssyncadd.s32 $0xFFFFE0C0  }
0x4e: {  	[spmem:s3] =	stream.indirect.scatter.add.bf16 [tilespmem:s20], [sflag:$0x5], $0x10, s7, s22, $0xb8;
	[tilespmem:$0x11AC0] =	vst v63  }
0x4f: {  	_ = 	snop  }
0x50: {  	[tilespmem:s30], [sflag:$0x4] =	stream.indirect.gather [spmem:s2], $0x10, s23, s22, $0xb8;
	[tilespmem:$0x11AC0] =	vst v63  }
0x51: {  	_ =	swait.ge [sflag:s31], $0x1F40  }
0x52: {  	[sflag:s31] =	ssyncset.done $0x0  }
0x53: {  	[sflag:s31] =	ssyncadd.s32 $0xFFFFE0C0  }
0x54: {  	[spmem:s3] =	stream.indirect.scatter.add.bf16 [tilespmem:s24], [sflag:$0x6], $0x10, s17, s22, $0xb8;
	[tilespmem:$0x11AC0] =	vst v63  }
0x55: {  	_ =	swait.ge [sflag:s1], $0x1F40  }
0x56: {  	[sflag:s1] =	ssyncset.done $0x0  }
0x57: {  	[sflag:s1] =	ssyncadd.s32 $0xFFFFE0C0  }
0x58: {  	[tilespmem:s20], [sflag:$0x1] =	stream.indirect.gather [spmem:s2], $0x10, s25, s22, $0xb8;
	[tilespmem:$0x11AC0] =	vst v63  }
0x59: {  	_ =	swait.ge [sflag:s8], $0x1F40  }
0x5a: {  	[sflag:s8] =	ssyncset.done $0x0  }
0x5b: {  	[sflag:s8] =	ssyncadd.s32 $0xFFFFE0C0  }
0x5c: {  	[spmem:s3] =	stream.indirect.scatter.add.bf16 [tilespmem:s26], [sflag:$0x7], $0x10, s18, s22, $0xb8;
	[tilespmem:$0x11AC0] =	vst v63  }
0x5d: {  	_ =	swait.ge [sflag:s10], $0x1F40  }
0x5e: {  	[sflag:s10] =	ssyncset.done $0x0  }
0x5f: {  	[sflag:s10] =	ssyncadd.s32 $0xFFFFE0C0  }
0x60: {  	[tilespmem:s24], [sflag:$0x2] =	stream.indirect.gather [spmem:s2], $0x10, s29, s22, $0xb8;
	[tilespmem:$0x11AC0] =	vst v63  }
0x61: {  	_ =	swait.ge [sflag:s12], $0x1F40  }
0x62: {  	[sflag:s12] =	ssyncset.done $0x0  }
0x63: {  	s4 =	simm.s32 $0x2D48;
	[sflag:s12] =	ssyncadd.s32 $0xFFFFE0C0  }
0x64: {  	[spmem:s3] =	stream.indirect.scatter.add.bf16 [tilespmem:s30], [sflag:$0x8], $0x10, s4, s22, $0xb8;
	[tilespmem:$0x11AC0] =	vst v63  }
0x65: {  	_ =	swait.ge [sflag:s14], $0x1F40  }
0x66: {  	[sflag:s14] =	ssyncset.done $0x0  }
0x67: {  	[sflag:s14] =	ssyncadd.s32 $0xFFFFE0C0  }
0x68: {  	[tilespmem:s26], [sflag:$0x3] =	stream.indirect.gather [spmem:s2], $0x10, s5, s22, $0xb8;
	[tilespmem:$0x11AC0] =	vst v63  }
0x69: {  	_ =	swait.ge [sflag:s28], $0x1F40  }
0x6a: {  	[sflag:s28] =	ssyncset.done $0x0  }
0x6b: {  	s6 =	simm.s32 $0x2F40;
	[sflag:s28] =	ssyncadd.s32 $0xFFFFE0C0  }
0x6c: {  	[spmem:s3] =	stream.indirect.scatter.add.bf16 [tilespmem:s20], [sflag:$0x5], $0x10, s6, s22, $0xb8;
	[tilespmem:$0x11AC0] =	vst v63  }
0x6d: {  	_ =	swait.ge [sflag:s16], $0x1F40  }
0x6e: {  	[sflag:s16] =	ssyncset.done $0x0  }
0x6f: {  	s4 =	simm.s32 $0xDC8;
	[sflag:s16] =	ssyncadd.s32 $0xFFFFE0C0  }
0x70: {  	[tilespmem:s30], [sflag:$0x4] =	stream.indirect.gather [spmem:s2], $0x10, s4, s22, $0xb8;
	[tilespmem:$0x11AC0] =	vst v63  }
0x71: {  	_ =	swait.ge [sflag:s31], $0x1F40  }
0x72: {  	[sflag:s31] =	ssyncset.done $0x0  }
0x73: {  	s11 =	simm.s32 $0x3138;
	[sflag:s31] =	ssyncadd.s32 $0xFFFFE0C0  }
0x74: {  	[spmem:s3] =	stream.indirect.scatter.add.bf16 [tilespmem:s24], [sflag:$0x6], $0x10, s11, s22, $0xb8;
	[tilespmem:$0x11AC0] =	vst v63  }
0x75: {  	_ =	swait.ge [sflag:s1], $0x1F40  }
0x76: {  	[sflag:s1] =	ssyncset.done $0x0  }
0x77: {  	s11 =	simm.s32 $0xFC0;
	[sflag:s1] =	ssyncadd.s32 $0xFFFFE0C0  }
0x78: {  	[tilespmem:s20], [sflag:$0x1] =	stream.indirect.gather [spmem:s2], $0x10, s11, s22, $0xb8;
	[tilespmem:$0x11AC0] =	vst v63  }
0x79: {  	_ =	swait.ge [sflag:s8], $0x1F40  }
0x7a: {  	[sflag:s8] =	ssyncset.done $0x0  }
0x7b: {  	s11 =	simm.s32 $0x3330;
	[sflag:s8] =	ssyncadd.s32 $0xFFFFE0C0  }
0x7c: {  	[spmem:s3] =	stream.indirect.scatter.add.bf16 [tilespmem:s26], [sflag:$0x7], $0x10, s11, s22, $0xb8;
	[tilespmem:$0x11AC0] =	vst v63  }
0x7d: {  	_ =	swait.ge [sflag:s10], $0x1F40  }
0x7e: {  	[sflag:s10] =	ssyncset.done $0x0  }
0x7f: {  	s11 =	simm.s32 $0x11B8;
	[sflag:s10] =	ssyncadd.s32 $0xFFFFE0C0  }
0x80: {  	[tilespmem:s24], [sflag:$0x2] =	stream.indirect.gather [spmem:s2], $0x10, s11, s22, $0xb8;
	[tilespmem:$0x11AC0] =	vst v63  }
0x81: {  	_ =	swait.ge [sflag:s12], $0x1F40  }
0x82: {  	[sflag:s12] =	ssyncset.done $0x0  }
0x83: {  	s11 =	simm.s32 $0x3528;
	[sflag:s12] =	ssyncadd.s32 $0xFFFFE0C0  }
0x84: {  	[spmem:s3] =	stream.indirect.scatter.add.bf16 [tilespmem:s30], [sflag:$0x8], $0x10, s11, s22, $0xb8;
	[tilespmem:$0x11AC0] =	vst v63  }
0x85: {  	_ =	swait.ge [sflag:s14], $0x1F40  }
0x86: {  	[sflag:s14] =	ssyncset.done $0x0  }
0x87: {  	s11 =	simm.s32 $0x13B0;
	[sflag:s14] =	ssyncadd.s32 $0xFFFFE0C0  }
0x88: {  	[tilespmem:s26], [sflag:$0x3] =	stream.indirect.gather [spmem:s2], $0x10, s11, s22, $0xb8;
	[tilespmem:$0x11AC0] =	vst v63  }
0x89: {  	_ =	swait.ge [sflag:s28], $0x1F40  }
0x8a: {  	[sflag:s28] =	ssyncset.done $0x0  }
0x8b: {  	s11 =	simm.s32 $0x3720;
	[sflag:s28] =	ssyncadd.s32 $0xFFFFE0C0  }
0x8c: {  	[spmem:s3] =	stream.indirect.scatter.add.bf16 [tilespmem:s20], [sflag:$0x5], $0x10, s11, s22, $0xb8;
	[tilespmem:$0x11AC0] =	vst v63  }
0x8d: {  	_ =	swait.ge [sflag:s16], $0x1F40  }
0x8e: {  	[sflag:s16] =	ssyncset.done $0x0  }
0x8f: {  	s11 =	simm.s32 $0x15A8;
	[sflag:s16] =	ssyncadd.s32 $0xFFFFE0C0  }
0x90: {  	[tilespmem:s30], [sflag:$0x4] =	stream.indirect.gather [spmem:s2], $0x10, s11, s22, $0xb8;
	[tilespmem:$0x11AC0] =	vst v63  }
0x91: {  	_ =	swait.ge [sflag:s31], $0x1F40  }
0x92: {  	[sflag:s31] =	ssyncset.done $0x0  }
0x93: {  	s11 =	simm.s32 $0x3918;
	[sflag:s31] =	ssyncadd.s32 $0xFFFFE0C0  }
0x94: {  	[spmem:s3] =	stream.indirect.scatter.add.bf16 [tilespmem:s24], [sflag:$0x6], $0x10, s11, s22, $0xb8;
	[tilespmem:$0x11AC0] =	vst v63  }
0x95: {  	_ =	swait.ge [sflag:s1], $0x1F40  }
0x96: {  	[sflag:s1] =	ssyncset.done $0x0  }
0x97: {  	s11 =	simm.s32 $0x17A0;
	[sflag:s1] =	ssyncadd.s32 $0xFFFFE0C0  }
0x98: {  	[tilespmem:s20], [sflag:$0x1] =	stream.indirect.gather [spmem:s2], $0x10, s11, s22, $0xb8;
	[tilespmem:$0x11AC0] =	vst v63  }
0x99: {  	_ =	swait.ge [sflag:s8], $0x1F40  }
0x9a: {  	[sflag:s8] =	ssyncset.done $0x0  }
0x9b: {  	s11 =	simm.s32 $0x3B10;
	[sflag:s8] =	ssyncadd.s32 $0xFFFFE0C0  }
0x9c: {  	[spmem:s3] =	stream.indirect.scatter.add.bf16 [tilespmem:s26], [sflag:$0x7], $0x10, s11, s22, $0xb8;
	[tilespmem:$0x11AC0] =	vst v63  }
0x9d: {  	_ =	swait.ge [sflag:s10], $0x1F40  }
0x9e: {  	[sflag:s10] =	ssyncset.done $0x0  }
0x9f: {  	s11 =	simm.s32 $0x1998;
	[sflag:s10] =	ssyncadd.s32 $0xFFFFE0C0  }
0xa0: {  	[tilespmem:s24], [sflag:$0x2] =	stream.indirect.gather [spmem:s2], $0x10, s11, s22, $0xb8;
	[tilespmem:$0x11AC0] =	vst v63  }
0xa1: {  	_ =	swait.ge [sflag:s12], $0x1F40  }
0xa2: {  	[sflag:s12] =	ssyncset.done $0x0  }
0xa3: {  	s11 =	simm.s32 $0x3D08;
	[sflag:s12] =	ssyncadd.s32 $0xFFFFE0C0  }
0xa4: {  	[spmem:s3] =	stream.indirect.scatter.add.bf16 [tilespmem:s30], [sflag:$0x8], $0x10, s11, s22, $0xb8;
	[tilespmem:$0x11AC0] =	vst v63  }
0xa5: {  	_ =	swait.ge [sflag:s14], $0x1F40  }
0xa6: {  	[sflag:s14] =	ssyncset.done $0x0  }
0xa7: {  	s11 =	simm.s32 $0x1B90;
	[sflag:s14] =	ssyncadd.s32 $0xFFFFE0C0  }
0xa8: {  	[tilespmem:s26], [sflag:$0x3] =	stream.indirect.gather [spmem:s2], $0x10, s11, s22, $0xb8;
	[tilespmem:$0x11AC0] =	vst v63  }
0xa9: {  	_ =	swait.ge [sflag:s28], $0x1F40  }
0xaa: {  	[sflag:s28] =	ssyncset.done $0x0  }
0xab: {  	s11 =	simm.s32 $0x3F00;
	[sflag:s28] =	ssyncadd.s32 $0xFFFFE0C0  }
0xac: {  	[spmem:s3] =	stream.indirect.scatter.add.bf16 [tilespmem:s20], [sflag:$0x5], $0x10, s11, s22, $0xb8;
	[tilespmem:$0x11AC0] =	vst v63  }
0xad: {  	_ =	swait.ge [sflag:s16], $0x1F40  }
0xae: {  	[sflag:s16] =	ssyncset.done $0x0  }
0xaf: {  	s11 =	simm.s32 $0x1D88;
	[sflag:s16] =	ssyncadd.s32 $0xFFFFE0C0  }
0xb0: {  	[tilespmem:s30], [sflag:$0x4] =	stream.indirect.gather [spmem:s2], $0x10, s11, s22, $0xb8;
	[tilespmem:$0x11AC0] =	vst v63  }
0xb1: {  	_ =	swait.ge [sflag:s31], $0x1F40  }
0xb2: {  	[sflag:s31] =	ssyncset.done $0x0  }
0xb3: {  	s11 =	simm.s32 $0x40F8;
	[sflag:s31] =	ssyncadd.s32 $0xFFFFE0C0  }
0xb4: {  	[spmem:s3] =	stream.indirect.scatter.add.bf16 [tilespmem:s24], [sflag:$0x6], $0x10, s11, s22, $0xb8;
	[tilespmem:$0x11AC0] =	vst v63  }
0xb5: {  	_ =	swait.ge [sflag:s1], $0x1F40  }
0xb6: {  	[sflag:s1] =	ssyncset.done $0x0  }
0xb7: {  	s11 =	simm.s32 $0x1F80;
	[sflag:s1] =	ssyncadd.s32 $0xFFFFE0C0  }
0xb8: {  	[tilespmem:s20], [sflag:$0x1] =	stream.indirect.gather [spmem:s2], $0x10, s11, s22, $0xb8;
	[tilespmem:$0x11AC0] =	vst v63  }
0xb9: {  	_ =	swait.ge [sflag:s8], $0x1F40  }
0xba: {  	[sflag:s8] =	ssyncset.done $0x0  }
0xbb: {  	s11 =	simm.s32 $0x42F0;
	[sflag:s8] =	ssyncadd.s32 $0xFFFFE0C0  }
0xbc: {  	[spmem:s3] =	stream.indirect.scatter.add.bf16 [tilespmem:s26], [sflag:$0x7], $0x10, s11, s22, $0xb8;
	[tilespmem:$0x11AC0] =	vst v63  }
0xbd: {  	_ =	swait.ge [sflag:s10], $0x1F40  }
0xbe: {  	[sflag:s10] =	ssyncset.done $0x0  }
0xbf: {  	s11 =	simm.s32 $0x2178;
	[sflag:s10] =	ssyncadd.s32 $0xFFFFE0C0  }
0xc0: {  	[tilespmem:s24], [sflag:$0x2] =	stream.indirect.gather [spmem:s2], $0x10, s11, s22, $0xb8;
	[tilespmem:$0x11AC0] =	vst v63  }
0xc1: {  	_ =	swait.ge [sflag:s12], $0x1F40  }
0xc2: {  	[sflag:s12] =	ssyncset.done $0x0  }
0xc3: {  	s11 =	simm.s32 $0x44E8;
	[sflag:s12] =	ssyncadd.s32 $0xFFFFE0C0  }
0xc4: {  	[spmem:s3] =	stream.indirect.scatter.add.bf16 [tilespmem:s30], [sflag:$0x8], $0x10, s11, s22, $0xb8;
	[tilespmem:$0x11AC0] =	vst v63  }
0xc5: {  	_ =	swait.ge [sflag:s14], $0x1F40  }
0xc6: {  	[sflag:s14] =	ssyncset.done $0x0  }
0xc7: {  	s11 =	simm.s32 $0x2370;
	[sflag:s14] =	ssyncadd.s32 $0xFFFFE0C0  }
0xc8: {  	[tilespmem:s26], [sflag:$0x3] =	stream.indirect.gather [spmem:s2], $0x10, s11, s22, $0xb8;
	[tilespmem:$0x11AC0] =	vst v63  }
0xc9: {  	_ =	swait.ge [sflag:s28], $0x1F40  }
0xca: {  	[sflag:s28] =	ssyncset.done $0x0  }
0xcb: {  	s11 =	simm.s32 $0x46E0;
	[sflag:s28] =	ssyncadd.s32 $0xFFFFE0C0  }
0xcc: {  	[spmem:s3] =	stream.indirect.scatter.add.bf16 [tilespmem:s20], [sflag:$0x5], $0x10, s11, s22, $0xb8;
	[tilespmem:$0x11AC0] =	vst v63  }
0xcd: {  	_ =	swait.ge [sflag:s16], $0x1F40  }
0xce: {  	[sflag:s16] =	ssyncset.done $0x0  }
0xcf: {  	s11 =	simm.s32 $0x2568;
	[sflag:s16] =	ssyncadd.s32 $0xFFFFE0C0  }
0xd0: {  	[tilespmem:s30], [sflag:$0x4] =	stream.indirect.gather [spmem:s2], $0x10, s11, s22, $0xb8;
	[tilespmem:$0x11AC0] =	vst v63  }
0xd1: {  	_ =	swait.ge [sflag:s31], $0x1F40  }
0xd2: {  	[sflag:s31] =	ssyncset.done $0x0  }
0xd3: {  	s11 =	simm.s32 $0x48D8;
	[sflag:s31] =	ssyncadd.s32 $0xFFFFE0C0  }
0xd4: {  	[spmem:s3] =	stream.indirect.scatter.add.bf16 [tilespmem:s24], [sflag:$0x6], $0x10, s11, s22, $0xb8;
	[tilespmem:$0x11AC0] =	vst v63  }
0xd5: {  	_ =	swait.ge [sflag:s1], $0x1F40  }
0xd6: {  	[sflag:s1] =	ssyncset.done $0x0  }
0xd7: {  	[sflag:s1] =	ssyncadd.s32 $0xFFFFE0C0  }
0xd8: {  	_ =	swait.ge [sflag:s8], $0x1F40  }
0xd9: {  	[sflag:s8] =	ssyncset.done $0x0  }
0xda: {  	s11 =	simm.s32 $0x4AD0;
	[sflag:s8] =	ssyncadd.s32 $0xFFFFE0C0  }
0xdb: {  	[spmem:s3] =	stream.indirect.scatter.add.bf16 [tilespmem:s26], [sflag:$0x7], $0x10, s11, s22, $0xb8;
	[tilespmem:$0x11AC0] =	vst v63  }
0xdc: {  	_ =	swait.ge [sflag:s10], $0x1F40  }
0xdd: {  	[sflag:s10] =	ssyncset.done $0x0  }
0xde: {  	[sflag:s10] =	ssyncadd.s32 $0xFFFFE0C0  }
0xdf: {  	_ =	swait.ge [sflag:s12], $0x1F40  }
0xe0: {  	[sflag:s12] =	ssyncset.done $0x0  }
0xe1: {  	s11 =	simm.s32 $0x4CC8;
	[sflag:s12] =	ssyncadd.s32 $0xFFFFE0C0  }
0xe2: {  	[spmem:s3] =	stream.indirect.scatter.add.bf16 [tilespmem:s30], [sflag:$0x8], $0x10, s11, s22, $0xb8;
	[tilespmem:$0x11AC0] =	vst v63  }
0xe3: {  	_ =	swait.ge [sflag:s14], $0x1F40  }
0xe4: {  	[sflag:s14] =	ssyncset.done $0x0  }
0xe5: {  	[sflag:s14] =	ssyncadd.s32 $0xFFFFE0C0  }
0xe6: {  	_ =	swait.ge [sflag:s16], $0x1F40  }
0xe7: {  	[sflag:s16] =	ssyncset.done $0x0  }
0xe8: {  	s11 =	rddreg [dreg:$0xb];
	[sflag:s16] =	ssyncadd.s32 $0xFFFFE0C0  }
0xe9: {  	[tilespmem:s0], [sflag:$0x9] =	stream.linear.gather [hbm4b:s11+s0], $0x2760, $0x38;
	[tilespmem:$0x11AC0] =	vst v63  }
0xea: {  	_ =	swait.ge [sflag:s19], $0x2760  }
0xeb: {  	[sflag:s19] =	ssyncset.done $0x0  }
0xec: {  	s11 =	rddreg [dreg:$0xc];
	[sflag:s19] =	ssyncadd.s32 $0xFFFFD8A0  }
0xed: {  	[tilespmem:s7], [sflag:$0x9] =	stream.linear.gather [hbm4b:s11+s0], $0x2760, $0x38;
	[tilespmem:$0x11AC0] =	vst v63  }
0xee: {  	_ =	swait.ge [sflag:s19], $0x2760  }
0xef: {  	[sflag:s19] =	ssyncset.done $0x0  }
0xf0: {  	[sflag:s19] =	ssyncadd.s32 $0xFFFFD8A0  }
0xf1: {  	[tilespmem:s20], [sflag:$0x1] =	stream.indirect.gather [spmem:s2], $0x10, s0, s22, $0xb8;
	[tilespmem:$0x11AC0] =	vst v63  }
0xf2: {  	_ = 	snop  }
0xf3: {  	[tilespmem:s24], [sflag:$0x2] =	stream.indirect.gather [spmem:s2], $0x10, s13, s22, $0xb8;
	[tilespmem:$0x11AC0] =	vst v63  }
0xf4: {  	_ = 	snop  }
0xf5: {  	[tilespmem:s26], [sflag:$0x3] =	stream.indirect.gather [spmem:s2], $0x10, s15, s22, $0xb8;
	[tilespmem:$0x11AC0] =	vst v63  }
0xf6: {  	_ =	swait.ge [sflag:s28], $0x1F40  }
0xf7: {  	[sflag:s28] =	ssyncset.done $0x0  }
0xf8: {  	[sflag:s28] =	ssyncadd.s32 $0xFFFFE0C0  }
0xf9: {  	[spmem:s3] =	stream.indirect.scatter.add.bf16 [tilespmem:s20], [sflag:$0x5], $0x10, s7, s22, $0xb8;
	[tilespmem:$0x11AC0] =	vst v63  }
0xfa: {  	_ = 	snop  }
0xfb: {  	[tilespmem:s30], [sflag:$0x4] =	stream.indirect.gather [spmem:s2], $0x10, s23, s22, $0xb8;
	[tilespmem:$0x11AC0] =	vst v63  }
0xfc: {  	_ =	swait.ge [sflag:s31], $0x1F40  }
0xfd: {  	[sflag:s31] =	ssyncset.done $0x0  }
0xfe: {  	[sflag:s31] =	ssyncadd.s32 $0xFFFFE0C0  }
0xff: {  	[spmem:s3] =	stream.indirect.scatter.add.bf16 [tilespmem:s24], [sflag:$0x6], $0x10, s17, s22, $0xb8;
	[tilespmem:$0x11AC0] =	vst v63  }
0x100: {  	_ =	swait.ge [sflag:s1], $0x1F40  }
0x101: {  	[sflag:s1] =	ssyncset.done $0x0  }
0x102: {  	[sflag:s1] =	ssyncadd.s32 $0xFFFFE0C0  }
0x103: {  	[tilespmem:s20], [sflag:$0x1] =	stream.indirect.gather [spmem:s2], $0x10, s25, s22, $0xb8;
	[tilespmem:$0x11AC0] =	vst v63  }
0x104: {  	_ =	swait.ge [sflag:s8], $0x1F40  }
0x105: {  	[sflag:s8] =	ssyncset.done $0x0  }
0x106: {  	[sflag:s8] =	ssyncadd.s32 $0xFFFFE0C0  }
0x107: {  	[spmem:s3] =	stream.indirect.scatter.add.bf16 [tilespmem:s26], [sflag:$0x7], $0x10, s18, s22, $0xb8;
	[tilespmem:$0x11AC0] =	vst v63  }
0x108: {  	_ =	swait.ge [sflag:s10], $0x1F40  }
0x109: {  	[sflag:s10] =	ssyncset.done $0x0  }
0x10a: {  	[sflag:s10] =	ssyncadd.s32 $0xFFFFE0C0  }
0x10b: {  	[tilespmem:s24], [sflag:$0x2] =	stream.indirect.gather [spmem:s2], $0x10, s29, s22, $0xb8;
	[tilespmem:$0x11AC0] =	vst v63  }
0x10c: {  	_ =	swait.ge [sflag:s12], $0x1F40  }
0x10d: {  	[sflag:s12] =	ssyncset.done $0x0  }
0x10e: {  	s13 =	simm.s32 $0x2D48;
	[sflag:s12] =	ssyncadd.s32 $0xFFFFE0C0  }
0x10f: {  	[spmem:s3] =	stream.indirect.scatter.add.bf16 [tilespmem:s30], [sflag:$0x8], $0x10, s13, s22, $0xb8;
	[tilespmem:$0x11AC0] =	vst v63  }
0x110: {  	_ =	swait.ge [sflag:s14], $0x1F40  }
0x111: {  	[sflag:s14] =	ssyncset.done $0x0  }
0x112: {  	[sflag:s14] =	ssyncadd.s32 $0xFFFFE0C0  }
0x113: {  	[tilespmem:s26], [sflag:$0x3] =	stream.indirect.gather [spmem:s2], $0x10, s5, s22, $0xb8;
	[tilespmem:$0x11AC0] =	vst v63  }
0x114: {  	_ =	swait.ge [sflag:s28], $0x1F40  }
0x115: {  	[sflag:s28] =	ssyncset.done $0x0  }
0x116: {  	[sflag:s28] =	ssyncadd.s32 $0xFFFFE0C0  }
0x117: {  	[spmem:s3] =	stream.indirect.scatter.add.bf16 [tilespmem:s20], [sflag:$0x5], $0x10, s6, s22, $0xb8;
	[tilespmem:$0x11AC0] =	vst v63  }
0x118: {  	_ =	swait.ge [sflag:s16], $0x1F40  }
0x119: {  	[sflag:s16] =	ssyncset.done $0x0  }
0x11a: {  	[sflag:s16] =	ssyncadd.s32 $0xFFFFE0C0  }
0x11b: {  	[tilespmem:s30], [sflag:$0x4] =	stream.indirect.gather [spmem:s2], $0x10, s4, s22, $0xb8;
	[tilespmem:$0x11AC0] =	vst v63  }
0x11c: {  	_ =	swait.ge [sflag:s31], $0x1F40  }
0x11d: {  	[sflag:s31] =	ssyncset.done $0x0  }
0x11e: {  	s6 =	simm.s32 $0x3138;
	[sflag:s31] =	ssyncadd.s32 $0xFFFFE0C0  }
0x11f: {  	[spmem:s3] =	stream.indirect.scatter.add.bf16 [tilespmem:s24], [sflag:$0x6], $0x10, s6, s22, $0xb8;
	[tilespmem:$0x11AC0] =	vst v63  }
0x120: {  	_ =	swait.ge [sflag:s1], $0x1F40  }
0x121: {  	[sflag:s1] =	ssyncset.done $0x0  }
0x122: {  	s11 =	simm.s32 $0xFC0;
	[sflag:s1] =	ssyncadd.s32 $0xFFFFE0C0  }
0x123: {  	[tilespmem:s20], [sflag:$0x1] =	stream.indirect.gather [spmem:s2], $0x10, s11, s22, $0xb8;
	[tilespmem:$0x11AC0] =	vst v63  }
0x124: {  	_ =	swait.ge [sflag:s8], $0x1F40  }
0x125: {  	[sflag:s8] =	ssyncset.done $0x0  }
0x126: {  	s13 =	simm.s32 $0x3330;
	[sflag:s8] =	ssyncadd.s32 $0xFFFFE0C0  }
0x127: {  	[spmem:s3] =	stream.indirect.scatter.add.bf16 [tilespmem:s26], [sflag:$0x7], $0x10, s13, s22, $0xb8;
	[tilespmem:$0x11AC0] =	vst v63  }
0x128: {  	_ =	swait.ge [sflag:s10], $0x1F40  }
0x129: {  	[sflag:s10] =	ssyncset.done $0x0  }
0x12a: {  	s4 =	simm.s32 $0x11B8;
	[sflag:s10] =	ssyncadd.s32 $0xFFFFE0C0  }
0x12b: {  	[tilespmem:s24], [sflag:$0x2] =	stream.indirect.gather [spmem:s2], $0x10, s4, s22, $0xb8;
	[tilespmem:$0x11AC0] =	vst v63  }
0x12c: {  	_ =	swait.ge [sflag:s12], $0x1F40  }
0x12d: {  	[sflag:s12] =	ssyncset.done $0x0  }
0x12e: {  	s6 =	simm.s32 $0x3528;
	[sflag:s12] =	ssyncadd.s32 $0xFFFFE0C0  }
0x12f: {  	[spmem:s3] =	stream.indirect.scatter.add.bf16 [tilespmem:s30], [sflag:$0x8], $0x10, s6, s22, $0xb8;
	[tilespmem:$0x11AC0] =	vst v63  }
0x130: {  	_ =	swait.ge [sflag:s14], $0x1F40  }
0x131: {  	[sflag:s14] =	ssyncset.done $0x0  }
0x132: {  	s11 =	simm.s32 $0x13B0;
	[sflag:s14] =	ssyncadd.s32 $0xFFFFE0C0  }
0x133: {  	[tilespmem:s26], [sflag:$0x3] =	stream.indirect.gather [spmem:s2], $0x10, s11, s22, $0xb8;
	[tilespmem:$0x11AC0] =	vst v63  }
0x134: {  	_ =	swait.ge [sflag:s28], $0x1F40  }
0x135: {  	[sflag:s28] =	ssyncset.done $0x0  }
0x136: {  	s13 =	simm.s32 $0x3720;
	[sflag:s28] =	ssyncadd.s32 $0xFFFFE0C0  }
0x137: {  	[spmem:s3] =	stream.indirect.scatter.add.bf16 [tilespmem:s20], [sflag:$0x5], $0x10, s13, s22, $0xb8;
	[tilespmem:$0x11AC0] =	vst v63  }
0x138: {  	_ =	swait.ge [sflag:s16], $0x1F40  }
0x139: {  	[sflag:s16] =	ssyncset.done $0x0  }
0x13a: {  	s4 =	simm.s32 $0x15A8;
	[sflag:s16] =	ssyncadd.s32 $0xFFFFE0C0  }
0x13b: {  	[tilespmem:s30], [sflag:$0x4] =	stream.indirect.gather [spmem:s2], $0x10, s4, s22, $0xb8;
	[tilespmem:$0x11AC0] =	vst v63  }
0x13c: {  	_ =	swait.ge [sflag:s31], $0x1F40  }
0x13d: {  	[sflag:s31] =	ssyncset.done $0x0  }
0x13e: {  	s6 =	simm.s32 $0x3918;
	[sflag:s31] =	ssyncadd.s32 $0xFFFFE0C0  }
0x13f: {  	[spmem:s3] =	stream.indirect.scatter.add.bf16 [tilespmem:s24], [sflag:$0x6], $0x10, s6, s22, $0xb8;
	[tilespmem:$0x11AC0] =	vst v63  }
0x140: {  	_ =	swait.ge [sflag:s1], $0x1F40  }
0x141: {  	[sflag:s1] =	ssyncset.done $0x0  }
0x142: {  	s11 =	simm.s32 $0x17A0;
	[sflag:s1] =	ssyncadd.s32 $0xFFFFE0C0  }
0x143: {  	[tilespmem:s20], [sflag:$0x1] =	stream.indirect.gather [spmem:s2], $0x10, s11, s22, $0xb8;
	[tilespmem:$0x11AC0] =	vst v63  }
0x144: {  	_ =	swait.ge [sflag:s8], $0x1F40  }
0x145: {  	[sflag:s8] =	ssyncset.done $0x0  }
0x146: {  	s13 =	simm.s32 $0x3B10;
	[sflag:s8] =	ssyncadd.s32 $0xFFFFE0C0  }
0x147: {  	[spmem:s3] =	stream.indirect.scatter.add.bf16 [tilespmem:s26], [sflag:$0x7], $0x10, s13, s22, $0xb8;
	[tilespmem:$0x11AC0] =	vst v63  }
0x148: {  	_ =	swait.ge [sflag:s10], $0x1F40  }
0x149: {  	[sflag:s10] =	ssyncset.done $0x0  }
0x14a: {  	s4 =	simm.s32 $0x1998;
	[sflag:s10] =	ssyncadd.s32 $0xFFFFE0C0  }
0x14b: {  	[tilespmem:s24], [sflag:$0x2] =	stream.indirect.gather [spmem:s2], $0x10, s4, s22, $0xb8;
	[tilespmem:$0x11AC0] =	vst v63  }
0x14c: {  	_ =	swait.ge [sflag:s12], $0x1F40  }
0x14d: {  	[sflag:s12] =	ssyncset.done $0x0  }
0x14e: {  	s6 =	simm.s32 $0x3D08;
	[sflag:s12] =	ssyncadd.s32 $0xFFFFE0C0  }
0x14f: {  	[spmem:s3] =	stream.indirect.scatter.add.bf16 [tilespmem:s30], [sflag:$0x8], $0x10, s6, s22, $0xb8;
	[tilespmem:$0x11AC0] =	vst v63  }
0x150: {  	_ =	swait.ge [sflag:s14], $0x1F40  }
0x151: {  	[sflag:s14] =	ssyncset.done $0x0  }
0x152: {  	s11 =	simm.s32 $0x1B90;
	[sflag:s14] =	ssyncadd.s32 $0xFFFFE0C0  }
0x153: {  	[tilespmem:s26], [sflag:$0x3] =	stream.indirect.gather [spmem:s2], $0x10, s11, s22, $0xb8;
	[tilespmem:$0x11AC0] =	vst v63  }
0x154: {  	_ =	swait.ge [sflag:s28], $0x1F40  }
0x155: {  	[sflag:s28] =	ssyncset.done $0x0  }
0x156: {  	s13 =	simm.s32 $0x3F00;
	[sflag:s28] =	ssyncadd.s32 $0xFFFFE0C0  }
0x157: {  	[spmem:s3] =	stream.indirect.scatter.add.bf16 [tilespmem:s20], [sflag:$0x5], $0x10, s13, s22, $0xb8;
	[tilespmem:$0x11AC0] =	vst v63  }
0x158: {  	_ =	swait.ge [sflag:s16], $0x1F40  }
0x159: {  	[sflag:s16] =	ssyncset.done $0x0  }
0x15a: {  	s4 =	simm.s32 $0x1D88;
	[sflag:s16] =	ssyncadd.s32 $0xFFFFE0C0  }
0x15b: {  	[tilespmem:s30], [sflag:$0x4] =	stream.indirect.gather [spmem:s2], $0x10, s4, s22, $0xb8;
	[tilespmem:$0x11AC0] =	vst v63  }
0x15c: {  	_ =	swait.ge [sflag:s31], $0x1F40  }
0x15d: {  	[sflag:s31] =	ssyncset.done $0x0  }
0x15e: {  	s6 =	simm.s32 $0x40F8;
	[sflag:s31] =	ssyncadd.s32 $0xFFFFE0C0  }
0x15f: {  	[spmem:s3] =	stream.indirect.scatter.add.bf16 [tilespmem:s24], [sflag:$0x6], $0x10, s6, s22, $0xb8;
	[tilespmem:$0x11AC0] =	vst v63  }
0x160: {  	_ =	swait.ge [sflag:s1], $0x1F40  }
0x161: {  	[sflag:s1] =	ssyncset.done $0x0  }
0x162: {  	s11 =	simm.s32 $0x1F80;
	[sflag:s1] =	ssyncadd.s32 $0xFFFFE0C0  }
0x163: {  	[tilespmem:s20], [sflag:$0x1] =	stream.indirect.gather [spmem:s2], $0x10, s11, s22, $0xb8;
	[tilespmem:$0x11AC0] =	vst v63  }
0x164: {  	_ =	swait.ge [sflag:s8], $0x1F40  }
0x165: {  	[sflag:s8] =	ssyncset.done $0x0  }
0x166: {  	s13 =	simm.s32 $0x42F0;
	[sflag:s8] =	ssyncadd.s32 $0xFFFFE0C0  }
0x167: {  	[spmem:s3] =	stream.indirect.scatter.add.bf16 [tilespmem:s26], [sflag:$0x7], $0x10, s13, s22, $0xb8;
	[tilespmem:$0x11AC0] =	vst v63  }
0x168: {  	_ =	swait.ge [sflag:s10], $0x1F40  }
0x169: {  	[sflag:s10] =	ssyncset.done $0x0  }
0x16a: {  	s4 =	simm.s32 $0x2178;
	[sflag:s10] =	ssyncadd.s32 $0xFFFFE0C0  }
0x16b: {  	[tilespmem:s24], [sflag:$0x2] =	stream.indirect.gather [spmem:s2], $0x10, s4, s22, $0xb8;
	[tilespmem:$0x11AC0] =	vst v63  }
0x16c: {  	_ =	swait.ge [sflag:s12], $0x1F40  }
0x16d: {  	[sflag:s12] =	ssyncset.done $0x0  }
0x16e: {  	s6 =	simm.s32 $0x44E8;
	[sflag:s12] =	ssyncadd.s32 $0xFFFFE0C0  }
0x16f: {  	[spmem:s3] =	stream.indirect.scatter.add.bf16 [tilespmem:s30], [sflag:$0x8], $0x10, s6, s22, $0xb8;
	[tilespmem:$0x11AC0] =	vst v63  }
0x170: {  	_ =	swait.ge [sflag:s14], $0x1F40  }
0x171: {  	[sflag:s14] =	ssyncset.done $0x0  }
0x172: {  	s11 =	simm.s32 $0x2370;
	[sflag:s14] =	ssyncadd.s32 $0xFFFFE0C0  }
0x173: {  	[tilespmem:s26], [sflag:$0x3] =	stream.indirect.gather [spmem:s2], $0x10, s11, s22, $0xb8;
	[tilespmem:$0x11AC0] =	vst v63  }
0x174: {  	_ =	swait.ge [sflag:s28], $0x1F40  }
0x175: {  	[sflag:s28] =	ssyncset.done $0x0  }
0x176: {  	s13 =	simm.s32 $0x46E0;
	[sflag:s28] =	ssyncadd.s32 $0xFFFFE0C0  }
0x177: {  	[spmem:s3] =	stream.indirect.scatter.add.bf16 [tilespmem:s20], [sflag:$0x5], $0x10, s13, s22, $0xb8;
	[tilespmem:$0x11AC0] =	vst v63  }
0x178: {  	_ =	swait.ge [sflag:s16], $0x1F40  }
0x179: {  	[sflag:s16] =	ssyncset.done $0x0  }
0x17a: {  	s4 =	simm.s32 $0x2568;
	[sflag:s16] =	ssyncadd.s32 $0xFFFFE0C0  }
0x17b: {  	[tilespmem:s30], [sflag:$0x4] =	stream.indirect.gather [spmem:s2], $0x10, s4, s22, $0xb8;
	[tilespmem:$0x11AC0] =	vst v63  }
0x17c: {  	_ =	swait.ge [sflag:s31], $0x1F40  }
0x17d: {  	[sflag:s31] =	ssyncset.done $0x0  }
0x17e: {  	s6 =	simm.s32 $0x48D8;
	[sflag:s31] =	ssyncadd.s32 $0xFFFFE0C0  }
0x17f: {  	[spmem:s3] =	stream.indirect.scatter.add.bf16 [tilespmem:s24], [sflag:$0x6], $0x10, s6, s22, $0xb8;
	[tilespmem:$0x11AC0] =	vst v63  }
0x180: {  	_ =	swait.ge [sflag:s1], $0x1F40  }
0x181: {  	[sflag:s1] =	ssyncset.done $0x0  }
0x182: {  	[sflag:s1] =	ssyncadd.s32 $0xFFFFE0C0  }
0x183: {  	_ =	swait.ge [sflag:s8], $0x1F40  }
0x184: {  	[sflag:s8] =	ssyncset.done $0x0  }
0x185: {  	s11 =	simm.s32 $0x4AD0;
	[sflag:s8] =	ssyncadd.s32 $0xFFFFE0C0  }
0x186: {  	[spmem:s3] =	stream.indirect.scatter.add.bf16 [tilespmem:s26], [sflag:$0x7], $0x10, s11, s22, $0xb8;
	[tilespmem:$0x11AC0] =	vst v63  }
0x187: {  	_ =	swait.ge [sflag:s10], $0x1F40  }
0x188: {  	[sflag:s10] =	ssyncset.done $0x0  }
0x189: {  	[sflag:s10] =	ssyncadd.s32 $0xFFFFE0C0  }
0x18a: {  	_ =	swait.ge [sflag:s12], $0x1F40  }
0x18b: {  	[sflag:s12] =	ssyncset.done $0x0  }
0x18c: {  	s13 =	simm.s32 $0x4CC8;
	[sflag:s12] =	ssyncadd.s32 $0xFFFFE0C0  }
0x18d: {  	[spmem:s3] =	stream.indirect.scatter.add.bf16 [tilespmem:s30], [sflag:$0x8], $0x10, s13, s22, $0xb8;
	[tilespmem:$0x11AC0] =	vst v63  }
0x18e: {  	_ =	swait.ge [sflag:s14], $0x1F40  }
0x18f: {  	[sflag:s14] =	ssyncset.done $0x0  }
0x190: {  	[sflag:s14] =	ssyncadd.s32 $0xFFFFE0C0  }
0x191: {  	_ =	swait.ge [sflag:s16], $0x1F40  }
0x192: {  	[sflag:s16] =	ssyncset.done $0x0  }
0x193: {  	[sflag:s16] =	ssyncadd.s32 $0xFFFFE0C0  }
0x194: {  	[bflag:$0x0] =	sbarrier.arrive $0xFFFF  }
0x195: {  	s4 =	rddreg [dreg:$0xd]  }
0x196: {  	s0 =	sshrl.u32 s21, $0x3;
	s6 =	rddreg [dreg:$0x11]  }
0x197: {  	[hbm:s4], [sflag:s6] =	dma.local [spmem:s0], $0x4F0  }
0x198: {  	_ =	swait.ge [sflag:s19], $0x4F0  }
0x199: {  	s9 =	sadd.s32 $0x1, s9;
	s21 =	rddreg [dreg:$0xe]  }
0x19a: {  	p0 =	sne.s32 s9, s21  }
.Ltmp1:
0x19b: {  	_ = 	snop;
	(pc) =	sbr.rel @p0 .LBB2_1-.Ltmp1, $3  }
0x19c: {  	_ =	sdelay $0x1  }
0x19d: {  	[sflag:s19] =	ssyncset.done $0x0  }
0x19e: {  	[sflag:s19] =	ssyncadd.s32 $0xFFFFFB10  }
0x19f: {  	_ =	sfence.sel $0x180000  }
0x1a0: {  	[bflag:$0x0] =	sbarrier.arrive $0xFFFF  }
0x1a1: {  	_ =	strace $0x9000004A  }
0x1a2: {  	s0 =	stileid.u32;
	[bflag:$0x2] =	sbarrier.arrive $0xFFFF  }
0x1a3: {  	p0 =	sne.s32 s0, $0x0;
	s0 =	rddreg [dreg:$0x3]  }
0x1a4: {  	s0 =	sadd.s32 @!p0 $0x100000, s0  }
0x1a5: {  	[sflag:s0] =	ssyncadd.tile.s32 @!p0 $0x1;
	_ =	shalt  }
.Lfunc_end2:
_tile_overlayer_lowered:
.L_overlay_start_2:
0x1a6: {  	(tag) =	ssettag $0x2  }
0x1a7: {  	s0 =	rddreg [dreg:$0x0];
	s2 =	stileid.u32  }
0x1a8: {  	s1 =	rddreg [dreg:$0x1];
	p0 =	sne.s32 s2, $0x0  }
0x1a9: {  	s3 =	rddreg [dreg:$0x2];
	[bflag:$0x3] =	sbarrier.arrive $0xFFFF;
	s2 =	simm.s32 @!p0 $0x1C09  }
0x1aa: {  	[timem:s3], [sflag:s2] =	dma.local @!p0 [hbm:s0], s1  }
0x1ab: {  	s0 =	simm.s32 @!p0 $0x9  }
0x1ac: {  	_ =	swait.ge @!p0 [sflag:s0], s1  }
0x1ad: {  	s1 =	ssub.s32 @!p0 $0x0, s1;
	[sflag:s0] =	ssyncset.done @!p0 $0x0  }
0x1ae: {  	[sflag:s0] =	ssyncadd.s32 @!p0 s1  }
0x1af: {  	[bflag:$0x3] =	sbarrier.arrive $0xFFFF  }
0x1b0: {  	_ =	shalt  }

// kernel: kernel.15.cloned.1.call-start
scs
__scs_entry_jumppad:
0x0: {  	(pc) =	sbr.rel $0x88, $3  }
0x1: {  	(tag) =	ssettag $0x0;
	lr =	simm.s32 $0x1  }
0x2: {  	[smem:$0x3F9B] =	sst lr;
	_ =	strace $0xD0000000  }
0x3: {  	_ = 	snop  }
0x4: {  	_ = 	snop  }
0x5: {  	_ = 	snop  }
0x6: {  	_ = 	snop  }
0x7: {  	_ = 	snop  }
__scs_overlays_trampoline_lowered:
0x8: {  	[smem:$0x3FAA] =	sst s0  }
0x9: {  	[smem:$0x3FAB] =	sst s1  }
0xa: {  	[smem:$0x3FAC] =	sst s2  }
0xb: {  	[smem:$0x3FAD] =	sst s3  }
0xc: {  	[smem:$0x3FAE] =	sst s4  }
0xd: {  	[smem:$0x3FAF] =	sst s5  }
0xe: {  	[smem:$0x3FB0] =	sst s6  }
0xf: {  	[smem:$0x3FB1] =	sst s7  }
0x10: {  	[smem:$0x3FB2] =	sst s8  }
0x11: {  	[smem:$0x3FB3] =	sst s9;
	s0 =	simm.s32 @!p0 $0x0  }
0x12: {  	s1 =	sld [smem:$0x3F99];
	s0 =	simm.s32 @p0 $0x1  }
0x13: {  	[smem:$0x3FB4] =	sst s0;
	s0 =	simm.s32 @!p1 $0x0  }
0x14: {  	s2 =	sld [smem:$0x3F98];
	s0 =	simm.s32 @p1 $0x1  }
0x15: {  	[smem:$0x3FB5] =	sst s0;
	s0 =	simm.s32 @!p2 $0x0  }
0x16: {  	s3 =	sld [smem:$0x3FDB];
	s0 =	simm.s32 @p2 $0x1  }
0x17: {  	s4 =	simm.s32 $0x1BF5;
	[smem:$0x3FB7] =	sst s0  }
0x18: {  	s0 =	sld [smem:$0x3F9A];
	_ =	swait.ge [sflag:s4], $0x0  }
0x19: {  	s7 =	sld [smem:$0x3F9B]  }
0x1a: {  	s8 =	sadd.s32 $0xFFFFE003, lr  }
0x1b: {  	s9 =	sadd.s32 $0xFFFFFEF7, lr;
	s5 =	simm.s32 $0xFFFFFFFF;
	p2 =	slt.u32 s8, $0xFFFFF086  }
0x1c: {  	p1 =	slt.u32 s9, $0xF7A;
	s5 =	simm.s32 @!p2 $0x0  }
0x1d: {  	s5 =	simm.s32 @p1 $0x1;
	p0 =	seq.s32 s7, s2  }
0x1e: {  	s7 =	smul.u32 @!p0 $0xF7A, s2;
	p2 =	seq.s32 @!p0 s5, $0x0  }
0x1f: {  	s9 =	smul.u32 $0xF7A, s1;
	s8 =	simm.s32 @!p0 $0x1BF5;
	p2 =	por !p2, p0  }
0x20: {  	[sflag:s8] =	ssyncset.s32 @!p0 $0xFFFFF086;
	s6 =	sadd.s32 @!p0 s3, s7;
	s7 =	simm.s32 @!p0 $0x108  }
0x21: {  	s3 =	sadd.s32 s3, s9;
	s6 =	sadd.s32 @!p0 $0x88, s6;
	s7 =	simm.s32 @p2 $0x1082  }
0x22: {  	[simem:s7], [sflag:s8] =	dma.local @!p0 [hbm:s6], $0xF7A  }
0x23: {  	s9 =	sor.u32 $0xD0000000, s2;
	s6 =	simm.s32 $0x108;
	_ =	swait.ge @!p0 [sflag:s8], $0x0  }
0x24: {  	s3 =	sadd.s32 $0x88, s3;
	s6 =	simm.s32 @!p1 $0x1082;
	[sflag:s4] =	ssyncset.s32 $0xFFFFF086  }
0x25: {  	[simem:s6], [sflag:s4] =	dma.local [hbm:s3], $0xF7A  }
0x26: {  	[smem:$0x3F9B] =	sst s1;
	(tag) =	ssettag s2;
	_ =	strace s9  }
0x27: {  	s1 =	sld [smem:$0x3FAB]  }
0x28: {  	s2 =	sld [smem:$0x3FAC]  }
0x29: {  	s4 =	sld [smem:$0x3FAE]  }
0x2a: {  	p0 =	seq.s32 s5, $0x0;
	s5 =	sld [smem:$0x3FAF]  }
0x2b: {  	s6 =	sld [smem:$0x3FB0]  }
0x2c: {  	s7 =	sld [smem:$0x3FB1]  }
0x2d: {  	s3 =	simm.s32 $0x108;
	s8 =	sld [smem:$0x3FB2]  }
0x2e: {  	s3 =	simm.s32 @!p0 $0x1082;
	s9 =	sld [smem:$0x3FB3]  }
0x2f: {  	lr =	sadd.s32 s0, s3;
	s0 =	sld [smem:$0x3FAA]  }
0x30: {  	s3 =	sld [smem:$0x3FAD]  }
0x31: {  	[smem:$0x3FB6] =	sst s10  }
0x32: {  	s10 =	sld [smem:$0x3FB4];
	_ =	sdelay $0x3  }
0x33: {  	p0 =	seq.s32 s10, $0x1;
	s10 =	sld [smem:$0x3FB6];
	_ =	sdelay $0x3  }
0x34: {  	[smem:$0x3FB6] =	sst s10  }
0x35: {  	s10 =	sld [smem:$0x3FB5];
	_ =	sdelay $0x3  }
0x36: {  	p1 =	seq.s32 s10, $0x1;
	s10 =	sld [smem:$0x3FB6];
	_ =	sdelay $0x3  }
0x37: {  	[smem:$0x3FB6] =	sst s10  }
0x38: {  	s10 =	sld [smem:$0x3FB7]  }
0x39: {  	_ = 	snop;
	(pc) =	sbr.ind lr, $3  }
0x3a: {  	_ = 	snop  }
0x3b: {  	_ = 	snop  }
0x3c: {  	p2 =	seq.s32 s10, $0x1;
	s10 =	sld [smem:$0x3FB6]  }
0x3d: {  	_ =	shalt  }
0x3e: {  	_ =	shalt  }
0x3f: {  	_ =	shalt  }
0x40: {  	_ =	shalt  }
0x41: {  	_ =	shalt  }
0x42: {  	_ =	shalt  }
0x43: {  	_ =	shalt  }
0x44: {  	_ =	shalt  }
0x45: {  	_ =	shalt  }
0x46: {  	_ =	shalt  }
0x47: {  	_ =	shalt  }
0x48: {  	_ =	shalt  }
0x49: {  	_ =	shalt  }
0x4a: {  	_ =	shalt  }
0x4b: {  	_ =	shalt  }
0x4c: {  	_ =	shalt  }
0x4d: {  	_ =	shalt  }
0x4e: {  	_ =	shalt  }
0x4f: {  	_ =	shalt  }
0x50: {  	_ =	shalt  }
0x51: {  	_ =	shalt  }
0x52: {  	_ =	shalt  }
0x53: {  	_ =	shalt  }
0x54: {  	_ =	shalt  }
0x55: {  	_ =	shalt  }
0x56: {  	_ =	shalt  }
0x57: {  	_ =	shalt  }
0x58: {  	_ =	shalt  }
0x59: {  	_ =	shalt  }
0x5a: {  	_ =	shalt  }
0x5b: {  	_ =	shalt  }
0x5c: {  	_ =	shalt  }
0x5d: {  	_ =	shalt  }
0x5e: {  	_ =	shalt  }
0x5f: {  	_ =	shalt  }
0x60: {  	_ =	shalt  }
0x61: {  	_ =	shalt  }
0x62: {  	_ =	shalt  }
0x63: {  	_ =	shalt  }
0x64: {  	_ =	shalt  }
0x65: {  	_ =	shalt  }
0x66: {  	_ =	shalt  }
0x67: {  	_ =	shalt  }
0x68: {  	_ =	shalt  }
0x69: {  	_ =	shalt  }
0x6a: {  	_ =	shalt  }
0x6b: {  	_ =	shalt  }
0x6c: {  	_ =	shalt  }
0x6d: {  	_ =	shalt  }
0x6e: {  	_ =	shalt  }
0x6f: {  	_ =	shalt  }
0x70: {  	_ =	shalt  }
0x71: {  	_ =	shalt  }
0x72: {  	_ =	shalt  }
0x73: {  	_ =	shalt  }
0x74: {  	_ =	shalt  }
0x75: {  	_ =	shalt  }
0x76: {  	_ =	shalt  }
0x77: {  	_ =	shalt  }
0x78: {  	_ =	shalt  }
0x79: {  	_ =	shalt  }
0x7a: {  	_ =	shalt  }
0x7b: {  	_ =	shalt  }
0x7c: {  	_ =	shalt  }
0x7d: {  	_ =	shalt  }
0x7e: {  	_ =	shalt  }
0x7f: {  	_ =	shalt  }
0x80: {  	_ =	shalt  }
0x81: {  	_ =	shalt  }
0x82: {  	_ =	shalt  }
0x83: {  	_ =	shalt  }
0x84: {  	_ =	shalt  }
0x85: {  	_ =	shalt  }
0x86: {  	_ =	shalt  }
0x87: {  	_ =	shalt  }
.Lfunc_end0:
.L_simem_size_0:
called_computation.2_lowered:
.L_overlay_start_0:
0x88: {  	s2 =	sld [smem:$0x3FD9]  }
0x89: {  	s3 =	sld [smem:$0x3FFE];
	_ =	sdelay $0x1  }
0x8a: {  	s1 =	srdreg.scid  }
0x8b: {  	s0 =	sand.u32 $0x1, s1  }
0x8c: {  	s17 =	sshll.u32 s0, $0xA;
	s2 =	sadd.s32 s3, s2  }
0x8d: {  	s2 =	sadd.s32 s2, s17  }
0x8e: {  	[smem:$0x3FC2] =	sst s2  }
0x8f: {  	_ = 	snop  }
0x90: {  	s2 =	sld [smem:$0x3FD0];
	(tm) =	ssettm $0x1  }
0x91: {  	s18 =	sld [smem:$0x3FFB];
	_ =	sdelay $0x3  }
0x92: {  	_ =	strace s18  }
0x93: {  	s3 =	sld [smem:$0x3FFC];
	_ =	sdelay $0x3  }
0x94: {  	_ =	strace s3  }
0x95: {  	s3 =	sld [smem:$0x3FFD];
	_ =	sdelay $0x3  }
0x96: {  	_ =	strace s3  }
0x97: {  	_ =	strace $0x8FFFFFFF  }
0x98: {  	s19 =	sld [smem:$0x3FDB];
	_ =	sdelay $0x1  }
0x99: {  	s4 =	simm.s32 $_scs_section_size  }
0x9a: {  	s5 =	simm.s32 $_size__tile_overlayer_lowered;
	s6 =	simm.s32 $_tile_overlayer_lowered  }
0x9b: {  	s22 =	simm.s32 $0x1BFF;
	s21 =	sshll.u32 s6, $0x1;
	s3 =	sadd.s32 s4, s19  }
0x9c: {  	s7 =	simm.s32 $0x0;
	s20 =	sshll.u32 s5, $0x1;
	s5 =	sadd.s32 s21, s3  }
0x9d: {  	[timem:s7], [sflag:s22] =	dma.local [hbm:s5], s20  }
0x9e: {  	_ =	swait.ge [sflag:s22], s20  }
0x9f: {  	s4 =	ssub.s32 $0x0, s20;
	[sflag:s22] =	ssyncset.done $0x0  }
0xa0: {  	[sflag:s22] =	ssyncadd.s32 s4;
	_ =	sdelay $0x1  }
0xa1: {  	s23 =	simm.s32 $0x1B8B  }
0xa2: {  	_ =	swait.ge [sflag:s23], $0x1  }
0xa3: {  	[sflag:s23] =	ssyncset.done $0x0  }
0xa4: {  	s25 =	simm.s32 $0x1B8E;
	s24 =	sld [smem:$0x3FFE];
	[sflag:s23] =	ssyncadd.s32 $0xFFFFFFFF  }
0xa5: {  	s26 =	simm.s32 $execute0_lowered;
	[smem:$0x3FD2] =	sst s25  }
0xa6: {  	s5 =	sshll.u32 s26, $0x1;
	_ =	strace $0x8000004C;
	[dreg:$0x1] =	wrdreg $0xFFFFFFFF  }
0xa7: {  	s28 =	simm.s32 $_size_execute0_lowered;
	s3 =	sadd.s32 s3, s5;
	[dreg:$0x0] =	wrdreg $0x0  }
0xa8: {  	s5 =	sshll.u32 s28, $0x1;
	[dreg:$0x2] =	wrdreg s3  }
0xa9: {  	[dreg:$0x3] =	wrdreg s5  }
0xaa: {  	[dreg:$0x4] =	wrdreg $0xC0  }
0xab: {  	_ =	task [dreg:s7], $0x5FFFF  }
0xac: {  	[dreg:$0x1] =	wrdreg $0xFFFFFFFF  }
0xad: {  	[dreg:$0x0] =	wrdreg $0x60  }
0xae: {  	[dreg:$0x2] =	wrdreg s2  }
0xaf: {  	[dreg:$0x3] =	wrdreg s24  }
0xb0: {  	[dreg:$0x4] =	wrdreg $0xF3400  }
0xb1: {  	[dreg:$0x5] =	wrdreg $0xCBC00  }
0xb2: {  	[dreg:$0x6] =	wrdreg $0x9  }
0xb3: {  	_ =	task.clear_ibuf [dreg:s7], $0x7FFFF;
	_ =	strace $0x9000004C  }
0xb4: {  	s29 =	simm.s32 $0x9;
	_ =	strace $0x8000004E  }
0xb5: {  	_ =	swait.ge [sflag:s29], $0x1  }
0xb6: {  	[sflag:s29] =	ssyncadd.s32 $0xFFFFFFFF  }
0xb7: {  	_ =	strace $0x9000004E  }
0xb8: {  	_ =	sfence  }
0xb9: {  	s30 =	sld [smem:$0x0];
	_ =	sdelay $0x2  }
0xba: {  	s31 =	sshll.u32 s1, $0xD;
	s1 =	sshrl.u32 s1, $0x2  }
0xbb: {  	s3 =	sand.u32 $0x4000, s31;
	s1 =	sadd.s32 s1, s30  }
0xbc: {  	s0 =	sor.u32 s3, s0;
	s1 =	sshll.u32 s1, $0x11  }
0xbd: {  	s0 =	sor.u32 s1, s0  }
0xbe: {  	s0 =	sadd.s32 $0x8F2B, s0  }
0xbf: {  	[sflag:s0] =	ssyncadd.remote.s32 $0x1  }
0xc0: {  	_ =	sfence.sel $0xFFFF  }
0xc1: {  	[dreg:$0x0] =	wrdreg $0xFFFFFFFF;
	(pc) =	sbr.abs _section_cstart, $3  }
0xc2: {  	[dreg:$0x1] =	wrdreg $0xFFFFFFFF  }
0xc3: {  	_ =	task.clear_ibuf [dreg:s7], $0x2FFFF;
	_ =	strace $0x9FFFFFFF  }
0xc4: {  	(tm) =	ssettm $0x7FFFFFFF  }
0xc5: {  	_ =	shalt  }
tec
execute0_lowered:
.L_overlay_start_1:
0x0: {  	(tag) =	ssettag $0x1  }
0x1: {  	s0 =	srdreg.scid;
	s1 =	rddreg [dreg:$0x0]  }
0x2: {  	s9 =	stileid.u32;
	s5 =	rddreg [dreg:$0x1];
	s4 =	simm.s32 $0x0  }
0x3: {  	s17 =	simm.s32 $0x9;
	s18 =	simm.s32 $0x4EC0;
	s19 =	simm.s32 $0x2760  }
0x4: {  	s20 =	simm.s32 $0x1F4;
	s28 =	simm.s32 $0xAC80;
	s29 =	simm.s32 $0x2  }
0x5: {  	s31 =	simm.s32 $0x5;
	s30 =	simm.s32 $0x4;
	s7 =	smul.u32 $0x2780, s9  }
0x6: {  	s0 =	sand.u32 $0x1, s0;
	[smem:$0x7FF] =	sst s4;
	s23 =	smul.u32 $0x9E00, s9  }
0x7: {  	s25 =	sshll.u32 s9, $0x6;
	s2 =	sshll.u32 s0, $0x4;
	s8 =	smul.u32 $0x27800, s0  }
0x8: {  	s0 =	ssub.s32 $0x2, s0;
	s3 =	sor.u32 s9, s2;
	s2 =	rddreg [dreg:$0x2]  }
0x9: {  	s22 =	sshrl.u32 s0, $0x1;
	s24 =	sshrl.u32 s7, $0x3;
	s6 =	smul.u32 $0x2760, s3  }
0xa: {  	s3 =	rddreg [dreg:$0x3];
	_ =	strace $0x8000004D;
	s8 =	sadd.s32 s7, s8  }
0xb: {  	s0 =	ssub.s32 s0, s22;
	s16 =	sadd.s32 s7, s2;
	s1 =	sadd.s32 s1, s24  }
0xc: {  	s22 =	simm.s32 $0x6E00;
	s24 =	simm.s32 $0x8D40;
	s21 =	sshrl.u32 s8, $0x3  }
0xd: {  	[dreg:$0x5] =	wrdreg s1;
	s8 =	sshrl.u32 s23, $0x2;
	s7 =	sadd.s32 s7, s3  }
0xe: {  	s15 =	smax.u32 s0, $0x1;
	s16 =	sshrl.u32 s16, $0x3;
	s0 =	simm.s32 $0x3  }
0xf: {  	s23 =	simm.s32 $0x6;
	s1 =	simm.s32 $0x0;
	s6 =	sshrl.u32 s6, $0x3  }
0x10: {  	s26 =	sadd.s32 s8, s3;
	s13 =	sadd.s32 s6, s5;
	s5 =	sadd.s32 s21, s5  }
0x11: {  	s6 =	sor.u32 $0x1C09, s25;
	s8 =	sadd.s32 $0x800, s26;
	s9 =	sadd.s32 $0x1000, s26  }
0x12: {  	s10 =	sadd.s32 $0x1800, s26;
	s11 =	sadd.s32 $0x2000, s26;
	s25 =	simm.s32 $0x1  }
0x13: {  	s21 =	simm.s32 $0x7;
	s26 =	simm.s32 $0x8;
	[dreg:$0x6] =	wrdreg s8  }
0x14: {  	v0 =	vimm.f32 $0.0e+00;
	s12 =	sadd.s32 $0x1E00, s13;
	s13 =	sadd.s32 $0xBB80, s13;
	s14 =	sadd.s32 $0x15A00, s5  }
.LBB2_1:
0x15: {  	s5 =	rddreg [dreg:$0x5]  }
0x16: {  	[spmem:s16], [sflag:s6] =	dma.local [hbm:s5], $0x4F0  }
0x17: {  	_ =	swait.ge [sflag:s17], $0x4F0  }
0x18: {  	[sflag:s17] =	ssyncset.done $0x0  }
0x19: {  	s8 =	simm.s32 $0x0;
	s5 =	simm.s32 $0x40;
	[sflag:s17] =	ssyncadd.s32 $0xFFFFFB10  }
.LBB2_2:
0x1a: {  	p0 =	sne.s32 s5, $0x1FC0;
	[tilespmem:s8+$0x4EC0] =	vst v0;
	s8 =	smov.u32 s5;
	s5 =	sadd.s32 $0x40, s5  }
.Ltmp0:
0x1b: {  	(pc) =	sbr.rel @p0 .LBB2_2-.Ltmp0, $2  }
0x1c: {  	_ =	sdelay $0x2  }
0x1d: {  	s8 =	sshra.s32 s8, $0x2  }
0x1e: {  	[tilespmem:s8+$0x4EC0] =	vst v0  }
0x1f: {  	[spmem:s7] =	stream.linear.scatter [tilespmem:s18], [sflag:$0x9], $0x800, $0x38;
	[tilespmem:$0x11AC0] =	vst v63  }
0x20: {  	_ =	swait.ge [sflag:s17], $0x800  }
0x21: {  	[sflag:s17] =	ssyncset.done $0x0  }
0x22: {  	s5 =	rddreg [dreg:$0x6];
	[sflag:s17] =	ssyncadd.s32 $0xFFFFF800  }
0x23: {  	[spmem:s5] =	stream.linear.scatter [tilespmem:s18], [sflag:$0x9], $0x800, $0x38;
	[tilespmem:$0x11AC0] =	vst v63  }
0x24: {  	_ =	swait.ge [sflag:s17], $0x800  }
0x25: {  	[sflag:s17] =	ssyncset.done $0x0  }
0x26: {  	[sflag:s17] =	ssyncadd.s32 $0xFFFFF800  }
0x27: {  	[spmem:s9] =	stream.linear.scatter [tilespmem:s18], [sflag:$0x9], $0x800, $0x38;
	[tilespmem:$0x11AC0] =	vst v63  }
0x28: {  	_ =	swait.ge [sflag:s17], $0x800  }
0x29: {  	[sflag:s17] =	ssyncset.done $0x0  }
0x2a: {  	[sflag:s17] =	ssyncadd.s32 $0xFFFFF800  }
0x2b: {  	[spmem:s10] =	stream.linear.scatter [tilespmem:s18], [sflag:$0x9], $0x800, $0x38;
	[tilespmem:$0x11AC0] =	vst v63  }
0x2c: {  	_ =	swait.ge [sflag:s17], $0x800  }
0x2d: {  	[sflag:s17] =	ssyncset.done $0x0  }
0x2e: {  	[sflag:s17] =	ssyncadd.s32 $0xFFFFF800  }
0x2f: {  	[spmem:s11] =	stream.linear.scatter [tilespmem:s18], [sflag:$0x9], $0x780, $0x38;
	[tilespmem:$0x11AC0] =	vst v63  }
0x30: {  	_ =	swait.ge [sflag:s17], $0x780  }
0x31: {  	[sflag:s17] =	ssyncset.done $0x0  }
0x32: {  	[sflag:s17] =	ssyncadd.s32 $0xFFFFF880  }
0x33: {  	[bflag:$0x0] =	sbarrier.arrive $0xFFFF  }
0x34: {  	[tilespmem:s4], [sflag:$0x9] =	stream.linear.gather [hbm4b:s12+s4], $0x2760, $0x38;
	[tilespmem:$0x11AC0] =	vst v63  }
0x35: {  	_ =	swait.ge [sflag:s17], $0x2760  }
0x36: {  	[sflag:s17] =	ssyncset.done $0x0  }
0x37: {  	[sflag:s17] =	ssyncadd.s32 $0xFFFFD8A0  }
0x38: {  	[tilespmem:s19], [sflag:$0x9] =	stream.linear.gather [hbm4b:s13+s4], $0x2760, $0x38;
	[tilespmem:$0x11AC0] =	vst v63  }
0x39: {  	_ =	swait.ge [sflag:s17], $0x2760  }
0x3a: {  	[sflag:s17] =	ssyncset.done $0x0  }
0x3b: {  	[sflag:s17] =	ssyncadd.s32 $0xFFFFD8A0  }
0x3c: {  	[tilespmem:s18], [sflag:$0x1] =	stream.indirect.gather [spmem:s2], $0x10, s4, s20, $0xb8;
	[tilespmem:$0x11AC0] =	vst v63  }
0x3d: {  	s8 =	simm.s32 $0x1F8  }
0x3e: {  	[tilespmem:s22], [sflag:$0x2] =	stream.indirect.gather [spmem:s2], $0x10, s8, s20, $0xb8;
	[tilespmem:$0x11AC0] =	vst v63  }
0x3f: {  	s8 =	simm.s32 $0x3F0  }
0x40: {  	[tilespmem:s24], [sflag:$0x3] =	stream.indirect.gather [spmem:s2], $0x10, s8, s20, $0xb8;
	[tilespmem:$0x11AC0] =	vst v63  }
0x41: {  	_ =	swait.ge [sflag:s25], $0x1F40  }
0x42: {  	[sflag:s25] =	ssyncset.done $0x0  }
0x43: {  	[sflag:s25] =	ssyncadd.s32 $0xFFFFE0C0  }
0x44: {  	[spmem:s3] =	stream.indirect.scatter.add.f32 [tilespmem:s18], [sflag:$0x5], $0x10, s19, s20, $0xb8;
	[tilespmem:$0x11AC0] =	vst v63  }
0x45: {  	s8 =	simm.s32 $0x5E8  }
0x46: {  	[tilespmem:s28], [sflag:$0x4] =	stream.indirect.gather [spmem:s2], $0x10, s8, s20, $0xb8;
	[tilespmem:$0x11AC0] =	vst v63  }
0x47: {  	_ =	swait.ge [sflag:s29], $0x1F40  }
0x48: {  	[sflag:s29] =	ssyncset.done $0x0  }
0x49: {  	s8 =	simm.s32 $0x2958;
	[sflag:s29] =	ssyncadd.s32 $0xFFFFE0C0  }
0x4a: {  	[spmem:s3] =	stream.indirect.scatter.add.f32 [tilespmem:s22], [sflag:$0x6], $0x10, s8, s20, $0xb8;
	[tilespmem:$0x11AC0] =	vst v63  }
0x4b: {  	_ =	swait.ge [sflag:s31], $0x1F40  }
0x4c: {  	[sflag:s31] =	ssyncset.done $0x0  }
0x4d: {  	s8 =	simm.s32 $0x7E0;
	[sflag:s31] =	ssyncadd.s32 $0xFFFFE0C0  }
0x4e: {  	[tilespmem:s18], [sflag:$0x1] =	stream.indirect.gather [spmem:s2], $0x10, s8, s20, $0xb8;
	[tilespmem:$0x11AC0] =	vst v63  }
0x4f: {  	_ =	swait.ge [sflag:s0], $0x1F40  }
0x50: {  	[sflag:s0] =	ssyncset.done $0x0  }
0x51: {  	s8 =	simm.s32 $0x2B50;
	[sflag:s0] =	ssyncadd.s32 $0xFFFFE0C0  }
0x52: {  	[spmem:s3] =	stream.indirect.scatter.add.f32 [tilespmem:s24], [sflag:$0x7], $0x10, s8, s20, $0xb8;
	[tilespmem:$0x11AC0] =	vst v63  }
0x53: {  	_ =	swait.ge [sflag:s23], $0x1F40  }
0x54: {  	[sflag:s23] =	ssyncset.done $0x0  }
0x55: {  	s8 =	simm.s32 $0x9D8;
	[sflag:s23] =	ssyncadd.s32 $0xFFFFE0C0  }
0x56: {  	[tilespmem:s22], [sflag:$0x2] =	stream.indirect.gather [spmem:s2], $0x10, s8, s20, $0xb8;
	[tilespmem:$0x11AC0] =	vst v63  }
0x57: {  	_ =	swait.ge [sflag:s30], $0x1F40  }
0x58: {  	[sflag:s30] =	ssyncset.done $0x0  }
0x59: {  	s8 =	simm.s32 $0x2D48;
	[sflag:s30] =	ssyncadd.s32 $0xFFFFE0C0  }
0x5a: {  	[spmem:s3] =	stream.indirect.scatter.add.f32 [tilespmem:s28], [sflag:$0x8], $0x10, s8, s20, $0xb8;
	[tilespmem:$0x11AC0] =	vst v63  }
0x5b: {  	_ =	swait.ge [sflag:s21], $0x1F40  }
0x5c: {  	[sflag:s21] =	ssyncset.done $0x0  }
0x5d: {  	s8 =	simm.s32 $0xBD0;
	[sflag:s21] =	ssyncadd.s32 $0xFFFFE0C0  }
0x5e: {  	[tilespmem:s24], [sflag:$0x3] =	stream.indirect.gather [spmem:s2], $0x10, s8, s20, $0xb8;
	[tilespmem:$0x11AC0] =	vst v63  }
0x5f: {  	_ =	swait.ge [sflag:s25], $0x1F40  }
0x60: {  	[sflag:s25] =	ssyncset.done $0x0  }
0x61: {  	s8 =	simm.s32 $0x2F40;
	[sflag:s25] =	ssyncadd.s32 $0xFFFFE0C0  }
0x62: {  	[spmem:s3] =	stream.indirect.scatter.add.f32 [tilespmem:s18], [sflag:$0x5], $0x10, s8, s20, $0xb8;
	[tilespmem:$0x11AC0] =	vst v63  }
0x63: {  	_ =	swait.ge [sflag:s26], $0x1F40  }
0x64: {  	[sflag:s26] =	ssyncset.done $0x0  }
0x65: {  	s8 =	simm.s32 $0xDC8;
	[sflag:s26] =	ssyncadd.s32 $0xFFFFE0C0  }
0x66: {  	[tilespmem:s28], [sflag:$0x4] =	stream.indirect.gather [spmem:s2], $0x10, s8, s20, $0xb8;
	[tilespmem:$0x11AC0] =	vst v63  }
0x67: {  	_ =	swait.ge [sflag:s29], $0x1F40  }
0x68: {  	[sflag:s29] =	ssyncset.done $0x0  }
0x69: {  	s8 =	simm.s32 $0x3138;
	[sflag:s29] =	ssyncadd.s32 $0xFFFFE0C0  }
0x6a: {  	[spmem:s3] =	stream.indirect.scatter.add.f32 [tilespmem:s22], [sflag:$0x6], $0x10, s8, s20, $0xb8;
	[tilespmem:$0x11AC0] =	vst v63  }
0x6b: {  	_ =	swait.ge [sflag:s31], $0x1F40  }
0x6c: {  	[sflag:s31] =	ssyncset.done $0x0  }
0x6d: {  	s8 =	simm.s32 $0xFC0;
	[sflag:s31] =	ssyncadd.s32 $0xFFFFE0C0  }
0x6e: {  	[tilespmem:s18], [sflag:$0x1] =	stream.indirect.gather [spmem:s2], $0x10, s8, s20, $0xb8;
	[tilespmem:$0x11AC0] =	vst v63  }
0x6f: {  	_ =	swait.ge [sflag:s0], $0x1F40  }
0x70: {  	[sflag:s0] =	ssyncset.done $0x0  }
0x71: {  	s8 =	simm.s32 $0x3330;
	[sflag:s0] =	ssyncadd.s32 $0xFFFFE0C0  }
0x72: {  	[spmem:s3] =	stream.indirect.scatter.add.f32 [tilespmem:s24], [sflag:$0x7], $0x10, s8, s20, $0xb8;
	[tilespmem:$0x11AC0] =	vst v63  }
0x73: {  	_ =	swait.ge [sflag:s23], $0x1F40  }
0x74: {  	[sflag:s23] =	ssyncset.done $0x0  }
0x75: {  	s8 =	simm.s32 $0x11B8;
	[sflag:s23] =	ssyncadd.s32 $0xFFFFE0C0  }
0x76: {  	[tilespmem:s22], [sflag:$0x2] =	stream.indirect.gather [spmem:s2], $0x10, s8, s20, $0xb8;
	[tilespmem:$0x11AC0] =	vst v63  }
0x77: {  	_ =	swait.ge [sflag:s30], $0x1F40  }
0x78: {  	[sflag:s30] =	ssyncset.done $0x0  }
0x79: {  	s8 =	simm.s32 $0x3528;
	[sflag:s30] =	ssyncadd.s32 $0xFFFFE0C0  }
0x7a: {  	[spmem:s3] =	stream.indirect.scatter.add.f32 [tilespmem:s28], [sflag:$0x8], $0x10, s8, s20, $0xb8;
	[tilespmem:$0x11AC0] =	vst v63  }
0x7b: {  	_ =	swait.ge [sflag:s21], $0x1F40  }
0x7c: {  	[sflag:s21] =	ssyncset.done $0x0  }
0x7d: {  	s8 =	simm.s32 $0x13B0;
	[sflag:s21] =	ssyncadd.s32 $0xFFFFE0C0  }
0x7e: {  	[tilespmem:s24], [sflag:$0x3] =	stream.indirect.gather [spmem:s2], $0x10, s8, s20, $0xb8;
	[tilespmem:$0x11AC0] =	vst v63  }
0x7f: {  	_ =	swait.ge [sflag:s25], $0x1F40  }
0x80: {  	[sflag:s25] =	ssyncset.done $0x0  }
0x81: {  	s8 =	simm.s32 $0x3720;
	[sflag:s25] =	ssyncadd.s32 $0xFFFFE0C0  }
0x82: {  	[spmem:s3] =	stream.indirect.scatter.add.f32 [tilespmem:s18], [sflag:$0x5], $0x10, s8, s20, $0xb8;
	[tilespmem:$0x11AC0] =	vst v63  }
0x83: {  	_ =	swait.ge [sflag:s26], $0x1F40  }
0x84: {  	[sflag:s26] =	ssyncset.done $0x0  }
0x85: {  	s8 =	simm.s32 $0x15A8;
	[sflag:s26] =	ssyncadd.s32 $0xFFFFE0C0  }
0x86: {  	[tilespmem:s28], [sflag:$0x4] =	stream.indirect.gather [spmem:s2], $0x10, s8, s20, $0xb8;
	[tilespmem:$0x11AC0] =	vst v63  }
0x87: {  	_ =	swait.ge [sflag:s29], $0x1F40  }
0x88: {  	[sflag:s29] =	ssyncset.done $0x0  }
0x89: {  	s8 =	simm.s32 $0x3918;
	[sflag:s29] =	ssyncadd.s32 $0xFFFFE0C0  }
0x8a: {  	[spmem:s3] =	stream.indirect.scatter.add.f32 [tilespmem:s22], [sflag:$0x6], $0x10, s8, s20, $0xb8;
	[tilespmem:$0x11AC0] =	vst v63  }
0x8b: {  	_ =	swait.ge [sflag:s31], $0x1F40  }
0x8c: {  	[sflag:s31] =	ssyncset.done $0x0  }
0x8d: {  	s8 =	simm.s32 $0x17A0;
	[sflag:s31] =	ssyncadd.s32 $0xFFFFE0C0  }
0x8e: {  	[tilespmem:s18], [sflag:$0x1] =	stream.indirect.gather [spmem:s2], $0x10, s8, s20, $0xb8;
	[tilespmem:$0x11AC0] =	vst v63  }
0x8f: {  	_ =	swait.ge [sflag:s0], $0x1F40  }
0x90: {  	[sflag:s0] =	ssyncset.done $0x0  }
0x91: {  	s8 =	simm.s32 $0x3B10;
	[sflag:s0] =	ssyncadd.s32 $0xFFFFE0C0  }
0x92: {  	[spmem:s3] =	stream.indirect.scatter.add.f32 [tilespmem:s24], [sflag:$0x7], $0x10, s8, s20, $0xb8;
	[tilespmem:$0x11AC0] =	vst v63  }
0x93: {  	_ =	swait.ge [sflag:s23], $0x1F40  }
0x94: {  	[sflag:s23] =	ssyncset.done $0x0  }
0x95: {  	s8 =	simm.s32 $0x1998;
	[sflag:s23] =	ssyncadd.s32 $0xFFFFE0C0  }
0x96: {  	[tilespmem:s22], [sflag:$0x2] =	stream.indirect.gather [spmem:s2], $0x10, s8, s20, $0xb8;
	[tilespmem:$0x11AC0] =	vst v63  }
0x97: {  	_ =	swait.ge [sflag:s30], $0x1F40  }
0x98: {  	[sflag:s30] =	ssyncset.done $0x0  }
0x99: {  	s8 =	simm.s32 $0x3D08;
	[sflag:s30] =	ssyncadd.s32 $0xFFFFE0C0  }
0x9a: {  	[spmem:s3] =	stream.indirect.scatter.add.f32 [tilespmem:s28], [sflag:$0x8], $0x10, s8, s20, $0xb8;
	[tilespmem:$0x11AC0] =	vst v63  }
0x9b: {  	_ =	swait.ge [sflag:s21], $0x1F40  }
0x9c: {  	[sflag:s21] =	ssyncset.done $0x0  }
0x9d: {  	s8 =	simm.s32 $0x1B90;
	[sflag:s21] =	ssyncadd.s32 $0xFFFFE0C0  }
0x9e: {  	[tilespmem:s24], [sflag:$0x3] =	stream.indirect.gather [spmem:s2], $0x10, s8, s20, $0xb8;
	[tilespmem:$0x11AC0] =	vst v63  }
0x9f: {  	_ =	swait.ge [sflag:s25], $0x1F40  }
0xa0: {  	[sflag:s25] =	ssyncset.done $0x0  }
0xa1: {  	s8 =	simm.s32 $0x3F00;
	[sflag:s25] =	ssyncadd.s32 $0xFFFFE0C0  }
0xa2: {  	[spmem:s3] =	stream.indirect.scatter.add.f32 [tilespmem:s18], [sflag:$0x5], $0x10, s8, s20, $0xb8;
	[tilespmem:$0x11AC0] =	vst v63  }
0xa3: {  	_ =	swait.ge [sflag:s26], $0x1F40  }
0xa4: {  	[sflag:s26] =	ssyncset.done $0x0  }
0xa5: {  	s8 =	simm.s32 $0x1D88;
	[sflag:s26] =	ssyncadd.s32 $0xFFFFE0C0  }
0xa6: {  	[tilespmem:s28], [sflag:$0x4] =	stream.indirect.gather [spmem:s2], $0x10, s8, s20, $0xb8;
	[tilespmem:$0x11AC0] =	vst v63  }
0xa7: {  	_ =	swait.ge [sflag:s29], $0x1F40  }
0xa8: {  	[sflag:s29] =	ssyncset.done $0x0  }
0xa9: {  	s8 =	simm.s32 $0x40F8;
	[sflag:s29] =	ssyncadd.s32 $0xFFFFE0C0  }
0xaa: {  	[spmem:s3] =	stream.indirect.scatter.add.f32 [tilespmem:s22], [sflag:$0x6], $0x10, s8, s20, $0xb8;
	[tilespmem:$0x11AC0] =	vst v63  }
0xab: {  	_ =	swait.ge [sflag:s31], $0x1F40  }
0xac: {  	[sflag:s31] =	ssyncset.done $0x0  }
0xad: {  	s8 =	simm.s32 $0x1F80;
	[sflag:s31] =	ssyncadd.s32 $0xFFFFE0C0  }
0xae: {  	[tilespmem:s18], [sflag:$0x1] =	stream.indirect.gather [spmem:s2], $0x10, s8, s20, $0xb8;
	[tilespmem:$0x11AC0] =	vst v63  }
0xaf: {  	_ =	swait.ge [sflag:s0], $0x1F40  }
0xb0: {  	[sflag:s0] =	ssyncset.done $0x0  }
0xb1: {  	s8 =	simm.s32 $0x42F0;
	[sflag:s0] =	ssyncadd.s32 $0xFFFFE0C0  }
0xb2: {  	[spmem:s3] =	stream.indirect.scatter.add.f32 [tilespmem:s24], [sflag:$0x7], $0x10, s8, s20, $0xb8;
	[tilespmem:$0x11AC0] =	vst v63  }
0xb3: {  	_ =	swait.ge [sflag:s23], $0x1F40  }
0xb4: {  	[sflag:s23] =	ssyncset.done $0x0  }
0xb5: {  	s8 =	simm.s32 $0x2178;
	[sflag:s23] =	ssyncadd.s32 $0xFFFFE0C0  }
0xb6: {  	[tilespmem:s22], [sflag:$0x2] =	stream.indirect.gather [spmem:s2], $0x10, s8, s20, $0xb8;
	[tilespmem:$0x11AC0] =	vst v63  }
0xb7: {  	_ =	swait.ge [sflag:s30], $0x1F40  }
0xb8: {  	[sflag:s30] =	ssyncset.done $0x0  }
0xb9: {  	s8 =	simm.s32 $0x44E8;
	[sflag:s30] =	ssyncadd.s32 $0xFFFFE0C0  }
0xba: {  	[spmem:s3] =	stream.indirect.scatter.add.f32 [tilespmem:s28], [sflag:$0x8], $0x10, s8, s20, $0xb8;
	[tilespmem:$0x11AC0] =	vst v63  }
0xbb: {  	_ =	swait.ge [sflag:s21], $0x1F40  }
0xbc: {  	[sflag:s21] =	ssyncset.done $0x0  }
0xbd: {  	s8 =	simm.s32 $0x2370;
	[sflag:s21] =	ssyncadd.s32 $0xFFFFE0C0  }
0xbe: {  	[tilespmem:s24], [sflag:$0x3] =	stream.indirect.gather [spmem:s2], $0x10, s8, s20, $0xb8;
	[tilespmem:$0x11AC0] =	vst v63  }
0xbf: {  	_ =	swait.ge [sflag:s25], $0x1F40  }
0xc0: {  	[sflag:s25] =	ssyncset.done $0x0  }
0xc1: {  	s8 =	simm.s32 $0x46E0;
	[sflag:s25] =	ssyncadd.s32 $0xFFFFE0C0  }
0xc2: {  	[spmem:s3] =	stream.indirect.scatter.add.f32 [tilespmem:s18], [sflag:$0x5], $0x10, s8, s20, $0xb8;
	[tilespmem:$0x11AC0] =	vst v63  }
0xc3: {  	_ =	swait.ge [sflag:s26], $0x1F40  }
0xc4: {  	[sflag:s26] =	ssyncset.done $0x0  }
0xc5: {  	s8 =	simm.s32 $0x2568;
	[sflag:s26] =	ssyncadd.s32 $0xFFFFE0C0  }
0xc6: {  	[tilespmem:s28], [sflag:$0x4] =	stream.indirect.gather [spmem:s2], $0x10, s8, s20, $0xb8;
	[tilespmem:$0x11AC0] =	vst v63  }
0xc7: {  	_ =	swait.ge [sflag:s29], $0x1F40  }
0xc8: {  	[sflag:s29] =	ssyncset.done $0x0  }
0xc9: {  	s8 =	simm.s32 $0x48D8;
	[sflag:s29] =	ssyncadd.s32 $0xFFFFE0C0  }
0xca: {  	[spmem:s3] =	stream.indirect.scatter.add.f32 [tilespmem:s22], [sflag:$0x6], $0x10, s8, s20, $0xb8;
	[tilespmem:$0x11AC0] =	vst v63  }
0xcb: {  	_ =	swait.ge [sflag:s31], $0x1F40  }
0xcc: {  	[sflag:s31] =	ssyncset.done $0x0  }
0xcd: {  	[sflag:s31] =	ssyncadd.s32 $0xFFFFE0C0  }
0xce: {  	_ =	swait.ge [sflag:s0], $0x1F40  }
0xcf: {  	[sflag:s0] =	ssyncset.done $0x0  }
0xd0: {  	s8 =	simm.s32 $0x4AD0;
	[sflag:s0] =	ssyncadd.s32 $0xFFFFE0C0  }
0xd1: {  	[spmem:s3] =	stream.indirect.scatter.add.f32 [tilespmem:s24], [sflag:$0x7], $0x10, s8, s20, $0xb8;
	[tilespmem:$0x11AC0] =	vst v63  }
0xd2: {  	_ =	swait.ge [sflag:s23], $0x1F40  }
0xd3: {  	[sflag:s23] =	ssyncset.done $0x0  }
0xd4: {  	[sflag:s23] =	ssyncadd.s32 $0xFFFFE0C0  }
0xd5: {  	_ =	swait.ge [sflag:s30], $0x1F40  }
0xd6: {  	[sflag:s30] =	ssyncset.done $0x0  }
0xd7: {  	s8 =	simm.s32 $0x4CC8;
	[sflag:s30] =	ssyncadd.s32 $0xFFFFE0C0  }
0xd8: {  	[spmem:s3] =	stream.indirect.scatter.add.f32 [tilespmem:s28], [sflag:$0x8], $0x10, s8, s20, $0xb8;
	[tilespmem:$0x11AC0] =	vst v63  }
0xd9: {  	_ =	swait.ge [sflag:s21], $0x1F40  }
0xda: {  	[sflag:s21] =	ssyncset.done $0x0  }
0xdb: {  	[sflag:s21] =	ssyncadd.s32 $0xFFFFE0C0  }
0xdc: {  	_ =	swait.ge [sflag:s26], $0x1F40  }
0xdd: {  	s1 =	sadd.s32 $0x1, s1;
	[sflag:s26] =	ssyncset.done $0x0  }
0xde: {  	p0 =	sne.s32 s1, s15;
	[sflag:s26] =	ssyncadd.s32 $0xFFFFE0C0  }
.Ltmp1:
0xdf: {  	s8 =	sshrl.u32 s7, $0x3;
	[bflag:$0x0] =	sbarrier.arrive $0xFFFF;
	(pc) =	sbr.rel @p0 .LBB2_1-.Ltmp1, $4  }
0xe0: {  	[hbm:s14], [sflag:s6] =	dma.local [spmem:s8], $0x4F0  }
0xe1: {  	_ =	swait.ge [sflag:s17], $0x4F0  }
0xe2: {  	[sflag:s17] =	ssyncset.done $0x0  }
0xe3: {  	[sflag:s17] =	ssyncadd.s32 $0xFFFFFB10  }
0xe4: {  	_ =	sfence.sel $0x180000  }
0xe5: {  	[bflag:$0x0] =	sbarrier.arrive $0xFFFF  }
0xe6: {  	_ =	strace $0x9000004D  }
0xe7: {  	s0 =	stileid.u32;
	[bflag:$0x2] =	sbarrier.arrive $0xFFFF  }
0xe8: {  	p0 =	sne.s32 s0, $0x0;
	s0 =	rddreg [dreg:$0x4]  }
0xe9: {  	s0 =	sadd.s32 @!p0 $0x100000, s0  }
0xea: {  	[sflag:s0] =	ssyncadd.tile.s32 @!p0 $0x1;
	_ =	shalt  }
.Lfunc_end2:
_tile_overlayer_lowered:
.L_overlay_start_2:
0xeb: {  	(tag) =	ssettag $0x2  }
0xec: {  	s0 =	rddreg [dreg:$0x0];
	s2 =	stileid.u32  }
0xed: {  	s1 =	rddreg [dreg:$0x1];
	p0 =	sne.s32 s2, $0x0  }
0xee: {  	s3 =	rddreg [dreg:$0x2];
	[bflag:$0x3] =	sbarrier.arrive $0xFFFF;
	s2 =	simm.s32 @!p0 $0x1C09  }
0xef: {  	[timem:s3], [sflag:s2] =	dma.local @!p0 [hbm:s0], s1  }
0xf0: {  	s0 =	simm.s32 @!p0 $0x9  }
0xf1: {  	_ =	swait.ge @!p0 [sflag:s0], s1  }
0xf2: {  	s1 =	ssub.s32 @!p0 $0x0, s1;
	[sflag:s0] =	ssyncset.done @!p0 $0x0  }
0xf3: {  	[sflag:s0] =	ssyncadd.s32 @!p0 s1  }
0xf4: {  	[bflag:$0x3] =	sbarrier.arrive $0xFFFF  }
0xf5: {  	_ =	shalt  }

// kernel: kernel.9.cloned.1.call-start
scs
__scs_entry_jumppad:
0x0: {  	(pc) =	sbr.rel $0x88, $3  }
0x1: {  	(tag) =	ssettag $0x0;
	lr =	simm.s32 $0x1  }
0x2: {  	[smem:$0x3F9B] =	sst lr;
	_ =	strace $0xD0000000  }
0x3: {  	_ = 	snop  }
0x4: {  	_ = 	snop  }
0x5: {  	_ = 	snop  }
0x6: {  	_ = 	snop  }
0x7: {  	_ = 	snop  }
__scs_overlays_trampoline_lowered:
0x8: {  	[smem:$0x3FAA] =	sst s0  }
0x9: {  	[smem:$0x3FAB] =	sst s1  }
0xa: {  	[smem:$0x3FAC] =	sst s2  }
0xb: {  	[smem:$0x3FAD] =	sst s3  }
0xc: {  	[smem:$0x3FAE] =	sst s4  }
0xd: {  	[smem:$0x3FAF] =	sst s5  }
0xe: {  	[smem:$0x3FB0] =	sst s6  }
0xf: {  	[smem:$0x3FB1] =	sst s7  }
0x10: {  	[smem:$0x3FB2] =	sst s8  }
0x11: {  	[smem:$0x3FB3] =	sst s9;
	s0 =	simm.s32 @!p0 $0x0  }
0x12: {  	s1 =	sld [smem:$0x3F99];
	s0 =	simm.s32 @p0 $0x1  }
0x13: {  	[smem:$0x3FB4] =	sst s0;
	s0 =	simm.s32 @!p1 $0x0  }
0x14: {  	s2 =	sld [smem:$0x3F98];
	s0 =	simm.s32 @p1 $0x1  }
0x15: {  	[smem:$0x3FB5] =	sst s0;
	s0 =	simm.s32 @!p2 $0x0  }
0x16: {  	s3 =	sld [smem:$0x3FDB];
	s0 =	simm.s32 @p2 $0x1  }
0x17: {  	s4 =	simm.s32 $0x1BF5;
	[smem:$0x3FB7] =	sst s0  }
0x18: {  	s0 =	sld [smem:$0x3F9A];
	_ =	swait.ge [sflag:s4], $0x0  }
0x19: {  	s7 =	sld [smem:$0x3F9B]  }
0x1a: {  	s8 =	sadd.s32 $0xFFFFE003, lr  }
0x1b: {  	s9 =	sadd.s32 $0xFFFFFEF7, lr;
	s5 =	simm.s32 $0xFFFFFFFF;
	p2 =	slt.u32 s8, $0xFFFFF086  }
0x1c: {  	p1 =	slt.u32 s9, $0xF7A;
	s5 =	simm.s32 @!p2 $0x0  }
0x1d: {  	s5 =	simm.s32 @p1 $0x1;
	p0 =	seq.s32 s7, s2  }
0x1e: {  	s7 =	smul.u32 @!p0 $0xF7A, s2;
	p2 =	seq.s32 @!p0 s5, $0x0  }
0x1f: {  	s9 =	smul.u32 $0xF7A, s1;
	s8 =	simm.s32 @!p0 $0x1BF5;
	p2 =	por !p2, p0  }
0x20: {  	[sflag:s8] =	ssyncset.s32 @!p0 $0xFFFFF086;
	s6 =	sadd.s32 @!p0 s3, s7;
	s7 =	simm.s32 @!p0 $0x108  }
0x21: {  	s3 =	sadd.s32 s3, s9;
	s6 =	sadd.s32 @!p0 $0x88, s6;
	s7 =	simm.s32 @p2 $0x1082  }
0x22: {  	[simem:s7], [sflag:s8] =	dma.local @!p0 [hbm:s6], $0xF7A  }
0x23: {  	s9 =	sor.u32 $0xD0000000, s2;
	s6 =	simm.s32 $0x108;
	_ =	swait.ge @!p0 [sflag:s8], $0x0  }
0x24: {  	s3 =	sadd.s32 $0x88, s3;
	s6 =	simm.s32 @!p1 $0x1082;
	[sflag:s4] =	ssyncset.s32 $0xFFFFF086  }
0x25: {  	[simem:s6], [sflag:s4] =	dma.local [hbm:s3], $0xF7A  }
0x26: {  	[smem:$0x3F9B] =	sst s1;
	(tag) =	ssettag s2;
	_ =	strace s9  }
0x27: {  	s1 =	sld [smem:$0x3FAB]  }
0x28: {  	s2 =	sld [smem:$0x3FAC]  }
0x29: {  	s4 =	sld [smem:$0x3FAE]  }
0x2a: {  	p0 =	seq.s32 s5, $0x0;
	s5 =	sld [smem:$0x3FAF]  }
0x2b: {  	s6 =	sld [smem:$0x3FB0]  }
0x2c: {  	s7 =	sld [smem:$0x3FB1]  }
0x2d: {  	s3 =	simm.s32 $0x108;
	s8 =	sld [smem:$0x3FB2]  }
0x2e: {  	s3 =	simm.s32 @!p0 $0x1082;
	s9 =	sld [smem:$0x3FB3]  }
0x2f: {  	lr =	sadd.s32 s0, s3;
	s0 =	sld [smem:$0x3FAA]  }
0x30: {  	s3 =	sld [smem:$0x3FAD]  }
0x31: {  	[smem:$0x3FB6] =	sst s10  }
0x32: {  	s10 =	sld [smem:$0x3FB4];
	_ =	sdelay $0x3  }
0x33: {  	p0 =	seq.s32 s10, $0x1;
	s10 =	sld [smem:$0x3FB6];
	_ =	sdelay $0x3  }
0x34: {  	[smem:$0x3FB6] =	sst s10  }
0x35: {  	s10 =	sld [smem:$0x3FB5];
	_ =	sdelay $0x3  }
0x36: {  	p1 =	seq.s32 s10, $0x1;
	s10 =	sld [smem:$0x3FB6];
	_ =	sdelay $0x3  }
0x37: {  	[smem:$0x3FB6] =	sst s10  }
0x38: {  	s10 =	sld [smem:$0x3FB7]  }
0x39: {  	_ = 	snop;
	(pc) =	sbr.ind lr, $3  }
0x3a: {  	_ = 	snop  }
0x3b: {  	_ = 	snop  }
0x3c: {  	p2 =	seq.s32 s10, $0x1;
	s10 =	sld [smem:$0x3FB6]  }
0x3d: {  	_ =	shalt  }
0x3e: {  	_ =	shalt  }
0x3f: {  	_ =	shalt  }
0x40: {  	_ =	shalt  }
0x41: {  	_ =	shalt  }
0x42: {  	_ =	shalt  }
0x43: {  	_ =	shalt  }
0x44: {  	_ =	shalt  }
0x45: {  	_ =	shalt  }
0x46: {  	_ =	shalt  }
0x47: {  	_ =	shalt  }
0x48: {  	_ =	shalt  }
0x49: {  	_ =	shalt  }
0x4a: {  	_ =	shalt  }
0x4b: {  	_ =	shalt  }
0x4c: {  	_ =	shalt  }
0x4d: {  	_ =	shalt  }
0x4e: {  	_ =	shalt  }
0x4f: {  	_ =	shalt  }
0x50: {  	_ =	shalt  }
0x51: {  	_ =	shalt  }
0x52: {  	_ =	shalt  }
0x53: {  	_ =	shalt  }
0x54: {  	_ =	shalt  }
0x55: {  	_ =	shalt  }
0x56: {  	_ =	shalt  }
0x57: {  	_ =	shalt  }
0x58: {  	_ =	shalt  }
0x59: {  	_ =	shalt  }
0x5a: {  	_ =	shalt  }
0x5b: {  	_ =	shalt  }
0x5c: {  	_ =	shalt  }
0x5d: {  	_ =	shalt  }
0x5e: {  	_ =	shalt  }
0x5f: {  	_ =	shalt  }
0x60: {  	_ =	shalt  }
0x61: {  	_ =	shalt  }
0x62: {  	_ =	shalt  }
0x63: {  	_ =	shalt  }
0x64: {  	_ =	shalt  }
0x65: {  	_ =	shalt  }
0x66: {  	_ =	shalt  }
0x67: {  	_ =	shalt  }
0x68: {  	_ =	shalt  }
0x69: {  	_ =	shalt  }
0x6a: {  	_ =	shalt  }
0x6b: {  	_ =	shalt  }
0x6c: {  	_ =	shalt  }
0x6d: {  	_ =	shalt  }
0x6e: {  	_ =	shalt  }
0x6f: {  	_ =	shalt  }
0x70: {  	_ =	shalt  }
0x71: {  	_ =	shalt  }
0x72: {  	_ =	shalt  }
0x73: {  	_ =	shalt  }
0x74: {  	_ =	shalt  }
0x75: {  	_ =	shalt  }
0x76: {  	_ =	shalt  }
0x77: {  	_ =	shalt  }
0x78: {  	_ =	shalt  }
0x79: {  	_ =	shalt  }
0x7a: {  	_ =	shalt  }
0x7b: {  	_ =	shalt  }
0x7c: {  	_ =	shalt  }
0x7d: {  	_ =	shalt  }
0x7e: {  	_ =	shalt  }
0x7f: {  	_ =	shalt  }
0x80: {  	_ =	shalt  }
0x81: {  	_ =	shalt  }
0x82: {  	_ =	shalt  }
0x83: {  	_ =	shalt  }
0x84: {  	_ =	shalt  }
0x85: {  	_ =	shalt  }
0x86: {  	_ =	shalt  }
0x87: {  	_ =	shalt  }
.Lfunc_end0:
.L_simem_size_0:
called_computation_lowered:
.L_overlay_start_0:
0x88: {  	s2 =	sld [smem:$0x3FD9]  }
0x89: {  	s3 =	sld [smem:$0x3FFE];
	_ =	sdelay $0x1  }
0x8a: {  	s1 =	srdreg.scid  }
0x8b: {  	s0 =	sand.u32 $0x1, s1  }
0x8c: {  	s16 =	sshll.u32 s0, $0xA;
	s2 =	sadd.s32 s3, s2  }
0x8d: {  	s2 =	sadd.s32 s2, s16  }
0x8e: {  	[smem:$0x3FC2] =	sst s2  }
0x8f: {  	_ = 	snop  }
0x90: {  	(tm) =	ssettm $0x1  }
0x91: {  	s17 =	sld [smem:$0x3FFB];
	_ =	sdelay $0x3  }
0x92: {  	_ =	strace s17  }
0x93: {  	s2 =	sld [smem:$0x3FFC];
	_ =	sdelay $0x3  }
0x94: {  	_ =	strace s2  }
0x95: {  	s2 =	sld [smem:$0x3FFD];
	_ =	sdelay $0x3  }
0x96: {  	_ =	strace s2  }
0x97: {  	_ =	strace $0x8FFFFFFF  }
0x98: {  	s18 =	sld [smem:$0x3FDB];
	_ =	sdelay $0x1  }
0x99: {  	s19 =	simm.s32 $_scs_section_size  }
0x9a: {  	s4 =	simm.s32 $_size__tile_overlayer_lowered;
	s5 =	simm.s32 $_tile_overlayer_lowered  }
0x9b: {  	s22 =	simm.s32 $0x1BFF;
	s21 =	sshll.u32 s5, $0x1;
	s2 =	sadd.s32 s19, s18  }
0x9c: {  	s6 =	simm.s32 $0x0;
	s20 =	sshll.u32 s4, $0x1;
	s4 =	sadd.s32 s21, s2  }
0x9d: {  	[timem:s6], [sflag:s22] =	dma.local [hbm:s4], s20  }
0x9e: {  	_ =	swait.ge [sflag:s22], s20  }
0x9f: {  	s3 =	ssub.s32 $0x0, s20;
	[sflag:s22] =	ssyncset.done $0x0  }
0xa0: {  	[sflag:s22] =	ssyncadd.s32 s3;
	_ =	sdelay $0x1  }
0xa1: {  	s23 =	simm.s32 $0x1B8B  }
0xa2: {  	_ =	swait.ge [sflag:s23], $0x1  }
0xa3: {  	[sflag:s23] =	ssyncset.done $0x0  }
0xa4: {  	s25 =	simm.s32 $0x1B8E;
	s24 =	sld [smem:$0x3FFE];
	[sflag:s23] =	ssyncadd.s32 $0xFFFFFFFF  }
0xa5: {  	s26 =	simm.s32 $execute0_lowered;
	[smem:$0x3FD2] =	sst s25  }
0xa6: {  	s4 =	sshll.u32 s26, $0x1;
	_ =	strace $0x80000046;
	[dreg:$0x1] =	wrdreg $0xFFFFFFFF  }
0xa7: {  	s28 =	simm.s32 $_size_execute0_lowered;
	s2 =	sadd.s32 s2, s4;
	[dreg:$0x0] =	wrdreg $0x0  }
0xa8: {  	s4 =	sshll.u32 s28, $0x1;
	[dreg:$0x2] =	wrdreg s2  }
0xa9: {  	[dreg:$0x3] =	wrdreg s4  }
0xaa: {  	[dreg:$0x4] =	wrdreg $0xC0  }
0xab: {  	_ =	task [dreg:s6], $0x5FFFF  }
0xac: {  	[dreg:$0x1] =	wrdreg $0xFFFFFFFF  }
0xad: {  	[dreg:$0x0] =	wrdreg $0x60  }
0xae: {  	[dreg:$0x2] =	wrdreg s24  }
0xaf: {  	[dreg:$0x3] =	wrdreg $0x4EA00  }
0xb0: {  	[dreg:$0x4] =	wrdreg $0x9  }
0xb1: {  	_ =	task.clear_ibuf [dreg:s6], $0x5FFFF;
	_ =	strace $0x90000046  }
0xb2: {  	s29 =	simm.s32 $0x9;
	_ =	strace $0x80000048  }
0xb3: {  	_ =	swait.ge [sflag:s29], $0x1  }
0xb4: {  	[sflag:s29] =	ssyncadd.s32 $0xFFFFFFFF  }
0xb5: {  	_ =	strace $0x90000048  }
0xb6: {  	_ =	sfence  }
0xb7: {  	s30 =	sld [smem:$0x0];
	_ =	sdelay $0x2  }
0xb8: {  	s31 =	sshll.u32 s1, $0xD;
	s1 =	sshrl.u32 s1, $0x2  }
0xb9: {  	s3 =	sand.u32 $0x4000, s31;
	s1 =	sadd.s32 s1, s30  }
0xba: {  	s0 =	sor.u32 s3, s0;
	s1 =	sshll.u32 s1, $0x11  }
0xbb: {  	s0 =	sor.u32 s1, s0  }
0xbc: {  	s0 =	sadd.s32 $0x8F2B, s0  }
0xbd: {  	[sflag:s0] =	ssyncadd.remote.s32 $0x1  }
0xbe: {  	_ =	sfence.sel $0xFFFF  }
0xbf: {  	[dreg:$0x0] =	wrdreg $0xFFFFFFFF;
	(pc) =	sbr.abs _section_cstart, $3  }
0xc0: {  	[dreg:$0x1] =	wrdreg $0xFFFFFFFF  }
0xc1: {  	_ =	task.clear_ibuf [dreg:s6], $0x2FFFF;
	_ =	strace $0x9FFFFFFF  }
0xc2: {  	(tm) =	ssettm $0x7FFFFFFF  }
0xc3: {  	_ =	shalt  }
tec
execute0_lowered:
.L_overlay_start_1:
0x0: {  	(tag) =	ssettag $0x1  }
0x1: {  	s0 =	rddreg [dreg:$0x0]  }
0x2: {  	s1 =	srdreg.scid;
	s7 =	stileid.u32  }
0x3: {  	s2 =	rddreg [dreg:$0x1];
	s3 =	simm.s32 $0x0;
	s12 =	simm.s32 $0x46A0  }
0x4: {  	s13 =	simm.s32 $0x2;
	s14 =	simm.s32 $0x1F4;
	s15 =	simm.s32 $0x2760  }
0x5: {  	s22 =	simm.s32 $0xDC8;
	s23 =	simm.s32 $0xFC0;
	s28 =	simm.s32 $0x17A0  }
0x6: {  	s29 =	simm.s32 $0x1998;
	s30 =	simm.s32 $0x1B90;
	s31 =	simm.s32 $0x1D88  }
0x7: {  	s16 =	simm.s32 $0x2370;
	s17 =	simm.s32 $0x2568;
	s18 =	simm.s32 $0x1  }
0x8: {  	s19 =	simm.s32 $0x0;
	s1 =	sand.u32 $0x1, s1;
	s4 =	smul.u32 $0x2780, s7  }
0x9: {  	[smem:$0x7FF] =	sst s3;
	s5 =	smul.u32 $0x27800, s1;
	s6 =	sshll.u32 s1, $0x4  }
0xa: {  	_ =	strace $0x80000047;
	s1 =	ssub.s32 $0x2, s1;
	s6 =	sor.u32 s7, s6  }
0xb: {  	s7 =	smul.u32 $0x9E00, s7;
	s8 =	sshrl.u32 s1, $0x1;
	s5 =	sadd.s32 s4, s5  }
0xc: {  	s6 =	smul.u32 $0x2760, s6;
	s1 =	ssub.s32 s1, s8;
	s4 =	sadd.s32 s4, s2  }
0xd: {  	s5 =	sshrl.u32 s5, $0x3;
	s24 =	sshrl.u32 s7, $0x2;
	s11 =	smax.u32 s1, $0x1  }
0xe: {  	s1 =	simm.s32 $0x1F80;
	s10 =	sadd.s32 s5, s0;
	s25 =	sadd.s32 s24, s2  }
0xf: {  	s26 =	sshrl.u32 s6, $0x3;
	s24 =	simm.s32 $0x11B8;
	s5 =	sadd.s32 $0x800, s25  }
0x10: {  	s6 =	sadd.s32 $0x1000, s25;
	s0 =	sadd.s32 s0, s26;
	s7 =	sadd.s32 $0x1800, s25  }
0x11: {  	s8 =	sadd.s32 $0x2000, s25;
	s10 =	sadd.s32 $0x15A00, s10;
	s25 =	simm.s32 $0x13B0  }
0x12: {  	v0 =	vimm.f32 $1.000000000e+00;
	v1 =	vimm.f32 $0.0e+00;
	s26 =	simm.s32 $0x15A8;
	s9 =	sadd.s32 $0xBB80, s0;
	s0 =	simm.s32 $0x2178  }
.LBB2_1:
0x13: {  	s20 =	simm.s32 $0x0  }
.LBB2_2:
0x14: {  	p0 =	sne.s32 s20, $0x7CC0  }
.Ltmp0:
0x15: {  	_ = 	snop;
	(pc) =	sbr.rel @p0 .LBB2_2-.Ltmp0, $3  }
0x16: {  	_ =	sdelay $0x1  }
0x17: {  	s21 =	sshra.s32 s20, $0x2  }
0x18: {  	s20 =	sadd.s32 $0x40, s20;
	[tilespmem:s21+$0x2760] =	vst v0  }
0x19: {  	s20 =	simm.s32 $0x40;
	s21 =	simm.s32 $0x0  }
.LBB2_4:
0x1a: {  	p0 =	sne.s32 s20, $0x1FC0;
	[tilespmem:s21+$0x46A0] =	vst v1;
	s21 =	smov.u32 s20;
	s20 =	sadd.s32 $0x40, s20  }
.Ltmp1:
0x1b: {  	(pc) =	sbr.rel @p0 .LBB2_4-.Ltmp1, $2  }
0x1c: {  	_ =	sdelay $0x2  }
0x1d: {  	s21 =	sshra.s32 s21, $0x2  }
0x1e: {  	[tilespmem:s21+$0x46A0] =	vst v1  }
0x1f: {  	[spmem:s4] =	stream.linear.scatter [tilespmem:s12], [sflag:$0x2], $0x800, $0x38;
	[tilespmem:$0x7620] =	vst v63  }
0x20: {  	_ =	swait.ge [sflag:s13], $0x800  }
0x21: {  	[sflag:s13] =	ssyncset.done $0x0  }
0x22: {  	[sflag:s13] =	ssyncadd.s32 $0xFFFFF800  }
0x23: {  	[spmem:s5] =	stream.linear.scatter [tilespmem:s12], [sflag:$0x2], $0x800, $0x38;
	[tilespmem:$0x7620] =	vst v63  }
0x24: {  	_ =	swait.ge [sflag:s13], $0x800  }
0x25: {  	[sflag:s13] =	ssyncset.done $0x0  }
0x26: {  	[sflag:s13] =	ssyncadd.s32 $0xFFFFF800  }
0x27: {  	[spmem:s6] =	stream.linear.scatter [tilespmem:s12], [sflag:$0x2], $0x800, $0x38;
	[tilespmem:$0x7620] =	vst v63  }
0x28: {  	_ =	swait.ge [sflag:s13], $0x800  }
0x29: {  	[sflag:s13] =	ssyncset.done $0x0  }
0x2a: {  	[sflag:s13] =	ssyncadd.s32 $0xFFFFF800  }
0x2b: {  	[spmem:s7] =	stream.linear.scatter [tilespmem:s12], [sflag:$0x2], $0x800, $0x38;
	[tilespmem:$0x7620] =	vst v63  }
0x2c: {  	_ =	swait.ge [sflag:s13], $0x800  }
0x2d: {  	[sflag:s13] =	ssyncset.done $0x0  }
0x2e: {  	[sflag:s13] =	ssyncadd.s32 $0xFFFFF800  }
0x2f: {  	[spmem:s8] =	stream.linear.scatter [tilespmem:s12], [sflag:$0x2], $0x780, $0x38;
	[tilespmem:$0x7620] =	vst v63  }
0x30: {  	_ =	swait.ge [sflag:s13], $0x780  }
0x31: {  	[sflag:s13] =	ssyncset.done $0x0  }
0x32: {  	[sflag:s13] =	ssyncadd.s32 $0xFFFFF880  }
0x33: {  	[bflag:$0x0] =	sbarrier.arrive $0xFFFF  }
0x34: {  	[tilespmem:s3], [sflag:$0x2] =	stream.linear.gather [hbm4b:s9+s3], $0x2760, $0x38;
	[tilespmem:$0x7620] =	vst v63  }
0x35: {  	_ =	swait.ge [sflag:s13], $0x2760  }
0x36: {  	[sflag:s13] =	ssyncset.done $0x0  }
0x37: {  	[sflag:s13] =	ssyncadd.s32 $0xFFFFD8A0  }
0x38: {  	[spmem:s2] =	stream.indirect.scatter.add.f32 [tilespmem:s15], [sflag:$0x1], $0x10, s3, s14, $0xb8;
	[tilespmem:$0x7620] =	vst v63  }
0x39: {  	s20 =	simm.s32 $0x1F8  }
0x3a: {  	[spmem:s2] =	stream.indirect.scatter.add.f32 [tilespmem:s15], [sflag:$0x1], $0x10, s20, s14, $0xb8;
	[tilespmem:$0x7620] =	vst v63  }
0x3b: {  	s21 =	simm.s32 $0x3F0  }
0x3c: {  	[spmem:s2] =	stream.indirect.scatter.add.f32 [tilespmem:s15], [sflag:$0x1], $0x10, s21, s14, $0xb8;
	[tilespmem:$0x7620] =	vst v63  }
0x3d: {  	s21 =	simm.s32 $0x5E8  }
0x3e: {  	[spmem:s2] =	stream.indirect.scatter.add.f32 [tilespmem:s15], [sflag:$0x1], $0x10, s21, s14, $0xb8;
	[tilespmem:$0x7620] =	vst v63  }
0x3f: {  	s21 =	simm.s32 $0x7E0  }
0x40: {  	[spmem:s2] =	stream.indirect.scatter.add.f32 [tilespmem:s15], [sflag:$0x1], $0x10, s21, s14, $0xb8;
	[tilespmem:$0x7620] =	vst v63  }
0x41: {  	s21 =	simm.s32 $0x9D8  }
0x42: {  	[spmem:s2] =	stream.indirect.scatter.add.f32 [tilespmem:s15], [sflag:$0x1], $0x10, s21, s14, $0xb8;
	[tilespmem:$0x7620] =	vst v63  }
0x43: {  	s21 =	simm.s32 $0xBD0  }
0x44: {  	[spmem:s2] =	stream.indirect.scatter.add.f32 [tilespmem:s15], [sflag:$0x1], $0x10, s21, s14, $0xb8;
	[tilespmem:$0x7620] =	vst v63  }
0x45: {  	_ = 	snop  }
0x46: {  	[spmem:s2] =	stream.indirect.scatter.add.f32 [tilespmem:s15], [sflag:$0x1], $0x10, s22, s14, $0xb8;
	[tilespmem:$0x7620] =	vst v63  }
0x47: {  	_ = 	snop  }
0x48: {  	[spmem:s2] =	stream.indirect.scatter.add.f32 [tilespmem:s15], [sflag:$0x1], $0x10, s23, s14, $0xb8;
	[tilespmem:$0x7620] =	vst v63  }
0x49: {  	_ = 	snop  }
0x4a: {  	[spmem:s2] =	stream.indirect.scatter.add.f32 [tilespmem:s15], [sflag:$0x1], $0x10, s24, s14, $0xb8;
	[tilespmem:$0x7620] =	vst v63  }
0x4b: {  	_ = 	snop  }
0x4c: {  	[spmem:s2] =	stream.indirect.scatter.add.f32 [tilespmem:s15], [sflag:$0x1], $0x10, s25, s14, $0xb8;
	[tilespmem:$0x7620] =	vst v63  }
0x4d: {  	_ = 	snop  }
0x4e: {  	[spmem:s2] =	stream.indirect.scatter.add.f32 [tilespmem:s15], [sflag:$0x1], $0x10, s26, s14, $0xb8;
	[tilespmem:$0x7620] =	vst v63  }
0x4f: {  	_ = 	snop  }
0x50: {  	[spmem:s2] =	stream.indirect.scatter.add.f32 [tilespmem:s15], [sflag:$0x1], $0x10, s28, s14, $0xb8;
	[tilespmem:$0x7620] =	vst v63  }
0x51: {  	_ = 	snop  }
0x52: {  	[spmem:s2] =	stream.indirect.scatter.add.f32 [tilespmem:s15], [sflag:$0x1], $0x10, s29, s14, $0xb8;
	[tilespmem:$0x7620] =	vst v63  }
0x53: {  	_ = 	snop  }
0x54: {  	[spmem:s2] =	stream.indirect.scatter.add.f32 [tilespmem:s15], [sflag:$0x1], $0x10, s30, s14, $0xb8;
	[tilespmem:$0x7620] =	vst v63  }
0x55: {  	_ = 	snop  }
0x56: {  	[spmem:s2] =	stream.indirect.scatter.add.f32 [tilespmem:s15], [sflag:$0x1], $0x10, s31, s14, $0xb8;
	[tilespmem:$0x7620] =	vst v63  }
0x57: {  	_ = 	snop  }
0x58: {  	[spmem:s2] =	stream.indirect.scatter.add.f32 [tilespmem:s15], [sflag:$0x1], $0x10, s1, s14, $0xb8;
	[tilespmem:$0x7620] =	vst v63  }
0x59: {  	_ = 	snop  }
0x5a: {  	[spmem:s2] =	stream.indirect.scatter.add.f32 [tilespmem:s15], [sflag:$0x1], $0x10, s0, s14, $0xb8;
	[tilespmem:$0x7620] =	vst v63  }
0x5b: {  	_ = 	snop  }
0x5c: {  	[spmem:s2] =	stream.indirect.scatter.add.f32 [tilespmem:s15], [sflag:$0x1], $0x10, s16, s14, $0xb8;
	[tilespmem:$0x7620] =	vst v63  }
0x5d: {  	_ = 	snop  }
0x5e: {  	[spmem:s2] =	stream.indirect.scatter.add.f32 [tilespmem:s15], [sflag:$0x1], $0x10, s17, s14, $0xb8;
	[tilespmem:$0x7620] =	vst v63  }
0x5f: {  	_ =	swait.ge [sflag:s18], $0x1F40  }
0x60: {  	[sflag:s18] =	ssyncset.done $0x0  }
0x61: {  	[sflag:s18] =	ssyncadd.s32 $0xFFFFE0C0  }
0x62: {  	_ =	swait.ge [sflag:s18], $0x1F40  }
0x63: {  	[sflag:s18] =	ssyncset.done $0x0  }
0x64: {  	[sflag:s18] =	ssyncadd.s32 $0xFFFFE0C0  }
0x65: {  	_ =	swait.ge [sflag:s18], $0x1F40  }
0x66: {  	[sflag:s18] =	ssyncset.done $0x0  }
0x67: {  	[sflag:s18] =	ssyncadd.s32 $0xFFFFE0C0  }
0x68: {  	_ =	swait.ge [sflag:s18], $0x1F40  }
0x69: {  	[sflag:s18] =	ssyncset.done $0x0  }
0x6a: {  	[sflag:s18] =	ssyncadd.s32 $0xFFFFE0C0  }
0x6b: {  	_ =	swait.ge [sflag:s18], $0x1F40  }
0x6c: {  	[sflag:s18] =	ssyncset.done $0x0  }
0x6d: {  	[sflag:s18] =	ssyncadd.s32 $0xFFFFE0C0  }
0x6e: {  	_ =	swait.ge [sflag:s18], $0x1F40  }
0x6f: {  	[sflag:s18] =	ssyncset.done $0x0  }
0x70: {  	[sflag:s18] =	ssyncadd.s32 $0xFFFFE0C0  }
0x71: {  	_ =	swait.ge [sflag:s18], $0x1F40  }
0x72: {  	[sflag:s18] =	ssyncset.done $0x0  }
0x73: {  	[sflag:s18] =	ssyncadd.s32 $0xFFFFE0C0  }
0x74: {  	_ =	swait.ge [sflag:s18], $0x1F40  }
0x75: {  	[sflag:s18] =	ssyncset.done $0x0  }
0x76: {  	[sflag:s18] =	ssyncadd.s32 $0xFFFFE0C0  }
0x77: {  	_ =	swait.ge [sflag:s18], $0x1F40  }
0x78: {  	[sflag:s18] =	ssyncset.done $0x0  }
0x79: {  	[sflag:s18] =	ssyncadd.s32 $0xFFFFE0C0  }
0x7a: {  	_ =	swait.ge [sflag:s18], $0x1F40  }
0x7b: {  	[sflag:s18] =	ssyncset.done $0x0  }
0x7c: {  	[sflag:s18] =	ssyncadd.s32 $0xFFFFE0C0  }
0x7d: {  	_ =	swait.ge [sflag:s18], $0x1F40  }
0x7e: {  	[sflag:s18] =	ssyncset.done $0x0  }
0x7f: {  	[sflag:s18] =	ssyncadd.s32 $0xFFFFE0C0  }
0x80: {  	_ =	swait.ge [sflag:s18], $0x1F40  }
0x81: {  	[sflag:s18] =	ssyncset.done $0x0  }
0x82: {  	[sflag:s18] =	ssyncadd.s32 $0xFFFFE0C0  }
0x83: {  	_ =	swait.ge [sflag:s18], $0x1F40  }
0x84: {  	[sflag:s18] =	ssyncset.done $0x0  }
0x85: {  	[sflag:s18] =	ssyncadd.s32 $0xFFFFE0C0  }
0x86: {  	_ =	swait.ge [sflag:s18], $0x1F40  }
0x87: {  	[sflag:s18] =	ssyncset.done $0x0  }
0x88: {  	[sflag:s18] =	ssyncadd.s32 $0xFFFFE0C0  }
0x89: {  	_ =	swait.ge [sflag:s18], $0x1F40  }
0x8a: {  	[sflag:s18] =	ssyncset.done $0x0  }
0x8b: {  	[sflag:s18] =	ssyncadd.s32 $0xFFFFE0C0  }
0x8c: {  	_ =	swait.ge [sflag:s18], $0x1F40  }
0x8d: {  	[sflag:s18] =	ssyncset.done $0x0  }
0x8e: {  	[sflag:s18] =	ssyncadd.s32 $0xFFFFE0C0  }
0x8f: {  	_ =	swait.ge [sflag:s18], $0x1F40  }
0x90: {  	[sflag:s18] =	ssyncset.done $0x0  }
0x91: {  	[sflag:s18] =	ssyncadd.s32 $0xFFFFE0C0  }
0x92: {  	_ =	swait.ge [sflag:s18], $0x1F40  }
0x93: {  	[sflag:s18] =	ssyncset.done $0x0  }
0x94: {  	[sflag:s18] =	ssyncadd.s32 $0xFFFFE0C0  }
0x95: {  	_ =	swait.ge [sflag:s18], $0x1F40  }
0x96: {  	[sflag:s18] =	ssyncset.done $0x0  }
0x97: {  	[sflag:s18] =	ssyncadd.s32 $0xFFFFE0C0  }
0x98: {  	s19 =	sadd.s32 $0x1, s19;
	_ =	swait.ge [sflag:s18], $0x1F40  }
0x99: {  	p0 =	sne.s32 s19, s11;
	s21 =	stileid.u32;
	[sflag:s18] =	ssyncset.done $0x0  }
0x9a: {  	s20 =	sshll.u32 s21, $0x6;
	s21 =	sshrl.u32 s4, $0x3;
	[sflag:s18] =	ssyncadd.s32 $0xFFFFE0C0  }
.Ltmp2:
0x9b: {  	s20 =	sor.u32 $0x1C02, s20;
	[bflag:$0x0] =	sbarrier.arrive $0xFFFF;
	(pc) =	sbr.rel @p0 .LBB2_1-.Ltmp2, $4  }
0x9c: {  	[hbm:s10], [sflag:s20] =	dma.local [spmem:s21], $0x4F0  }
0x9d: {  	_ =	swait.ge [sflag:s13], $0x4F0  }
0x9e: {  	[sflag:s13] =	ssyncset.done $0x0  }
0x9f: {  	[sflag:s13] =	ssyncadd.s32 $0xFFFFFB10  }
0xa0: {  	_ =	sfence.sel $0x180000  }
0xa1: {  	[bflag:$0x0] =	sbarrier.arrive $0xFFFF  }
0xa2: {  	_ =	strace $0x90000047  }
0xa3: {  	s0 =	stileid.u32;
	[bflag:$0x2] =	sbarrier.arrive $0xFFFF  }
0xa4: {  	p0 =	sne.s32 s0, $0x0;
	s0 =	rddreg [dreg:$0x2]  }
0xa5: {  	s0 =	sadd.s32 @!p0 $0x100000, s0  }
0xa6: {  	[sflag:s0] =	ssyncadd.tile.s32 @!p0 $0x1;
	_ =	shalt  }
.Lfunc_end2:
_tile_overlayer_lowered:
.L_overlay_start_2:
0xa7: {  	(tag) =	ssettag $0x2  }
0xa8: {  	s0 =	rddreg [dreg:$0x0];
	s2 =	stileid.u32  }
0xa9: {  	s1 =	rddreg [dreg:$0x1];
	p0 =	sne.s32 s2, $0x0  }
0xaa: {  	s3 =	rddreg [dreg:$0x2];
	[bflag:$0x3] =	sbarrier.arrive $0xFFFF;
	s2 =	simm.s32 @!p0 $0x1C02  }
0xab: {  	[timem:s3], [sflag:s2] =	dma.local @!p0 [hbm:s0], s1  }
0xac: {  	s0 =	simm.s32 @!p0 $0x2  }
0xad: {  	_ =	swait.ge @!p0 [sflag:s0], s1  }
0xae: {  	s1 =	ssub.s32 @!p0 $0x0, s1;
	[sflag:s0] =	ssyncset.done @!p0 $0x0  }
0xaf: {  	[sflag:s0] =	ssyncadd.s32 @!p0 s1  }
0xb0: {  	[bflag:$0x3] =	sbarrier.arrive $0xFFFF  }
0xb1: {  	_ =	shalt  }

</sc_bundles>
